<compile_context>
chip_gen: v7x
topology: tpu7x:2x2x1
jax: 0.10.2.dev20260603
libtpu: 0.0.44.dev20260713+nightly
codegen_flags: <defaults>
</compile_context>

<pallas_src>
import functools

import jax
import jax.numpy as jnp
from jax import lax
from jax.experimental import pallas as pl
from jax.experimental.pallas import tpu as pltpu
from jax.experimental.pallas import tpu_sc as plsc

N = 10000
E = 320000
D = 128
H = 128
G = 64
C = 10

NC = 2
NS = 16
NW = NC * NS
EW = E // NW
B = 125
NCH = EW // B
NPAD = 10240
RPT = NPAD // NS

_mesh = plsc.VectorSubcoreMesh(core_axis_name="c", subcore_axis_name="s",
                               num_cores=NC, num_subcores=NS)


@functools.partial(
    pl.kernel,
    out_type=jax.ShapeDtypeStruct((NC, NPAD, H), jnp.float32),
    mesh=_mesh,
    scratch_types=[
        pltpu.VMEM((2, B), jnp.int32),
        pltpu.VMEM((2, B), jnp.int32),
        pltpu.VMEM((2, B), jnp.int32),
        pltpu.VMEM((2, B), jnp.int32),
        pltpu.VMEM((2, B), jnp.int32),
        pltpu.VMEM((2, B), jnp.int32),
        pltpu.VMEM((2, B), jnp.int32),
        pltpu.VMEM((2, B), jnp.int32),
        pltpu.VMEM((B, H), jnp.float32),
        pltpu.VMEM((B, H), jnp.float32),
        pltpu.SemaphoreType.DMA,
        pltpu.SemaphoreType.DMA,
        pltpu.SemaphoreType.DMA,
        pltpu.SemaphoreType.DMA,
        pltpu.SemaphoreType.DMA,
        pltpu.SemaphoreType.DMA,
        pltpu.SemaphoreType.DMA,
        pltpu.SemaphoreType.DMA,
        pltpu.SemaphoreType.DMA,
        pltpu.SemaphoreType.DMA,
        pltpu.VMEM_SHARED((NPAD, H), jnp.float32),
    ],
)
def _scatter_kernel(h_hbm, ei_hbm, zeros_hbm, out_hbm,
                    ib0, ib1, ib2, ib3, ib4, ib5, ib6, ib7, r0, r1,
                    si0, si1, si2, si3, si4, si5, si6, si7,
                    sg0, sg1, shared):
    c = lax.axis_index("c")
    s = lax.axis_index("s")
    wid = c * NS + s
    row0 = s * RPT
    ibs = (ib0, ib1, ib2, ib3, ib4, ib5, ib6, ib7)
    rs = (r0, r1)
    sis = (si0, si1, si2, si3, si4, si5, si6, si7)
    sgs = (sg0, sg1)

    pltpu.sync_copy(zeros_hbm.at[pl.ds(row0, RPT), :],
                    shared.at[pl.ds(row0, RPT), :])

    for t in range(4):
        pltpu.async_copy(ei_hbm.at[wid, t], ibs[t], sis[t])
    for t in range(2):
        pltpu.make_async_copy(ei_hbm.at[wid, t], ibs[t], sis[t]).wait()
        pltpu.async_copy(h_hbm.at[ibs[t].at[0]], rs[t], sgs[t])
    plsc.subcore_barrier()

    def oct_(j, carry):
        k = 8 * j
        for t in range(8):
            i = k + t
            m = t % 2
            u = (t + 2) % 8
            q = (t + 4) % 8
            pltpu.make_async_copy(h_hbm.at[ibs[t].at[0]], rs[m],
                                  sgs[m]).wait()
            pltpu.sync_copy(rs[m], shared.at[ibs[t].at[1]], add=True)

            @pl.when(i + 4 < NCH)
            def _f(i=i, q=q):
                pltpu.async_copy(ei_hbm.at[wid, i + 4], ibs[q], sis[q])

            @pl.when(i + 2 < NCH)
            def _g(m=m, u=u, i=i):
                pltpu.make_async_copy(ei_hbm.at[wid, i + 2], ibs[u],
                                      sis[u]).wait()
                pltpu.async_copy(h_hbm.at[ibs[u].at[0]], rs[m], sgs[m])

        return carry

    lax.fori_loop(0, NCH // 8, oct_, 0)
    plsc.subcore_barrier()
    pltpu.sync_copy(shared.at[pl.ds(row0, RPT), :],
                    out_hbm.at[c, pl.ds(row0, RPT), :])


NB = 1000
GRID = N // NB


def _l1_body(x_ref, d0_ref, d1_ref, w_ref, h_ref, dis_ref):
    deg = d0_ref[...] + d1_ref[...] + 1.0
    dis = lax.rsqrt(deg)
    dis_ref[...] = dis
    h_ref[...] = jnp.dot(x_ref[...], w_ref[...],
                         preferred_element_type=jnp.float32) * dis


def _l1_call(x, d0, d1, W1):
    return pl.pallas_call(
        _l1_body,
        grid=(GRID,),
        in_specs=[
            pl.BlockSpec((NB, D), lambda i: (i, 0)),
            pl.BlockSpec((NB, 1), lambda i: (i, 0)),
            pl.BlockSpec((NB, 1), lambda i: (i, 0)),
            pl.BlockSpec((D, H), lambda i: (0, 0)),
        ],
        out_specs=[
            pl.BlockSpec((NB, H), lambda i: (i, 0)),
            pl.BlockSpec((NB, 1), lambda i: (i, 0)),
        ],
        out_shape=[
            jax.ShapeDtypeStruct((N, H), jnp.float32),
            jax.ShapeDtypeStruct((N, 1), jnp.float32),
        ],
    )(x, d0, d1, W1)


def _l2_body(p_ref, hp_ref, dis_ref, b1_ref, w_ref, out_ref):
    dis = dis_ref[...]
    p = p_ref[...]
    h1 = jnp.maximum(
        dis * (p[0] + p[1] + hp_ref[...]) + b1_ref[...], 0.0)
    out_ref[...] = jnp.dot(h1, w_ref[...],
                           preferred_element_type=jnp.float32) * dis


def _l2_call(p, h1p, dis, b1, W2):
    return pl.pallas_call(
        _l2_body,
        grid=(GRID,),
        in_specs=[
            pl.BlockSpec((NC, NB, H), lambda i: (0, i, 0)),
            pl.BlockSpec((NB, H), lambda i: (i, 0)),
            pl.BlockSpec((NB, 1), lambda i: (i, 0)),
            pl.BlockSpec((1, H), lambda i: (0, 0)),
            pl.BlockSpec((H, H), lambda i: (0, 0)),
        ],
        out_specs=pl.BlockSpec((NB, H), lambda i: (i, 0)),
        out_shape=jax.ShapeDtypeStruct((N, H), jnp.float32),
    )(p, h1p, dis, b1, W2)


def _pool_body(p_ref, hp_ref, dis_ref, b2_ref, bt_ref, wo_ref,
               bo_ref, out_ref, acc, cnt):
    i = pl.program_id(0)

    @pl.when(i == 0)
    def _init():
        acc[...] = jnp.zeros_like(acc)
        cnt[...] = jnp.zeros_like(cnt)

    dis = dis_ref[...]
    p = p_ref[...]
    h2 = jnp.maximum(
        dis * (p[0] + p[1] + hp_ref[...]) + b2_ref[...], 0.0)
    gids = lax.broadcasted_iota(jnp.int32, (G, NB), 0)
    mask = (gids == bt_ref[0]).astype(jnp.float32)
    acc[...] += jnp.dot(mask, h2, preferred_element_type=jnp.float32)
    cnt[...] += jnp.sum(mask, axis=1, keepdims=True)

    @pl.when(i == GRID - 1)
    def _fin():
        pooled = acc[...] / jnp.maximum(cnt[...], 1.0)
        logits = jnp.dot(pooled, wo_ref[...],
                         preferred_element_type=jnp.float32) + bo_ref[...]
        m = jnp.max(logits, axis=1, keepdims=True)
        z = logits - m
        out_ref[...] = z - jnp.log(jnp.sum(jnp.exp(z), axis=1, keepdims=True))


def _pool_call(p, h2p, dis, b2, bt2d, Wo, bo):
    return pl.pallas_call(
        _pool_body,
        grid=(GRID,),
        in_specs=[
            pl.BlockSpec((NC, NB, H), lambda i: (0, i, 0)),
            pl.BlockSpec((NB, H), lambda i: (i, 0)),
            pl.BlockSpec((NB, 1), lambda i: (i, 0)),
            pl.BlockSpec((1, H), lambda i: (0, 0)),
            pl.BlockSpec((1, 1, NB), lambda i: (i, 0, 0)),
            pl.BlockSpec((H, C), lambda i: (0, 0)),
            pl.BlockSpec((1, C), lambda i: (0, 0)),
        ],
        out_specs=pl.BlockSpec((G, C), lambda i: (0, 0)),
        out_shape=jax.ShapeDtypeStruct((G, C), jnp.float32),
        scratch_shapes=[
            pltpu.VMEM((G, H), jnp.float32),
            pltpu.VMEM((G, 1), jnp.float32),
        ],
    )(p, h2p, dis, b2, bt2d, Wo, bo)


def kernel(x, edge_index, batch, W1, b1, W2, b2, Wo, bo):
    src = edge_index[0].reshape(NW, NCH, B)
    dst = edge_index[1].reshape(NW, NCH, B)
    ei = jnp.stack([src, dst], axis=2)
    bt2d = batch.reshape(GRID, 1, NB)
    zH = jnp.zeros((NPAD, H), jnp.float32)

    degp = _scatter_kernel(jnp.ones((N, H), jnp.float32), ei, zH)
    d0 = degp[0, :N, :1]
    d1 = degp[1, :N, :1]
    h1p, dis = _l1_call(x, d0, d1, W1)
    s1 = _scatter_kernel(h1p, ei, zH)
    h2p = _l2_call(s1, h1p, dis, b1.reshape(1, H), W2)
    s2 = _scatter_kernel(h2p, ei, zH)
    return _pool_call(s2, h2p, dis, b2.reshape(1, H),
                      bt2d, Wo, bo.reshape(1, C))

# --- scband reference (transcript-rebuilt; emitter-appended) ---
"""Pipeline reference for scband-gcn-1623497638612 (READ-ONLY COPY).

The authoritative reference and input builder live on the scoring server;
editing this copy changes nothing except your own understanding.
"""

import jax, jax.numpy as jnp
import numpy as np

N = 10000
E = 320000
D = 128
H = 128
G = 64
NUM_CLASSES = 10


def setup_inputs(seed: int = 0) -> dict:
    key = jax.random.key(seed)
    ks = jax.random.split(key, 9)
    x = jax.random.normal(ks[0], (N, D), dtype=jnp.float32)
    edge_index = jax.random.randint(ks[1], (2, E), 0, N, dtype=jnp.int32)
    batch = jnp.sort(jax.random.randint(ks[2], (N,), 0, G, dtype=jnp.int32))
    W1 = jax.random.normal(ks[3], (D, H), dtype=jnp.float32) * (1.0 / np.sqrt(D))
    b1 = jnp.zeros((H,), dtype=jnp.float32)
    W2 = jax.random.normal(ks[4], (H, H), dtype=jnp.float32) * (1.0 / np.sqrt(H))
    b2 = jnp.zeros((H,), dtype=jnp.float32)
    Wo = jax.random.normal(ks[5], (H, NUM_CLASSES), dtype=jnp.float32) * (1.0 / np.sqrt(H))
    bo = jnp.zeros((NUM_CLASSES,), dtype=jnp.float32)
    return {"x": x, "edge_index": edge_index, "batch": batch,
            "W1": W1, "b1": b1, "W2": W2, "b2": b2, "Wo": Wo, "bo": bo}


def _gcn_conv(x, src, dst, deg_inv_sqrt, W, b):
    # x' = D^{-1/2} (A + I) D^{-1/2} (x W) + b  (PyG GCNConv with add_self_loops=True)
    h = x @ W
    norm = deg_inv_sqrt[src] * deg_inv_sqrt[dst]
    msg = h[src] * norm[:, None]
    out = jnp.zeros_like(h).at[dst].add(msg)
    return out + b


def reference(x, edge_index, batch, W1, b1, W2, b2, Wo, bo):
    loop = jnp.arange(N, dtype=edge_index.dtype)
    src = jnp.concatenate([edge_index[0], loop])
    dst = jnp.concatenate([edge_index[1], loop])
    deg = jnp.zeros((N,), dtype=jnp.float32).at[dst].add(1.0)
    deg_inv_sqrt = jnp.where(deg > 0, 1.0 / jnp.sqrt(deg), 0.0)

    h = jax.nn.relu(_gcn_conv(x, src, dst, deg_inv_sqrt, W1, b1))
    # dropout(p=0.5) is identity in eval mode
    h = jax.nn.relu(_gcn_conv(h, src, dst, deg_inv_sqrt, W2, b2))

    # global_mean_pool over batch ids
    counts = jnp.zeros((G,), dtype=jnp.float32).at[batch].add(1.0)
    summed = jnp.zeros((G, H), dtype=jnp.float32).at[batch].add(h)
    pooled = summed / jnp.clip(counts, 1.0, None)[:, None]

    logits = pooled @ Wo + bo
    return jax.nn.log_softmax(logits, axis=1)

if __name__ == "__main__":
    import jax
    _d = setup_inputs()
    print(jax.jit(kernel)(*tuple(_d.values())))

</pallas_src>

<mosaic_0001>
#map = affine_map<(d0, d1) -> (0, 0)>
#map1 = affine_map<(d0, d1) -> (0, 0, 0, 0)>
#map2 = affine_map<(d0, d1) -> (0, 0, 0)>
module attributes {stable_mosaic.version = 14 : i64} {
  func.func @_scatter_kernel(%arg0: i32, %arg1: i32, %arg2: memref<10000x128xf32, #tpu.memory_space<hbm>>, %arg3: memref<32x80x2x125xi32, #tpu.memory_space<hbm>>, %arg4: memref<10240x128xf32, #tpu.memory_space<hbm>>, %arg5: memref<2x10240x128xf32, #tpu.memory_space<hbm>>, %arg6: memref<2x125xi32, #tpu.memory_space<vmem>>, %arg7: memref<2x125xi32, #tpu.memory_space<vmem>>, %arg8: memref<2x125xi32, #tpu.memory_space<vmem>>, %arg9: memref<2x125xi32, #tpu.memory_space<vmem>>, %arg10: memref<2x125xi32, #tpu.memory_space<vmem>>, %arg11: memref<2x125xi32, #tpu.memory_space<vmem>>, %arg12: memref<2x125xi32, #tpu.memory_space<vmem>>, %arg13: memref<2x125xi32, #tpu.memory_space<vmem>>, %arg14: memref<125x128xf32, #tpu.memory_space<vmem>>, %arg15: memref<125x128xf32, #tpu.memory_space<vmem>>, %arg16: memref<!tpu.dma_semaphore, #tpu.memory_space<semaphore_mem>>, %arg17: memref<!tpu.dma_semaphore, #tpu.memory_space<semaphore_mem>>, %arg18: memref<!tpu.dma_semaphore, #tpu.memory_space<semaphore_mem>>, %arg19: memref<!tpu.dma_semaphore, #tpu.memory_space<semaphore_mem>>, %arg20: memref<!tpu.dma_semaphore, #tpu.memory_space<semaphore_mem>>, %arg21: memref<!tpu.dma_semaphore, #tpu.memory_space<semaphore_mem>>, %arg22: memref<!tpu.dma_semaphore, #tpu.memory_space<semaphore_mem>>, %arg23: memref<!tpu.dma_semaphore, #tpu.memory_space<semaphore_mem>>, %arg24: memref<!tpu.dma_semaphore, #tpu.memory_space<semaphore_mem>>, %arg25: memref<!tpu.dma_semaphore, #tpu.memory_space<semaphore_mem>>, %arg26: memref<10240x128xf32, #tpu.memory_space<vmem_shared>>) attributes {dimension_semantics = [#tpu.dimension_semantics<core_parallel>, #tpu.dimension_semantics<subcore_parallel>], iteration_bounds = array<i64: 2, 16>, scalar_prefetch = 0 : i64, scratch_operands = 21 : i64, tpu.core_type = #tpu.core_type<sc_vector_subcore>, window_params = [{transform_indices = #map}, {transform_indices = #map1}, {transform_indices = #map}, {transform_indices = #map2}]} {
    %mul3A = arith.constant 16 : i32
    %mul3A_0 = arith.muli %arg0, %mul3A : i32
    %add3A = arith.addi %mul3A_0, %arg1 : i32
    %mul3A_1 = arith.constant 640 : i32
    %mul3A_2 = arith.muli %arg1, %mul3A_1 : i32
    "tpu.region"() ({
      %run_scoped3A = tpu.sem_alloc : memref<!tpu.dma_semaphore, #tpu.memory_space<semaphore_mem>>
      %dma_start3A_75 = arith.constant 0 : i32
      %dma_start3A_76 = tpu.memref_slice %arg26[%mul3A_2, %dma_start3A_75] : memref<10240x128xf32, #tpu.memory_space<vmem_shared>> -> memref<640x128xf32, #tpu.memory_space<vmem_shared>>
      %dma_start3A_77 = arith.constant 0 : i32
      %dma_start3A_78 = tpu.memref_slice %arg4[%mul3A_2, %dma_start3A_77] : memref<10240x128xf32, #tpu.memory_space<hbm>> -> memref<640x128xf32, #tpu.memory_space<hbm>>
      tpu.enqueue_dma source(%dma_start3A_78 : memref<640x128xf32, #tpu.memory_space<hbm>>) target(%dma_start3A_76 : memref<640x128xf32, #tpu.memory_space<vmem_shared>>) target_semaphore(%run_scoped3A : memref<!tpu.dma_semaphore, #tpu.memory_space<semaphore_mem>>)
      %dma_wait3A_79 = arith.constant 0 : i32
      %dma_wait3A_80 = tpu.memref_slice %arg26[%mul3A_2, %dma_wait3A_79] : memref<10240x128xf32, #tpu.memory_space<vmem_shared>> -> memref<640x128xf32, #tpu.memory_space<vmem_shared>>
      %dma_wait3A_81 = arith.constant 0 : i32
      %dma_wait3A_82 = tpu.memref_slice %arg4[%mul3A_2, %dma_wait3A_81] : memref<10240x128xf32, #tpu.memory_space<hbm>> -> memref<640x128xf32, #tpu.memory_space<hbm>>
      tpu.wait_dma2 semaphore(%run_scoped3A : memref<!tpu.dma_semaphore, #tpu.memory_space<semaphore_mem>>) src(%dma_wait3A_82 : memref<640x128xf32, #tpu.memory_space<hbm>>) dst(%dma_wait3A_80 : memref<640x128xf32, #tpu.memory_space<vmem_shared>>)
      tpu.yield
    }) : () -> ()
    %dma_start3A = arith.constant 0 : i32
    %dma_start3A_3 = arith.constant 0 : i32
    %dma_start3A_4 = arith.constant 0 : i32
    %dma_start3A_5 = tpu.memref_slice %arg3[%add3A, %dma_start3A, %dma_start3A_3, %dma_start3A_4] : memref<32x80x2x125xi32, #tpu.memory_space<hbm>> -> memref<1x1x2x125xi32, #tpu.memory_space<hbm>>
    %dma_start3A_6 = tpu.memref_squeeze %dma_start3A_5 : memref<1x1x2x125xi32, #tpu.memory_space<hbm>> -> memref<2x125xi32, #tpu.memory_space<hbm>>
    %dma_start3A_7 = arith.constant 0 : i32
    %dma_start3A_8 = arith.constant 0 : i32
    %dma_start3A_9 = tpu.memref_slice %arg3[%add3A, %dma_start3A, %dma_start3A_7, %dma_start3A_8] : memref<32x80x2x125xi32, #tpu.memory_space<hbm>> -> memref<1x1x2x125xi32, #tpu.memory_space<hbm>>
    %dma_start3A_10 = tpu.memref_squeeze %dma_start3A_9 : memref<1x1x2x125xi32, #tpu.memory_space<hbm>> -> memref<2x125xi32, #tpu.memory_space<hbm>>
    tpu.enqueue_dma source(%dma_start3A_10 : memref<2x125xi32, #tpu.memory_space<hbm>>) target(%arg6 : memref<2x125xi32, #tpu.memory_space<vmem>>) target_semaphore(%arg16 : memref<!tpu.dma_semaphore, #tpu.memory_space<semaphore_mem>>)
    %dma_start3A_11 = arith.constant 1 : i32
    %dma_start3A_12 = arith.constant 0 : i32
    %dma_start3A_13 = arith.constant 0 : i32
    %dma_start3A_14 = tpu.memref_slice %arg3[%add3A, %dma_start3A_11, %dma_start3A_12, %dma_start3A_13] : memref<32x80x2x125xi32, #tpu.memory_space<hbm>> -> memref<1x1x2x125xi32, #tpu.memory_space<hbm>>
    %dma_start3A_15 = tpu.memref_squeeze %dma_start3A_14 : memref<1x1x2x125xi32, #tpu.memory_space<hbm>> -> memref<2x125xi32, #tpu.memory_space<hbm>>
    %dma_start3A_16 = arith.constant 0 : i32
    %dma_start3A_17 = arith.constant 0 : i32
    %dma_start3A_18 = tpu.memref_slice %arg3[%add3A, %dma_start3A_11, %dma_start3A_16, %dma_start3A_17] : memref<32x80x2x125xi32, #tpu.memory_space<hbm>> -> memref<1x1x2x125xi32, #tpu.memory_space<hbm>>
    %dma_start3A_19 = tpu.memref_squeeze %dma_start3A_18 : memref<1x1x2x125xi32, #tpu.memory_space<hbm>> -> memref<2x125xi32, #tpu.memory_space<hbm>>
    tpu.enqueue_dma source(%dma_start3A_19 : memref<2x125xi32, #tpu.memory_space<hbm>>) target(%arg7 : memref<2x125xi32, #tpu.memory_space<vmem>>) target_semaphore(%arg17 : memref<!tpu.dma_semaphore, #tpu.memory_space<semaphore_mem>>)
    %dma_start3A_20 = arith.constant 2 : i32
    %dma_start3A_21 = arith.constant 0 : i32
    %dma_start3A_22 = arith.constant 0 : i32
    %dma_start3A_23 = tpu.memref_slice %arg3[%add3A, %dma_start3A_20, %dma_start3A_21, %dma_start3A_22] : memref<32x80x2x125xi32, #tpu.memory_space<hbm>> -> memref<1x1x2x125xi32, #tpu.memory_space<hbm>>
    %dma_start3A_24 = tpu.memref_squeeze %dma_start3A_23 : memref<1x1x2x125xi32, #tpu.memory_space<hbm>> -> memref<2x125xi32, #tpu.memory_space<hbm>>
    %dma_start3A_25 = arith.constant 0 : i32
    %dma_start3A_26 = arith.constant 0 : i32
    %dma_start3A_27 = tpu.memref_slice %arg3[%add3A, %dma_start3A_20, %dma_start3A_25, %dma_start3A_26] : memref<32x80x2x125xi32, #tpu.memory_space<hbm>> -> memref<1x1x2x125xi32, #tpu.memory_space<hbm>>
    %dma_start3A_28 = tpu.memref_squeeze %dma_start3A_27 : memref<1x1x2x125xi32, #tpu.memory_space<hbm>> -> memref<2x125xi32, #tpu.memory_space<hbm>>
    tpu.enqueue_dma source(%dma_start3A_28 : memref<2x125xi32, #tpu.memory_space<hbm>>) target(%arg8 : memref<2x125xi32, #tpu.memory_space<vmem>>) target_semaphore(%arg18 : memref<!tpu.dma_semaphore, #tpu.memory_space<semaphore_mem>>)
    %dma_start3A_29 = arith.constant 3 : i32
    %dma_start3A_30 = arith.constant 0 : i32
    %dma_start3A_31 = arith.constant 0 : i32
    %dma_start3A_32 = tpu.memref_slice %arg3[%add3A, %dma_start3A_29, %dma_start3A_30, %dma_start3A_31] : memref<32x80x2x125xi32, #tpu.memory_space<hbm>> -> memref<1x1x2x125xi32, #tpu.memory_space<hbm>>
    %dma_start3A_33 = tpu.memref_squeeze %dma_start3A_32 : memref<1x1x2x125xi32, #tpu.memory_space<hbm>> -> memref<2x125xi32, #tpu.memory_space<hbm>>
    %dma_start3A_34 = arith.constant 0 : i32
    %dma_start3A_35 = arith.constant 0 : i32
    %dma_start3A_36 = tpu.memref_slice %arg3[%add3A, %dma_start3A_29, %dma_start3A_34, %dma_start3A_35] : memref<32x80x2x125xi32, #tpu.memory_space<hbm>> -> memref<1x1x2x125xi32, #tpu.memory_space<hbm>>
    %dma_start3A_37 = tpu.memref_squeeze %dma_start3A_36 : memref<1x1x2x125xi32, #tpu.memory_space<hbm>> -> memref<2x125xi32, #tpu.memory_space<hbm>>
    tpu.enqueue_dma source(%dma_start3A_37 : memref<2x125xi32, #tpu.memory_space<hbm>>) target(%arg9 : memref<2x125xi32, #tpu.memory_space<vmem>>) target_semaphore(%arg19 : memref<!tpu.dma_semaphore, #tpu.memory_space<semaphore_mem>>)
    %dma_wait3A = arith.constant 0 : i32
    %dma_wait3A_38 = arith.constant 0 : i32
    %dma_wait3A_39 = arith.constant 0 : i32
    %dma_wait3A_40 = tpu.memref_slice %arg3[%add3A, %dma_wait3A, %dma_wait3A_38, %dma_wait3A_39] : memref<32x80x2x125xi32, #tpu.memory_space<hbm>> -> memref<1x1x2x125xi32, #tpu.memory_space<hbm>>
    %dma_wait3A_41 = tpu.memref_squeeze %dma_wait3A_40 : memref<1x1x2x125xi32, #tpu.memory_space<hbm>> -> memref<2x125xi32, #tpu.memory_space<hbm>>
    %dma_wait3A_42 = arith.constant 0 : i32
    %dma_wait3A_43 = arith.constant 0 : i32
    %dma_wait3A_44 = tpu.memref_slice %arg3[%add3A, %dma_wait3A, %dma_wait3A_42, %dma_wait3A_43] : memref<32x80x2x125xi32, #tpu.memory_space<hbm>> -> memref<1x1x2x125xi32, #tpu.memory_space<hbm>>
    %dma_wait3A_45 = tpu.memref_squeeze %dma_wait3A_44 : memref<1x1x2x125xi32, #tpu.memory_space<hbm>> -> memref<2x125xi32, #tpu.memory_space<hbm>>
    tpu.wait_dma2 semaphore(%arg16 : memref<!tpu.dma_semaphore, #tpu.memory_space<semaphore_mem>>) src(%dma_wait3A_45 : memref<2x125xi32, #tpu.memory_space<hbm>>) dst(%arg6 : memref<2x125xi32, #tpu.memory_space<vmem>>)
    %dma_start3A_46 = arith.constant 0 : i32
    %dma_start3A_47 = arith.constant 0 : i32
    %dma_start3A_48 = tpu.memref_slice %arg6[%dma_start3A_46, %dma_start3A_47] : memref<2x125xi32, #tpu.memory_space<vmem>> -> memref<1x125xi32, #tpu.memory_space<vmem>>
    %dma_start3A_49 = tpu.memref_squeeze %dma_start3A_48 : memref<1x125xi32, #tpu.memory_space<vmem>> -> memref<125xi32, #tpu.memory_space<vmem>>
    %dma_start3A_50 = arith.constant 0 : i32
    %dma_start3A_51 = arith.constant 0 : i32
    %dma_start3A_52 = tpu.memref_slice %arg2[%dma_start3A_50, %dma_start3A_51] : memref<10000x128xf32, #tpu.memory_space<hbm>> -> memref<10000x128xf32, #tpu.memory_space<hbm>>
    tpu.enqueue_indirect_dma source(%dma_start3A_52 : memref<10000x128xf32, #tpu.memory_space<hbm>>) target(%arg14 : memref<125x128xf32, #tpu.memory_space<vmem>>) offsets(%dma_start3A_49 : memref<125xi32, #tpu.memory_space<vmem>>) semaphore(%arg24 : memref<!tpu.dma_semaphore, #tpu.memory_space<semaphore_mem>>)
    %dma_wait3A_53 = arith.constant 1 : i32
    %dma_wait3A_54 = arith.constant 0 : i32
    %dma_wait3A_55 = arith.constant 0 : i32
    %dma_wait3A_56 = tpu.memref_slice %arg3[%add3A, %dma_wait3A_53, %dma_wait3A_54, %dma_wait3A_55] : memref<32x80x2x125xi32, #tpu.memory_space<hbm>> -> memref<1x1x2x125xi32, #tpu.memory_space<hbm>>
    %dma_wait3A_57 = tpu.memref_squeeze %dma_wait3A_56 : memref<1x1x2x125xi32, #tpu.memory_space<hbm>> -> memref<2x125xi32, #tpu.memory_space<hbm>>
    %dma_wait3A_58 = arith.constant 0 : i32
    %dma_wait3A_59 = arith.constant 0 : i32
    %dma_wait3A_60 = tpu.memref_slice %arg3[%add3A, %dma_wait3A_53, %dma_wait3A_58, %dma_wait3A_59] : memref<32x80x2x125xi32, #tpu.memory_space<hbm>> -> memref<1x1x2x125xi32, #tpu.memory_space<hbm>>
    %dma_wait3A_61 = tpu.memref_squeeze %dma_wait3A_60 : memref<1x1x2x125xi32, #tpu.memory_space<hbm>> -> memref<2x125xi32, #tpu.memory_space<hbm>>
    tpu.wait_dma2 semaphore(%arg17 : memref<!tpu.dma_semaphore, #tpu.memory_space<semaphore_mem>>) src(%dma_wait3A_61 : memref<2x125xi32, #tpu.memory_space<hbm>>) dst(%arg7 : memref<2x125xi32, #tpu.memory_space<vmem>>)
    %dma_start3A_62 = arith.constant 0 : i32
    %dma_start3A_63 = arith.constant 0 : i32
    %dma_start3A_64 = tpu.memref_slice %arg7[%dma_start3A_62, %dma_start3A_63] : memref<2x125xi32, #tpu.memory_space<vmem>> -> memref<1x125xi32, #tpu.memory_space<vmem>>
    %dma_start3A_65 = tpu.memref_squeeze %dma_start3A_64 : memref<1x125xi32, #tpu.memory_space<vmem>> -> memref<125xi32, #tpu.memory_space<vmem>>
    %dma_start3A_66 = arith.constant 0 : i32
    %dma_start3A_67 = arith.constant 0 : i32
    %dma_start3A_68 = tpu.memref_slice %arg2[%dma_start3A_66, %dma_start3A_67] : memref<10000x128xf32, #tpu.memory_space<hbm>> -> memref<10000x128xf32, #tpu.memory_space<hbm>>
    tpu.enqueue_indirect_dma source(%dma_start3A_68 : memref<10000x128xf32, #tpu.memory_space<hbm>>) target(%arg15 : memref<125x128xf32, #tpu.memory_space<vmem>>) offsets(%dma_start3A_65 : memref<125xi32, #tpu.memory_space<vmem>>) semaphore(%arg25 : memref<!tpu.dma_semaphore, #tpu.memory_space<semaphore_mem>>)
    %barrier3A = arith.constant 0 : index
    tpu.barrier barrier_id(%barrier3A)
    %scan3A = arith.constant 0 : i32
    %scan3A_69 = arith.constant 0 : i32
    %scan3A_70 = arith.constant 10 : i32
    %scan3A_71 = arith.addi %scan3A_69, %scan3A_70 : i32
    %scan3A_72 = arith.constant 1 : i32
    scf.for %scan3A_75 = %scan3A_69 to %scan3A_71 step %scan3A_72  : i32 {
      %mul3A_76 = arith.constant 8 : i32
      %mul3A_77 = arith.muli %mul3A_76, %scan3A_75 : i32
      %add3A_78 = arith.constant 0 : i32
      %add3A_79 = arith.addi %mul3A_77, %add3A_78 : i32
      %dma_wait3A_80 = arith.constant 0 : i32
      %dma_wait3A_81 = arith.constant 0 : i32
      %dma_wait3A_82 = tpu.memref_slice %arg6[%dma_wait3A_80, %dma_wait3A_81] : memref<2x125xi32, #tpu.memory_space<vmem>> -> memref<1x125xi32, #tpu.memory_space<vmem>>
      %dma_wait3A_83 = tpu.memref_squeeze %dma_wait3A_82 : memref<1x125xi32, #tpu.memory_space<vmem>> -> memref<125xi32, #tpu.memory_space<vmem>>
      %dma_wait3A_84 = arith.constant 0 : i32
      %dma_wait3A_85 = arith.constant 0 : i32
      %dma_wait3A_86 = tpu.memref_slice %arg2[%dma_wait3A_84, %dma_wait3A_85] : memref<10000x128xf32, #tpu.memory_space<hbm>> -> memref<10000x128xf32, #tpu.memory_space<hbm>>
      tpu.wait_indirect_dma semaphore(%arg24 : memref<!tpu.dma_semaphore, #tpu.memory_space<semaphore_mem>>) src(%dma_wait3A_86 : memref<10000x128xf32, #tpu.memory_space<hbm>>) dst(%arg14 : memref<125x128xf32, #tpu.memory_space<vmem>>)
      %run_scoped3A = arith.constant 1 : i32
      "tpu.region"() ({
        %run_scoped3A_266 = tpu.sem_alloc : memref<!tpu.dma_semaphore, #tpu.memory_space<semaphore_mem>>
        %dma_start3A_267 = arith.constant 0 : i32
        %dma_start3A_268 = tpu.memref_slice %arg6[%run_scoped3A, %dma_start3A_267] : memref<2x125xi32, #tpu.memory_space<vmem>> -> memref<1x125xi32, #tpu.memory_space<vmem>>
        %dma_start3A_269 = tpu.memref_squeeze %dma_start3A_268 : memref<1x125xi32, #tpu.memory_space<vmem>> -> memref<125xi32, #tpu.memory_space<vmem>>
        %dma_start3A_270 = arith.constant 0 : i32
        %dma_start3A_271 = arith.constant 0 : i32
        %dma_start3A_272 = tpu.memref_slice %arg26[%dma_start3A_270, %dma_start3A_271] : memref<10240x128xf32, #tpu.memory_space<vmem_shared>> -> memref<10240x128xf32, #tpu.memory_space<vmem_shared>>
        tpu.enqueue_indirect_dma source(%arg14 : memref<125x128xf32, #tpu.memory_space<vmem>>) target(%dma_start3A_272 : memref<10240x128xf32, #tpu.memory_space<vmem_shared>>) offsets(%dma_start3A_269 : memref<125xi32, #tpu.memory_space<vmem>>) semaphore(%run_scoped3A_266 : memref<!tpu.dma_semaphore, #tpu.memory_space<semaphore_mem>>) {add = true}
        %dma_wait3A_273 = arith.constant 0 : i32
        %dma_wait3A_274 = tpu.memref_slice %arg6[%run_scoped3A, %dma_wait3A_273] : memref<2x125xi32, #tpu.memory_space<vmem>> -> memref<1x125xi32, #tpu.memory_space<vmem>>
        %dma_wait3A_275 = tpu.memref_squeeze %dma_wait3A_274 : memref<1x125xi32, #tpu.memory_space<vmem>> -> memref<125xi32, #tpu.memory_space<vmem>>
        %dma_wait3A_276 = arith.constant 0 : i32
        %dma_wait3A_277 = arith.constant 0 : i32
        %dma_wait3A_278 = tpu.memref_slice %arg26[%dma_wait3A_276, %dma_wait3A_277] : memref<10240x128xf32, #tpu.memory_space<vmem_shared>> -> memref<10240x128xf32, #tpu.memory_space<vmem_shared>>
        tpu.wait_indirect_dma semaphore(%run_scoped3A_266 : memref<!tpu.dma_semaphore, #tpu.memory_space<semaphore_mem>>) src(%arg14 : memref<125x128xf32, #tpu.memory_space<vmem>>) dst(%dma_wait3A_278 : memref<10240x128xf32, #tpu.memory_space<vmem_shared>>)
        tpu.yield
      }) : () -> ()
      %add3A_87 = arith.constant 4 : i32
      %add3A_88 = arith.addi %add3A_79, %add3A_87 : i32
      %lt3A = arith.constant 80 : i32
      %lt3A_89 = arith.cmpi slt, %add3A_88, %lt3A : i32
      %convert_element_type3A = arith.extui %lt3A_89 : i1 to i32
      %cond3A = arith.constant 0 : i32
      %cond3A_90 = arith.cmpi ne, %convert_element_type3A, %cond3A : i32
      scf.if %cond3A_90 {
        %add3A_266 = arith.constant 4 : i32
        %add3A_267 = arith.addi %add3A_79, %add3A_266 : i32
        %dma_start3A_268 = arith.constant 0 : i32
        %dma_start3A_269 = arith.constant 0 : i32
        %dma_start3A_270 = tpu.memref_slice %arg3[%add3A, %add3A_267, %dma_start3A_268, %dma_start3A_269] : memref<32x80x2x125xi32, #tpu.memory_space<hbm>> -> memref<1x1x2x125xi32, #tpu.memory_space<hbm>>
        %dma_start3A_271 = tpu.memref_squeeze %dma_start3A_270 : memref<1x1x2x125xi32, #tpu.memory_space<hbm>> -> memref<2x125xi32, #tpu.memory_space<hbm>>
        %dma_start3A_272 = arith.constant 0 : i32
        %dma_start3A_273 = arith.constant 0 : i32
        %dma_start3A_274 = tpu.memref_slice %arg3[%add3A, %add3A_267, %dma_start3A_272, %dma_start3A_273] : memref<32x80x2x125xi32, #tpu.memory_space<hbm>> -> memref<1x1x2x125xi32, #tpu.memory_space<hbm>>
        %dma_start3A_275 = tpu.memref_squeeze %dma_start3A_274 : memref<1x1x2x125xi32, #tpu.memory_space<hbm>> -> memref<2x125xi32, #tpu.memory_space<hbm>>
        tpu.enqueue_dma source(%dma_start3A_275 : memref<2x125xi32, #tpu.memory_space<hbm>>) target(%arg10 : memref<2x125xi32, #tpu.memory_space<vmem>>) target_semaphore(%arg20 : memref<!tpu.dma_semaphore, #tpu.memory_space<semaphore_mem>>)
      } else {
      }
      %add3A_91 = arith.constant 2 : i32
      %add3A_92 = arith.addi %add3A_79, %add3A_91 : i32
      %lt3A_93 = arith.constant 80 : i32
      %lt3A_94 = arith.cmpi slt, %add3A_92, %lt3A_93 : i32
      %convert_element_type3A_95 = arith.extui %lt3A_94 : i1 to i32
      %cond3A_96 = arith.constant 0 : i32
      %cond3A_97 = arith.cmpi ne, %convert_element_type3A_95, %cond3A_96 : i32
      scf.if %cond3A_97 {
        %add3A_266 = arith.constant 2 : i32
        %add3A_267 = arith.addi %add3A_79, %add3A_266 : i32
        %dma_wait3A_268 = arith.constant 0 : i32
        %dma_wait3A_269 = arith.constant 0 : i32
        %dma_wait3A_270 = tpu.memref_slice %arg3[%add3A, %add3A_267, %dma_wait3A_268, %dma_wait3A_269] : memref<32x80x2x125xi32, #tpu.memory_space<hbm>> -> memref<1x1x2x125xi32, #tpu.memory_space<hbm>>
        %dma_wait3A_271 = tpu.memref_squeeze %dma_wait3A_270 : memref<1x1x2x125xi32, #tpu.memory_space<hbm>> -> memref<2x125xi32, #tpu.memory_space<hbm>>
        %dma_wait3A_272 = arith.constant 0 : i32
        %dma_wait3A_273 = arith.constant 0 : i32
        %dma_wait3A_274 = tpu.memref_slice %arg3[%add3A, %add3A_267, %dma_wait3A_272, %dma_wait3A_273] : memref<32x80x2x125xi32, #tpu.memory_space<hbm>> -> memref<1x1x2x125xi32, #tpu.memory_space<hbm>>
        %dma_wait3A_275 = tpu.memref_squeeze %dma_wait3A_274 : memref<1x1x2x125xi32, #tpu.memory_space<hbm>> -> memref<2x125xi32, #tpu.memory_space<hbm>>
        tpu.wait_dma2 semaphore(%arg18 : memref<!tpu.dma_semaphore, #tpu.memory_space<semaphore_mem>>) src(%dma_wait3A_275 : memref<2x125xi32, #tpu.memory_space<hbm>>) dst(%arg8 : memref<2x125xi32, #tpu.memory_space<vmem>>)
        %dma_start3A_276 = arith.constant 0 : i32
        %dma_start3A_277 = arith.constant 0 : i32
        %dma_start3A_278 = tpu.memref_slice %arg8[%dma_start3A_276, %dma_start3A_277] : memref<2x125xi32, #tpu.memory_space<vmem>> -> memref<1x125xi32, #tpu.memory_space<vmem>>
        %dma_start3A_279 = tpu.memref_squeeze %dma_start3A_278 : memref<1x125xi32, #tpu.memory_space<vmem>> -> memref<125xi32, #tpu.memory_space<vmem>>
        %dma_start3A_280 = arith.constant 0 : i32
        %dma_start3A_281 = arith.constant 0 : i32
        %dma_start3A_282 = tpu.memref_slice %arg2[%dma_start3A_280, %dma_start3A_281] : memref<10000x128xf32, #tpu.memory_space<hbm>> -> memref<10000x128xf32, #tpu.memory_space<hbm>>
        tpu.enqueue_indirect_dma source(%dma_start3A_282 : memref<10000x128xf32, #tpu.memory_space<hbm>>) target(%arg14 : memref<125x128xf32, #tpu.memory_space<vmem>>) offsets(%dma_start3A_279 : memref<125xi32, #tpu.memory_space<vmem>>) semaphore(%arg24 : memref<!tpu.dma_semaphore, #tpu.memory_space<semaphore_mem>>)
      } else {
      }
      %add3A_98 = arith.constant 1 : i32
      %add3A_99 = arith.addi %mul3A_77, %add3A_98 : i32
      %dma_wait3A_100 = arith.constant 0 : i32
      %dma_wait3A_101 = arith.constant 0 : i32
      %dma_wait3A_102 = tpu.memref_slice %arg7[%dma_wait3A_100, %dma_wait3A_101] : memref<2x125xi32, #tpu.memory_space<vmem>> -> memref<1x125xi32, #tpu.memory_space<vmem>>
      %dma_wait3A_103 = tpu.memref_squeeze %dma_wait3A_102 : memref<1x125xi32, #tpu.memory_space<vmem>> -> memref<125xi32, #tpu.memory_space<vmem>>
      %dma_wait3A_104 = arith.constant 0 : i32
      %dma_wait3A_105 = arith.constant 0 : i32
      %dma_wait3A_106 = tpu.memref_slice %arg2[%dma_wait3A_104, %dma_wait3A_105] : memref<10000x128xf32, #tpu.memory_space<hbm>> -> memref<10000x128xf32, #tpu.memory_space<hbm>>
      tpu.wait_indirect_dma semaphore(%arg25 : memref<!tpu.dma_semaphore, #tpu.memory_space<semaphore_mem>>) src(%dma_wait3A_106 : memref<10000x128xf32, #tpu.memory_space<hbm>>) dst(%arg15 : memref<125x128xf32, #tpu.memory_space<vmem>>)
      %run_scoped3A_107 = arith.constant 1 : i32
      "tpu.region"() ({
        %run_scoped3A_266 = tpu.sem_alloc : memref<!tpu.dma_semaphore, #tpu.memory_space<semaphore_mem>>
        %dma_start3A_267 = arith.constant 0 : i32
        %dma_start3A_268 = tpu.memref_slice %arg7[%run_scoped3A_107, %dma_start3A_267] : memref<2x125xi32, #tpu.memory_space<vmem>> -> memref<1x125xi32, #tpu.memory_space<vmem>>
        %dma_start3A_269 = tpu.memref_squeeze %dma_start3A_268 : memref<1x125xi32, #tpu.memory_space<vmem>> -> memref<125xi32, #tpu.memory_space<vmem>>
        %dma_start3A_270 = arith.constant 0 : i32
        %dma_start3A_271 = arith.constant 0 : i32
        %dma_start3A_272 = tpu.memref_slice %arg26[%dma_start3A_270, %dma_start3A_271] : memref<10240x128xf32, #tpu.memory_space<vmem_shared>> -> memref<10240x128xf32, #tpu.memory_space<vmem_shared>>
        tpu.enqueue_indirect_dma source(%arg15 : memref<125x128xf32, #tpu.memory_space<vmem>>) target(%dma_start3A_272 : memref<10240x128xf32, #tpu.memory_space<vmem_shared>>) offsets(%dma_start3A_269 : memref<125xi32, #tpu.memory_space<vmem>>) semaphore(%run_scoped3A_266 : memref<!tpu.dma_semaphore, #tpu.memory_space<semaphore_mem>>) {add = true}
        %dma_wait3A_273 = arith.constant 0 : i32
        %dma_wait3A_274 = tpu.memref_slice %arg7[%run_scoped3A_107, %dma_wait3A_273] : memref<2x125xi32, #tpu.memory_space<vmem>> -> memref<1x125xi32, #tpu.memory_space<vmem>>
        %dma_wait3A_275 = tpu.memref_squeeze %dma_wait3A_274 : memref<1x125xi32, #tpu.memory_space<vmem>> -> memref<125xi32, #tpu.memory_space<vmem>>
        %dma_wait3A_276 = arith.constant 0 : i32
        %dma_wait3A_277 = arith.constant 0 : i32
        %dma_wait3A_278 = tpu.memref_slice %arg26[%dma_wait3A_276, %dma_wait3A_277] : memref<10240x128xf32, #tpu.memory_space<vmem_shared>> -> memref<10240x128xf32, #tpu.memory_space<vmem_shared>>
        tpu.wait_indirect_dma semaphore(%run_scoped3A_266 : memref<!tpu.dma_semaphore, #tpu.memory_space<semaphore_mem>>) src(%arg15 : memref<125x128xf32, #tpu.memory_space<vmem>>) dst(%dma_wait3A_278 : memref<10240x128xf32, #tpu.memory_space<vmem_shared>>)
        tpu.yield
      }) : () -> ()
      %add3A_108 = arith.constant 4 : i32
      %add3A_109 = arith.addi %add3A_99, %add3A_108 : i32
      %lt3A_110 = arith.constant 80 : i32
      %lt3A_111 = arith.cmpi slt, %add3A_109, %lt3A_110 : i32
      %convert_element_type3A_112 = arith.extui %lt3A_111 : i1 to i32
      %cond3A_113 = arith.constant 0 : i32
      %cond3A_114 = arith.cmpi ne, %convert_element_type3A_112, %cond3A_113 : i32
      scf.if %cond3A_114 {
        %add3A_266 = arith.constant 4 : i32
        %add3A_267 = arith.addi %add3A_99, %add3A_266 : i32
        %dma_start3A_268 = arith.constant 0 : i32
        %dma_start3A_269 = arith.constant 0 : i32
        %dma_start3A_270 = tpu.memref_slice %arg3[%add3A, %add3A_267, %dma_start3A_268, %dma_start3A_269] : memref<32x80x2x125xi32, #tpu.memory_space<hbm>> -> memref<1x1x2x125xi32, #tpu.memory_space<hbm>>
        %dma_start3A_271 = tpu.memref_squeeze %dma_start3A_270 : memref<1x1x2x125xi32, #tpu.memory_space<hbm>> -> memref<2x125xi32, #tpu.memory_space<hbm>>
        %dma_start3A_272 = arith.constant 0 : i32
        %dma_start3A_273 = arith.constant 0 : i32
        %dma_start3A_274 = tpu.memref_slice %arg3[%add3A, %add3A_267, %dma_start3A_272, %dma_start3A_273] : memref<32x80x2x125xi32, #tpu.memory_space<hbm>> -> memref<1x1x2x125xi32, #tpu.memory_space<hbm>>
        %dma_start3A_275 = tpu.memref_squeeze %dma_start3A_274 : memref<1x1x2x125xi32, #tpu.memory_space<hbm>> -> memref<2x125xi32, #tpu.memory_space<hbm>>
        tpu.enqueue_dma source(%dma_start3A_275 : memref<2x125xi32, #tpu.memory_space<hbm>>) target(%arg11 : memref<2x125xi32, #tpu.memory_space<vmem>>) target_semaphore(%arg21 : memref<!tpu.dma_semaphore, #tpu.memory_space<semaphore_mem>>)
      } else {
      }
      %add3A_115 = arith.constant 2 : i32
      %add3A_116 = arith.addi %add3A_99, %add3A_115 : i32
      %lt3A_117 = arith.constant 80 : i32
      %lt3A_118 = arith.cmpi slt, %add3A_116, %lt3A_117 : i32
      %convert_element_type3A_119 = arith.extui %lt3A_118 : i1 to i32
      %cond3A_120 = arith.constant 0 : i32
      %cond3A_121 = arith.cmpi ne, %convert_element_type3A_119, %cond3A_120 : i32
      scf.if %cond3A_121 {
        %add3A_266 = arith.constant 2 : i32
        %add3A_267 = arith.addi %add3A_99, %add3A_266 : i32
        %dma_wait3A_268 = arith.constant 0 : i32
        %dma_wait3A_269 = arith.constant 0 : i32
        %dma_wait3A_270 = tpu.memref_slice %arg3[%add3A, %add3A_267, %dma_wait3A_268, %dma_wait3A_269] : memref<32x80x2x125xi32, #tpu.memory_space<hbm>> -> memref<1x1x2x125xi32, #tpu.memory_space<hbm>>
        %dma_wait3A_271 = tpu.memref_squeeze %dma_wait3A_270 : memref<1x1x2x125xi32, #tpu.memory_space<hbm>> -> memref<2x125xi32, #tpu.memory_space<hbm>>
        %dma_wait3A_272 = arith.constant 0 : i32
        %dma_wait3A_273 = arith.constant 0 : i32
        %dma_wait3A_274 = tpu.memref_slice %arg3[%add3A, %add3A_267, %dma_wait3A_272, %dma_wait3A_273] : memref<32x80x2x125xi32, #tpu.memory_space<hbm>> -> memref<1x1x2x125xi32, #tpu.memory_space<hbm>>
        %dma_wait3A_275 = tpu.memref_squeeze %dma_wait3A_274 : memref<1x1x2x125xi32, #tpu.memory_space<hbm>> -> memref<2x125xi32, #tpu.memory_space<hbm>>
        tpu.wait_dma2 semaphore(%arg19 : memref<!tpu.dma_semaphore, #tpu.memory_space<semaphore_mem>>) src(%dma_wait3A_275 : memref<2x125xi32, #tpu.memory_space<hbm>>) dst(%arg9 : memref<2x125xi32, #tpu.memory_space<vmem>>)
        %dma_start3A_276 = arith.constant 0 : i32
        %dma_start3A_277 = arith.constant 0 : i32
        %dma_start3A_278 = tpu.memref_slice %arg9[%dma_start3A_276, %dma_start3A_277] : memref<2x125xi32, #tpu.memory_space<vmem>> -> memref<1x125xi32, #tpu.memory_space<vmem>>
        %dma_start3A_279 = tpu.memref_squeeze %dma_start3A_278 : memref<1x125xi32, #tpu.memory_space<vmem>> -> memref<125xi32, #tpu.memory_space<vmem>>
        %dma_start3A_280 = arith.constant 0 : i32
        %dma_start3A_281 = arith.constant 0 : i32
        %dma_start3A_282 = tpu.memref_slice %arg2[%dma_start3A_280, %dma_start3A_281] : memref<10000x128xf32, #tpu.memory_space<hbm>> -> memref<10000x128xf32, #tpu.memory_space<hbm>>
        tpu.enqueue_indirect_dma source(%dma_start3A_282 : memref<10000x128xf32, #tpu.memory_space<hbm>>) target(%arg15 : memref<125x128xf32, #tpu.memory_space<vmem>>) offsets(%dma_start3A_279 : memref<125xi32, #tpu.memory_space<vmem>>) semaphore(%arg25 : memref<!tpu.dma_semaphore, #tpu.memory_space<semaphore_mem>>)
      } else {
      }
      %add3A_122 = arith.constant 2 : i32
      %add3A_123 = arith.addi %mul3A_77, %add3A_122 : i32
      %dma_wait3A_124 = arith.constant 0 : i32
      %dma_wait3A_125 = arith.constant 0 : i32
      %dma_wait3A_126 = tpu.memref_slice %arg8[%dma_wait3A_124, %dma_wait3A_125] : memref<2x125xi32, #tpu.memory_space<vmem>> -> memref<1x125xi32, #tpu.memory_space<vmem>>
      %dma_wait3A_127 = tpu.memref_squeeze %dma_wait3A_126 : memref<1x125xi32, #tpu.memory_space<vmem>> -> memref<125xi32, #tpu.memory_space<vmem>>
      %dma_wait3A_128 = arith.constant 0 : i32
      %dma_wait3A_129 = arith.constant 0 : i32
      %dma_wait3A_130 = tpu.memref_slice %arg2[%dma_wait3A_128, %dma_wait3A_129] : memref<10000x128xf32, #tpu.memory_space<hbm>> -> memref<10000x128xf32, #tpu.memory_space<hbm>>
      tpu.wait_indirect_dma semaphore(%arg24 : memref<!tpu.dma_semaphore, #tpu.memory_space<semaphore_mem>>) src(%dma_wait3A_130 : memref<10000x128xf32, #tpu.memory_space<hbm>>) dst(%arg14 : memref<125x128xf32, #tpu.memory_space<vmem>>)
      %run_scoped3A_131 = arith.constant 1 : i32
      "tpu.region"() ({
        %run_scoped3A_266 = tpu.sem_alloc : memref<!tpu.dma_semaphore, #tpu.memory_space<semaphore_mem>>
        %dma_start3A_267 = arith.constant 0 : i32
        %dma_start3A_268 = tpu.memref_slice %arg8[%run_scoped3A_131, %dma_start3A_267] : memref<2x125xi32, #tpu.memory_space<vmem>> -> memref<1x125xi32, #tpu.memory_space<vmem>>
        %dma_start3A_269 = tpu.memref_squeeze %dma_start3A_268 : memref<1x125xi32, #tpu.memory_space<vmem>> -> memref<125xi32, #tpu.memory_space<vmem>>
        %dma_start3A_270 = arith.constant 0 : i32
        %dma_start3A_271 = arith.constant 0 : i32
        %dma_start3A_272 = tpu.memref_slice %arg26[%dma_start3A_270, %dma_start3A_271] : memref<10240x128xf32, #tpu.memory_space<vmem_shared>> -> memref<10240x128xf32, #tpu.memory_space<vmem_shared>>
        tpu.enqueue_indirect_dma source(%arg14 : memref<125x128xf32, #tpu.memory_space<vmem>>) target(%dma_start3A_272 : memref<10240x128xf32, #tpu.memory_space<vmem_shared>>) offsets(%dma_start3A_269 : memref<125xi32, #tpu.memory_space<vmem>>) semaphore(%run_scoped3A_266 : memref<!tpu.dma_semaphore, #tpu.memory_space<semaphore_mem>>) {add = true}
        %dma_wait3A_273 = arith.constant 0 : i32
        %dma_wait3A_274 = tpu.memref_slice %arg8[%run_scoped3A_131, %dma_wait3A_273] : memref<2x125xi32, #tpu.memory_space<vmem>> -> memref<1x125xi32, #tpu.memory_space<vmem>>
        %dma_wait3A_275 = tpu.memref_squeeze %dma_wait3A_274 : memref<1x125xi32, #tpu.memory_space<vmem>> -> memref<125xi32, #tpu.memory_space<vmem>>
        %dma_wait3A_276 = arith.constant 0 : i32
        %dma_wait3A_277 = arith.constant 0 : i32
        %dma_wait3A_278 = tpu.memref_slice %arg26[%dma_wait3A_276, %dma_wait3A_277] : memref<10240x128xf32, #tpu.memory_space<vmem_shared>> -> memref<10240x128xf32, #tpu.memory_space<vmem_shared>>
        tpu.wait_indirect_dma semaphore(%run_scoped3A_266 : memref<!tpu.dma_semaphore, #tpu.memory_space<semaphore_mem>>) src(%arg14 : memref<125x128xf32, #tpu.memory_space<vmem>>) dst(%dma_wait3A_278 : memref<10240x128xf32, #tpu.memory_space<vmem_shared>>)
        tpu.yield
      }) : () -> ()
      %add3A_132 = arith.constant 4 : i32
      %add3A_133 = arith.addi %add3A_123, %add3A_132 : i32
      %lt3A_134 = arith.constant 80 : i32
      %lt3A_135 = arith.cmpi slt, %add3A_133, %lt3A_134 : i32
      %convert_element_type3A_136 = arith.extui %lt3A_135 : i1 to i32
      %cond3A_137 = arith.constant 0 : i32
      %cond3A_138 = arith.cmpi ne, %convert_element_type3A_136, %cond3A_137 : i32
      scf.if %cond3A_138 {
        %add3A_266 = arith.constant 4 : i32
        %add3A_267 = arith.addi %add3A_123, %add3A_266 : i32
        %dma_start3A_268 = arith.constant 0 : i32
        %dma_start3A_269 = arith.constant 0 : i32
        %dma_start3A_270 = tpu.memref_slice %arg3[%add3A, %add3A_267, %dma_start3A_268, %dma_start3A_269] : memref<32x80x2x125xi32, #tpu.memory_space<hbm>> -> memref<1x1x2x125xi32, #tpu.memory_space<hbm>>
        %dma_start3A_271 = tpu.memref_squeeze %dma_start3A_270 : memref<1x1x2x125xi32, #tpu.memory_space<hbm>> -> memref<2x125xi32, #tpu.memory_space<hbm>>
        %dma_start3A_272 = arith.constant 0 : i32
        %dma_start3A_273 = arith.constant 0 : i32
        %dma_start3A_274 = tpu.memref_slice %arg3[%add3A, %add3A_267, %dma_start3A_272, %dma_start3A_273] : memref<32x80x2x125xi32, #tpu.memory_space<hbm>> -> memref<1x1x2x125xi32, #tpu.memory_space<hbm>>
        %dma_start3A_275 = tpu.memref_squeeze %dma_start3A_274 : memref<1x1x2x125xi32, #tpu.memory_space<hbm>> -> memref<2x125xi32, #tpu.memory_space<hbm>>
        tpu.enqueue_dma source(%dma_start3A_275 : memref<2x125xi32, #tpu.memory_space<hbm>>) target(%arg12 : memref<2x125xi32, #tpu.memory_space<vmem>>) target_semaphore(%arg22 : memref<!tpu.dma_semaphore, #tpu.memory_space<semaphore_mem>>)
      } else {
      }
      %add3A_139 = arith.constant 2 : i32
      %add3A_140 = arith.addi %add3A_123, %add3A_139 : i32
      %lt3A_141 = arith.constant 80 : i32
      %lt3A_142 = arith.cmpi slt, %add3A_140, %lt3A_141 : i32
      %convert_element_type3A_143 = arith.extui %lt3A_142 : i1 to i32
      %cond3A_144 = arith.constant 0 : i32
      %cond3A_145 = arith.cmpi ne, %convert_element_type3A_143, %cond3A_144 : i32
      scf.if %cond3A_145 {
        %add3A_266 = arith.constant 2 : i32
        %add3A_267 = arith.addi %add3A_123, %add3A_266 : i32
        %dma_wait3A_268 = arith.constant 0 : i32
        %dma_wait3A_269 = arith.constant 0 : i32
        %dma_wait3A_270 = tpu.memref_slice %arg3[%add3A, %add3A_267, %dma_wait3A_268, %dma_wait3A_269] : memref<32x80x2x125xi32, #tpu.memory_space<hbm>> -> memref<1x1x2x125xi32, #tpu.memory_space<hbm>>
        %dma_wait3A_271 = tpu.memref_squeeze %dma_wait3A_270 : memref<1x1x2x125xi32, #tpu.memory_space<hbm>> -> memref<2x125xi32, #tpu.memory_space<hbm>>
        %dma_wait3A_272 = arith.constant 0 : i32
        %dma_wait3A_273 = arith.constant 0 : i32
        %dma_wait3A_274 = tpu.memref_slice %arg3[%add3A, %add3A_267, %dma_wait3A_272, %dma_wait3A_273] : memref<32x80x2x125xi32, #tpu.memory_space<hbm>> -> memref<1x1x2x125xi32, #tpu.memory_space<hbm>>
        %dma_wait3A_275 = tpu.memref_squeeze %dma_wait3A_274 : memref<1x1x2x125xi32, #tpu.memory_space<hbm>> -> memref<2x125xi32, #tpu.memory_space<hbm>>
        tpu.wait_dma2 semaphore(%arg20 : memref<!tpu.dma_semaphore, #tpu.memory_space<semaphore_mem>>) src(%dma_wait3A_275 : memref<2x125xi32, #tpu.memory_space<hbm>>) dst(%arg10 : memref<2x125xi32, #tpu.memory_space<vmem>>)
        %dma_start3A_276 = arith.constant 0 : i32
        %dma_start3A_277 = arith.constant 0 : i32
        %dma_start3A_278 = tpu.memref_slice %arg10[%dma_start3A_276, %dma_start3A_277] : memref<2x125xi32, #tpu.memory_space<vmem>> -> memref<1x125xi32, #tpu.memory_space<vmem>>
        %dma_start3A_279 = tpu.memref_squeeze %dma_start3A_278 : memref<1x125xi32, #tpu.memory_space<vmem>> -> memref<125xi32, #tpu.memory_space<vmem>>
        %dma_start3A_280 = arith.constant 0 : i32
        %dma_start3A_281 = arith.constant 0 : i32
        %dma_start3A_282 = tpu.memref_slice %arg2[%dma_start3A_280, %dma_start3A_281] : memref<10000x128xf32, #tpu.memory_space<hbm>> -> memref<10000x128xf32, #tpu.memory_space<hbm>>
        tpu.enqueue_indirect_dma source(%dma_start3A_282 : memref<10000x128xf32, #tpu.memory_space<hbm>>) target(%arg14 : memref<125x128xf32, #tpu.memory_space<vmem>>) offsets(%dma_start3A_279 : memref<125xi32, #tpu.memory_space<vmem>>) semaphore(%arg24 : memref<!tpu.dma_semaphore, #tpu.memory_space<semaphore_mem>>)
      } else {
      }
      %add3A_146 = arith.constant 3 : i32
      %add3A_147 = arith.addi %mul3A_77, %add3A_146 : i32
      %dma_wait3A_148 = arith.constant 0 : i32
      %dma_wait3A_149 = arith.constant 0 : i32
      %dma_wait3A_150 = tpu.memref_slice %arg9[%dma_wait3A_148, %dma_wait3A_149] : memref<2x125xi32, #tpu.memory_space<vmem>> -> memref<1x125xi32, #tpu.memory_space<vmem>>
      %dma_wait3A_151 = tpu.memref_squeeze %dma_wait3A_150 : memref<1x125xi32, #tpu.memory_space<vmem>> -> memref<125xi32, #tpu.memory_space<vmem>>
      %dma_wait3A_152 = arith.constant 0 : i32
      %dma_wait3A_153 = arith.constant 0 : i32
      %dma_wait3A_154 = tpu.memref_slice %arg2[%dma_wait3A_152, %dma_wait3A_153] : memref<10000x128xf32, #tpu.memory_space<hbm>> -> memref<10000x128xf32, #tpu.memory_space<hbm>>
      tpu.wait_indirect_dma semaphore(%arg25 : memref<!tpu.dma_semaphore, #tpu.memory_space<semaphore_mem>>) src(%dma_wait3A_154 : memref<10000x128xf32, #tpu.memory_space<hbm>>) dst(%arg15 : memref<125x128xf32, #tpu.memory_space<vmem>>)
      %run_scoped3A_155 = arith.constant 1 : i32
      "tpu.region"() ({
        %run_scoped3A_266 = tpu.sem_alloc : memref<!tpu.dma_semaphore, #tpu.memory_space<semaphore_mem>>
        %dma_start3A_267 = arith.constant 0 : i32
        %dma_start3A_268 = tpu.memref_slice %arg9[%run_scoped3A_155, %dma_start3A_267] : memref<2x125xi32, #tpu.memory_space<vmem>> -> memref<1x125xi32, #tpu.memory_space<vmem>>
        %dma_start3A_269 = tpu.memref_squeeze %dma_start3A_268 : memref<1x125xi32, #tpu.memory_space<vmem>> -> memref<125xi32, #tpu.memory_space<vmem>>
        %dma_start3A_270 = arith.constant 0 : i32
        %dma_start3A_271 = arith.constant 0 : i32
        %dma_start3A_272 = tpu.memref_slice %arg26[%dma_start3A_270, %dma_start3A_271] : memref<10240x128xf32, #tpu.memory_space<vmem_shared>> -> memref<10240x128xf32, #tpu.memory_space<vmem_shared>>
        tpu.enqueue_indirect_dma source(%arg15 : memref<125x128xf32, #tpu.memory_space<vmem>>) target(%dma_start3A_272 : memref<10240x128xf32, #tpu.memory_space<vmem_shared>>) offsets(%dma_start3A_269 : memref<125xi32, #tpu.memory_space<vmem>>) semaphore(%run_scoped3A_266 : memref<!tpu.dma_semaphore, #tpu.memory_space<semaphore_mem>>) {add = true}
        %dma_wait3A_273 = arith.constant 0 : i32
        %dma_wait3A_274 = tpu.memref_slice %arg9[%run_scoped3A_155, %dma_wait3A_273] : memref<2x125xi32, #tpu.memory_space<vmem>> -> memref<1x125xi32, #tpu.memory_space<vmem>>
        %dma_wait3A_275 = tpu.memref_squeeze %dma_wait3A_274 : memref<1x125xi32, #tpu.memory_space<vmem>> -> memref<125xi32, #tpu.memory_space<vmem>>
        %dma_wait3A_276 = arith.constant 0 : i32
        %dma_wait3A_277 = arith.constant 0 : i32
        %dma_wait3A_278 = tpu.memref_slice %arg26[%dma_wait3A_276, %dma_wait3A_277] : memref<10240x128xf32, #tpu.memory_space<vmem_shared>> -> memref<10240x128xf32, #tpu.memory_space<vmem_shared>>
        tpu.wait_indirect_dma semaphore(%run_scoped3A_266 : memref<!tpu.dma_semaphore, #tpu.memory_space<semaphore_mem>>) src(%arg15 : memref<125x128xf32, #tpu.memory_space<vmem>>) dst(%dma_wait3A_278 : memref<10240x128xf32, #tpu.memory_space<vmem_shared>>)
        tpu.yield
      }) : () -> ()
      %add3A_156 = arith.constant 4 : i32
      %add3A_157 = arith.addi %add3A_147, %add3A_156 : i32
      %lt3A_158 = arith.constant 80 : i32
      %lt3A_159 = arith.cmpi slt, %add3A_157, %lt3A_158 : i32
      %convert_element_type3A_160 = arith.extui %lt3A_159 : i1 to i32
      %cond3A_161 = arith.constant 0 : i32
      %cond3A_162 = arith.cmpi ne, %convert_element_type3A_160, %cond3A_161 : i32
      scf.if %cond3A_162 {
        %add3A_266 = arith.constant 4 : i32
        %add3A_267 = arith.addi %add3A_147, %add3A_266 : i32
        %dma_start3A_268 = arith.constant 0 : i32
        %dma_start3A_269 = arith.constant 0 : i32
        %dma_start3A_270 = tpu.memref_slice %arg3[%add3A, %add3A_267, %dma_start3A_268, %dma_start3A_269] : memref<32x80x2x125xi32, #tpu.memory_space<hbm>> -> memref<1x1x2x125xi32, #tpu.memory_space<hbm>>
        %dma_start3A_271 = tpu.memref_squeeze %dma_start3A_270 : memref<1x1x2x125xi32, #tpu.memory_space<hbm>> -> memref<2x125xi32, #tpu.memory_space<hbm>>
        %dma_start3A_272 = arith.constant 0 : i32
        %dma_start3A_273 = arith.constant 0 : i32
        %dma_start3A_274 = tpu.memref_slice %arg3[%add3A, %add3A_267, %dma_start3A_272, %dma_start3A_273] : memref<32x80x2x125xi32, #tpu.memory_space<hbm>> -> memref<1x1x2x125xi32, #tpu.memory_space<hbm>>
        %dma_start3A_275 = tpu.memref_squeeze %dma_start3A_274 : memref<1x1x2x125xi32, #tpu.memory_space<hbm>> -> memref<2x125xi32, #tpu.memory_space<hbm>>
        tpu.enqueue_dma source(%dma_start3A_275 : memref<2x125xi32, #tpu.memory_space<hbm>>) target(%arg13 : memref<2x125xi32, #tpu.memory_space<vmem>>) target_semaphore(%arg23 : memref<!tpu.dma_semaphore, #tpu.memory_space<semaphore_mem>>)
      } else {
      }
      %add3A_163 = arith.constant 2 : i32
      %add3A_164 = arith.addi %add3A_147, %add3A_163 : i32
      %lt3A_165 = arith.constant 80 : i32
      %lt3A_166 = arith.cmpi slt, %add3A_164, %lt3A_165 : i32
      %convert_element_type3A_167 = arith.extui %lt3A_166 : i1 to i32
      %cond3A_168 = arith.constant 0 : i32
      %cond3A_169 = arith.cmpi ne, %convert_element_type3A_167, %cond3A_168 : i32
      scf.if %cond3A_169 {
        %add3A_266 = arith.constant 2 : i32
        %add3A_267 = arith.addi %add3A_147, %add3A_266 : i32
        %dma_wait3A_268 = arith.constant 0 : i32
        %dma_wait3A_269 = arith.constant 0 : i32
        %dma_wait3A_270 = tpu.memref_slice %arg3[%add3A, %add3A_267, %dma_wait3A_268, %dma_wait3A_269] : memref<32x80x2x125xi32, #tpu.memory_space<hbm>> -> memref<1x1x2x125xi32, #tpu.memory_space<hbm>>
        %dma_wait3A_271 = tpu.memref_squeeze %dma_wait3A_270 : memref<1x1x2x125xi32, #tpu.memory_space<hbm>> -> memref<2x125xi32, #tpu.memory_space<hbm>>
        %dma_wait3A_272 = arith.constant 0 : i32
        %dma_wait3A_273 = arith.constant 0 : i32
        %dma_wait3A_274 = tpu.memref_slice %arg3[%add3A, %add3A_267, %dma_wait3A_272, %dma_wait3A_273] : memref<32x80x2x125xi32, #tpu.memory_space<hbm>> -> memref<1x1x2x125xi32, #tpu.memory_space<hbm>>
        %dma_wait3A_275 = tpu.memref_squeeze %dma_wait3A_274 : memref<1x1x2x125xi32, #tpu.memory_space<hbm>> -> memref<2x125xi32, #tpu.memory_space<hbm>>
        tpu.wait_dma2 semaphore(%arg21 : memref<!tpu.dma_semaphore, #tpu.memory_space<semaphore_mem>>) src(%dma_wait3A_275 : memref<2x125xi32, #tpu.memory_space<hbm>>) dst(%arg11 : memref<2x125xi32, #tpu.memory_space<vmem>>)
        %dma_start3A_276 = arith.constant 0 : i32
        %dma_start3A_277 = arith.constant 0 : i32
        %dma_start3A_278 = tpu.memref_slice %arg11[%dma_start3A_276, %dma_start3A_277] : memref<2x125xi32, #tpu.memory_space<vmem>> -> memref<1x125xi32, #tpu.memory_space<vmem>>
        %dma_start3A_279 = tpu.memref_squeeze %dma_start3A_278 : memref<1x125xi32, #tpu.memory_space<vmem>> -> memref<125xi32, #tpu.memory_space<vmem>>
        %dma_start3A_280 = arith.constant 0 : i32
        %dma_start3A_281 = arith.constant 0 : i32
        %dma_start3A_282 = tpu.memref_slice %arg2[%dma_start3A_280, %dma_start3A_281] : memref<10000x128xf32, #tpu.memory_space<hbm>> -> memref<10000x128xf32, #tpu.memory_space<hbm>>
        tpu.enqueue_indirect_dma source(%dma_start3A_282 : memref<10000x128xf32, #tpu.memory_space<hbm>>) target(%arg15 : memref<125x128xf32, #tpu.memory_space<vmem>>) offsets(%dma_start3A_279 : memref<125xi32, #tpu.memory_space<vmem>>) semaphore(%arg25 : memref<!tpu.dma_semaphore, #tpu.memory_space<semaphore_mem>>)
      } else {
      }
      %add3A_170 = arith.constant 4 : i32
      %add3A_171 = arith.addi %mul3A_77, %add3A_170 : i32
      %dma_wait3A_172 = arith.constant 0 : i32
      %dma_wait3A_173 = arith.constant 0 : i32
      %dma_wait3A_174 = tpu.memref_slice %arg10[%dma_wait3A_172, %dma_wait3A_173] : memref<2x125xi32, #tpu.memory_space<vmem>> -> memref<1x125xi32, #tpu.memory_space<vmem>>
      %dma_wait3A_175 = tpu.memref_squeeze %dma_wait3A_174 : memref<1x125xi32, #tpu.memory_space<vmem>> -> memref<125xi32, #tpu.memory_space<vmem>>
      %dma_wait3A_176 = arith.constant 0 : i32
      %dma_wait3A_177 = arith.constant 0 : i32
      %dma_wait3A_178 = tpu.memref_slice %arg2[%dma_wait3A_176, %dma_wait3A_177] : memref<10000x128xf32, #tpu.memory_space<hbm>> -> memref<10000x128xf32, #tpu.memory_space<hbm>>
      tpu.wait_indirect_dma semaphore(%arg24 : memref<!tpu.dma_semaphore, #tpu.memory_space<semaphore_mem>>) src(%dma_wait3A_178 : memref<10000x128xf32, #tpu.memory_space<hbm>>) dst(%arg14 : memref<125x128xf32, #tpu.memory_space<vmem>>)
      %run_scoped3A_179 = arith.constant 1 : i32
      "tpu.region"() ({
        %run_scoped3A_266 = tpu.sem_alloc : memref<!tpu.dma_semaphore, #tpu.memory_space<semaphore_mem>>
        %dma_start3A_267 = arith.constant 0 : i32
        %dma_start3A_268 = tpu.memref_slice %arg10[%run_scoped3A_179, %dma_start3A_267] : memref<2x125xi32, #tpu.memory_space<vmem>> -> memref<1x125xi32, #tpu.memory_space<vmem>>
        %dma_start3A_269 = tpu.memref_squeeze %dma_start3A_268 : memref<1x125xi32, #tpu.memory_space<vmem>> -> memref<125xi32, #tpu.memory_space<vmem>>
        %dma_start3A_270 = arith.constant 0 : i32
        %dma_start3A_271 = arith.constant 0 : i32
        %dma_start3A_272 = tpu.memref_slice %arg26[%dma_start3A_270, %dma_start3A_271] : memref<10240x128xf32, #tpu.memory_space<vmem_shared>> -> memref<10240x128xf32, #tpu.memory_space<vmem_shared>>
        tpu.enqueue_indirect_dma source(%arg14 : memref<125x128xf32, #tpu.memory_space<vmem>>) target(%dma_start3A_272 : memref<10240x128xf32, #tpu.memory_space<vmem_shared>>) offsets(%dma_start3A_269 : memref<125xi32, #tpu.memory_space<vmem>>) semaphore(%run_scoped3A_266 : memref<!tpu.dma_semaphore, #tpu.memory_space<semaphore_mem>>) {add = true}
        %dma_wait3A_273 = arith.constant 0 : i32
        %dma_wait3A_274 = tpu.memref_slice %arg10[%run_scoped3A_179, %dma_wait3A_273] : memref<2x125xi32, #tpu.memory_space<vmem>> -> memref<1x125xi32, #tpu.memory_space<vmem>>
        %dma_wait3A_275 = tpu.memref_squeeze %dma_wait3A_274 : memref<1x125xi32, #tpu.memory_space<vmem>> -> memref<125xi32, #tpu.memory_space<vmem>>
        %dma_wait3A_276 = arith.constant 0 : i32
        %dma_wait3A_277 = arith.constant 0 : i32
        %dma_wait3A_278 = tpu.memref_slice %arg26[%dma_wait3A_276, %dma_wait3A_277] : memref<10240x128xf32, #tpu.memory_space<vmem_shared>> -> memref<10240x128xf32, #tpu.memory_space<vmem_shared>>
        tpu.wait_indirect_dma semaphore(%run_scoped3A_266 : memref<!tpu.dma_semaphore, #tpu.memory_space<semaphore_mem>>) src(%arg14 : memref<125x128xf32, #tpu.memory_space<vmem>>) dst(%dma_wait3A_278 : memref<10240x128xf32, #tpu.memory_space<vmem_shared>>)
        tpu.yield
      }) : () -> ()
      %add3A_180 = arith.constant 4 : i32
      %add3A_181 = arith.addi %add3A_171, %add3A_180 : i32
      %lt3A_182 = arith.constant 80 : i32
      %lt3A_183 = arith.cmpi slt, %add3A_181, %lt3A_182 : i32
      %convert_element_type3A_184 = arith.extui %lt3A_183 : i1 to i32
      %cond3A_185 = arith.constant 0 : i32
      %cond3A_186 = arith.cmpi ne, %convert_element_type3A_184, %cond3A_185 : i32
      scf.if %cond3A_186 {
        %add3A_266 = arith.constant 4 : i32
        %add3A_267 = arith.addi %add3A_171, %add3A_266 : i32
        %dma_start3A_268 = arith.constant 0 : i32
        %dma_start3A_269 = arith.constant 0 : i32
        %dma_start3A_270 = tpu.memref_slice %arg3[%add3A, %add3A_267, %dma_start3A_268, %dma_start3A_269] : memref<32x80x2x125xi32, #tpu.memory_space<hbm>> -> memref<1x1x2x125xi32, #tpu.memory_space<hbm>>
        %dma_start3A_271 = tpu.memref_squeeze %dma_start3A_270 : memref<1x1x2x125xi32, #tpu.memory_space<hbm>> -> memref<2x125xi32, #tpu.memory_space<hbm>>
        %dma_start3A_272 = arith.constant 0 : i32
        %dma_start3A_273 = arith.constant 0 : i32
        %dma_start3A_274 = tpu.memref_slice %arg3[%add3A, %add3A_267, %dma_start3A_272, %dma_start3A_273] : memref<32x80x2x125xi32, #tpu.memory_space<hbm>> -> memref<1x1x2x125xi32, #tpu.memory_space<hbm>>
        %dma_start3A_275 = tpu.memref_squeeze %dma_start3A_274 : memref<1x1x2x125xi32, #tpu.memory_space<hbm>> -> memref<2x125xi32, #tpu.memory_space<hbm>>
        tpu.enqueue_dma source(%dma_start3A_275 : memref<2x125xi32, #tpu.memory_space<hbm>>) target(%arg6 : memref<2x125xi32, #tpu.memory_space<vmem>>) target_semaphore(%arg16 : memref<!tpu.dma_semaphore, #tpu.memory_space<semaphore_mem>>)
      } else {
      }
      %add3A_187 = arith.constant 2 : i32
      %add3A_188 = arith.addi %add3A_171, %add3A_187 : i32
      %lt3A_189 = arith.constant 80 : i32
      %lt3A_190 = arith.cmpi slt, %add3A_188, %lt3A_189 : i32
      %convert_element_type3A_191 = arith.extui %lt3A_190 : i1 to i32
      %cond3A_192 = arith.constant 0 : i32
      %cond3A_193 = arith.cmpi ne, %convert_element_type3A_191, %cond3A_192 : i32
      scf.if %cond3A_193 {
        %add3A_266 = arith.constant 2 : i32
        %add3A_267 = arith.addi %add3A_171, %add3A_266 : i32
        %dma_wait3A_268 = arith.constant 0 : i32
        %dma_wait3A_269 = arith.constant 0 : i32
        %dma_wait3A_270 = tpu.memref_slice %arg3[%add3A, %add3A_267, %dma_wait3A_268, %dma_wait3A_269] : memref<32x80x2x125xi32, #tpu.memory_space<hbm>> -> memref<1x1x2x125xi32, #tpu.memory_space<hbm>>
        %dma_wait3A_271 = tpu.memref_squeeze %dma_wait3A_270 : memref<1x1x2x125xi32, #tpu.memory_space<hbm>> -> memref<2x125xi32, #tpu.memory_space<hbm>>
        %dma_wait3A_272 = arith.constant 0 : i32
        %dma_wait3A_273 = arith.constant 0 : i32
        %dma_wait3A_274 = tpu.memref_slice %arg3[%add3A, %add3A_267, %dma_wait3A_272, %dma_wait3A_273] : memref<32x80x2x125xi32, #tpu.memory_space<hbm>> -> memref<1x1x2x125xi32, #tpu.memory_space<hbm>>
        %dma_wait3A_275 = tpu.memref_squeeze %dma_wait3A_274 : memref<1x1x2x125xi32, #tpu.memory_space<hbm>> -> memref<2x125xi32, #tpu.memory_space<hbm>>
        tpu.wait_dma2 semaphore(%arg22 : memref<!tpu.dma_semaphore, #tpu.memory_space<semaphore_mem>>) src(%dma_wait3A_275 : memref<2x125xi32, #tpu.memory_space<hbm>>) dst(%arg12 : memref<2x125xi32, #tpu.memory_space<vmem>>)
        %dma_start3A_276 = arith.constant 0 : i32
        %dma_start3A_277 = arith.constant 0 : i32
        %dma_start3A_278 = tpu.memref_slice %arg12[%dma_start3A_276, %dma_start3A_277] : memref<2x125xi32, #tpu.memory_space<vmem>> -> memref<1x125xi32, #tpu.memory_space<vmem>>
        %dma_start3A_279 = tpu.memref_squeeze %dma_start3A_278 : memref<1x125xi32, #tpu.memory_space<vmem>> -> memref<125xi32, #tpu.memory_space<vmem>>
        %dma_start3A_280 = arith.constant 0 : i32
        %dma_start3A_281 = arith.constant 0 : i32
        %dma_start3A_282 = tpu.memref_slice %arg2[%dma_start3A_280, %dma_start3A_281] : memref<10000x128xf32, #tpu.memory_space<hbm>> -> memref<10000x128xf32, #tpu.memory_space<hbm>>
        tpu.enqueue_indirect_dma source(%dma_start3A_282 : memref<10000x128xf32, #tpu.memory_space<hbm>>) target(%arg14 : memref<125x128xf32, #tpu.memory_space<vmem>>) offsets(%dma_start3A_279 : memref<125xi32, #tpu.memory_space<vmem>>) semaphore(%arg24 : memref<!tpu.dma_semaphore, #tpu.memory_space<semaphore_mem>>)
      } else {
      }
      %add3A_194 = arith.constant 5 : i32
      %add3A_195 = arith.addi %mul3A_77, %add3A_194 : i32
      %dma_wait3A_196 = arith.constant 0 : i32
      %dma_wait3A_197 = arith.constant 0 : i32
      %dma_wait3A_198 = tpu.memref_slice %arg11[%dma_wait3A_196, %dma_wait3A_197] : memref<2x125xi32, #tpu.memory_space<vmem>> -> memref<1x125xi32, #tpu.memory_space<vmem>>
      %dma_wait3A_199 = tpu.memref_squeeze %dma_wait3A_198 : memref<1x125xi32, #tpu.memory_space<vmem>> -> memref<125xi32, #tpu.memory_space<vmem>>
      %dma_wait3A_200 = arith.constant 0 : i32
      %dma_wait3A_201 = arith.constant 0 : i32
      %dma_wait3A_202 = tpu.memref_slice %arg2[%dma_wait3A_200, %dma_wait3A_201] : memref<10000x128xf32, #tpu.memory_space<hbm>> -> memref<10000x128xf32, #tpu.memory_space<hbm>>
      tpu.wait_indirect_dma semaphore(%arg25 : memref<!tpu.dma_semaphore, #tpu.memory_space<semaphore_mem>>) src(%dma_wait3A_202 : memref<10000x128xf32, #tpu.memory_space<hbm>>) dst(%arg15 : memref<125x128xf32, #tpu.memory_space<vmem>>)
      %run_scoped3A_203 = arith.constant 1 : i32
      "tpu.region"() ({
        %run_scoped3A_266 = tpu.sem_alloc : memref<!tpu.dma_semaphore, #tpu.memory_space<semaphore_mem>>
        %dma_start3A_267 = arith.constant 0 : i32
        %dma_start3A_268 = tpu.memref_slice %arg11[%run_scoped3A_203, %dma_start3A_267] : memref<2x125xi32, #tpu.memory_space<vmem>> -> memref<1x125xi32, #tpu.memory_space<vmem>>
        %dma_start3A_269 = tpu.memref_squeeze %dma_start3A_268 : memref<1x125xi32, #tpu.memory_space<vmem>> -> memref<125xi32, #tpu.memory_space<vmem>>
        %dma_start3A_270 = arith.constant 0 : i32
        %dma_start3A_271 = arith.constant 0 : i32
        %dma_start3A_272 = tpu.memref_slice %arg26[%dma_start3A_270, %dma_start3A_271] : memref<10240x128xf32, #tpu.memory_space<vmem_shared>> -> memref<10240x128xf32, #tpu.memory_space<vmem_shared>>
        tpu.enqueue_indirect_dma source(%arg15 : memref<125x128xf32, #tpu.memory_space<vmem>>) target(%dma_start3A_272 : memref<10240x128xf32, #tpu.memory_space<vmem_shared>>) offsets(%dma_start3A_269 : memref<125xi32, #tpu.memory_space<vmem>>) semaphore(%run_scoped3A_266 : memref<!tpu.dma_semaphore, #tpu.memory_space<semaphore_mem>>) {add = true}
        %dma_wait3A_273 = arith.constant 0 : i32
        %dma_wait3A_274 = tpu.memref_slice %arg11[%run_scoped3A_203, %dma_wait3A_273] : memref<2x125xi32, #tpu.memory_space<vmem>> -> memref<1x125xi32, #tpu.memory_space<vmem>>
        %dma_wait3A_275 = tpu.memref_squeeze %dma_wait3A_274 : memref<1x125xi32, #tpu.memory_space<vmem>> -> memref<125xi32, #tpu.memory_space<vmem>>
        %dma_wait3A_276 = arith.constant 0 : i32
        %dma_wait3A_277 = arith.constant 0 : i32
        %dma_wait3A_278 = tpu.memref_slice %arg26[%dma_wait3A_276, %dma_wait3A_277] : memref<10240x128xf32, #tpu.memory_space<vmem_shared>> -> memref<10240x128xf32, #tpu.memory_space<vmem_shared>>
        tpu.wait_indirect_dma semaphore(%run_scoped3A_266 : memref<!tpu.dma_semaphore, #tpu.memory_space<semaphore_mem>>) src(%arg15 : memref<125x128xf32, #tpu.memory_space<vmem>>) dst(%dma_wait3A_278 : memref<10240x128xf32, #tpu.memory_space<vmem_shared>>)
        tpu.yield
      }) : () -> ()
      %add3A_204 = arith.constant 4 : i32
      %add3A_205 = arith.addi %add3A_195, %add3A_204 : i32
      %lt3A_206 = arith.constant 80 : i32
      %lt3A_207 = arith.cmpi slt, %add3A_205, %lt3A_206 : i32
      %convert_element_type3A_208 = arith.extui %lt3A_207 : i1 to i32
      %cond3A_209 = arith.constant 0 : i32
      %cond3A_210 = arith.cmpi ne, %convert_element_type3A_208, %cond3A_209 : i32
      scf.if %cond3A_210 {
        %add3A_266 = arith.constant 4 : i32
        %add3A_267 = arith.addi %add3A_195, %add3A_266 : i32
        %dma_start3A_268 = arith.constant 0 : i32
        %dma_start3A_269 = arith.constant 0 : i32
        %dma_start3A_270 = tpu.memref_slice %arg3[%add3A, %add3A_267, %dma_start3A_268, %dma_start3A_269] : memref<32x80x2x125xi32, #tpu.memory_space<hbm>> -> memref<1x1x2x125xi32, #tpu.memory_space<hbm>>
        %dma_start3A_271 = tpu.memref_squeeze %dma_start3A_270 : memref<1x1x2x125xi32, #tpu.memory_space<hbm>> -> memref<2x125xi32, #tpu.memory_space<hbm>>
        %dma_start3A_272 = arith.constant 0 : i32
        %dma_start3A_273 = arith.constant 0 : i32
        %dma_start3A_274 = tpu.memref_slice %arg3[%add3A, %add3A_267, %dma_start3A_272, %dma_start3A_273] : memref<32x80x2x125xi32, #tpu.memory_space<hbm>> -> memref<1x1x2x125xi32, #tpu.memory_space<hbm>>
        %dma_start3A_275 = tpu.memref_squeeze %dma_start3A_274 : memref<1x1x2x125xi32, #tpu.memory_space<hbm>> -> memref<2x125xi32, #tpu.memory_space<hbm>>
        tpu.enqueue_dma source(%dma_start3A_275 : memref<2x125xi32, #tpu.memory_space<hbm>>) target(%arg7 : memref<2x125xi32, #tpu.memory_space<vmem>>) target_semaphore(%arg17 : memref<!tpu.dma_semaphore, #tpu.memory_space<semaphore_mem>>)
      } else {
      }
      %add3A_211 = arith.constant 2 : i32
      %add3A_212 = arith.addi %add3A_195, %add3A_211 : i32
      %lt3A_213 = arith.constant 80 : i32
      %lt3A_214 = arith.cmpi slt, %add3A_212, %lt3A_213 : i32
      %convert_element_type3A_215 = arith.extui %lt3A_214 : i1 to i32
      %cond3A_216 = arith.constant 0 : i32
      %cond3A_217 = arith.cmpi ne, %convert_element_type3A_215, %cond3A_216 : i32
      scf.if %cond3A_217 {
        %add3A_266 = arith.constant 2 : i32
        %add3A_267 = arith.addi %add3A_195, %add3A_266 : i32
        %dma_wait3A_268 = arith.constant 0 : i32
        %dma_wait3A_269 = arith.constant 0 : i32
        %dma_wait3A_270 = tpu.memref_slice %arg3[%add3A, %add3A_267, %dma_wait3A_268, %dma_wait3A_269] : memref<32x80x2x125xi32, #tpu.memory_space<hbm>> -> memref<1x1x2x125xi32, #tpu.memory_space<hbm>>
        %dma_wait3A_271 = tpu.memref_squeeze %dma_wait3A_270 : memref<1x1x2x125xi32, #tpu.memory_space<hbm>> -> memref<2x125xi32, #tpu.memory_space<hbm>>
        %dma_wait3A_272 = arith.constant 0 : i32
        %dma_wait3A_273 = arith.constant 0 : i32
        %dma_wait3A_274 = tpu.memref_slice %arg3[%add3A, %add3A_267, %dma_wait3A_272, %dma_wait3A_273] : memref<32x80x2x125xi32, #tpu.memory_space<hbm>> -> memref<1x1x2x125xi32, #tpu.memory_space<hbm>>
        %dma_wait3A_275 = tpu.memref_squeeze %dma_wait3A_274 : memref<1x1x2x125xi32, #tpu.memory_space<hbm>> -> memref<2x125xi32, #tpu.memory_space<hbm>>
        tpu.wait_dma2 semaphore(%arg23 : memref<!tpu.dma_semaphore, #tpu.memory_space<semaphore_mem>>) src(%dma_wait3A_275 : memref<2x125xi32, #tpu.memory_space<hbm>>) dst(%arg13 : memref<2x125xi32, #tpu.memory_space<vmem>>)
        %dma_start3A_276 = arith.constant 0 : i32
        %dma_start3A_277 = arith.constant 0 : i32
        %dma_start3A_278 = tpu.memref_slice %arg13[%dma_start3A_276, %dma_start3A_277] : memref<2x125xi32, #tpu.memory_space<vmem>> -> memref<1x125xi32, #tpu.memory_space<vmem>>
        %dma_start3A_279 = tpu.memref_squeeze %dma_start3A_278 : memref<1x125xi32, #tpu.memory_space<vmem>> -> memref<125xi32, #tpu.memory_space<vmem>>
        %dma_start3A_280 = arith.constant 0 : i32
        %dma_start3A_281 = arith.constant 0 : i32
        %dma_start3A_282 = tpu.memref_slice %arg2[%dma_start3A_280, %dma_start3A_281] : memref<10000x128xf32, #tpu.memory_space<hbm>> -> memref<10000x128xf32, #tpu.memory_space<hbm>>
        tpu.enqueue_indirect_dma source(%dma_start3A_282 : memref<10000x128xf32, #tpu.memory_space<hbm>>) target(%arg15 : memref<125x128xf32, #tpu.memory_space<vmem>>) offsets(%dma_start3A_279 : memref<125xi32, #tpu.memory_space<vmem>>) semaphore(%arg25 : memref<!tpu.dma_semaphore, #tpu.memory_space<semaphore_mem>>)
      } else {
      }
      %add3A_218 = arith.constant 6 : i32
      %add3A_219 = arith.addi %mul3A_77, %add3A_218 : i32
      %dma_wait3A_220 = arith.constant 0 : i32
      %dma_wait3A_221 = arith.constant 0 : i32
      %dma_wait3A_222 = tpu.memref_slice %arg12[%dma_wait3A_220, %dma_wait3A_221] : memref<2x125xi32, #tpu.memory_space<vmem>> -> memref<1x125xi32, #tpu.memory_space<vmem>>
      %dma_wait3A_223 = tpu.memref_squeeze %dma_wait3A_222 : memref<1x125xi32, #tpu.memory_space<vmem>> -> memref<125xi32, #tpu.memory_space<vmem>>
      %dma_wait3A_224 = arith.constant 0 : i32
      %dma_wait3A_225 = arith.constant 0 : i32
      %dma_wait3A_226 = tpu.memref_slice %arg2[%dma_wait3A_224, %dma_wait3A_225] : memref<10000x128xf32, #tpu.memory_space<hbm>> -> memref<10000x128xf32, #tpu.memory_space<hbm>>
      tpu.wait_indirect_dma semaphore(%arg24 : memref<!tpu.dma_semaphore, #tpu.memory_space<semaphore_mem>>) src(%dma_wait3A_226 : memref<10000x128xf32, #tpu.memory_space<hbm>>) dst(%arg14 : memref<125x128xf32, #tpu.memory_space<vmem>>)
      %run_scoped3A_227 = arith.constant 1 : i32
      "tpu.region"() ({
        %run_scoped3A_266 = tpu.sem_alloc : memref<!tpu.dma_semaphore, #tpu.memory_space<semaphore_mem>>
        %dma_start3A_267 = arith.constant 0 : i32
        %dma_start3A_268 = tpu.memref_slice %arg12[%run_scoped3A_227, %dma_start3A_267] : memref<2x125xi32, #tpu.memory_space<vmem>> -> memref<1x125xi32, #tpu.memory_space<vmem>>
        %dma_start3A_269 = tpu.memref_squeeze %dma_start3A_268 : memref<1x125xi32, #tpu.memory_space<vmem>> -> memref<125xi32, #tpu.memory_space<vmem>>
        %dma_start3A_270 = arith.constant 0 : i32
        %dma_start3A_271 = arith.constant 0 : i32
        %dma_start3A_272 = tpu.memref_slice %arg26[%dma_start3A_270, %dma_start3A_271] : memref<10240x128xf32, #tpu.memory_space<vmem_shared>> -> memref<10240x128xf32, #tpu.memory_space<vmem_shared>>
        tpu.enqueue_indirect_dma source(%arg14 : memref<125x128xf32, #tpu.memory_space<vmem>>) target(%dma_start3A_272 : memref<10240x128xf32, #tpu.memory_space<vmem_shared>>) offsets(%dma_start3A_269 : memref<125xi32, #tpu.memory_space<vmem>>) semaphore(%run_scoped3A_266 : memref<!tpu.dma_semaphore, #tpu.memory_space<semaphore_mem>>) {add = true}
        %dma_wait3A_273 = arith.constant 0 : i32
        %dma_wait3A_274 = tpu.memref_slice %arg12[%run_scoped3A_227, %dma_wait3A_273] : memref<2x125xi32, #tpu.memory_space<vmem>> -> memref<1x125xi32, #tpu.memory_space<vmem>>
        %dma_wait3A_275 = tpu.memref_squeeze %dma_wait3A_274 : memref<1x125xi32, #tpu.memory_space<vmem>> -> memref<125xi32, #tpu.memory_space<vmem>>
        %dma_wait3A_276 = arith.constant 0 : i32
        %dma_wait3A_277 = arith.constant 0 : i32
        %dma_wait3A_278 = tpu.memref_slice %arg26[%dma_wait3A_276, %dma_wait3A_277] : memref<10240x128xf32, #tpu.memory_space<vmem_shared>> -> memref<10240x128xf32, #tpu.memory_space<vmem_shared>>
        tpu.wait_indirect_dma semaphore(%run_scoped3A_266 : memref<!tpu.dma_semaphore, #tpu.memory_space<semaphore_mem>>) src(%arg14 : memref<125x128xf32, #tpu.memory_space<vmem>>) dst(%dma_wait3A_278 : memref<10240x128xf32, #tpu.memory_space<vmem_shared>>)
        tpu.yield
      }) : () -> ()
      %add3A_228 = arith.constant 4 : i32
      %add3A_229 = arith.addi %add3A_219, %add3A_228 : i32
      %lt3A_230 = arith.constant 80 : i32
      %lt3A_231 = arith.cmpi slt, %add3A_229, %lt3A_230 : i32
      %convert_element_type3A_232 = arith.extui %lt3A_231 : i1 to i32
      %cond3A_233 = arith.constant 0 : i32
      %cond3A_234 = arith.cmpi ne, %convert_element_type3A_232, %cond3A_233 : i32
      scf.if %cond3A_234 {
        %add3A_266 = arith.constant 4 : i32
        %add3A_267 = arith.addi %add3A_219, %add3A_266 : i32
        %dma_start3A_268 = arith.constant 0 : i32
        %dma_start3A_269 = arith.constant 0 : i32
        %dma_start3A_270 = tpu.memref_slice %arg3[%add3A, %add3A_267, %dma_start3A_268, %dma_start3A_269] : memref<32x80x2x125xi32, #tpu.memory_space<hbm>> -> memref<1x1x2x125xi32, #tpu.memory_space<hbm>>
        %dma_start3A_271 = tpu.memref_squeeze %dma_start3A_270 : memref<1x1x2x125xi32, #tpu.memory_space<hbm>> -> memref<2x125xi32, #tpu.memory_space<hbm>>
        %dma_start3A_272 = arith.constant 0 : i32
        %dma_start3A_273 = arith.constant 0 : i32
        %dma_start3A_274 = tpu.memref_slice %arg3[%add3A, %add3A_267, %dma_start3A_272, %dma_start3A_273] : memref<32x80x2x125xi32, #tpu.memory_space<hbm>> -> memref<1x1x2x125xi32, #tpu.memory_space<hbm>>
        %dma_start3A_275 = tpu.memref_squeeze %dma_start3A_274 : memref<1x1x2x125xi32, #tpu.memory_space<hbm>> -> memref<2x125xi32, #tpu.memory_space<hbm>>
        tpu.enqueue_dma source(%dma_start3A_275 : memref<2x125xi32, #tpu.memory_space<hbm>>) target(%arg8 : memref<2x125xi32, #tpu.memory_space<vmem>>) target_semaphore(%arg18 : memref<!tpu.dma_semaphore, #tpu.memory_space<semaphore_mem>>)
      } else {
      }
      %add3A_235 = arith.constant 2 : i32
      %add3A_236 = arith.addi %add3A_219, %add3A_235 : i32
      %lt3A_237 = arith.constant 80 : i32
      %lt3A_238 = arith.cmpi slt, %add3A_236, %lt3A_237 : i32
      %convert_element_type3A_239 = arith.extui %lt3A_238 : i1 to i32
      %cond3A_240 = arith.constant 0 : i32
      %cond3A_241 = arith.cmpi ne, %convert_element_type3A_239, %cond3A_240 : i32
      scf.if %cond3A_241 {
        %add3A_266 = arith.constant 2 : i32
        %add3A_267 = arith.addi %add3A_219, %add3A_266 : i32
        %dma_wait3A_268 = arith.constant 0 : i32
        %dma_wait3A_269 = arith.constant 0 : i32
        %dma_wait3A_270 = tpu.memref_slice %arg3[%add3A, %add3A_267, %dma_wait3A_268, %dma_wait3A_269] : memref<32x80x2x125xi32, #tpu.memory_space<hbm>> -> memref<1x1x2x125xi32, #tpu.memory_space<hbm>>
        %dma_wait3A_271 = tpu.memref_squeeze %dma_wait3A_270 : memref<1x1x2x125xi32, #tpu.memory_space<hbm>> -> memref<2x125xi32, #tpu.memory_space<hbm>>
        %dma_wait3A_272 = arith.constant 0 : i32
        %dma_wait3A_273 = arith.constant 0 : i32
        %dma_wait3A_274 = tpu.memref_slice %arg3[%add3A, %add3A_267, %dma_wait3A_272, %dma_wait3A_273] : memref<32x80x2x125xi32, #tpu.memory_space<hbm>> -> memref<1x1x2x125xi32, #tpu.memory_space<hbm>>
        %dma_wait3A_275 = tpu.memref_squeeze %dma_wait3A_274 : memref<1x1x2x125xi32, #tpu.memory_space<hbm>> -> memref<2x125xi32, #tpu.memory_space<hbm>>
        tpu.wait_dma2 semaphore(%arg16 : memref<!tpu.dma_semaphore, #tpu.memory_space<semaphore_mem>>) src(%dma_wait3A_275 : memref<2x125xi32, #tpu.memory_space<hbm>>) dst(%arg6 : memref<2x125xi32, #tpu.memory_space<vmem>>)
        %dma_start3A_276 = arith.constant 0 : i32
        %dma_start3A_277 = arith.constant 0 : i32
        %dma_start3A_278 = tpu.memref_slice %arg6[%dma_start3A_276, %dma_start3A_277] : memref<2x125xi32, #tpu.memory_space<vmem>> -> memref<1x125xi32, #tpu.memory_space<vmem>>
        %dma_start3A_279 = tpu.memref_squeeze %dma_start3A_278 : memref<1x125xi32, #tpu.memory_space<vmem>> -> memref<125xi32, #tpu.memory_space<vmem>>
        %dma_start3A_280 = arith.constant 0 : i32
        %dma_start3A_281 = arith.constant 0 : i32
        %dma_start3A_282 = tpu.memref_slice %arg2[%dma_start3A_280, %dma_start3A_281] : memref<10000x128xf32, #tpu.memory_space<hbm>> -> memref<10000x128xf32, #tpu.memory_space<hbm>>
        tpu.enqueue_indirect_dma source(%dma_start3A_282 : memref<10000x128xf32, #tpu.memory_space<hbm>>) target(%arg14 : memref<125x128xf32, #tpu.memory_space<vmem>>) offsets(%dma_start3A_279 : memref<125xi32, #tpu.memory_space<vmem>>) semaphore(%arg24 : memref<!tpu.dma_semaphore, #tpu.memory_space<semaphore_mem>>)
      } else {
      }
      %add3A_242 = arith.constant 7 : i32
      %add3A_243 = arith.addi %mul3A_77, %add3A_242 : i32
      %dma_wait3A_244 = arith.constant 0 : i32
      %dma_wait3A_245 = arith.constant 0 : i32
      %dma_wait3A_246 = tpu.memref_slice %arg13[%dma_wait3A_244, %dma_wait3A_245] : memref<2x125xi32, #tpu.memory_space<vmem>> -> memref<1x125xi32, #tpu.memory_space<vmem>>
      %dma_wait3A_247 = tpu.memref_squeeze %dma_wait3A_246 : memref<1x125xi32, #tpu.memory_space<vmem>> -> memref<125xi32, #tpu.memory_space<vmem>>
      %dma_wait3A_248 = arith.constant 0 : i32
      %dma_wait3A_249 = arith.constant 0 : i32
      %dma_wait3A_250 = tpu.memref_slice %arg2[%dma_wait3A_248, %dma_wait3A_249] : memref<10000x128xf32, #tpu.memory_space<hbm>> -> memref<10000x128xf32, #tpu.memory_space<hbm>>
      tpu.wait_indirect_dma semaphore(%arg25 : memref<!tpu.dma_semaphore, #tpu.memory_space<semaphore_mem>>) src(%dma_wait3A_250 : memref<10000x128xf32, #tpu.memory_space<hbm>>) dst(%arg15 : memref<125x128xf32, #tpu.memory_space<vmem>>)
      %run_scoped3A_251 = arith.constant 1 : i32
      "tpu.region"() ({
        %run_scoped3A_266 = tpu.sem_alloc : memref<!tpu.dma_semaphore, #tpu.memory_space<semaphore_mem>>
        %dma_start3A_267 = arith.constant 0 : i32
        %dma_start3A_268 = tpu.memref_slice %arg13[%run_scoped3A_251, %dma_start3A_267] : memref<2x125xi32, #tpu.memory_space<vmem>> -> memref<1x125xi32, #tpu.memory_space<vmem>>
        %dma_start3A_269 = tpu.memref_squeeze %dma_start3A_268 : memref<1x125xi32, #tpu.memory_space<vmem>> -> memref<125xi32, #tpu.memory_space<vmem>>
        %dma_start3A_270 = arith.constant 0 : i32
        %dma_start3A_271 = arith.constant 0 : i32
        %dma_start3A_272 = tpu.memref_slice %arg26[%dma_start3A_270, %dma_start3A_271] : memref<10240x128xf32, #tpu.memory_space<vmem_shared>> -> memref<10240x128xf32, #tpu.memory_space<vmem_shared>>
        tpu.enqueue_indirect_dma source(%arg15 : memref<125x128xf32, #tpu.memory_space<vmem>>) target(%dma_start3A_272 : memref<10240x128xf32, #tpu.memory_space<vmem_shared>>) offsets(%dma_start3A_269 : memref<125xi32, #tpu.memory_space<vmem>>) semaphore(%run_scoped3A_266 : memref<!tpu.dma_semaphore, #tpu.memory_space<semaphore_mem>>) {add = true}
        %dma_wait3A_273 = arith.constant 0 : i32
        %dma_wait3A_274 = tpu.memref_slice %arg13[%run_scoped3A_251, %dma_wait3A_273] : memref<2x125xi32, #tpu.memory_space<vmem>> -> memref<1x125xi32, #tpu.memory_space<vmem>>
        %dma_wait3A_275 = tpu.memref_squeeze %dma_wait3A_274 : memref<1x125xi32, #tpu.memory_space<vmem>> -> memref<125xi32, #tpu.memory_space<vmem>>
        %dma_wait3A_276 = arith.constant 0 : i32
        %dma_wait3A_277 = arith.constant 0 : i32
        %dma_wait3A_278 = tpu.memref_slice %arg26[%dma_wait3A_276, %dma_wait3A_277] : memref<10240x128xf32, #tpu.memory_space<vmem_shared>> -> memref<10240x128xf32, #tpu.memory_space<vmem_shared>>
        tpu.wait_indirect_dma semaphore(%run_scoped3A_266 : memref<!tpu.dma_semaphore, #tpu.memory_space<semaphore_mem>>) src(%arg15 : memref<125x128xf32, #tpu.memory_space<vmem>>) dst(%dma_wait3A_278 : memref<10240x128xf32, #tpu.memory_space<vmem_shared>>)
        tpu.yield
      }) : () -> ()
      %add3A_252 = arith.constant 4 : i32
      %add3A_253 = arith.addi %add3A_243, %add3A_252 : i32
      %lt3A_254 = arith.constant 80 : i32
      %lt3A_255 = arith.cmpi slt, %add3A_253, %lt3A_254 : i32
      %convert_element_type3A_256 = arith.extui %lt3A_255 : i1 to i32
      %cond3A_257 = arith.constant 0 : i32
      %cond3A_258 = arith.cmpi ne, %convert_element_type3A_256, %cond3A_257 : i32
      scf.if %cond3A_258 {
        %add3A_266 = arith.constant 4 : i32
        %add3A_267 = arith.addi %add3A_243, %add3A_266 : i32
        %dma_start3A_268 = arith.constant 0 : i32
        %dma_start3A_269 = arith.constant 0 : i32
        %dma_start3A_270 = tpu.memref_slice %arg3[%add3A, %add3A_267, %dma_start3A_268, %dma_start3A_269] : memref<32x80x2x125xi32, #tpu.memory_space<hbm>> -> memref<1x1x2x125xi32, #tpu.memory_space<hbm>>
        %dma_start3A_271 = tpu.memref_squeeze %dma_start3A_270 : memref<1x1x2x125xi32, #tpu.memory_space<hbm>> -> memref<2x125xi32, #tpu.memory_space<hbm>>
        %dma_start3A_272 = arith.constant 0 : i32
        %dma_start3A_273 = arith.constant 0 : i32
        %dma_start3A_274 = tpu.memref_slice %arg3[%add3A, %add3A_267, %dma_start3A_272, %dma_start3A_273] : memref<32x80x2x125xi32, #tpu.memory_space<hbm>> -> memref<1x1x2x125xi32, #tpu.memory_space<hbm>>
        %dma_start3A_275 = tpu.memref_squeeze %dma_start3A_274 : memref<1x1x2x125xi32, #tpu.memory_space<hbm>> -> memref<2x125xi32, #tpu.memory_space<hbm>>
        tpu.enqueue_dma source(%dma_start3A_275 : memref<2x125xi32, #tpu.memory_space<hbm>>) target(%arg9 : memref<2x125xi32, #tpu.memory_space<vmem>>) target_semaphore(%arg19 : memref<!tpu.dma_semaphore, #tpu.memory_space<semaphore_mem>>)
      } else {
      }
      %add3A_259 = arith.constant 2 : i32
      %add3A_260 = arith.addi %add3A_243, %add3A_259 : i32
      %lt3A_261 = arith.constant 80 : i32
      %lt3A_262 = arith.cmpi slt, %add3A_260, %lt3A_261 : i32
      %convert_element_type3A_263 = arith.extui %lt3A_262 : i1 to i32
      %cond3A_264 = arith.constant 0 : i32
      %cond3A_265 = arith.cmpi ne, %convert_element_type3A_263, %cond3A_264 : i32
      scf.if %cond3A_265 {
        %add3A_266 = arith.constant 2 : i32
        %add3A_267 = arith.addi %add3A_243, %add3A_266 : i32
        %dma_wait3A_268 = arith.constant 0 : i32
        %dma_wait3A_269 = arith.constant 0 : i32
        %dma_wait3A_270 = tpu.memref_slice %arg3[%add3A, %add3A_267, %dma_wait3A_268, %dma_wait3A_269] : memref<32x80x2x125xi32, #tpu.memory_space<hbm>> -> memref<1x1x2x125xi32, #tpu.memory_space<hbm>>
        %dma_wait3A_271 = tpu.memref_squeeze %dma_wait3A_270 : memref<1x1x2x125xi32, #tpu.memory_space<hbm>> -> memref<2x125xi32, #tpu.memory_space<hbm>>
        %dma_wait3A_272 = arith.constant 0 : i32
        %dma_wait3A_273 = arith.constant 0 : i32
        %dma_wait3A_274 = tpu.memref_slice %arg3[%add3A, %add3A_267, %dma_wait3A_272, %dma_wait3A_273] : memref<32x80x2x125xi32, #tpu.memory_space<hbm>> -> memref<1x1x2x125xi32, #tpu.memory_space<hbm>>
        %dma_wait3A_275 = tpu.memref_squeeze %dma_wait3A_274 : memref<1x1x2x125xi32, #tpu.memory_space<hbm>> -> memref<2x125xi32, #tpu.memory_space<hbm>>
        tpu.wait_dma2 semaphore(%arg17 : memref<!tpu.dma_semaphore, #tpu.memory_space<semaphore_mem>>) src(%dma_wait3A_275 : memref<2x125xi32, #tpu.memory_space<hbm>>) dst(%arg7 : memref<2x125xi32, #tpu.memory_space<vmem>>)
        %dma_start3A_276 = arith.constant 0 : i32
        %dma_start3A_277 = arith.constant 0 : i32
        %dma_start3A_278 = tpu.memref_slice %arg7[%dma_start3A_276, %dma_start3A_277] : memref<2x125xi32, #tpu.memory_space<vmem>> -> memref<1x125xi32, #tpu.memory_space<vmem>>
        %dma_start3A_279 = tpu.memref_squeeze %dma_start3A_278 : memref<1x125xi32, #tpu.memory_space<vmem>> -> memref<125xi32, #tpu.memory_space<vmem>>
        %dma_start3A_280 = arith.constant 0 : i32
        %dma_start3A_281 = arith.constant 0 : i32
        %dma_start3A_282 = tpu.memref_slice %arg2[%dma_start3A_280, %dma_start3A_281] : memref<10000x128xf32, #tpu.memory_space<hbm>> -> memref<10000x128xf32, #tpu.memory_space<hbm>>
        tpu.enqueue_indirect_dma source(%dma_start3A_282 : memref<10000x128xf32, #tpu.memory_space<hbm>>) target(%arg15 : memref<125x128xf32, #tpu.memory_space<vmem>>) offsets(%dma_start3A_279 : memref<125xi32, #tpu.memory_space<vmem>>) semaphore(%arg25 : memref<!tpu.dma_semaphore, #tpu.memory_space<semaphore_mem>>)
      } else {
      }
    }
    %scan3A_73 = arith.constant 10 : i32
    %barrier3A_74 = arith.constant 0 : index
    tpu.barrier barrier_id(%barrier3A_74)
    "tpu.region"() ({
      %run_scoped3A = tpu.sem_alloc : memref<!tpu.dma_semaphore, #tpu.memory_space<semaphore_mem>>
      %dma_start3A_75 = arith.constant 0 : i32
      %dma_start3A_76 = tpu.memref_slice %arg5[%arg0, %mul3A_2, %dma_start3A_75] : memref<2x10240x128xf32, #tpu.memory_space<hbm>> -> memref<1x640x128xf32, #tpu.memory_space<hbm>>
      %dma_start3A_77 = tpu.memref_squeeze %dma_start3A_76 : memref<1x640x128xf32, #tpu.memory_space<hbm>> -> memref<640x128xf32, #tpu.memory_space<hbm>>
      %dma_start3A_78 = arith.constant 0 : i32
      %dma_start3A_79 = tpu.memref_slice %arg26[%mul3A_2, %dma_start3A_78] : memref<10240x128xf32, #tpu.memory_space<vmem_shared>> -> memref<640x128xf32, #tpu.memory_space<vmem_shared>>
      tpu.enqueue_dma source(%dma_start3A_79 : memref<640x128xf32, #tpu.memory_space<vmem_shared>>) target(%dma_start3A_77 : memref<640x128xf32, #tpu.memory_space<hbm>>) target_semaphore(%run_scoped3A : memref<!tpu.dma_semaphore, #tpu.memory_space<semaphore_mem>>)
      %dma_wait3A_80 = arith.constant 0 : i32
      %dma_wait3A_81 = tpu.memref_slice %arg5[%arg0, %mul3A_2, %dma_wait3A_80] : memref<2x10240x128xf32, #tpu.memory_space<hbm>> -> memref<1x640x128xf32, #tpu.memory_space<hbm>>
      %dma_wait3A_82 = tpu.memref_squeeze %dma_wait3A_81 : memref<1x640x128xf32, #tpu.memory_space<hbm>> -> memref<640x128xf32, #tpu.memory_space<hbm>>
      %dma_wait3A_83 = arith.constant 0 : i32
      %dma_wait3A_84 = tpu.memref_slice %arg26[%mul3A_2, %dma_wait3A_83] : memref<10240x128xf32, #tpu.memory_space<vmem_shared>> -> memref<640x128xf32, #tpu.memory_space<vmem_shared>>
      tpu.wait_dma2 semaphore(%run_scoped3A : memref<!tpu.dma_semaphore, #tpu.memory_space<semaphore_mem>>) src(%dma_wait3A_84 : memref<640x128xf32, #tpu.memory_space<vmem_shared>>) dst(%dma_wait3A_82 : memref<640x128xf32, #tpu.memory_space<hbm>>)
      tpu.yield
    }) : () -> ()
    return
  }
}

#map = affine_map<(d0, d1) -> (0, 0)>
#map1 = affine_map<(d0, d1) -> (0, 0, 0, 0)>
#map2 = affine_map<(d0, d1) -> (0, 0, 0)>
module attributes {stable_mosaic.version = 14 : i64} {
  func.func @_scatter_kernel(%arg0: i32, %arg1: i32, %arg2: memref<10000x128xf32, #tpu.memory_space<hbm>>, %arg3: memref<32x80x2x125xi32, #tpu.memory_space<hbm>>, %arg4: memref<10240x128xf32, #tpu.memory_space<hbm>>, %arg5: memref<2x10240x128xf32, #tpu.memory_space<hbm>>, %arg6: memref<2x125xi32, #tpu.memory_space<vmem>>, %arg7: memref<2x125xi32, #tpu.memory_space<vmem>>, %arg8: memref<2x125xi32, #tpu.memory_space<vmem>>, %arg9: memref<2x125xi32, #tpu.memory_space<vmem>>, %arg10: memref<2x125xi32, #tpu.memory_space<vmem>>, %arg11: memref<2x125xi32, #tpu.memory_space<vmem>>, %arg12: memref<2x125xi32, #tpu.memory_space<vmem>>, %arg13: memref<2x125xi32, #tpu.memory_space<vmem>>, %arg14: memref<125x128xf32, #tpu.memory_space<vmem>>, %arg15: memref<125x128xf32, #tpu.memory_space<vmem>>, %arg16: memref<!tpu.dma_semaphore, #tpu.memory_space<semaphore_mem>>, %arg17: memref<!tpu.dma_semaphore, #tpu.memory_space<semaphore_mem>>, %arg18: memref<!tpu.dma_semaphore, #tpu.memory_space<semaphore_mem>>, %arg19: memref<!tpu.dma_semaphore, #tpu.memory_space<semaphore_mem>>, %arg20: memref<!tpu.dma_semaphore, #tpu.memory_space<semaphore_mem>>, %arg21: memref<!tpu.dma_semaphore, #tpu.memory_space<semaphore_mem>>, %arg22: memref<!tpu.dma_semaphore, #tpu.memory_space<semaphore_mem>>, %arg23: memref<!tpu.dma_semaphore, #tpu.memory_space<semaphore_mem>>, %arg24: memref<!tpu.dma_semaphore, #tpu.memory_space<semaphore_mem>>, %arg25: memref<!tpu.dma_semaphore, #tpu.memory_space<semaphore_mem>>, %arg26: memref<10240x128xf32, #tpu.memory_space<vmem_shared>>) attributes {dimension_semantics = [#tpu.dimension_semantics<core_parallel>, #tpu.dimension_semantics<subcore_parallel>], iteration_bounds = array<i64: 2, 16>, scalar_prefetch = 0 : i64, scratch_operands = 21 : i64, tpu.core_type = #tpu.core_type<sc_vector_subcore>, window_params = [{transform_indices = #map}, {transform_indices = #map1}, {transform_indices = #map}, {transform_indices = #map2}]} {
    %mul3A = arith.constant 16 : i32
    %mul3A_0 = arith.muli %arg0, %mul3A : i32
    %add3A = arith.addi %mul3A_0, %arg1 : i32
    %mul3A_1 = arith.constant 640 : i32
    %mul3A_2 = arith.muli %arg1, %mul3A_1 : i32
    "tpu.region"() ({
      %run_scoped3A = tpu.sem_alloc : memref<!tpu.dma_semaphore, #tpu.memory_space<semaphore_mem>>
      %dma_start3A_75 = arith.constant 0 : i32
      %dma_start3A_76 = tpu.memref_slice %arg26[%mul3A_2, %dma_start3A_75] : memref<10240x128xf32, #tpu.memory_space<vmem_shared>> -> memref<640x128xf32, #tpu.memory_space<vmem_shared>>
      %dma_start3A_77 = arith.constant 0 : i32
      %dma_start3A_78 = tpu.memref_slice %arg4[%mul3A_2, %dma_start3A_77] : memref<10240x128xf32, #tpu.memory_space<hbm>> -> memref<640x128xf32, #tpu.memory_space<hbm>>
      tpu.enqueue_dma source(%dma_start3A_78 : memref<640x128xf32, #tpu.memory_space<hbm>>) target(%dma_start3A_76 : memref<640x128xf32, #tpu.memory_space<vmem_shared>>) target_semaphore(%run_scoped3A : memref<!tpu.dma_semaphore, #tpu.memory_space<semaphore_mem>>)
      %dma_wait3A_79 = arith.constant 0 : i32
      %dma_wait3A_80 = tpu.memref_slice %arg26[%mul3A_2, %dma_wait3A_79] : memref<10240x128xf32, #tpu.memory_space<vmem_shared>> -> memref<640x128xf32, #tpu.memory_space<vmem_shared>>
      %dma_wait3A_81 = arith.constant 0 : i32
      %dma_wait3A_82 = tpu.memref_slice %arg4[%mul3A_2, %dma_wait3A_81] : memref<10240x128xf32, #tpu.memory_space<hbm>> -> memref<640x128xf32, #tpu.memory_space<hbm>>
      tpu.wait_dma2 semaphore(%run_scoped3A : memref<!tpu.dma_semaphore, #tpu.memory_space<semaphore_mem>>) src(%dma_wait3A_82 : memref<640x128xf32, #tpu.memory_space<hbm>>) dst(%dma_wait3A_80 : memref<640x128xf32, #tpu.memory_space<vmem_shared>>)
      tpu.yield
    }) : () -> ()
    %dma_start3A = arith.constant 0 : i32
    %dma_start3A_3 = arith.constant 0 : i32
    %dma_start3A_4 = arith.constant 0 : i32
    %dma_start3A_5 = tpu.memref_slice %arg3[%add3A, %dma_start3A, %dma_start3A_3, %dma_start3A_4] : memref<32x80x2x125xi32, #tpu.memory_space<hbm>> -> memref<1x1x2x125xi32, #tpu.memory_space<hbm>>
    %dma_start3A_6 = tpu.memref_squeeze %dma_start3A_5 : memref<1x1x2x125xi32, #tpu.memory_space<hbm>> -> memref<2x125xi32, #tpu.memory_space<hbm>>
    %dma_start3A_7 = arith.constant 0 : i32
    %dma_start3A_8 = arith.constant 0 : i32
    %dma_start3A_9 = tpu.memref_slice %arg3[%add3A, %dma_start3A, %dma_start3A_7, %dma_start3A_8] : memref<32x80x2x125xi32, #tpu.memory_space<hbm>> -> memref<1x1x2x125xi32, #tpu.memory_space<hbm>>
    %dma_start3A_10 = tpu.memref_squeeze %dma_start3A_9 : memref<1x1x2x125xi32, #tpu.memory_space<hbm>> -> memref<2x125xi32, #tpu.memory_space<hbm>>
    tpu.enqueue_dma source(%dma_start3A_10 : memref<2x125xi32, #tpu.memory_space<hbm>>) target(%arg6 : memref<2x125xi32, #tpu.memory_space<vmem>>) target_semaphore(%arg16 : memref<!tpu.dma_semaphore, #tpu.memory_space<semaphore_mem>>)
    %dma_start3A_11 = arith.constant 1 : i32
    %dma_start3A_12 = arith.constant 0 : i32
    %dma_start3A_13 = arith.constant 0 : i32
    %dma_start3A_14 = tpu.memref_slice %arg3[%add3A, %dma_start3A_11, %dma_start3A_12, %dma_start3A_13] : memref<32x80x2x125xi32, #tpu.memory_space<hbm>> -> memref<1x1x2x125xi32, #tpu.memory_space<hbm>>
    %dma_start3A_15 = tpu.memref_squeeze %dma_start3A_14 : memref<1x1x2x125xi32, #tpu.memory_space<hbm>> -> memref<2x125xi32, #tpu.memory_space<hbm>>
    %dma_start3A_16 = arith.constant 0 : i32
    %dma_start3A_17 = arith.constant 0 : i32
    %dma_start3A_18 = tpu.memref_slice %arg3[%add3A, %dma_start3A_11, %dma_start3A_16, %dma_start3A_17] : memref<32x80x2x125xi32, #tpu.memory_space<hbm>> -> memref<1x1x2x125xi32, #tpu.memory_space<hbm>>
    %dma_start3A_19 = tpu.memref_squeeze %dma_start3A_18 : memref<1x1x2x125xi32, #tpu.memory_space<hbm>> -> memref<2x125xi32, #tpu.memory_space<hbm>>
    tpu.enqueue_dma source(%dma_start3A_19 : memref<2x125xi32, #tpu.memory_space<hbm>>) target(%arg7 : memref<2x125xi32, #tpu.memory_space<vmem>>) target_semaphore(%arg17 : memref<!tpu.dma_semaphore, #tpu.memory_space<semaphore_mem>>)
    %dma_start3A_20 = arith.constant 2 : i32
    %dma_start3A_21 = arith.constant 0 : i32
    %dma_start3A_22 = arith.constant 0 : i32
    %dma_start3A_23 = tpu.memref_slice %arg3[%add3A, %dma_start3A_20, %dma_start3A_21, %dma_start3A_22] : memref<32x80x2x125xi32, #tpu.memory_space<hbm>> -> memref<1x1x2x125xi32, #tpu.memory_space<hbm>>
    %dma_start3A_24 = tpu.memref_squeeze %dma_start3A_23 : memref<1x1x2x125xi32, #tpu.memory_space<hbm>> -> memref<2x125xi32, #tpu.memory_space<hbm>>
    %dma_start3A_25 = arith.constant 0 : i32
    %dma_start3A_26 = arith.constant 0 : i32
    %dma_start3A_27 = tpu.memref_slice %arg3[%add3A, %dma_start3A_20, %dma_start3A_25, %dma_start3A_26] : memref<32x80x2x125xi32, #tpu.memory_space<hbm>> -> memref<1x1x2x125xi32, #tpu.memory_space<hbm>>
    %dma_start3A_28 = tpu.memref_squeeze %dma_start3A_27 : memref<1x1x2x125xi32, #tpu.memory_space<hbm>> -> memref<2x125xi32, #tpu.memory_space<hbm>>
    tpu.enqueue_dma source(%dma_start3A_28 : memref<2x125xi32, #tpu.memory_space<hbm>>) target(%arg8 : memref<2x125xi32, #tpu.memory_space<vmem>>) target_semaphore(%arg18 : memref<!tpu.dma_semaphore, #tpu.memory_space<semaphore_mem>>)
    %dma_start3A_29 = arith.constant 3 : i32
    %dma_start3A_30 = arith.constant 0 : i32
    %dma_start3A_31 = arith.constant 0 : i32
    %dma_start3A_32 = tpu.memref_slice %arg3[%add3A, %dma_start3A_29, %dma_start3A_30, %dma_start3A_31] : memref<32x80x2x125xi32, #tpu.memory_space<hbm>> -> memref<1x1x2x125xi32, #tpu.memory_space<hbm>>
    %dma_start3A_33 = tpu.memref_squeeze %dma_start3A_32 : memref<1x1x2x125xi32, #tpu.memory_space<hbm>> -> memref<2x125xi32, #tpu.memory_space<hbm>>
    %dma_start3A_34 = arith.constant 0 : i32
    %dma_start3A_35 = arith.constant 0 : i32
    %dma_start3A_36 = tpu.memref_slice %arg3[%add3A, %dma_start3A_29, %dma_start3A_34, %dma_start3A_35] : memref<32x80x2x125xi32, #tpu.memory_space<hbm>> -> memref<1x1x2x125xi32, #tpu.memory_space<hbm>>
    %dma_start3A_37 = tpu.memref_squeeze %dma_start3A_36 : memref<1x1x2x125xi32, #tpu.memory_space<hbm>> -> memref<2x125xi32, #tpu.memory_space<hbm>>
    tpu.enqueue_dma source(%dma_start3A_37 : memref<2x125xi32, #tpu.memory_space<hbm>>) target(%arg9 : memref<2x125xi32, #tpu.memory_space<vmem>>) target_semaphore(%arg19 : memref<!tpu.dma_semaphore, #tpu.memory_space<semaphore_mem>>)
    %dma_wait3A = arith.constant 0 : i32
    %dma_wait3A_38 = arith.constant 0 : i32
    %dma_wait3A_39 = arith.constant 0 : i32
    %dma_wait3A_40 = tpu.memref_slice %arg3[%add3A, %dma_wait3A, %dma_wait3A_38, %dma_wait3A_39] : memref<32x80x2x125xi32, #tpu.memory_space<hbm>> -> memref<1x1x2x125xi32, #tpu.memory_space<hbm>>
    %dma_wait3A_41 = tpu.memref_squeeze %dma_wait3A_40 : memref<1x1x2x125xi32, #tpu.memory_space<hbm>> -> memref<2x125xi32, #tpu.memory_space<hbm>>
    %dma_wait3A_42 = arith.constant 0 : i32
    %dma_wait3A_43 = arith.constant 0 : i32
    %dma_wait3A_44 = tpu.memref_slice %arg3[%add3A, %dma_wait3A, %dma_wait3A_42, %dma_wait3A_43] : memref<32x80x2x125xi32, #tpu.memory_space<hbm>> -> memref<1x1x2x125xi32, #tpu.memory_space<hbm>>
    %dma_wait3A_45 = tpu.memref_squeeze %dma_wait3A_44 : memref<1x1x2x125xi32, #tpu.memory_space<hbm>> -> memref<2x125xi32, #tpu.memory_space<hbm>>
    tpu.wait_dma2 semaphore(%arg16 : memref<!tpu.dma_semaphore, #tpu.memory_space<semaphore_mem>>) src(%dma_wait3A_45 : memref<2x125xi32, #tpu.memory_space<hbm>>) dst(%arg6 : memref<2x125xi32, #tpu.memory_space<vmem>>)
    %dma_start3A_46 = arith.constant 0 : i32
    %dma_start3A_47 = arith.constant 0 : i32
    %dma_start3A_48 = tpu.memref_slice %arg6[%dma_start3A_46, %dma_start3A_47] : memref<2x125xi32, #tpu.memory_space<vmem>> -> memref<1x125xi32, #tpu.memory_space<vmem>>
    %dma_start3A_49 = tpu.memref_squeeze %dma_start3A_48 : memref<1x125xi32, #tpu.memory_space<vmem>> -> memref<125xi32, #tpu.memory_space<vmem>>
    %dma_start3A_50 = arith.constant 0 : i32
    %dma_start3A_51 = arith.constant 0 : i32
    %dma_start3A_52 = tpu.memref_slice %arg2[%dma_start3A_50, %dma_start3A_51] : memref<10000x128xf32, #tpu.memory_space<hbm>> -> memref<10000x128xf32, #tpu.memory_space<hbm>>
    tpu.enqueue_indirect_dma source(%dma_start3A_52 : memref<10000x128xf32, #tpu.memory_space<hbm>>) target(%arg14 : memref<125x128xf32, #tpu.memory_space<vmem>>) offsets(%dma_start3A_49 : memref<125xi32, #tpu.memory_space<vmem>>) semaphore(%arg24 : memref<!tpu.dma_semaphore, #tpu.memory_space<semaphore_mem>>)
    %dma_wait3A_53 = arith.constant 1 : i32
    %dma_wait3A_54 = arith.constant 0 : i32
    %dma_wait3A_55 = arith.constant 0 : i32
    %dma_wait3A_56 = tpu.memref_slice %arg3[%add3A, %dma_wait3A_53, %dma_wait3A_54, %dma_wait3A_55] : memref<32x80x2x125xi32, #tpu.memory_space<hbm>> -> memref<1x1x2x125xi32, #tpu.memory_space<hbm>>
    %dma_wait3A_57 = tpu.memref_squeeze %dma_wait3A_56 : memref<1x1x2x125xi32, #tpu.memory_space<hbm>> -> memref<2x125xi32, #tpu.memory_space<hbm>>
    %dma_wait3A_58 = arith.constant 0 : i32
    %dma_wait3A_59 = arith.constant 0 : i32
    %dma_wait3A_60 = tpu.memref_slice %arg3[%add3A, %dma_wait3A_53, %dma_wait3A_58, %dma_wait3A_59] : memref<32x80x2x125xi32, #tpu.memory_space<hbm>> -> memref<1x1x2x125xi32, #tpu.memory_space<hbm>>
    %dma_wait3A_61 = tpu.memref_squeeze %dma_wait3A_60 : memref<1x1x2x125xi32, #tpu.memory_space<hbm>> -> memref<2x125xi32, #tpu.memory_space<hbm>>
    tpu.wait_dma2 semaphore(%arg17 : memref<!tpu.dma_semaphore, #tpu.memory_space<semaphore_mem>>) src(%dma_wait3A_61 : memref<2x125xi32, #tpu.memory_space<hbm>>) dst(%arg7 : memref<2x125xi32, #tpu.memory_space<vmem>>)
    %dma_start3A_62 = arith.constant 0 : i32
    %dma_start3A_63 = arith.constant 0 : i32
    %dma_start3A_64 = tpu.memref_slice %arg7[%dma_start3A_62, %dma_start3A_63] : memref<2x125xi32, #tpu.memory_space<vmem>> -> memref<1x125xi32, #tpu.memory_space<vmem>>
    %dma_start3A_65 = tpu.memref_squeeze %dma_start3A_64 : memref<1x125xi32, #tpu.memory_space<vmem>> -> memref<125xi32, #tpu.memory_space<vmem>>
    %dma_start3A_66 = arith.constant 0 : i32
    %dma_start3A_67 = arith.constant 0 : i32
    %dma_start3A_68 = tpu.memref_slice %arg2[%dma_start3A_66, %dma_start3A_67] : memref<10000x128xf32, #tpu.memory_space<hbm>> -> memref<10000x128xf32, #tpu.memory_space<hbm>>
    tpu.enqueue_indirect_dma source(%dma_start3A_68 : memref<10000x128xf32, #tpu.memory_space<hbm>>) target(%arg15 : memref<125x128xf32, #tpu.memory_space<vmem>>) offsets(%dma_start3A_65 : memref<125xi32, #tpu.memory_space<vmem>>) semaphore(%arg25 : memref<!tpu.dma_semaphore, #tpu.memory_space<semaphore_mem>>)
    %barrier3A = arith.constant 0 : index
    tpu.barrier barrier_id(%barrier3A)
    %scan3A = arith.constant 0 : i32
    %scan3A_69 = arith.constant 0 : i32
    %scan3A_70 = arith.constant 10 : i32
    %scan3A_71 = arith.addi %scan3A_69, %scan3A_70 : i32
    %scan3A_72 = arith.constant 1 : i32
    scf.for %scan3A_75 = %scan3A_69 to %scan3A_71 step %scan3A_72  : i32 {
      %mul3A_76 = arith.constant 8 : i32
      %mul3A_77 = arith.muli %mul3A_76, %scan3A_75 : i32
      %add3A_78 = arith.constant 0 : i32
      %add3A_79 = arith.addi %mul3A_77, %add3A_78 : i32
      %dma_wait3A_80 = arith.constant 0 : i32
      %dma_wait3A_81 = arith.constant 0 : i32
      %dma_wait3A_82 = tpu.memref_slice %arg6[%dma_wait3A_80, %dma_wait3A_81] : memref<2x125xi32, #tpu.memory_space<vmem>> -> memref<1x125xi32, #tpu.memory_space<vmem>>
      %dma_wait3A_83 = tpu.memref_squeeze %dma_wait3A_82 : memref<1x125xi32, #tpu.memory_space<vmem>> -> memref<125xi32, #tpu.memory_space<vmem>>
      %dma_wait3A_84 = arith.constant 0 : i32
      %dma_wait3A_85 = arith.constant 0 : i32
      %dma_wait3A_86 = tpu.memref_slice %arg2[%dma_wait3A_84, %dma_wait3A_85] : memref<10000x128xf32, #tpu.memory_space<hbm>> -> memref<10000x128xf32, #tpu.memory_space<hbm>>
      tpu.wait_indirect_dma semaphore(%arg24 : memref<!tpu.dma_semaphore, #tpu.memory_space<semaphore_mem>>) src(%dma_wait3A_86 : memref<10000x128xf32, #tpu.memory_space<hbm>>) dst(%arg14 : memref<125x128xf32, #tpu.memory_space<vmem>>)
      %run_scoped3A = arith.constant 1 : i32
      "tpu.region"() ({
        %run_scoped3A_266 = tpu.sem_alloc : memref<!tpu.dma_semaphore, #tpu.memory_space<semaphore_mem>>
        %dma_start3A_267 = arith.constant 0 : i32
        %dma_start3A_268 = tpu.memref_slice %arg6[%run_scoped3A, %dma_start3A_267] : memref<2x125xi32, #tpu.memory_space<vmem>> -> memref<1x125xi32, #tpu.memory_space<vmem>>
        %dma_start3A_269 = tpu.memref_squeeze %dma_start3A_268 : memref<1x125xi32, #tpu.memory_space<vmem>> -> memref<125xi32, #tpu.memory_space<vmem>>
        %dma_start3A_270 = arith.constant 0 : i32
        %dma_start3A_271 = arith.constant 0 : i32
        %dma_start3A_272 = tpu.memref_slice %arg26[%dma_start3A_270, %dma_start3A_271] : memref<10240x128xf32, #tpu.memory_space<vmem_shared>> -> memref<10240x128xf32, #tpu.memory_space<vmem_shared>>
        tpu.enqueue_indirect_dma source(%arg14 : memref<125x128xf32, #tpu.memory_space<vmem>>) target(%dma_start3A_272 : memref<10240x128xf32, #tpu.memory_space<vmem_shared>>) offsets(%dma_start3A_269 : memref<125xi32, #tpu.memory_space<vmem>>) semaphore(%run_scoped3A_266 : memref<!tpu.dma_semaphore, #tpu.memory_space<semaphore_mem>>) {add = true}
        %dma_wait3A_273 = arith.constant 0 : i32
        %dma_wait3A_274 = tpu.memref_slice %arg6[%run_scoped3A, %dma_wait3A_273] : memref<2x125xi32, #tpu.memory_space<vmem>> -> memref<1x125xi32, #tpu.memory_space<vmem>>
        %dma_wait3A_275 = tpu.memref_squeeze %dma_wait3A_274 : memref<1x125xi32, #tpu.memory_space<vmem>> -> memref<125xi32, #tpu.memory_space<vmem>>
        %dma_wait3A_276 = arith.constant 0 : i32
        %dma_wait3A_277 = arith.constant 0 : i32
        %dma_wait3A_278 = tpu.memref_slice %arg26[%dma_wait3A_276, %dma_wait3A_277] : memref<10240x128xf32, #tpu.memory_space<vmem_shared>> -> memref<10240x128xf32, #tpu.memory_space<vmem_shared>>
        tpu.wait_indirect_dma semaphore(%run_scoped3A_266 : memref<!tpu.dma_semaphore, #tpu.memory_space<semaphore_mem>>) src(%arg14 : memref<125x128xf32, #tpu.memory_space<vmem>>) dst(%dma_wait3A_278 : memref<10240x128xf32, #tpu.memory_space<vmem_shared>>)
        tpu.yield
      }) : () -> ()
      %add3A_87 = arith.constant 4 : i32
      %add3A_88 = arith.addi %add3A_79, %add3A_87 : i32
      %lt3A = arith.constant 80 : i32
      %lt3A_89 = arith.cmpi slt, %add3A_88, %lt3A : i32
      %convert_element_type3A = arith.extui %lt3A_89 : i1 to i32
      %cond3A = arith.constant 0 : i32
      %cond3A_90 = arith.cmpi ne, %convert_element_type3A, %cond3A : i32
      scf.if %cond3A_90 {
        %add3A_266 = arith.constant 4 : i32
        %add3A_267 = arith.addi %add3A_79, %add3A_266 : i32
        %dma_start3A_268 = arith.constant 0 : i32
        %dma_start3A_269 = arith.constant 0 : i32
        %dma_start3A_270 = tpu.memref_slice %arg3[%add3A, %add3A_267, %dma_start3A_268, %dma_start3A_269] : memref<32x80x2x125xi32, #tpu.memory_space<hbm>> -> memref<1x1x2x125xi32, #tpu.memory_space<hbm>>
        %dma_start3A_271 = tpu.memref_squeeze %dma_start3A_270 : memref<1x1x2x125xi32, #tpu.memory_space<hbm>> -> memref<2x125xi32, #tpu.memory_space<hbm>>
        %dma_start3A_272 = arith.constant 0 : i32
        %dma_start3A_273 = arith.constant 0 : i32
        %dma_start3A_274 = tpu.memref_slice %arg3[%add3A, %add3A_267, %dma_start3A_272, %dma_start3A_273] : memref<32x80x2x125xi32, #tpu.memory_space<hbm>> -> memref<1x1x2x125xi32, #tpu.memory_space<hbm>>
        %dma_start3A_275 = tpu.memref_squeeze %dma_start3A_274 : memref<1x1x2x125xi32, #tpu.memory_space<hbm>> -> memref<2x125xi32, #tpu.memory_space<hbm>>
        tpu.enqueue_dma source(%dma_start3A_275 : memref<2x125xi32, #tpu.memory_space<hbm>>) target(%arg10 : memref<2x125xi32, #tpu.memory_space<vmem>>) target_semaphore(%arg20 : memref<!tpu.dma_semaphore, #tpu.memory_space<semaphore_mem>>)
      } else {
      }
      %add3A_91 = arith.constant 2 : i32
      %add3A_92 = arith.addi %add3A_79, %add3A_91 : i32
      %lt3A_93 = arith.constant 80 : i32
      %lt3A_94 = arith.cmpi slt, %add3A_92, %lt3A_93 : i32
      %convert_element_type3A_95 = arith.extui %lt3A_94 : i1 to i32
      %cond3A_96 = arith.constant 0 : i32
      %cond3A_97 = arith.cmpi ne, %convert_element_type3A_95, %cond3A_96 : i32
      scf.if %cond3A_97 {
        %add3A_266 = arith.constant 2 : i32
        %add3A_267 = arith.addi %add3A_79, %add3A_266 : i32
        %dma_wait3A_268 = arith.constant 0 : i32
        %dma_wait3A_269 = arith.constant 0 : i32
        %dma_wait3A_270 = tpu.memref_slice %arg3[%add3A, %add3A_267, %dma_wait3A_268, %dma_wait3A_269] : memref<32x80x2x125xi32, #tpu.memory_space<hbm>> -> memref<1x1x2x125xi32, #tpu.memory_space<hbm>>
        %dma_wait3A_271 = tpu.memref_squeeze %dma_wait3A_270 : memref<1x1x2x125xi32, #tpu.memory_space<hbm>> -> memref<2x125xi32, #tpu.memory_space<hbm>>
        %dma_wait3A_272 = arith.constant 0 : i32
        %dma_wait3A_273 = arith.constant 0 : i32
        %dma_wait3A_274 = tpu.memref_slice %arg3[%add3A, %add3A_267, %dma_wait3A_272, %dma_wait3A_273] : memref<32x80x2x125xi32, #tpu.memory_space<hbm>> -> memref<1x1x2x125xi32, #tpu.memory_space<hbm>>
        %dma_wait3A_275 = tpu.memref_squeeze %dma_wait3A_274 : memref<1x1x2x125xi32, #tpu.memory_space<hbm>> -> memref<2x125xi32, #tpu.memory_space<hbm>>
        tpu.wait_dma2 semaphore(%arg18 : memref<!tpu.dma_semaphore, #tpu.memory_space<semaphore_mem>>) src(%dma_wait3A_275 : memref<2x125xi32, #tpu.memory_space<hbm>>) dst(%arg8 : memref<2x125xi32, #tpu.memory_space<vmem>>)
        %dma_start3A_276 = arith.constant 0 : i32
        %dma_start3A_277 = arith.constant 0 : i32
        %dma_start3A_278 = tpu.memref_slice %arg8[%dma_start3A_276, %dma_start3A_277] : memref<2x125xi32, #tpu.memory_space<vmem>> -> memref<1x125xi32, #tpu.memory_space<vmem>>
        %dma_start3A_279 = tpu.memref_squeeze %dma_start3A_278 : memref<1x125xi32, #tpu.memory_space<vmem>> -> memref<125xi32, #tpu.memory_space<vmem>>
        %dma_start3A_280 = arith.constant 0 : i32
        %dma_start3A_281 = arith.constant 0 : i32
        %dma_start3A_282 = tpu.memref_slice %arg2[%dma_start3A_280, %dma_start3A_281] : memref<10000x128xf32, #tpu.memory_space<hbm>> -> memref<10000x128xf32, #tpu.memory_space<hbm>>
        tpu.enqueue_indirect_dma source(%dma_start3A_282 : memref<10000x128xf32, #tpu.memory_space<hbm>>) target(%arg14 : memref<125x128xf32, #tpu.memory_space<vmem>>) offsets(%dma_start3A_279 : memref<125xi32, #tpu.memory_space<vmem>>) semaphore(%arg24 : memref<!tpu.dma_semaphore, #tpu.memory_space<semaphore_mem>>)
      } else {
      }
      %add3A_98 = arith.constant 1 : i32
      %add3A_99 = arith.addi %mul3A_77, %add3A_98 : i32
      %dma_wait3A_100 = arith.constant 0 : i32
      %dma_wait3A_101 = arith.constant 0 : i32
      %dma_wait3A_102 = tpu.memref_slice %arg7[%dma_wait3A_100, %dma_wait3A_101] : memref<2x125xi32, #tpu.memory_space<vmem>> -> memref<1x125xi32, #tpu.memory_space<vmem>>
      %dma_wait3A_103 = tpu.memref_squeeze %dma_wait3A_102 : memref<1x125xi32, #tpu.memory_space<vmem>> -> memref<125xi32, #tpu.memory_space<vmem>>
      %dma_wait3A_104 = arith.constant 0 : i32
      %dma_wait3A_105 = arith.constant 0 : i32
      %dma_wait3A_106 = tpu.memref_slice %arg2[%dma_wait3A_104, %dma_wait3A_105] : memref<10000x128xf32, #tpu.memory_space<hbm>> -> memref<10000x128xf32, #tpu.memory_space<hbm>>
      tpu.wait_indirect_dma semaphore(%arg25 : memref<!tpu.dma_semaphore, #tpu.memory_space<semaphore_mem>>) src(%dma_wait3A_106 : memref<10000x128xf32, #tpu.memory_space<hbm>>) dst(%arg15 : memref<125x128xf32, #tpu.memory_space<vmem>>)
      %run_scoped3A_107 = arith.constant 1 : i32
      "tpu.region"() ({
        %run_scoped3A_266 = tpu.sem_alloc : memref<!tpu.dma_semaphore, #tpu.memory_space<semaphore_mem>>
        %dma_start3A_267 = arith.constant 0 : i32
        %dma_start3A_268 = tpu.memref_slice %arg7[%run_scoped3A_107, %dma_start3A_267] : memref<2x125xi32, #tpu.memory_space<vmem>> -> memref<1x125xi32, #tpu.memory_space<vmem>>
        %dma_start3A_269 = tpu.memref_squeeze %dma_start3A_268 : memref<1x125xi32, #tpu.memory_space<vmem>> -> memref<125xi32, #tpu.memory_space<vmem>>
        %dma_start3A_270 = arith.constant 0 : i32
        %dma_start3A_271 = arith.constant 0 : i32
        %dma_start3A_272 = tpu.memref_slice %arg26[%dma_start3A_270, %dma_start3A_271] : memref<10240x128xf32, #tpu.memory_space<vmem_shared>> -> memref<10240x128xf32, #tpu.memory_space<vmem_shared>>
        tpu.enqueue_indirect_dma source(%arg15 : memref<125x128xf32, #tpu.memory_space<vmem>>) target(%dma_start3A_272 : memref<10240x128xf32, #tpu.memory_space<vmem_shared>>) offsets(%dma_start3A_269 : memref<125xi32, #tpu.memory_space<vmem>>) semaphore(%run_scoped3A_266 : memref<!tpu.dma_semaphore, #tpu.memory_space<semaphore_mem>>) {add = true}
        %dma_wait3A_273 = arith.constant 0 : i32
        %dma_wait3A_274 = tpu.memref_slice %arg7[%run_scoped3A_107, %dma_wait3A_273] : memref<2x125xi32, #tpu.memory_space<vmem>> -> memref<1x125xi32, #tpu.memory_space<vmem>>
        %dma_wait3A_275 = tpu.memref_squeeze %dma_wait3A_274 : memref<1x125xi32, #tpu.memory_space<vmem>> -> memref<125xi32, #tpu.memory_space<vmem>>
        %dma_wait3A_276 = arith.constant 0 : i32
        %dma_wait3A_277 = arith.constant 0 : i32
        %dma_wait3A_278 = tpu.memref_slice %arg26[%dma_wait3A_276, %dma_wait3A_277] : memref<10240x128xf32, #tpu.memory_space<vmem_shared>> -> memref<10240x128xf32, #tpu.memory_space<vmem_shared>>
        tpu.wait_indirect_dma semaphore(%run_scoped3A_266 : memref<!tpu.dma_semaphore, #tpu.memory_space<semaphore_mem>>) src(%arg15 : memref<125x128xf32, #tpu.memory_space<vmem>>) dst(%dma_wait3A_278 : memref<10240x128xf32, #tpu.memory_space<vmem_shared>>)
        tpu.yield
      }) : () -> ()
      %add3A_108 = arith.constant 4 : i32
      %add3A_109 = arith.addi %add3A_99, %add3A_108 : i32
      %lt3A_110 = arith.constant 80 : i32
      %lt3A_111 = arith.cmpi slt, %add3A_109, %lt3A_110 : i32
      %convert_element_type3A_112 = arith.extui %lt3A_111 : i1 to i32
      %cond3A_113 = arith.constant 0 : i32
      %cond3A_114 = arith.cmpi ne, %convert_element_type3A_112, %cond3A_113 : i32
      scf.if %cond3A_114 {
        %add3A_266 = arith.constant 4 : i32
        %add3A_267 = arith.addi %add3A_99, %add3A_266 : i32
        %dma_start3A_268 = arith.constant 0 : i32
        %dma_start3A_269 = arith.constant 0 : i32
        %dma_start3A_270 = tpu.memref_slice %arg3[%add3A, %add3A_267, %dma_start3A_268, %dma_start3A_269] : memref<32x80x2x125xi32, #tpu.memory_space<hbm>> -> memref<1x1x2x125xi32, #tpu.memory_space<hbm>>
        %dma_start3A_271 = tpu.memref_squeeze %dma_start3A_270 : memref<1x1x2x125xi32, #tpu.memory_space<hbm>> -> memref<2x125xi32, #tpu.memory_space<hbm>>
        %dma_start3A_272 = arith.constant 0 : i32
        %dma_start3A_273 = arith.constant 0 : i32
        %dma_start3A_274 = tpu.memref_slice %arg3[%add3A, %add3A_267, %dma_start3A_272, %dma_start3A_273] : memref<32x80x2x125xi32, #tpu.memory_space<hbm>> -> memref<1x1x2x125xi32, #tpu.memory_space<hbm>>
        %dma_start3A_275 = tpu.memref_squeeze %dma_start3A_274 : memref<1x1x2x125xi32, #tpu.memory_space<hbm>> -> memref<2x125xi32, #tpu.memory_space<hbm>>
        tpu.enqueue_dma source(%dma_start3A_275 : memref<2x125xi32, #tpu.memory_space<hbm>>) target(%arg11 : memref<2x125xi32, #tpu.memory_space<vmem>>) target_semaphore(%arg21 : memref<!tpu.dma_semaphore, #tpu.memory_space<semaphore_mem>>)
      } else {
      }
      %add3A_115 = arith.constant 2 : i32
      %add3A_116 = arith.addi %add3A_99, %add3A_115 : i32
      %lt3A_117 = arith.constant 80 : i32
      %lt3A_118 = arith.cmpi slt, %add3A_116, %lt3A_117 : i32
      %convert_element_type3A_119 = arith.extui %lt3A_118 : i1 to i32
      %cond3A_120 = arith.constant 0 : i32
      %cond3A_121 = arith.cmpi ne, %convert_element_type3A_119, %cond3A_120 : i32
      scf.if %cond3A_121 {
        %add3A_266 = arith.constant 2 : i32
        %add3A_267 = arith.addi %add3A_99, %add3A_266 : i32
        %dma_wait3A_268 = arith.constant 0 : i32
        %dma_wait3A_269 = arith.constant 0 : i32
        %dma_wait3A_270 = tpu.memref_slice %arg3[%add3A, %add3A_267, %dma_wait3A_268, %dma_wait3A_269] : memref<32x80x2x125xi32, #tpu.memory_space<hbm>> -> memref<1x1x2x125xi32, #tpu.memory_space<hbm>>
        %dma_wait3A_271 = tpu.memref_squeeze %dma_wait3A_270 : memref<1x1x2x125xi32, #tpu.memory_space<hbm>> -> memref<2x125xi32, #tpu.memory_space<hbm>>
        %dma_wait3A_272 = arith.constant 0 : i32
        %dma_wait3A_273 = arith.constant 0 : i32
        %dma_wait3A_274 = tpu.memref_slice %arg3[%add3A, %add3A_267, %dma_wait3A_272, %dma_wait3A_273] : memref<32x80x2x125xi32, #tpu.memory_space<hbm>> -> memref<1x1x2x125xi32, #tpu.memory_space<hbm>>
        %dma_wait3A_275 = tpu.memref_squeeze %dma_wait3A_274 : memref<1x1x2x125xi32, #tpu.memory_space<hbm>> -> memref<2x125xi32, #tpu.memory_space<hbm>>
        tpu.wait_dma2 semaphore(%arg19 : memref<!tpu.dma_semaphore, #tpu.memory_space<semaphore_mem>>) src(%dma_wait3A_275 : memref<2x125xi32, #tpu.memory_space<hbm>>) dst(%arg9 : memref<2x125xi32, #tpu.memory_space<vmem>>)
        %dma_start3A_276 = arith.constant 0 : i32
        %dma_start3A_277 = arith.constant 0 : i32
        %dma_start3A_278 = tpu.memref_slice %arg9[%dma_start3A_276, %dma_start3A_277] : memref<2x125xi32, #tpu.memory_space<vmem>> -> memref<1x125xi32, #tpu.memory_space<vmem>>
        %dma_start3A_279 = tpu.memref_squeeze %dma_start3A_278 : memref<1x125xi32, #tpu.memory_space<vmem>> -> memref<125xi32, #tpu.memory_space<vmem>>
        %dma_start3A_280 = arith.constant 0 : i32
        %dma_start3A_281 = arith.constant 0 : i32
        %dma_start3A_282 = tpu.memref_slice %arg2[%dma_start3A_280, %dma_start3A_281] : memref<10000x128xf32, #tpu.memory_space<hbm>> -> memref<10000x128xf32, #tpu.memory_space<hbm>>
        tpu.enqueue_indirect_dma source(%dma_start3A_282 : memref<10000x128xf32, #tpu.memory_space<hbm>>) target(%arg15 : memref<125x128xf32, #tpu.memory_space<vmem>>) offsets(%dma_start3A_279 : memref<125xi32, #tpu.memory_space<vmem>>) semaphore(%arg25 : memref<!tpu.dma_semaphore, #tpu.memory_space<semaphore_mem>>)
      } else {
      }
      %add3A_122 = arith.constant 2 : i32
      %add3A_123 = arith.addi %mul3A_77, %add3A_122 : i32
      %dma_wait3A_124 = arith.constant 0 : i32
      %dma_wait3A_125 = arith.constant 0 : i32
      %dma_wait3A_126 = tpu.memref_slice %arg8[%dma_wait3A_124, %dma_wait3A_125] : memref<2x125xi32, #tpu.memory_space<vmem>> -> memref<1x125xi32, #tpu.memory_space<vmem>>
      %dma_wait3A_127 = tpu.memref_squeeze %dma_wait3A_126 : memref<1x125xi32, #tpu.memory_space<vmem>> -> memref<125xi32, #tpu.memory_space<vmem>>
      %dma_wait3A_128 = arith.constant 0 : i32
      %dma_wait3A_129 = arith.constant 0 : i32
      %dma_wait3A_130 = tpu.memref_slice %arg2[%dma_wait3A_128, %dma_wait3A_129] : memref<10000x128xf32, #tpu.memory_space<hbm>> -> memref<10000x128xf32, #tpu.memory_space<hbm>>
      tpu.wait_indirect_dma semaphore(%arg24 : memref<!tpu.dma_semaphore, #tpu.memory_space<semaphore_mem>>) src(%dma_wait3A_130 : memref<10000x128xf32, #tpu.memory_space<hbm>>) dst(%arg14 : memref<125x128xf32, #tpu.memory_space<vmem>>)
      %run_scoped3A_131 = arith.constant 1 : i32
      "tpu.region"() ({
        %run_scoped3A_266 = tpu.sem_alloc : memref<!tpu.dma_semaphore, #tpu.memory_space<semaphore_mem>>
        %dma_start3A_267 = arith.constant 0 : i32
        %dma_start3A_268 = tpu.memref_slice %arg8[%run_scoped3A_131, %dma_start3A_267] : memref<2x125xi32, #tpu.memory_space<vmem>> -> memref<1x125xi32, #tpu.memory_space<vmem>>
        %dma_start3A_269 = tpu.memref_squeeze %dma_start3A_268 : memref<1x125xi32, #tpu.memory_space<vmem>> -> memref<125xi32, #tpu.memory_space<vmem>>
        %dma_start3A_270 = arith.constant 0 : i32
        %dma_start3A_271 = arith.constant 0 : i32
        %dma_start3A_272 = tpu.memref_slice %arg26[%dma_start3A_270, %dma_start3A_271] : memref<10240x128xf32, #tpu.memory_space<vmem_shared>> -> memref<10240x128xf32, #tpu.memory_space<vmem_shared>>
        tpu.enqueue_indirect_dma source(%arg14 : memref<125x128xf32, #tpu.memory_space<vmem>>) target(%dma_start3A_272 : memref<10240x128xf32, #tpu.memory_space<vmem_shared>>) offsets(%dma_start3A_269 : memref<125xi32, #tpu.memory_space<vmem>>) semaphore(%run_scoped3A_266 : memref<!tpu.dma_semaphore, #tpu.memory_space<semaphore_mem>>) {add = true}
        %dma_wait3A_273 = arith.constant 0 : i32
        %dma_wait3A_274 = tpu.memref_slice %arg8[%run_scoped3A_131, %dma_wait3A_273] : memref<2x125xi32, #tpu.memory_space<vmem>> -> memref<1x125xi32, #tpu.memory_space<vmem>>
        %dma_wait3A_275 = tpu.memref_squeeze %dma_wait3A_274 : memref<1x125xi32, #tpu.memory_space<vmem>> -> memref<125xi32, #tpu.memory_space<vmem>>
        %dma_wait3A_276 = arith.constant 0 : i32
        %dma_wait3A_277 = arith.constant 0 : i32
        %dma_wait3A_278 = tpu.memref_slice %arg26[%dma_wait3A_276, %dma_wait3A_277] : memref<10240x128xf32, #tpu.memory_space<vmem_shared>> -> memref<10240x128xf32, #tpu.memory_space<vmem_shared>>
        tpu.wait_indirect_dma semaphore(%run_scoped3A_266 : memref<!tpu.dma_semaphore, #tpu.memory_space<semaphore_mem>>) src(%arg14 : memref<125x128xf32, #tpu.memory_space<vmem>>) dst(%dma_wait3A_278 : memref<10240x128xf32, #tpu.memory_space<vmem_shared>>)
        tpu.yield
      }) : () -> ()
      %add3A_132 = arith.constant 4 : i32
      %add3A_133 = arith.addi %add3A_123, %add3A_132 : i32
      %lt3A_134 = arith.constant 80 : i32
      %lt3A_135 = arith.cmpi slt, %add3A_133, %lt3A_134 : i32
      %convert_element_type3A_136 = arith.extui %lt3A_135 : i1 to i32
      %cond3A_137 = arith.constant 0 : i32
      %cond3A_138 = arith.cmpi ne, %convert_element_type3A_136, %cond3A_137 : i32
      scf.if %cond3A_138 {
        %add3A_266 = arith.constant 4 : i32
        %add3A_267 = arith.addi %add3A_123, %add3A_266 : i32
        %dma_start3A_268 = arith.constant 0 : i32
        %dma_start3A_269 = arith.constant 0 : i32
        %dma_start3A_270 = tpu.memref_slice %arg3[%add3A, %add3A_267, %dma_start3A_268, %dma_start3A_269] : memref<32x80x2x125xi32, #tpu.memory_space<hbm>> -> memref<1x1x2x125xi32, #tpu.memory_space<hbm>>
        %dma_start3A_271 = tpu.memref_squeeze %dma_start3A_270 : memref<1x1x2x125xi32, #tpu.memory_space<hbm>> -> memref<2x125xi32, #tpu.memory_space<hbm>>
        %dma_start3A_272 = arith.constant 0 : i32
        %dma_start3A_273 = arith.constant 0 : i32
        %dma_start3A_274 = tpu.memref_slice %arg3[%add3A, %add3A_267, %dma_start3A_272, %dma_start3A_273] : memref<32x80x2x125xi32, #tpu.memory_space<hbm>> -> memref<1x1x2x125xi32, #tpu.memory_space<hbm>>
        %dma_start3A_275 = tpu.memref_squeeze %dma_start3A_274 : memref<1x1x2x125xi32, #tpu.memory_space<hbm>> -> memref<2x125xi32, #tpu.memory_space<hbm>>
        tpu.enqueue_dma source(%dma_start3A_275 : memref<2x125xi32, #tpu.memory_space<hbm>>) target(%arg12 : memref<2x125xi32, #tpu.memory_space<vmem>>) target_semaphore(%arg22 : memref<!tpu.dma_semaphore, #tpu.memory_space<semaphore_mem>>)
      } else {
      }
      %add3A_139 = arith.constant 2 : i32
      %add3A_140 = arith.addi %add3A_123, %add3A_139 : i32
      %lt3A_141 = arith.constant 80 : i32
      %lt3A_142 = arith.cmpi slt, %add3A_140, %lt3A_141 : i32
      %convert_element_type3A_143 = arith.extui %lt3A_142 : i1 to i32
      %cond3A_144 = arith.constant 0 : i32
      %cond3A_145 = arith.cmpi ne, %convert_element_type3A_143, %cond3A_144 : i32
      scf.if %cond3A_145 {
        %add3A_266 = arith.constant 2 : i32
        %add3A_267 = arith.addi %add3A_123, %add3A_266 : i32
        %dma_wait3A_268 = arith.constant 0 : i32
        %dma_wait3A_269 = arith.constant 0 : i32
        %dma_wait3A_270 = tpu.memref_slice %arg3[%add3A, %add3A_267, %dma_wait3A_268, %dma_wait3A_269] : memref<32x80x2x125xi32, #tpu.memory_space<hbm>> -> memref<1x1x2x125xi32, #tpu.memory_space<hbm>>
        %dma_wait3A_271 = tpu.memref_squeeze %dma_wait3A_270 : memref<1x1x2x125xi32, #tpu.memory_space<hbm>> -> memref<2x125xi32, #tpu.memory_space<hbm>>
        %dma_wait3A_272 = arith.constant 0 : i32
        %dma_wait3A_273 = arith.constant 0 : i32
        %dma_wait3A_274 = tpu.memref_slice %arg3[%add3A, %add3A_267, %dma_wait3A_272, %dma_wait3A_273] : memref<32x80x2x125xi32, #tpu.memory_space<hbm>> -> memref<1x1x2x125xi32, #tpu.memory_space<hbm>>
        %dma_wait3A_275 = tpu.memref_squeeze %dma_wait3A_274 : memref<1x1x2x125xi32, #tpu.memory_space<hbm>> -> memref<2x125xi32, #tpu.memory_space<hbm>>
        tpu.wait_dma2 semaphore(%arg20 : memref<!tpu.dma_semaphore, #tpu.memory_space<semaphore_mem>>) src(%dma_wait3A_275 : memref<2x125xi32, #tpu.memory_space<hbm>>) dst(%arg10 : memref<2x125xi32, #tpu.memory_space<vmem>>)
        %dma_start3A_276 = arith.constant 0 : i32
        %dma_start3A_277 = arith.constant 0 : i32
        %dma_start3A_278 = tpu.memref_slice %arg10[%dma_start3A_276, %dma_start3A_277] : memref<2x125xi32, #tpu.memory_space<vmem>> -> memref<1x125xi32, #tpu.memory_space<vmem>>
        %dma_start3A_279 = tpu.memref_squeeze %dma_start3A_278 : memref<1x125xi32, #tpu.memory_space<vmem>> -> memref<125xi32, #tpu.memory_space<vmem>>
        %dma_start3A_280 = arith.constant 0 : i32
        %dma_start3A_281 = arith.constant 0 : i32
        %dma_start3A_282 = tpu.memref_slice %arg2[%dma_start3A_280, %dma_start3A_281] : memref<10000x128xf32, #tpu.memory_space<hbm>> -> memref<10000x128xf32, #tpu.memory_space<hbm>>
        tpu.enqueue_indirect_dma source(%dma_start3A_282 : memref<10000x128xf32, #tpu.memory_space<hbm>>) target(%arg14 : memref<125x128xf32, #tpu.memory_space<vmem>>) offsets(%dma_start3A_279 : memref<125xi32, #tpu.memory_space<vmem>>) semaphore(%arg24 : memref<!tpu.dma_semaphore, #tpu.memory_space<semaphore_mem>>)
      } else {
      }
      %add3A_146 = arith.constant 3 : i32
      %add3A_147 = arith.addi %mul3A_77, %add3A_146 : i32
      %dma_wait3A_148 = arith.constant 0 : i32
      %dma_wait3A_149 = arith.constant 0 : i32
      %dma_wait3A_150 = tpu.memref_slice %arg9[%dma_wait3A_148, %dma_wait3A_149] : memref<2x125xi32, #tpu.memory_space<vmem>> -> memref<1x125xi32, #tpu.memory_space<vmem>>
      %dma_wait3A_151 = tpu.memref_squeeze %dma_wait3A_150 : memref<1x125xi32, #tpu.memory_space<vmem>> -> memref<125xi32, #tpu.memory_space<vmem>>
      %dma_wait3A_152 = arith.constant 0 : i32
      %dma_wait3A_153 = arith.constant 0 : i32
      %dma_wait3A_154 = tpu.memref_slice %arg2[%dma_wait3A_152, %dma_wait3A_153] : memref<10000x128xf32, #tpu.memory_space<hbm>> -> memref<10000x128xf32, #tpu.memory_space<hbm>>
      tpu.wait_indirect_dma semaphore(%arg25 : memref<!tpu.dma_semaphore, #tpu.memory_space<semaphore_mem>>) src(%dma_wait3A_154 : memref<10000x128xf32, #tpu.memory_space<hbm>>) dst(%arg15 : memref<125x128xf32, #tpu.memory_space<vmem>>)
      %run_scoped3A_155 = arith.constant 1 : i32
      "tpu.region"() ({
        %run_scoped3A_266 = tpu.sem_alloc : memref<!tpu.dma_semaphore, #tpu.memory_space<semaphore_mem>>
        %dma_start3A_267 = arith.constant 0 : i32
        %dma_start3A_268 = tpu.memref_slice %arg9[%run_scoped3A_155, %dma_start3A_267] : memref<2x125xi32, #tpu.memory_space<vmem>> -> memref<1x125xi32, #tpu.memory_space<vmem>>
        %dma_start3A_269 = tpu.memref_squeeze %dma_start3A_268 : memref<1x125xi32, #tpu.memory_space<vmem>> -> memref<125xi32, #tpu.memory_space<vmem>>
        %dma_start3A_270 = arith.constant 0 : i32
        %dma_start3A_271 = arith.constant 0 : i32
        %dma_start3A_272 = tpu.memref_slice %arg26[%dma_start3A_270, %dma_start3A_271] : memref<10240x128xf32, #tpu.memory_space<vmem_shared>> -> memref<10240x128xf32, #tpu.memory_space<vmem_shared>>
        tpu.enqueue_indirect_dma source(%arg15 : memref<125x128xf32, #tpu.memory_space<vmem>>) target(%dma_start3A_272 : memref<10240x128xf32, #tpu.memory_space<vmem_shared>>) offsets(%dma_start3A_269 : memref<125xi32, #tpu.memory_space<vmem>>) semaphore(%run_scoped3A_266 : memref<!tpu.dma_semaphore, #tpu.memory_space<semaphore_mem>>) {add = true}
        %dma_wait3A_273 = arith.constant 0 : i32
        %dma_wait3A_274 = tpu.memref_slice %arg9[%run_scoped3A_155, %dma_wait3A_273] : memref<2x125xi32, #tpu.memory_space<vmem>> -> memref<1x125xi32, #tpu.memory_space<vmem>>
        %dma_wait3A_275 = tpu.memref_squeeze %dma_wait3A_274 : memref<1x125xi32, #tpu.memory_space<vmem>> -> memref<125xi32, #tpu.memory_space<vmem>>
        %dma_wait3A_276 = arith.constant 0 : i32
        %dma_wait3A_277 = arith.constant 0 : i32
        %dma_wait3A_278 = tpu.memref_slice %arg26[%dma_wait3A_276, %dma_wait3A_277] : memref<10240x128xf32, #tpu.memory_space<vmem_shared>> -> memref<10240x128xf32, #tpu.memory_space<vmem_shared>>
        tpu.wait_indirect_dma semaphore(%run_scoped3A_266 : memref<!tpu.dma_semaphore, #tpu.memory_space<semaphore_mem>>) src(%arg15 : memref<125x128xf32, #tpu.memory_space<vmem>>) dst(%dma_wait3A_278 : memref<10240x128xf32, #tpu.memory_space<vmem_shared>>)
        tpu.yield
      }) : () -> ()
      %add3A_156 = arith.constant 4 : i32
      %add3A_157 = arith.addi %add3A_147, %add3A_156 : i32
      %lt3A_158 = arith.constant 80 : i32
      %lt3A_159 = arith.cmpi slt, %add3A_157, %lt3A_158 : i32
      %convert_element_type3A_160 = arith.extui %lt3A_159 : i1 to i32
      %cond3A_161 = arith.constant 0 : i32
      %cond3A_162 = arith.cmpi ne, %convert_element_type3A_160, %cond3A_161 : i32
      scf.if %cond3A_162 {
        %add3A_266 = arith.constant 4 : i32
        %add3A_267 = arith.addi %add3A_147, %add3A_266 : i32
        %dma_start3A_268 = arith.constant 0 : i32
        %dma_start3A_269 = arith.constant 0 : i32
        %dma_start3A_270 = tpu.memref_slice %arg3[%add3A, %add3A_267, %dma_start3A_268, %dma_start3A_269] : memref<32x80x2x125xi32, #tpu.memory_space<hbm>> -> memref<1x1x2x125xi32, #tpu.memory_space<hbm>>
        %dma_start3A_271 = tpu.memref_squeeze %dma_start3A_270 : memref<1x1x2x125xi32, #tpu.memory_space<hbm>> -> memref<2x125xi32, #tpu.memory_space<hbm>>
        %dma_start3A_272 = arith.constant 0 : i32
        %dma_start3A_273 = arith.constant 0 : i32
        %dma_start3A_274 = tpu.memref_slice %arg3[%add3A, %add3A_267, %dma_start3A_272, %dma_start3A_273] : memref<32x80x2x125xi32, #tpu.memory_space<hbm>> -> memref<1x1x2x125xi32, #tpu.memory_space<hbm>>
        %dma_start3A_275 = tpu.memref_squeeze %dma_start3A_274 : memref<1x1x2x125xi32, #tpu.memory_space<hbm>> -> memref<2x125xi32, #tpu.memory_space<hbm>>
        tpu.enqueue_dma source(%dma_start3A_275 : memref<2x125xi32, #tpu.memory_space<hbm>>) target(%arg13 : memref<2x125xi32, #tpu.memory_space<vmem>>) target_semaphore(%arg23 : memref<!tpu.dma_semaphore, #tpu.memory_space<semaphore_mem>>)
      } else {
      }
      %add3A_163 = arith.constant 2 : i32
      %add3A_164 = arith.addi %add3A_147, %add3A_163 : i32
      %lt3A_165 = arith.constant 80 : i32
      %lt3A_166 = arith.cmpi slt, %add3A_164, %lt3A_165 : i32
      %convert_element_type3A_167 = arith.extui %lt3A_166 : i1 to i32
      %cond3A_168 = arith.constant 0 : i32
      %cond3A_169 = arith.cmpi ne, %convert_element_type3A_167, %cond3A_168 : i32
      scf.if %cond3A_169 {
        %add3A_266 = arith.constant 2 : i32
        %add3A_267 = arith.addi %add3A_147, %add3A_266 : i32
        %dma_wait3A_268 = arith.constant 0 : i32
        %dma_wait3A_269 = arith.constant 0 : i32
        %dma_wait3A_270 = tpu.memref_slice %arg3[%add3A, %add3A_267, %dma_wait3A_268, %dma_wait3A_269] : memref<32x80x2x125xi32, #tpu.memory_space<hbm>> -> memref<1x1x2x125xi32, #tpu.memory_space<hbm>>
        %dma_wait3A_271 = tpu.memref_squeeze %dma_wait3A_270 : memref<1x1x2x125xi32, #tpu.memory_space<hbm>> -> memref<2x125xi32, #tpu.memory_space<hbm>>
        %dma_wait3A_272 = arith.constant 0 : i32
        %dma_wait3A_273 = arith.constant 0 : i32
        %dma_wait3A_274 = tpu.memref_slice %arg3[%add3A, %add3A_267, %dma_wait3A_272, %dma_wait3A_273] : memref<32x80x2x125xi32, #tpu.memory_space<hbm>> -> memref<1x1x2x125xi32, #tpu.memory_space<hbm>>
        %dma_wait3A_275 = tpu.memref_squeeze %dma_wait3A_274 : memref<1x1x2x125xi32, #tpu.memory_space<hbm>> -> memref<2x125xi32, #tpu.memory_space<hbm>>
        tpu.wait_dma2 semaphore(%arg21 : memref<!tpu.dma_semaphore, #tpu.memory_space<semaphore_mem>>) src(%dma_wait3A_275 : memref<2x125xi32, #tpu.memory_space<hbm>>) dst(%arg11 : memref<2x125xi32, #tpu.memory_space<vmem>>)
        %dma_start3A_276 = arith.constant 0 : i32
        %dma_start3A_277 = arith.constant 0 : i32
        %dma_start3A_278 = tpu.memref_slice %arg11[%dma_start3A_276, %dma_start3A_277] : memref<2x125xi32, #tpu.memory_space<vmem>> -> memref<1x125xi32, #tpu.memory_space<vmem>>
        %dma_start3A_279 = tpu.memref_squeeze %dma_start3A_278 : memref<1x125xi32, #tpu.memory_space<vmem>> -> memref<125xi32, #tpu.memory_space<vmem>>
        %dma_start3A_280 = arith.constant 0 : i32
        %dma_start3A_281 = arith.constant 0 : i32
        %dma_start3A_282 = tpu.memref_slice %arg2[%dma_start3A_280, %dma_start3A_281] : memref<10000x128xf32, #tpu.memory_space<hbm>> -> memref<10000x128xf32, #tpu.memory_space<hbm>>
        tpu.enqueue_indirect_dma source(%dma_start3A_282 : memref<10000x128xf32, #tpu.memory_space<hbm>>) target(%arg15 : memref<125x128xf32, #tpu.memory_space<vmem>>) offsets(%dma_start3A_279 : memref<125xi32, #tpu.memory_space<vmem>>) semaphore(%arg25 : memref<!tpu.dma_semaphore, #tpu.memory_space<semaphore_mem>>)
      } else {
      }
      %add3A_170 = arith.constant 4 : i32
      %add3A_171 = arith.addi %mul3A_77, %add3A_170 : i32
      %dma_wait3A_172 = arith.constant 0 : i32
      %dma_wait3A_173 = arith.constant 0 : i32
      %dma_wait3A_174 = tpu.memref_slice %arg10[%dma_wait3A_172, %dma_wait3A_173] : memref<2x125xi32, #tpu.memory_space<vmem>> -> memref<1x125xi32, #tpu.memory_space<vmem>>
      %dma_wait3A_175 = tpu.memref_squeeze %dma_wait3A_174 : memref<1x125xi32, #tpu.memory_space<vmem>> -> memref<125xi32, #tpu.memory_space<vmem>>
      %dma_wait3A_176 = arith.constant 0 : i32
      %dma_wait3A_177 = arith.constant 0 : i32
      %dma_wait3A_178 = tpu.memref_slice %arg2[%dma_wait3A_176, %dma_wait3A_177] : memref<10000x128xf32, #tpu.memory_space<hbm>> -> memref<10000x128xf32, #tpu.memory_space<hbm>>
      tpu.wait_indirect_dma semaphore(%arg24 : memref<!tpu.dma_semaphore, #tpu.memory_space<semaphore_mem>>) src(%dma_wait3A_178 : memref<10000x128xf32, #tpu.memory_space<hbm>>) dst(%arg14 : memref<125x128xf32, #tpu.memory_space<vmem>>)
      %run_scoped3A_179 = arith.constant 1 : i32
      "tpu.region"() ({
        %run_scoped3A_266 = tpu.sem_alloc : memref<!tpu.dma_semaphore, #tpu.memory_space<semaphore_mem>>
        %dma_start3A_267 = arith.constant 0 : i32
        %dma_start3A_268 = tpu.memref_slice %arg10[%run_scoped3A_179, %dma_start3A_267] : memref<2x125xi32, #tpu.memory_space<vmem>> -> memref<1x125xi32, #tpu.memory_space<vmem>>
        %dma_start3A_269 = tpu.memref_squeeze %dma_start3A_268 : memref<1x125xi32, #tpu.memory_space<vmem>> -> memref<125xi32, #tpu.memory_space<vmem>>
        %dma_start3A_270 = arith.constant 0 : i32
        %dma_start3A_271 = arith.constant 0 : i32
        %dma_start3A_272 = tpu.memref_slice %arg26[%dma_start3A_270, %dma_start3A_271] : memref<10240x128xf32, #tpu.memory_space<vmem_shared>> -> memref<10240x128xf32, #tpu.memory_space<vmem_shared>>
        tpu.enqueue_indirect_dma source(%arg14 : memref<125x128xf32, #tpu.memory_space<vmem>>) target(%dma_start3A_272 : memref<10240x128xf32, #tpu.memory_space<vmem_shared>>) offsets(%dma_start3A_269 : memref<125xi32, #tpu.memory_space<vmem>>) semaphore(%run_scoped3A_266 : memref<!tpu.dma_semaphore, #tpu.memory_space<semaphore_mem>>) {add = true}
        %dma_wait3A_273 = arith.constant 0 : i32
        %dma_wait3A_274 = tpu.memref_slice %arg10[%run_scoped3A_179, %dma_wait3A_273] : memref<2x125xi32, #tpu.memory_space<vmem>> -> memref<1x125xi32, #tpu.memory_space<vmem>>
        %dma_wait3A_275 = tpu.memref_squeeze %dma_wait3A_274 : memref<1x125xi32, #tpu.memory_space<vmem>> -> memref<125xi32, #tpu.memory_space<vmem>>
        %dma_wait3A_276 = arith.constant 0 : i32
        %dma_wait3A_277 = arith.constant 0 : i32
        %dma_wait3A_278 = tpu.memref_slice %arg26[%dma_wait3A_276, %dma_wait3A_277] : memref<10240x128xf32, #tpu.memory_space<vmem_shared>> -> memref<10240x128xf32, #tpu.memory_space<vmem_shared>>
        tpu.wait_indirect_dma semaphore(%run_scoped3A_266 : memref<!tpu.dma_semaphore, #tpu.memory_space<semaphore_mem>>) src(%arg14 : memref<125x128xf32, #tpu.memory_space<vmem>>) dst(%dma_wait3A_278 : memref<10240x128xf32, #tpu.memory_space<vmem_shared>>)
        tpu.yield
      }) : () -> ()
      %add3A_180 = arith.constant 4 : i32
      %add3A_181 = arith.addi %add3A_171, %add3A_180 : i32
      %lt3A_182 = arith.constant 80 : i32
      %lt3A_183 = arith.cmpi slt, %add3A_181, %lt3A_182 : i32
      %convert_element_type3A_184 = arith.extui %lt3A_183 : i1 to i32
      %cond3A_185 = arith.constant 0 : i32
      %cond3A_186 = arith.cmpi ne, %convert_element_type3A_184, %cond3A_185 : i32
      scf.if %cond3A_186 {
        %add3A_266 = arith.constant 4 : i32
        %add3A_267 = arith.addi %add3A_171, %add3A_266 : i32
        %dma_start3A_268 = arith.constant 0 : i32
        %dma_start3A_269 = arith.constant 0 : i32
        %dma_start3A_270 = tpu.memref_slice %arg3[%add3A, %add3A_267, %dma_start3A_268, %dma_start3A_269] : memref<32x80x2x125xi32, #tpu.memory_space<hbm>> -> memref<1x1x2x125xi32, #tpu.memory_space<hbm>>
        %dma_start3A_271 = tpu.memref_squeeze %dma_start3A_270 : memref<1x1x2x125xi32, #tpu.memory_space<hbm>> -> memref<2x125xi32, #tpu.memory_space<hbm>>
        %dma_start3A_272 = arith.constant 0 : i32
        %dma_start3A_273 = arith.constant 0 : i32
        %dma_start3A_274 = tpu.memref_slice %arg3[%add3A, %add3A_267, %dma_start3A_272, %dma_start3A_273] : memref<32x80x2x125xi32, #tpu.memory_space<hbm>> -> memref<1x1x2x125xi32, #tpu.memory_space<hbm>>
        %dma_start3A_275 = tpu.memref_squeeze %dma_start3A_274 : memref<1x1x2x125xi32, #tpu.memory_space<hbm>> -> memref<2x125xi32, #tpu.memory_space<hbm>>
        tpu.enqueue_dma source(%dma_start3A_275 : memref<2x125xi32, #tpu.memory_space<hbm>>) target(%arg6 : memref<2x125xi32, #tpu.memory_space<vmem>>) target_semaphore(%arg16 : memref<!tpu.dma_semaphore, #tpu.memory_space<semaphore_mem>>)
      } else {
      }
      %add3A_187 = arith.constant 2 : i32
      %add3A_188 = arith.addi %add3A_171, %add3A_187 : i32
      %lt3A_189 = arith.constant 80 : i32
      %lt3A_190 = arith.cmpi slt, %add3A_188, %lt3A_189 : i32
      %convert_element_type3A_191 = arith.extui %lt3A_190 : i1 to i32
      %cond3A_192 = arith.constant 0 : i32
      %cond3A_193 = arith.cmpi ne, %convert_element_type3A_191, %cond3A_192 : i32
      scf.if %cond3A_193 {
        %add3A_266 = arith.constant 2 : i32
        %add3A_267 = arith.addi %add3A_171, %add3A_266 : i32
        %dma_wait3A_268 = arith.constant 0 : i32
        %dma_wait3A_269 = arith.constant 0 : i32
        %dma_wait3A_270 = tpu.memref_slice %arg3[%add3A, %add3A_267, %dma_wait3A_268, %dma_wait3A_269] : memref<32x80x2x125xi32, #tpu.memory_space<hbm>> -> memref<1x1x2x125xi32, #tpu.memory_space<hbm>>
        %dma_wait3A_271 = tpu.memref_squeeze %dma_wait3A_270 : memref<1x1x2x125xi32, #tpu.memory_space<hbm>> -> memref<2x125xi32, #tpu.memory_space<hbm>>
        %dma_wait3A_272 = arith.constant 0 : i32
        %dma_wait3A_273 = arith.constant 0 : i32
        %dma_wait3A_274 = tpu.memref_slice %arg3[%add3A, %add3A_267, %dma_wait3A_272, %dma_wait3A_273] : memref<32x80x2x125xi32, #tpu.memory_space<hbm>> -> memref<1x1x2x125xi32, #tpu.memory_space<hbm>>
        %dma_wait3A_275 = tpu.memref_squeeze %dma_wait3A_274 : memref<1x1x2x125xi32, #tpu.memory_space<hbm>> -> memref<2x125xi32, #tpu.memory_space<hbm>>
        tpu.wait_dma2 semaphore(%arg22 : memref<!tpu.dma_semaphore, #tpu.memory_space<semaphore_mem>>) src(%dma_wait3A_275 : memref<2x125xi32, #tpu.memory_space<hbm>>) dst(%arg12 : memref<2x125xi32, #tpu.memory_space<vmem>>)
        %dma_start3A_276 = arith.constant 0 : i32
        %dma_start3A_277 = arith.constant 0 : i32
        %dma_start3A_278 = tpu.memref_slice %arg12[%dma_start3A_276, %dma_start3A_277] : memref<2x125xi32, #tpu.memory_space<vmem>> -> memref<1x125xi32, #tpu.memory_space<vmem>>
        %dma_start3A_279 = tpu.memref_squeeze %dma_start3A_278 : memref<1x125xi32, #tpu.memory_space<vmem>> -> memref<125xi32, #tpu.memory_space<vmem>>
        %dma_start3A_280 = arith.constant 0 : i32
        %dma_start3A_281 = arith.constant 0 : i32
        %dma_start3A_282 = tpu.memref_slice %arg2[%dma_start3A_280, %dma_start3A_281] : memref<10000x128xf32, #tpu.memory_space<hbm>> -> memref<10000x128xf32, #tpu.memory_space<hbm>>
        tpu.enqueue_indirect_dma source(%dma_start3A_282 : memref<10000x128xf32, #tpu.memory_space<hbm>>) target(%arg14 : memref<125x128xf32, #tpu.memory_space<vmem>>) offsets(%dma_start3A_279 : memref<125xi32, #tpu.memory_space<vmem>>) semaphore(%arg24 : memref<!tpu.dma_semaphore, #tpu.memory_space<semaphore_mem>>)
      } else {
      }
      %add3A_194 = arith.constant 5 : i32
      %add3A_195 = arith.addi %mul3A_77, %add3A_194 : i32
      %dma_wait3A_196 = arith.constant 0 : i32
      %dma_wait3A_197 = arith.constant 0 : i32
      %dma_wait3A_198 = tpu.memref_slice %arg11[%dma_wait3A_196, %dma_wait3A_197] : memref<2x125xi32, #tpu.memory_space<vmem>> -> memref<1x125xi32, #tpu.memory_space<vmem>>
      %dma_wait3A_199 = tpu.memref_squeeze %dma_wait3A_198 : memref<1x125xi32, #tpu.memory_space<vmem>> -> memref<125xi32, #tpu.memory_space<vmem>>
      %dma_wait3A_200 = arith.constant 0 : i32
      %dma_wait3A_201 = arith.constant 0 : i32
      %dma_wait3A_202 = tpu.memref_slice %arg2[%dma_wait3A_200, %dma_wait3A_201] : memref<10000x128xf32, #tpu.memory_space<hbm>> -> memref<10000x128xf32, #tpu.memory_space<hbm>>
      tpu.wait_indirect_dma semaphore(%arg25 : memref<!tpu.dma_semaphore, #tpu.memory_space<semaphore_mem>>) src(%dma_wait3A_202 : memref<10000x128xf32, #tpu.memory_space<hbm>>) dst(%arg15 : memref<125x128xf32, #tpu.memory_space<vmem>>)
      %run_scoped3A_203 = arith.constant 1 : i32
      "tpu.region"() ({
        %run_scoped3A_266 = tpu.sem_alloc : memref<!tpu.dma_semaphore, #tpu.memory_space<semaphore_mem>>
        %dma_start3A_267 = arith.constant 0 : i32
        %dma_start3A_268 = tpu.memref_slice %arg11[%run_scoped3A_203, %dma_start3A_267] : memref<2x125xi32, #tpu.memory_space<vmem>> -> memref<1x125xi32, #tpu.memory_space<vmem>>
        %dma_start3A_269 = tpu.memref_squeeze %dma_start3A_268 : memref<1x125xi32, #tpu.memory_space<vmem>> -> memref<125xi32, #tpu.memory_space<vmem>>
        %dma_start3A_270 = arith.constant 0 : i32
        %dma_start3A_271 = arith.constant 0 : i32
        %dma_start3A_272 = tpu.memref_slice %arg26[%dma_start3A_270, %dma_start3A_271] : memref<10240x128xf32, #tpu.memory_space<vmem_shared>> -> memref<10240x128xf32, #tpu.memory_space<vmem_shared>>
        tpu.enqueue_indirect_dma source(%arg15 : memref<125x128xf32, #tpu.memory_space<vmem>>) target(%dma_start3A_272 : memref<10240x128xf32, #tpu.memory_space<vmem_shared>>) offsets(%dma_start3A_269 : memref<125xi32, #tpu.memory_space<vmem>>) semaphore(%run_scoped3A_266 : memref<!tpu.dma_semaphore, #tpu.memory_space<semaphore_mem>>) {add = true}
        %dma_wait3A_273 = arith.constant 0 : i32
        %dma_wait3A_274 = tpu.memref_slice %arg11[%run_scoped3A_203, %dma_wait3A_273] : memref<2x125xi32, #tpu.memory_space<vmem>> -> memref<1x125xi32, #tpu.memory_space<vmem>>
        %dma_wait3A_275 = tpu.memref_squeeze %dma_wait3A_274 : memref<1x125xi32, #tpu.memory_space<vmem>> -> memref<125xi32, #tpu.memory_space<vmem>>
        %dma_wait3A_276 = arith.constant 0 : i32
        %dma_wait3A_277 = arith.constant 0 : i32
        %dma_wait3A_278 = tpu.memref_slice %arg26[%dma_wait3A_276, %dma_wait3A_277] : memref<10240x128xf32, #tpu.memory_space<vmem_shared>> -> memref<10240x128xf32, #tpu.memory_space<vmem_shared>>
        tpu.wait_indirect_dma semaphore(%run_scoped3A_266 : memref<!tpu.dma_semaphore, #tpu.memory_space<semaphore_mem>>) src(%arg15 : memref<125x128xf32, #tpu.memory_space<vmem>>) dst(%dma_wait3A_278 : memref<10240x128xf32, #tpu.memory_space<vmem_shared>>)
        tpu.yield
      }) : () -> ()
      %add3A_204 = arith.constant 4 : i32
      %add3A_205 = arith.addi %add3A_195, %add3A_204 : i32
      %lt3A_206 = arith.constant 80 : i32
      %lt3A_207 = arith.cmpi slt, %add3A_205, %lt3A_206 : i32
      %convert_element_type3A_208 = arith.extui %lt3A_207 : i1 to i32
      %cond3A_209 = arith.constant 0 : i32
      %cond3A_210 = arith.cmpi ne, %convert_element_type3A_208, %cond3A_209 : i32
      scf.if %cond3A_210 {
        %add3A_266 = arith.constant 4 : i32
        %add3A_267 = arith.addi %add3A_195, %add3A_266 : i32
        %dma_start3A_268 = arith.constant 0 : i32
        %dma_start3A_269 = arith.constant 0 : i32
        %dma_start3A_270 = tpu.memref_slice %arg3[%add3A, %add3A_267, %dma_start3A_268, %dma_start3A_269] : memref<32x80x2x125xi32, #tpu.memory_space<hbm>> -> memref<1x1x2x125xi32, #tpu.memory_space<hbm>>
        %dma_start3A_271 = tpu.memref_squeeze %dma_start3A_270 : memref<1x1x2x125xi32, #tpu.memory_space<hbm>> -> memref<2x125xi32, #tpu.memory_space<hbm>>
        %dma_start3A_272 = arith.constant 0 : i32
        %dma_start3A_273 = arith.constant 0 : i32
        %dma_start3A_274 = tpu.memref_slice %arg3[%add3A, %add3A_267, %dma_start3A_272, %dma_start3A_273] : memref<32x80x2x125xi32, #tpu.memory_space<hbm>> -> memref<1x1x2x125xi32, #tpu.memory_space<hbm>>
        %dma_start3A_275 = tpu.memref_squeeze %dma_start3A_274 : memref<1x1x2x125xi32, #tpu.memory_space<hbm>> -> memref<2x125xi32, #tpu.memory_space<hbm>>
        tpu.enqueue_dma source(%dma_start3A_275 : memref<2x125xi32, #tpu.memory_space<hbm>>) target(%arg7 : memref<2x125xi32, #tpu.memory_space<vmem>>) target_semaphore(%arg17 : memref<!tpu.dma_semaphore, #tpu.memory_space<semaphore_mem>>)
      } else {
      }
      %add3A_211 = arith.constant 2 : i32
      %add3A_212 = arith.addi %add3A_195, %add3A_211 : i32
      %lt3A_213 = arith.constant 80 : i32
      %lt3A_214 = arith.cmpi slt, %add3A_212, %lt3A_213 : i32
      %convert_element_type3A_215 = arith.extui %lt3A_214 : i1 to i32
      %cond3A_216 = arith.constant 0 : i32
      %cond3A_217 = arith.cmpi ne, %convert_element_type3A_215, %cond3A_216 : i32
      scf.if %cond3A_217 {
        %add3A_266 = arith.constant 2 : i32
        %add3A_267 = arith.addi %add3A_195, %add3A_266 : i32
        %dma_wait3A_268 = arith.constant 0 : i32
        %dma_wait3A_269 = arith.constant 0 : i32
        %dma_wait3A_270 = tpu.memref_slice %arg3[%add3A, %add3A_267, %dma_wait3A_268, %dma_wait3A_269] : memref<32x80x2x125xi32, #tpu.memory_space<hbm>> -> memref<1x1x2x125xi32, #tpu.memory_space<hbm>>
        %dma_wait3A_271 = tpu.memref_squeeze %dma_wait3A_270 : memref<1x1x2x125xi32, #tpu.memory_space<hbm>> -> memref<2x125xi32, #tpu.memory_space<hbm>>
        %dma_wait3A_272 = arith.constant 0 : i32
        %dma_wait3A_273 = arith.constant 0 : i32
        %dma_wait3A_274 = tpu.memref_slice %arg3[%add3A, %add3A_267, %dma_wait3A_272, %dma_wait3A_273] : memref<32x80x2x125xi32, #tpu.memory_space<hbm>> -> memref<1x1x2x125xi32, #tpu.memory_space<hbm>>
        %dma_wait3A_275 = tpu.memref_squeeze %dma_wait3A_274 : memref<1x1x2x125xi32, #tpu.memory_space<hbm>> -> memref<2x125xi32, #tpu.memory_space<hbm>>
        tpu.wait_dma2 semaphore(%arg23 : memref<!tpu.dma_semaphore, #tpu.memory_space<semaphore_mem>>) src(%dma_wait3A_275 : memref<2x125xi32, #tpu.memory_space<hbm>>) dst(%arg13 : memref<2x125xi32, #tpu.memory_space<vmem>>)
        %dma_start3A_276 = arith.constant 0 : i32
        %dma_start3A_277 = arith.constant 0 : i32
        %dma_start3A_278 = tpu.memref_slice %arg13[%dma_start3A_276, %dma_start3A_277] : memref<2x125xi32, #tpu.memory_space<vmem>> -> memref<1x125xi32, #tpu.memory_space<vmem>>
        %dma_start3A_279 = tpu.memref_squeeze %dma_start3A_278 : memref<1x125xi32, #tpu.memory_space<vmem>> -> memref<125xi32, #tpu.memory_space<vmem>>
        %dma_start3A_280 = arith.constant 0 : i32
        %dma_start3A_281 = arith.constant 0 : i32
        %dma_start3A_282 = tpu.memref_slice %arg2[%dma_start3A_280, %dma_start3A_281] : memref<10000x128xf32, #tpu.memory_space<hbm>> -> memref<10000x128xf32, #tpu.memory_space<hbm>>
        tpu.enqueue_indirect_dma source(%dma_start3A_282 : memref<10000x128xf32, #tpu.memory_space<hbm>>) target(%arg15 : memref<125x128xf32, #tpu.memory_space<vmem>>) offsets(%dma_start3A_279 : memref<125xi32, #tpu.memory_space<vmem>>) semaphore(%arg25 : memref<!tpu.dma_semaphore, #tpu.memory_space<semaphore_mem>>)
      } else {
      }
      %add3A_218 = arith.constant 6 : i32
      %add3A_219 = arith.addi %mul3A_77, %add3A_218 : i32
      %dma_wait3A_220 = arith.constant 0 : i32
      %dma_wait3A_221 = arith.constant 0 : i32
      %dma_wait3A_222 = tpu.memref_slice %arg12[%dma_wait3A_220, %dma_wait3A_221] : memref<2x125xi32, #tpu.memory_space<vmem>> -> memref<1x125xi32, #tpu.memory_space<vmem>>
      %dma_wait3A_223 = tpu.memref_squeeze %dma_wait3A_222 : memref<1x125xi32, #tpu.memory_space<vmem>> -> memref<125xi32, #tpu.memory_space<vmem>>
      %dma_wait3A_224 = arith.constant 0 : i32
      %dma_wait3A_225 = arith.constant 0 : i32
      %dma_wait3A_226 = tpu.memref_slice %arg2[%dma_wait3A_224, %dma_wait3A_225] : memref<10000x128xf32, #tpu.memory_space<hbm>> -> memref<10000x128xf32, #tpu.memory_space<hbm>>
      tpu.wait_indirect_dma semaphore(%arg24 : memref<!tpu.dma_semaphore, #tpu.memory_space<semaphore_mem>>) src(%dma_wait3A_226 : memref<10000x128xf32, #tpu.memory_space<hbm>>) dst(%arg14 : memref<125x128xf32, #tpu.memory_space<vmem>>)
      %run_scoped3A_227 = arith.constant 1 : i32
      "tpu.region"() ({
        %run_scoped3A_266 = tpu.sem_alloc : memref<!tpu.dma_semaphore, #tpu.memory_space<semaphore_mem>>
        %dma_start3A_267 = arith.constant 0 : i32
        %dma_start3A_268 = tpu.memref_slice %arg12[%run_scoped3A_227, %dma_start3A_267] : memref<2x125xi32, #tpu.memory_space<vmem>> -> memref<1x125xi32, #tpu.memory_space<vmem>>
        %dma_start3A_269 = tpu.memref_squeeze %dma_start3A_268 : memref<1x125xi32, #tpu.memory_space<vmem>> -> memref<125xi32, #tpu.memory_space<vmem>>
        %dma_start3A_270 = arith.constant 0 : i32
        %dma_start3A_271 = arith.constant 0 : i32
        %dma_start3A_272 = tpu.memref_slice %arg26[%dma_start3A_270, %dma_start3A_271] : memref<10240x128xf32, #tpu.memory_space<vmem_shared>> -> memref<10240x128xf32, #tpu.memory_space<vmem_shared>>
        tpu.enqueue_indirect_dma source(%arg14 : memref<125x128xf32, #tpu.memory_space<vmem>>) target(%dma_start3A_272 : memref<10240x128xf32, #tpu.memory_space<vmem_shared>>) offsets(%dma_start3A_269 : memref<125xi32, #tpu.memory_space<vmem>>) semaphore(%run_scoped3A_266 : memref<!tpu.dma_semaphore, #tpu.memory_space<semaphore_mem>>) {add = true}
        %dma_wait3A_273 = arith.constant 0 : i32
        %dma_wait3A_274 = tpu.memref_slice %arg12[%run_scoped3A_227, %dma_wait3A_273] : memref<2x125xi32, #tpu.memory_space<vmem>> -> memref<1x125xi32, #tpu.memory_space<vmem>>
        %dma_wait3A_275 = tpu.memref_squeeze %dma_wait3A_274 : memref<1x125xi32, #tpu.memory_space<vmem>> -> memref<125xi32, #tpu.memory_space<vmem>>
        %dma_wait3A_276 = arith.constant 0 : i32
        %dma_wait3A_277 = arith.constant 0 : i32
        %dma_wait3A_278 = tpu.memref_slice %arg26[%dma_wait3A_276, %dma_wait3A_277] : memref<10240x128xf32, #tpu.memory_space<vmem_shared>> -> memref<10240x128xf32, #tpu.memory_space<vmem_shared>>
        tpu.wait_indirect_dma semaphore(%run_scoped3A_266 : memref<!tpu.dma_semaphore, #tpu.memory_space<semaphore_mem>>) src(%arg14 : memref<125x128xf32, #tpu.memory_space<vmem>>) dst(%dma_wait3A_278 : memref<10240x128xf32, #tpu.memory_space<vmem_shared>>)
        tpu.yield
      }) : () -> ()
      %add3A_228 = arith.constant 4 : i32
      %add3A_229 = arith.addi %add3A_219, %add3A_228 : i32
      %lt3A_230 = arith.constant 80 : i32
      %lt3A_231 = arith.cmpi slt, %add3A_229, %lt3A_230 : i32
      %convert_element_type3A_232 = arith.extui %lt3A_231 : i1 to i32
      %cond3A_233 = arith.constant 0 : i32
      %cond3A_234 = arith.cmpi ne, %convert_element_type3A_232, %cond3A_233 : i32
      scf.if %cond3A_234 {
        %add3A_266 = arith.constant 4 : i32
        %add3A_267 = arith.addi %add3A_219, %add3A_266 : i32
        %dma_start3A_268 = arith.constant 0 : i32
        %dma_start3A_269 = arith.constant 0 : i32
        %dma_start3A_270 = tpu.memref_slice %arg3[%add3A, %add3A_267, %dma_start3A_268, %dma_start3A_269] : memref<32x80x2x125xi32, #tpu.memory_space<hbm>> -> memref<1x1x2x125xi32, #tpu.memory_space<hbm>>
        %dma_start3A_271 = tpu.memref_squeeze %dma_start3A_270 : memref<1x1x2x125xi32, #tpu.memory_space<hbm>> -> memref<2x125xi32, #tpu.memory_space<hbm>>
        %dma_start3A_272 = arith.constant 0 : i32
        %dma_start3A_273 = arith.constant 0 : i32
        %dma_start3A_274 = tpu.memref_slice %arg3[%add3A, %add3A_267, %dma_start3A_272, %dma_start3A_273] : memref<32x80x2x125xi32, #tpu.memory_space<hbm>> -> memref<1x1x2x125xi32, #tpu.memory_space<hbm>>
        %dma_start3A_275 = tpu.memref_squeeze %dma_start3A_274 : memref<1x1x2x125xi32, #tpu.memory_space<hbm>> -> memref<2x125xi32, #tpu.memory_space<hbm>>
        tpu.enqueue_dma source(%dma_start3A_275 : memref<2x125xi32, #tpu.memory_space<hbm>>) target(%arg8 : memref<2x125xi32, #tpu.memory_space<vmem>>) target_semaphore(%arg18 : memref<!tpu.dma_semaphore, #tpu.memory_space<semaphore_mem>>)
      } else {
      }
      %add3A_235 = arith.constant 2 : i32
      %add3A_236 = arith.addi %add3A_219, %add3A_235 : i32
      %lt3A_237 = arith.constant 80 : i32
      %lt3A_238 = arith.cmpi slt, %add3A_236, %lt3A_237 : i32
      %convert_element_type3A_239 = arith.extui %lt3A_238 : i1 to i32
      %cond3A_240 = arith.constant 0 : i32
      %cond3A_241 = arith.cmpi ne, %convert_element_type3A_239, %cond3A_240 : i32
      scf.if %cond3A_241 {
        %add3A_266 = arith.constant 2 : i32
        %add3A_267 = arith.addi %add3A_219, %add3A_266 : i32
        %dma_wait3A_268 = arith.constant 0 : i32
        %dma_wait3A_269 = arith.constant 0 : i32
        %dma_wait3A_270 = tpu.memref_slice %arg3[%add3A, %add3A_267, %dma_wait3A_268, %dma_wait3A_269] : memref<32x80x2x125xi32, #tpu.memory_space<hbm>> -> memref<1x1x2x125xi32, #tpu.memory_space<hbm>>
        %dma_wait3A_271 = tpu.memref_squeeze %dma_wait3A_270 : memref<1x1x2x125xi32, #tpu.memory_space<hbm>> -> memref<2x125xi32, #tpu.memory_space<hbm>>
        %dma_wait3A_272 = arith.constant 0 : i32
        %dma_wait3A_273 = arith.constant 0 : i32
        %dma_wait3A_274 = tpu.memref_slice %arg3[%add3A, %add3A_267, %dma_wait3A_272, %dma_wait3A_273] : memref<32x80x2x125xi32, #tpu.memory_space<hbm>> -> memref<1x1x2x125xi32, #tpu.memory_space<hbm>>
        %dma_wait3A_275 = tpu.memref_squeeze %dma_wait3A_274 : memref<1x1x2x125xi32, #tpu.memory_space<hbm>> -> memref<2x125xi32, #tpu.memory_space<hbm>>
        tpu.wait_dma2 semaphore(%arg16 : memref<!tpu.dma_semaphore, #tpu.memory_space<semaphore_mem>>) src(%dma_wait3A_275 : memref<2x125xi32, #tpu.memory_space<hbm>>) dst(%arg6 : memref<2x125xi32, #tpu.memory_space<vmem>>)
        %dma_start3A_276 = arith.constant 0 : i32
        %dma_start3A_277 = arith.constant 0 : i32
        %dma_start3A_278 = tpu.memref_slice %arg6[%dma_start3A_276, %dma_start3A_277] : memref<2x125xi32, #tpu.memory_space<vmem>> -> memref<1x125xi32, #tpu.memory_space<vmem>>
        %dma_start3A_279 = tpu.memref_squeeze %dma_start3A_278 : memref<1x125xi32, #tpu.memory_space<vmem>> -> memref<125xi32, #tpu.memory_space<vmem>>
        %dma_start3A_280 = arith.constant 0 : i32
        %dma_start3A_281 = arith.constant 0 : i32
        %dma_start3A_282 = tpu.memref_slice %arg2[%dma_start3A_280, %dma_start3A_281] : memref<10000x128xf32, #tpu.memory_space<hbm>> -> memref<10000x128xf32, #tpu.memory_space<hbm>>
        tpu.enqueue_indirect_dma source(%dma_start3A_282 : memref<10000x128xf32, #tpu.memory_space<hbm>>) target(%arg14 : memref<125x128xf32, #tpu.memory_space<vmem>>) offsets(%dma_start3A_279 : memref<125xi32, #tpu.memory_space<vmem>>) semaphore(%arg24 : memref<!tpu.dma_semaphore, #tpu.memory_space<semaphore_mem>>)
      } else {
      }
      %add3A_242 = arith.constant 7 : i32
      %add3A_243 = arith.addi %mul3A_77, %add3A_242 : i32
      %dma_wait3A_244 = arith.constant 0 : i32
      %dma_wait3A_245 = arith.constant 0 : i32
      %dma_wait3A_246 = tpu.memref_slice %arg13[%dma_wait3A_244, %dma_wait3A_245] : memref<2x125xi32, #tpu.memory_space<vmem>> -> memref<1x125xi32, #tpu.memory_space<vmem>>
      %dma_wait3A_247 = tpu.memref_squeeze %dma_wait3A_246 : memref<1x125xi32, #tpu.memory_space<vmem>> -> memref<125xi32, #tpu.memory_space<vmem>>
      %dma_wait3A_248 = arith.constant 0 : i32
      %dma_wait3A_249 = arith.constant 0 : i32
      %dma_wait3A_250 = tpu.memref_slice %arg2[%dma_wait3A_248, %dma_wait3A_249] : memref<10000x128xf32, #tpu.memory_space<hbm>> -> memref<10000x128xf32, #tpu.memory_space<hbm>>
      tpu.wait_indirect_dma semaphore(%arg25 : memref<!tpu.dma_semaphore, #tpu.memory_space<semaphore_mem>>) src(%dma_wait3A_250 : memref<10000x128xf32, #tpu.memory_space<hbm>>) dst(%arg15 : memref<125x128xf32, #tpu.memory_space<vmem>>)
      %run_scoped3A_251 = arith.constant 1 : i32
      "tpu.region"() ({
        %run_scoped3A_266 = tpu.sem_alloc : memref<!tpu.dma_semaphore, #tpu.memory_space<semaphore_mem>>
        %dma_start3A_267 = arith.constant 0 : i32
        %dma_start3A_268 = tpu.memref_slice %arg13[%run_scoped3A_251, %dma_start3A_267] : memref<2x125xi32, #tpu.memory_space<vmem>> -> memref<1x125xi32, #tpu.memory_space<vmem>>
        %dma_start3A_269 = tpu.memref_squeeze %dma_start3A_268 : memref<1x125xi32, #tpu.memory_space<vmem>> -> memref<125xi32, #tpu.memory_space<vmem>>
        %dma_start3A_270 = arith.constant 0 : i32
        %dma_start3A_271 = arith.constant 0 : i32
        %dma_start3A_272 = tpu.memref_slice %arg26[%dma_start3A_270, %dma_start3A_271] : memref<10240x128xf32, #tpu.memory_space<vmem_shared>> -> memref<10240x128xf32, #tpu.memory_space<vmem_shared>>
        tpu.enqueue_indirect_dma source(%arg15 : memref<125x128xf32, #tpu.memory_space<vmem>>) target(%dma_start3A_272 : memref<10240x128xf32, #tpu.memory_space<vmem_shared>>) offsets(%dma_start3A_269 : memref<125xi32, #tpu.memory_space<vmem>>) semaphore(%run_scoped3A_266 : memref<!tpu.dma_semaphore, #tpu.memory_space<semaphore_mem>>) {add = true}
        %dma_wait3A_273 = arith.constant 0 : i32
        %dma_wait3A_274 = tpu.memref_slice %arg13[%run_scoped3A_251, %dma_wait3A_273] : memref<2x125xi32, #tpu.memory_space<vmem>> -> memref<1x125xi32, #tpu.memory_space<vmem>>
        %dma_wait3A_275 = tpu.memref_squeeze %dma_wait3A_274 : memref<1x125xi32, #tpu.memory_space<vmem>> -> memref<125xi32, #tpu.memory_space<vmem>>
        %dma_wait3A_276 = arith.constant 0 : i32
        %dma_wait3A_277 = arith.constant 0 : i32
        %dma_wait3A_278 = tpu.memref_slice %arg26[%dma_wait3A_276, %dma_wait3A_277] : memref<10240x128xf32, #tpu.memory_space<vmem_shared>> -> memref<10240x128xf32, #tpu.memory_space<vmem_shared>>
        tpu.wait_indirect_dma semaphore(%run_scoped3A_266 : memref<!tpu.dma_semaphore, #tpu.memory_space<semaphore_mem>>) src(%arg15 : memref<125x128xf32, #tpu.memory_space<vmem>>) dst(%dma_wait3A_278 : memref<10240x128xf32, #tpu.memory_space<vmem_shared>>)
        tpu.yield
      }) : () -> ()
      %add3A_252 = arith.constant 4 : i32
      %add3A_253 = arith.addi %add3A_243, %add3A_252 : i32
      %lt3A_254 = arith.constant 80 : i32
      %lt3A_255 = arith.cmpi slt, %add3A_253, %lt3A_254 : i32
      %convert_element_type3A_256 = arith.extui %lt3A_255 : i1 to i32
      %cond3A_257 = arith.constant 0 : i32
      %cond3A_258 = arith.cmpi ne, %convert_element_type3A_256, %cond3A_257 : i32
      scf.if %cond3A_258 {
        %add3A_266 = arith.constant 4 : i32
        %add3A_267 = arith.addi %add3A_243, %add3A_266 : i32
        %dma_start3A_268 = arith.constant 0 : i32
        %dma_start3A_269 = arith.constant 0 : i32
        %dma_start3A_270 = tpu.memref_slice %arg3[%add3A, %add3A_267, %dma_start3A_268, %dma_start3A_269] : memref<32x80x2x125xi32, #tpu.memory_space<hbm>> -> memref<1x1x2x125xi32, #tpu.memory_space<hbm>>
        %dma_start3A_271 = tpu.memref_squeeze %dma_start3A_270 : memref<1x1x2x125xi32, #tpu.memory_space<hbm>> -> memref<2x125xi32, #tpu.memory_space<hbm>>
        %dma_start3A_272 = arith.constant 0 : i32
        %dma_start3A_273 = arith.constant 0 : i32
        %dma_start3A_274 = tpu.memref_slice %arg3[%add3A, %add3A_267, %dma_start3A_272, %dma_start3A_273] : memref<32x80x2x125xi32, #tpu.memory_space<hbm>> -> memref<1x1x2x125xi32, #tpu.memory_space<hbm>>
        %dma_start3A_275 = tpu.memref_squeeze %dma_start3A_274 : memref<1x1x2x125xi32, #tpu.memory_space<hbm>> -> memref<2x125xi32, #tpu.memory_space<hbm>>
        tpu.enqueue_dma source(%dma_start3A_275 : memref<2x125xi32, #tpu.memory_space<hbm>>) target(%arg9 : memref<2x125xi32, #tpu.memory_space<vmem>>) target_semaphore(%arg19 : memref<!tpu.dma_semaphore, #tpu.memory_space<semaphore_mem>>)
      } else {
      }
      %add3A_259 = arith.constant 2 : i32
      %add3A_260 = arith.addi %add3A_243, %add3A_259 : i32
      %lt3A_261 = arith.constant 80 : i32
      %lt3A_262 = arith.cmpi slt, %add3A_260, %lt3A_261 : i32
      %convert_element_type3A_263 = arith.extui %lt3A_262 : i1 to i32
      %cond3A_264 = arith.constant 0 : i32
      %cond3A_265 = arith.cmpi ne, %convert_element_type3A_263, %cond3A_264 : i32
      scf.if %cond3A_265 {
        %add3A_266 = arith.constant 2 : i32
        %add3A_267 = arith.addi %add3A_243, %add3A_266 : i32
        %dma_wait3A_268 = arith.constant 0 : i32
        %dma_wait3A_269 = arith.constant 0 : i32
        %dma_wait3A_270 = tpu.memref_slice %arg3[%add3A, %add3A_267, %dma_wait3A_268, %dma_wait3A_269] : memref<32x80x2x125xi32, #tpu.memory_space<hbm>> -> memref<1x1x2x125xi32, #tpu.memory_space<hbm>>
        %dma_wait3A_271 = tpu.memref_squeeze %dma_wait3A_270 : memref<1x1x2x125xi32, #tpu.memory_space<hbm>> -> memref<2x125xi32, #tpu.memory_space<hbm>>
        %dma_wait3A_272 = arith.constant 0 : i32
        %dma_wait3A_273 = arith.constant 0 : i32
        %dma_wait3A_274 = tpu.memref_slice %arg3[%add3A, %add3A_267, %dma_wait3A_272, %dma_wait3A_273] : memref<32x80x2x125xi32, #tpu.memory_space<hbm>> -> memref<1x1x2x125xi32, #tpu.memory_space<hbm>>
        %dma_wait3A_275 = tpu.memref_squeeze %dma_wait3A_274 : memref<1x1x2x125xi32, #tpu.memory_space<hbm>> -> memref<2x125xi32, #tpu.memory_space<hbm>>
        tpu.wait_dma2 semaphore(%arg17 : memref<!tpu.dma_semaphore, #tpu.memory_space<semaphore_mem>>) src(%dma_wait3A_275 : memref<2x125xi32, #tpu.memory_space<hbm>>) dst(%arg7 : memref<2x125xi32, #tpu.memory_space<vmem>>)
        %dma_start3A_276 = arith.constant 0 : i32
        %dma_start3A_277 = arith.constant 0 : i32
        %dma_start3A_278 = tpu.memref_slice %arg7[%dma_start3A_276, %dma_start3A_277] : memref<2x125xi32, #tpu.memory_space<vmem>> -> memref<1x125xi32, #tpu.memory_space<vmem>>
        %dma_start3A_279 = tpu.memref_squeeze %dma_start3A_278 : memref<1x125xi32, #tpu.memory_space<vmem>> -> memref<125xi32, #tpu.memory_space<vmem>>
        %dma_start3A_280 = arith.constant 0 : i32
        %dma_start3A_281 = arith.constant 0 : i32
        %dma_start3A_282 = tpu.memref_slice %arg2[%dma_start3A_280, %dma_start3A_281] : memref<10000x128xf32, #tpu.memory_space<hbm>> -> memref<10000x128xf32, #tpu.memory_space<hbm>>
        tpu.enqueue_indirect_dma source(%dma_start3A_282 : memref<10000x128xf32, #tpu.memory_space<hbm>>) target(%arg15 : memref<125x128xf32, #tpu.memory_space<vmem>>) offsets(%dma_start3A_279 : memref<125xi32, #tpu.memory_space<vmem>>) semaphore(%arg25 : memref<!tpu.dma_semaphore, #tpu.memory_space<semaphore_mem>>)
      } else {
      }
    }
    %scan3A_73 = arith.constant 10 : i32
    %barrier3A_74 = arith.constant 0 : index
    tpu.barrier barrier_id(%barrier3A_74)
    "tpu.region"() ({
      %run_scoped3A = tpu.sem_alloc : memref<!tpu.dma_semaphore, #tpu.memory_space<semaphore_mem>>
      %dma_start3A_75 = arith.constant 0 : i32
      %dma_start3A_76 = tpu.memref_slice %arg5[%arg0, %mul3A_2, %dma_start3A_75] : memref<2x10240x128xf32, #tpu.memory_space<hbm>> -> memref<1x640x128xf32, #tpu.memory_space<hbm>>
      %dma_start3A_77 = tpu.memref_squeeze %dma_start3A_76 : memref<1x640x128xf32, #tpu.memory_space<hbm>> -> memref<640x128xf32, #tpu.memory_space<hbm>>
      %dma_start3A_78 = arith.constant 0 : i32
      %dma_start3A_79 = tpu.memref_slice %arg26[%mul3A_2, %dma_start3A_78] : memref<10240x128xf32, #tpu.memory_space<vmem_shared>> -> memref<640x128xf32, #tpu.memory_space<vmem_shared>>
      tpu.enqueue_dma source(%dma_start3A_79 : memref<640x128xf32, #tpu.memory_space<vmem_shared>>) target(%dma_start3A_77 : memref<640x128xf32, #tpu.memory_space<hbm>>) target_semaphore(%run_scoped3A : memref<!tpu.dma_semaphore, #tpu.memory_space<semaphore_mem>>)
      %dma_wait3A_80 = arith.constant 0 : i32
      %dma_wait3A_81 = tpu.memref_slice %arg5[%arg0, %mul3A_2, %dma_wait3A_80] : memref<2x10240x128xf32, #tpu.memory_space<hbm>> -> memref<1x640x128xf32, #tpu.memory_space<hbm>>
      %dma_wait3A_82 = tpu.memref_squeeze %dma_wait3A_81 : memref<1x640x128xf32, #tpu.memory_space<hbm>> -> memref<640x128xf32, #tpu.memory_space<hbm>>
      %dma_wait3A_83 = arith.constant 0 : i32
      %dma_wait3A_84 = tpu.memref_slice %arg26[%mul3A_2, %dma_wait3A_83] : memref<10240x128xf32, #tpu.memory_space<vmem_shared>> -> memref<640x128xf32, #tpu.memory_space<vmem_shared>>
      tpu.wait_dma2 semaphore(%run_scoped3A : memref<!tpu.dma_semaphore, #tpu.memory_space<semaphore_mem>>) src(%dma_wait3A_84 : memref<640x128xf32, #tpu.memory_space<vmem_shared>>) dst(%dma_wait3A_82 : memref<640x128xf32, #tpu.memory_space<hbm>>)
      tpu.yield
    }) : () -> ()
    return
  }
}

#map = affine_map<(d0, d1) -> (0, 0)>
#map1 = affine_map<(d0, d1) -> (0, 0, 0, 0)>
#map2 = affine_map<(d0, d1) -> (0, 0, 0)>
module attributes {stable_mosaic.version = 14 : i64} {
  func.func @_scatter_kernel(%arg0: i32, %arg1: i32, %arg2: memref<10000x128xf32, #tpu.memory_space<hbm>>, %arg3: memref<32x80x2x125xi32, #tpu.memory_space<hbm>>, %arg4: memref<10240x128xf32, #tpu.memory_space<hbm>>, %arg5: memref<2x10240x128xf32, #tpu.memory_space<hbm>>, %arg6: memref<2x125xi32, #tpu.memory_space<vmem>>, %arg7: memref<2x125xi32, #tpu.memory_space<vmem>>, %arg8: memref<2x125xi32, #tpu.memory_space<vmem>>, %arg9: memref<2x125xi32, #tpu.memory_space<vmem>>, %arg10: memref<2x125xi32, #tpu.memory_space<vmem>>, %arg11: memref<2x125xi32, #tpu.memory_space<vmem>>, %arg12: memref<2x125xi32, #tpu.memory_space<vmem>>, %arg13: memref<2x125xi32, #tpu.memory_space<vmem>>, %arg14: memref<125x128xf32, #tpu.memory_space<vmem>>, %arg15: memref<125x128xf32, #tpu.memory_space<vmem>>, %arg16: memref<!tpu.dma_semaphore, #tpu.memory_space<semaphore_mem>>, %arg17: memref<!tpu.dma_semaphore, #tpu.memory_space<semaphore_mem>>, %arg18: memref<!tpu.dma_semaphore, #tpu.memory_space<semaphore_mem>>, %arg19: memref<!tpu.dma_semaphore, #tpu.memory_space<semaphore_mem>>, %arg20: memref<!tpu.dma_semaphore, #tpu.memory_space<semaphore_mem>>, %arg21: memref<!tpu.dma_semaphore, #tpu.memory_space<semaphore_mem>>, %arg22: memref<!tpu.dma_semaphore, #tpu.memory_space<semaphore_mem>>, %arg23: memref<!tpu.dma_semaphore, #tpu.memory_space<semaphore_mem>>, %arg24: memref<!tpu.dma_semaphore, #tpu.memory_space<semaphore_mem>>, %arg25: memref<!tpu.dma_semaphore, #tpu.memory_space<semaphore_mem>>, %arg26: memref<10240x128xf32, #tpu.memory_space<vmem_shared>>) attributes {dimension_semantics = [#tpu.dimension_semantics<core_parallel>, #tpu.dimension_semantics<subcore_parallel>], iteration_bounds = array<i64: 2, 16>, scalar_prefetch = 0 : i64, scratch_operands = 21 : i64, tpu.core_type = #tpu.core_type<sc_vector_subcore>, window_params = [{transform_indices = #map}, {transform_indices = #map1}, {transform_indices = #map}, {transform_indices = #map2}]} {
    %mul3A = arith.constant 16 : i32
    %mul3A_0 = arith.muli %arg0, %mul3A : i32
    %add3A = arith.addi %mul3A_0, %arg1 : i32
    %mul3A_1 = arith.constant 640 : i32
    %mul3A_2 = arith.muli %arg1, %mul3A_1 : i32
    "tpu.region"() ({
      %run_scoped3A = tpu.sem_alloc : memref<!tpu.dma_semaphore, #tpu.memory_space<semaphore_mem>>
      %dma_start3A_75 = arith.constant 0 : i32
      %dma_start3A_76 = tpu.memref_slice %arg26[%mul3A_2, %dma_start3A_75] : memref<10240x128xf32, #tpu.memory_space<vmem_shared>> -> memref<640x128xf32, #tpu.memory_space<vmem_shared>>
      %dma_start3A_77 = arith.constant 0 : i32
      %dma_start3A_78 = tpu.memref_slice %arg4[%mul3A_2, %dma_start3A_77] : memref<10240x128xf32, #tpu.memory_space<hbm>> -> memref<640x128xf32, #tpu.memory_space<hbm>>
      tpu.enqueue_dma source(%dma_start3A_78 : memref<640x128xf32, #tpu.memory_space<hbm>>) target(%dma_start3A_76 : memref<640x128xf32, #tpu.memory_space<vmem_shared>>) target_semaphore(%run_scoped3A : memref<!tpu.dma_semaphore, #tpu.memory_space<semaphore_mem>>)
      %dma_wait3A_79 = arith.constant 0 : i32
      %dma_wait3A_80 = tpu.memref_slice %arg26[%mul3A_2, %dma_wait3A_79] : memref<10240x128xf32, #tpu.memory_space<vmem_shared>> -> memref<640x128xf32, #tpu.memory_space<vmem_shared>>
      %dma_wait3A_81 = arith.constant 0 : i32
      %dma_wait3A_82 = tpu.memref_slice %arg4[%mul3A_2, %dma_wait3A_81] : memref<10240x128xf32, #tpu.memory_space<hbm>> -> memref<640x128xf32, #tpu.memory_space<hbm>>
      tpu.wait_dma2 semaphore(%run_scoped3A : memref<!tpu.dma_semaphore, #tpu.memory_space<semaphore_mem>>) src(%dma_wait3A_82 : memref<640x128xf32, #tpu.memory_space<hbm>>) dst(%dma_wait3A_80 : memref<640x128xf32, #tpu.memory_space<vmem_shared>>)
      tpu.yield
    }) : () -> ()
    %dma_start3A = arith.constant 0 : i32
    %dma_start3A_3 = arith.constant 0 : i32
    %dma_start3A_4 = arith.constant 0 : i32
    %dma_start3A_5 = tpu.memref_slice %arg3[%add3A, %dma_start3A, %dma_start3A_3, %dma_start3A_4] : memref<32x80x2x125xi32, #tpu.memory_space<hbm>> -> memref<1x1x2x125xi32, #tpu.memory_space<hbm>>
    %dma_start3A_6 = tpu.memref_squeeze %dma_start3A_5 : memref<1x1x2x125xi32, #tpu.memory_space<hbm>> -> memref<2x125xi32, #tpu.memory_space<hbm>>
    %dma_start3A_7 = arith.constant 0 : i32
    %dma_start3A_8 = arith.constant 0 : i32
    %dma_start3A_9 = tpu.memref_slice %arg3[%add3A, %dma_start3A, %dma_start3A_7, %dma_start3A_8] : memref<32x80x2x125xi32, #tpu.memory_space<hbm>> -> memref<1x1x2x125xi32, #tpu.memory_space<hbm>>
    %dma_start3A_10 = tpu.memref_squeeze %dma_start3A_9 : memref<1x1x2x125xi32, #tpu.memory_space<hbm>> -> memref<2x125xi32, #tpu.memory_space<hbm>>
    tpu.enqueue_dma source(%dma_start3A_10 : memref<2x125xi32, #tpu.memory_space<hbm>>) target(%arg6 : memref<2x125xi32, #tpu.memory_space<vmem>>) target_semaphore(%arg16 : memref<!tpu.dma_semaphore, #tpu.memory_space<semaphore_mem>>)
    %dma_start3A_11 = arith.constant 1 : i32
    %dma_start3A_12 = arith.constant 0 : i32
    %dma_start3A_13 = arith.constant 0 : i32
    %dma_start3A_14 = tpu.memref_slice %arg3[%add3A, %dma_start3A_11, %dma_start3A_12, %dma_start3A_13] : memref<32x80x2x125xi32, #tpu.memory_space<hbm>> -> memref<1x1x2x125xi32, #tpu.memory_space<hbm>>
    %dma_start3A_15 = tpu.memref_squeeze %dma_start3A_14 : memref<1x1x2x125xi32, #tpu.memory_space<hbm>> -> memref<2x125xi32, #tpu.memory_space<hbm>>
    %dma_start3A_16 = arith.constant 0 : i32
    %dma_start3A_17 = arith.constant 0 : i32
    %dma_start3A_18 = tpu.memref_slice %arg3[%add3A, %dma_start3A_11, %dma_start3A_16, %dma_start3A_17] : memref<32x80x2x125xi32, #tpu.memory_space<hbm>> -> memref<1x1x2x125xi32, #tpu.memory_space<hbm>>
    %dma_start3A_19 = tpu.memref_squeeze %dma_start3A_18 : memref<1x1x2x125xi32, #tpu.memory_space<hbm>> -> memref<2x125xi32, #tpu.memory_space<hbm>>
    tpu.enqueue_dma source(%dma_start3A_19 : memref<2x125xi32, #tpu.memory_space<hbm>>) target(%arg7 : memref<2x125xi32, #tpu.memory_space<vmem>>) target_semaphore(%arg17 : memref<!tpu.dma_semaphore, #tpu.memory_space<semaphore_mem>>)
    %dma_start3A_20 = arith.constant 2 : i32
    %dma_start3A_21 = arith.constant 0 : i32
    %dma_start3A_22 = arith.constant 0 : i32
    %dma_start3A_23 = tpu.memref_slice %arg3[%add3A, %dma_start3A_20, %dma_start3A_21, %dma_start3A_22] : memref<32x80x2x125xi32, #tpu.memory_space<hbm>> -> memref<1x1x2x125xi32, #tpu.memory_space<hbm>>
    %dma_start3A_24 = tpu.memref_squeeze %dma_start3A_23 : memref<1x1x2x125xi32, #tpu.memory_space<hbm>> -> memref<2x125xi32, #tpu.memory_space<hbm>>
    %dma_start3A_25 = arith.constant 0 : i32
    %dma_start3A_26 = arith.constant 0 : i32
    %dma_start3A_27 = tpu.memref_slice %arg3[%add3A, %dma_start3A_20, %dma_start3A_25, %dma_start3A_26] : memref<32x80x2x125xi32, #tpu.memory_space<hbm>> -> memref<1x1x2x125xi32, #tpu.memory_space<hbm>>
    %dma_start3A_28 = tpu.memref_squeeze %dma_start3A_27 : memref<1x1x2x125xi32, #tpu.memory_space<hbm>> -> memref<2x125xi32, #tpu.memory_space<hbm>>
    tpu.enqueue_dma source(%dma_start3A_28 : memref<2x125xi32, #tpu.memory_space<hbm>>) target(%arg8 : memref<2x125xi32, #tpu.memory_space<vmem>>) target_semaphore(%arg18 : memref<!tpu.dma_semaphore, #tpu.memory_space<semaphore_mem>>)
    %dma_start3A_29 = arith.constant 3 : i32
    %dma_start3A_30 = arith.constant 0 : i32
    %dma_start3A_31 = arith.constant 0 : i32
    %dma_start3A_32 = tpu.memref_slice %arg3[%add3A, %dma_start3A_29, %dma_start3A_30, %dma_start3A_31] : memref<32x80x2x125xi32, #tpu.memory_space<hbm>> -> memref<1x1x2x125xi32, #tpu.memory_space<hbm>>
    %dma_start3A_33 = tpu.memref_squeeze %dma_start3A_32 : memref<1x1x2x125xi32, #tpu.memory_space<hbm>> -> memref<2x125xi32, #tpu.memory_space<hbm>>
    %dma_start3A_34 = arith.constant 0 : i32
    %dma_start3A_35 = arith.constant 0 : i32
    %dma_start3A_36 = tpu.memref_slice %arg3[%add3A, %dma_start3A_29, %dma_start3A_34, %dma_start3A_35] : memref<32x80x2x125xi32, #tpu.memory_space<hbm>> -> memref<1x1x2x125xi32, #tpu.memory_space<hbm>>
    %dma_start3A_37 = tpu.memref_squeeze %dma_start3A_36 : memref<1x1x2x125xi32, #tpu.memory_space<hbm>> -> memref<2x125xi32, #tpu.memory_space<hbm>>
    tpu.enqueue_dma source(%dma_start3A_37 : memref<2x125xi32, #tpu.memory_space<hbm>>) target(%arg9 : memref<2x125xi32, #tpu.memory_space<vmem>>) target_semaphore(%arg19 : memref<!tpu.dma_semaphore, #tpu.memory_space<semaphore_mem>>)
    %dma_wait3A = arith.constant 0 : i32
    %dma_wait3A_38 = arith.constant 0 : i32
    %dma_wait3A_39 = arith.constant 0 : i32
    %dma_wait3A_40 = tpu.memref_slice %arg3[%add3A, %dma_wait3A, %dma_wait3A_38, %dma_wait3A_39] : memref<32x80x2x125xi32, #tpu.memory_space<hbm>> -> memref<1x1x2x125xi32, #tpu.memory_space<hbm>>
    %dma_wait3A_41 = tpu.memref_squeeze %dma_wait3A_40 : memref<1x1x2x125xi32, #tpu.memory_space<hbm>> -> memref<2x125xi32, #tpu.memory_space<hbm>>
    %dma_wait3A_42 = arith.constant 0 : i32
    %dma_wait3A_43 = arith.constant 0 : i32
    %dma_wait3A_44 = tpu.memref_slice %arg3[%add3A, %dma_wait3A, %dma_wait3A_42, %dma_wait3A_43] : memref<32x80x2x125xi32, #tpu.memory_space<hbm>> -> memref<1x1x2x125xi32, #tpu.memory_space<hbm>>
    %dma_wait3A_45 = tpu.memref_squeeze %dma_wait3A_44 : memref<1x1x2x125xi32, #tpu.memory_space<hbm>> -> memref<2x125xi32, #tpu.memory_space<hbm>>
    tpu.wait_dma2 semaphore(%arg16 : memref<!tpu.dma_semaphore, #tpu.memory_space<semaphore_mem>>) src(%dma_wait3A_45 : memref<2x125xi32, #tpu.memory_space<hbm>>) dst(%arg6 : memref<2x125xi32, #tpu.memory_space<vmem>>)
    %dma_start3A_46 = arith.constant 0 : i32
    %dma_start3A_47 = arith.constant 0 : i32
    %dma_start3A_48 = tpu.memref_slice %arg6[%dma_start3A_46, %dma_start3A_47] : memref<2x125xi32, #tpu.memory_space<vmem>> -> memref<1x125xi32, #tpu.memory_space<vmem>>
    %dma_start3A_49 = tpu.memref_squeeze %dma_start3A_48 : memref<1x125xi32, #tpu.memory_space<vmem>> -> memref<125xi32, #tpu.memory_space<vmem>>
    %dma_start3A_50 = arith.constant 0 : i32
    %dma_start3A_51 = arith.constant 0 : i32
    %dma_start3A_52 = tpu.memref_slice %arg2[%dma_start3A_50, %dma_start3A_51] : memref<10000x128xf32, #tpu.memory_space<hbm>> -> memref<10000x128xf32, #tpu.memory_space<hbm>>
    tpu.enqueue_indirect_dma source(%dma_start3A_52 : memref<10000x128xf32, #tpu.memory_space<hbm>>) target(%arg14 : memref<125x128xf32, #tpu.memory_space<vmem>>) offsets(%dma_start3A_49 : memref<125xi32, #tpu.memory_space<vmem>>) semaphore(%arg24 : memref<!tpu.dma_semaphore, #tpu.memory_space<semaphore_mem>>)
    %dma_wait3A_53 = arith.constant 1 : i32
    %dma_wait3A_54 = arith.constant 0 : i32
    %dma_wait3A_55 = arith.constant 0 : i32
    %dma_wait3A_56 = tpu.memref_slice %arg3[%add3A, %dma_wait3A_53, %dma_wait3A_54, %dma_wait3A_55] : memref<32x80x2x125xi32, #tpu.memory_space<hbm>> -> memref<1x1x2x125xi32, #tpu.memory_space<hbm>>
    %dma_wait3A_57 = tpu.memref_squeeze %dma_wait3A_56 : memref<1x1x2x125xi32, #tpu.memory_space<hbm>> -> memref<2x125xi32, #tpu.memory_space<hbm>>
    %dma_wait3A_58 = arith.constant 0 : i32
    %dma_wait3A_59 = arith.constant 0 : i32
    %dma_wait3A_60 = tpu.memref_slice %arg3[%add3A, %dma_wait3A_53, %dma_wait3A_58, %dma_wait3A_59] : memref<32x80x2x125xi32, #tpu.memory_space<hbm>> -> memref<1x1x2x125xi32, #tpu.memory_space<hbm>>
    %dma_wait3A_61 = tpu.memref_squeeze %dma_wait3A_60 : memref<1x1x2x125xi32, #tpu.memory_space<hbm>> -> memref<2x125xi32, #tpu.memory_space<hbm>>
    tpu.wait_dma2 semaphore(%arg17 : memref<!tpu.dma_semaphore, #tpu.memory_space<semaphore_mem>>) src(%dma_wait3A_61 : memref<2x125xi32, #tpu.memory_space<hbm>>) dst(%arg7 : memref<2x125xi32, #tpu.memory_space<vmem>>)
    %dma_start3A_62 = arith.constant 0 : i32
    %dma_start3A_63 = arith.constant 0 : i32
    %dma_start3A_64 = tpu.memref_slice %arg7[%dma_start3A_62, %dma_start3A_63] : memref<2x125xi32, #tpu.memory_space<vmem>> -> memref<1x125xi32, #tpu.memory_space<vmem>>
    %dma_start3A_65 = tpu.memref_squeeze %dma_start3A_64 : memref<1x125xi32, #tpu.memory_space<vmem>> -> memref<125xi32, #tpu.memory_space<vmem>>
    %dma_start3A_66 = arith.constant 0 : i32
    %dma_start3A_67 = arith.constant 0 : i32
    %dma_start3A_68 = tpu.memref_slice %arg2[%dma_start3A_66, %dma_start3A_67] : memref<10000x128xf32, #tpu.memory_space<hbm>> -> memref<10000x128xf32, #tpu.memory_space<hbm>>
    tpu.enqueue_indirect_dma source(%dma_start3A_68 : memref<10000x128xf32, #tpu.memory_space<hbm>>) target(%arg15 : memref<125x128xf32, #tpu.memory_space<vmem>>) offsets(%dma_start3A_65 : memref<125xi32, #tpu.memory_space<vmem>>) semaphore(%arg25 : memref<!tpu.dma_semaphore, #tpu.memory_space<semaphore_mem>>)
    %barrier3A = arith.constant 0 : index
    tpu.barrier barrier_id(%barrier3A)
    %scan3A = arith.constant 0 : i32
    %scan3A_69 = arith.constant 0 : i32
    %scan3A_70 = arith.constant 10 : i32
    %scan3A_71 = arith.addi %scan3A_69, %scan3A_70 : i32
    %scan3A_72 = arith.constant 1 : i32
    scf.for %scan3A_75 = %scan3A_69 to %scan3A_71 step %scan3A_72  : i32 {
      %mul3A_76 = arith.constant 8 : i32
      %mul3A_77 = arith.muli %mul3A_76, %scan3A_75 : i32
      %add3A_78 = arith.constant 0 : i32
      %add3A_79 = arith.addi %mul3A_77, %add3A_78 : i32
      %dma_wait3A_80 = arith.constant 0 : i32
      %dma_wait3A_81 = arith.constant 0 : i32
      %dma_wait3A_82 = tpu.memref_slice %arg6[%dma_wait3A_80, %dma_wait3A_81] : memref<2x125xi32, #tpu.memory_space<vmem>> -> memref<1x125xi32, #tpu.memory_space<vmem>>
      %dma_wait3A_83 = tpu.memref_squeeze %dma_wait3A_82 : memref<1x125xi32, #tpu.memory_space<vmem>> -> memref<125xi32, #tpu.memory_space<vmem>>
      %dma_wait3A_84 = arith.constant 0 : i32
      %dma_wait3A_85 = arith.constant 0 : i32
      %dma_wait3A_86 = tpu.memref_slice %arg2[%dma_wait3A_84, %dma_wait3A_85] : memref<10000x128xf32, #tpu.memory_space<hbm>> -> memref<10000x128xf32, #tpu.memory_space<hbm>>
      tpu.wait_indirect_dma semaphore(%arg24 : memref<!tpu.dma_semaphore, #tpu.memory_space<semaphore_mem>>) src(%dma_wait3A_86 : memref<10000x128xf32, #tpu.memory_space<hbm>>) dst(%arg14 : memref<125x128xf32, #tpu.memory_space<vmem>>)
      %run_scoped3A = arith.constant 1 : i32
      "tpu.region"() ({
        %run_scoped3A_266 = tpu.sem_alloc : memref<!tpu.dma_semaphore, #tpu.memory_space<semaphore_mem>>
        %dma_start3A_267 = arith.constant 0 : i32
        %dma_start3A_268 = tpu.memref_slice %arg6[%run_scoped3A, %dma_start3A_267] : memref<2x125xi32, #tpu.memory_space<vmem>> -> memref<1x125xi32, #tpu.memory_space<vmem>>
        %dma_start3A_269 = tpu.memref_squeeze %dma_start3A_268 : memref<1x125xi32, #tpu.memory_space<vmem>> -> memref<125xi32, #tpu.memory_space<vmem>>
        %dma_start3A_270 = arith.constant 0 : i32
        %dma_start3A_271 = arith.constant 0 : i32
        %dma_start3A_272 = tpu.memref_slice %arg26[%dma_start3A_270, %dma_start3A_271] : memref<10240x128xf32, #tpu.memory_space<vmem_shared>> -> memref<10240x128xf32, #tpu.memory_space<vmem_shared>>
        tpu.enqueue_indirect_dma source(%arg14 : memref<125x128xf32, #tpu.memory_space<vmem>>) target(%dma_start3A_272 : memref<10240x128xf32, #tpu.memory_space<vmem_shared>>) offsets(%dma_start3A_269 : memref<125xi32, #tpu.memory_space<vmem>>) semaphore(%run_scoped3A_266 : memref<!tpu.dma_semaphore, #tpu.memory_space<semaphore_mem>>) {add = true}
        %dma_wait3A_273 = arith.constant 0 : i32
        %dma_wait3A_274 = tpu.memref_slice %arg6[%run_scoped3A, %dma_wait3A_273] : memref<2x125xi32, #tpu.memory_space<vmem>> -> memref<1x125xi32, #tpu.memory_space<vmem>>
        %dma_wait3A_275 = tpu.memref_squeeze %dma_wait3A_274 : memref<1x125xi32, #tpu.memory_space<vmem>> -> memref<125xi32, #tpu.memory_space<vmem>>
        %dma_wait3A_276 = arith.constant 0 : i32
        %dma_wait3A_277 = arith.constant 0 : i32
        %dma_wait3A_278 = tpu.memref_slice %arg26[%dma_wait3A_276, %dma_wait3A_277] : memref<10240x128xf32, #tpu.memory_space<vmem_shared>> -> memref<10240x128xf32, #tpu.memory_space<vmem_shared>>
        tpu.wait_indirect_dma semaphore(%run_scoped3A_266 : memref<!tpu.dma_semaphore, #tpu.memory_space<semaphore_mem>>) src(%arg14 : memref<125x128xf32, #tpu.memory_space<vmem>>) dst(%dma_wait3A_278 : memref<10240x128xf32, #tpu.memory_space<vmem_shared>>)
        tpu.yield
      }) : () -> ()
      %add3A_87 = arith.constant 4 : i32
      %add3A_88 = arith.addi %add3A_79, %add3A_87 : i32
      %lt3A = arith.constant 80 : i32
      %lt3A_89 = arith.cmpi slt, %add3A_88, %lt3A : i32
      %convert_element_type3A = arith.extui %lt3A_89 : i1 to i32
      %cond3A = arith.constant 0 : i32
      %cond3A_90 = arith.cmpi ne, %convert_element_type3A, %cond3A : i32
      scf.if %cond3A_90 {
        %add3A_266 = arith.constant 4 : i32
        %add3A_267 = arith.addi %add3A_79, %add3A_266 : i32
        %dma_start3A_268 = arith.constant 0 : i32
        %dma_start3A_269 = arith.constant 0 : i32
        %dma_start3A_270 = tpu.memref_slice %arg3[%add3A, %add3A_267, %dma_start3A_268, %dma_start3A_269] : memref<32x80x2x125xi32, #tpu.memory_space<hbm>> -> memref<1x1x2x125xi32, #tpu.memory_space<hbm>>
        %dma_start3A_271 = tpu.memref_squeeze %dma_start3A_270 : memref<1x1x2x125xi32, #tpu.memory_space<hbm>> -> memref<2x125xi32, #tpu.memory_space<hbm>>
        %dma_start3A_272 = arith.constant 0 : i32
        %dma_start3A_273 = arith.constant 0 : i32
        %dma_start3A_274 = tpu.memref_slice %arg3[%add3A, %add3A_267, %dma_start3A_272, %dma_start3A_273] : memref<32x80x2x125xi32, #tpu.memory_space<hbm>> -> memref<1x1x2x125xi32, #tpu.memory_space<hbm>>
        %dma_start3A_275 = tpu.memref_squeeze %dma_start3A_274 : memref<1x1x2x125xi32, #tpu.memory_space<hbm>> -> memref<2x125xi32, #tpu.memory_space<hbm>>
        tpu.enqueue_dma source(%dma_start3A_275 : memref<2x125xi32, #tpu.memory_space<hbm>>) target(%arg10 : memref<2x125xi32, #tpu.memory_space<vmem>>) target_semaphore(%arg20 : memref<!tpu.dma_semaphore, #tpu.memory_space<semaphore_mem>>)
      } else {
      }
      %add3A_91 = arith.constant 2 : i32
      %add3A_92 = arith.addi %add3A_79, %add3A_91 : i32
      %lt3A_93 = arith.constant 80 : i32
      %lt3A_94 = arith.cmpi slt, %add3A_92, %lt3A_93 : i32
      %convert_element_type3A_95 = arith.extui %lt3A_94 : i1 to i32
      %cond3A_96 = arith.constant 0 : i32
      %cond3A_97 = arith.cmpi ne, %convert_element_type3A_95, %cond3A_96 : i32
      scf.if %cond3A_97 {
        %add3A_266 = arith.constant 2 : i32
        %add3A_267 = arith.addi %add3A_79, %add3A_266 : i32
        %dma_wait3A_268 = arith.constant 0 : i32
        %dma_wait3A_269 = arith.constant 0 : i32
        %dma_wait3A_270 = tpu.memref_slice %arg3[%add3A, %add3A_267, %dma_wait3A_268, %dma_wait3A_269] : memref<32x80x2x125xi32, #tpu.memory_space<hbm>> -> memref<1x1x2x125xi32, #tpu.memory_space<hbm>>
        %dma_wait3A_271 = tpu.memref_squeeze %dma_wait3A_270 : memref<1x1x2x125xi32, #tpu.memory_space<hbm>> -> memref<2x125xi32, #tpu.memory_space<hbm>>
        %dma_wait3A_272 = arith.constant 0 : i32
        %dma_wait3A_273 = arith.constant 0 : i32
        %dma_wait3A_274 = tpu.memref_slice %arg3[%add3A, %add3A_267, %dma_wait3A_272, %dma_wait3A_273] : memref<32x80x2x125xi32, #tpu.memory_space<hbm>> -> memref<1x1x2x125xi32, #tpu.memory_space<hbm>>
        %dma_wait3A_275 = tpu.memref_squeeze %dma_wait3A_274 : memref<1x1x2x125xi32, #tpu.memory_space<hbm>> -> memref<2x125xi32, #tpu.memory_space<hbm>>
        tpu.wait_dma2 semaphore(%arg18 : memref<!tpu.dma_semaphore, #tpu.memory_space<semaphore_mem>>) src(%dma_wait3A_275 : memref<2x125xi32, #tpu.memory_space<hbm>>) dst(%arg8 : memref<2x125xi32, #tpu.memory_space<vmem>>)
        %dma_start3A_276 = arith.constant 0 : i32
        %dma_start3A_277 = arith.constant 0 : i32
        %dma_start3A_278 = tpu.memref_slice %arg8[%dma_start3A_276, %dma_start3A_277] : memref<2x125xi32, #tpu.memory_space<vmem>> -> memref<1x125xi32, #tpu.memory_space<vmem>>
        %dma_start3A_279 = tpu.memref_squeeze %dma_start3A_278 : memref<1x125xi32, #tpu.memory_space<vmem>> -> memref<125xi32, #tpu.memory_space<vmem>>
        %dma_start3A_280 = arith.constant 0 : i32
        %dma_start3A_281 = arith.constant 0 : i32
        %dma_start3A_282 = tpu.memref_slice %arg2[%dma_start3A_280, %dma_start3A_281] : memref<10000x128xf32, #tpu.memory_space<hbm>> -> memref<10000x128xf32, #tpu.memory_space<hbm>>
        tpu.enqueue_indirect_dma source(%dma_start3A_282 : memref<10000x128xf32, #tpu.memory_space<hbm>>) target(%arg14 : memref<125x128xf32, #tpu.memory_space<vmem>>) offsets(%dma_start3A_279 : memref<125xi32, #tpu.memory_space<vmem>>) semaphore(%arg24 : memref<!tpu.dma_semaphore, #tpu.memory_space<semaphore_mem>>)
      } else {
      }
      %add3A_98 = arith.constant 1 : i32
      %add3A_99 = arith.addi %mul3A_77, %add3A_98 : i32
      %dma_wait3A_100 = arith.constant 0 : i32
      %dma_wait3A_101 = arith.constant 0 : i32
      %dma_wait3A_102 = tpu.memref_slice %arg7[%dma_wait3A_100, %dma_wait3A_101] : memref<2x125xi32, #tpu.memory_space<vmem>> -> memref<1x125xi32, #tpu.memory_space<vmem>>
      %dma_wait3A_103 = tpu.memref_squeeze %dma_wait3A_102 : memref<1x125xi32, #tpu.memory_space<vmem>> -> memref<125xi32, #tpu.memory_space<vmem>>
      %dma_wait3A_104 = arith.constant 0 : i32
      %dma_wait3A_105 = arith.constant 0 : i32
      %dma_wait3A_106 = tpu.memref_slice %arg2[%dma_wait3A_104, %dma_wait3A_105] : memref<10000x128xf32, #tpu.memory_space<hbm>> -> memref<10000x128xf32, #tpu.memory_space<hbm>>
      tpu.wait_indirect_dma semaphore(%arg25 : memref<!tpu.dma_semaphore, #tpu.memory_space<semaphore_mem>>) src(%dma_wait3A_106 : memref<10000x128xf32, #tpu.memory_space<hbm>>) dst(%arg15 : memref<125x128xf32, #tpu.memory_space<vmem>>)
      %run_scoped3A_107 = arith.constant 1 : i32
      "tpu.region"() ({
        %run_scoped3A_266 = tpu.sem_alloc : memref<!tpu.dma_semaphore, #tpu.memory_space<semaphore_mem>>
        %dma_start3A_267 = arith.constant 0 : i32
        %dma_start3A_268 = tpu.memref_slice %arg7[%run_scoped3A_107, %dma_start3A_267] : memref<2x125xi32, #tpu.memory_space<vmem>> -> memref<1x125xi32, #tpu.memory_space<vmem>>
        %dma_start3A_269 = tpu.memref_squeeze %dma_start3A_268 : memref<1x125xi32, #tpu.memory_space<vmem>> -> memref<125xi32, #tpu.memory_space<vmem>>
        %dma_start3A_270 = arith.constant 0 : i32
        %dma_start3A_271 = arith.constant 0 : i32
        %dma_start3A_272 = tpu.memref_slice %arg26[%dma_start3A_270, %dma_start3A_271] : memref<10240x128xf32, #tpu.memory_space<vmem_shared>> -> memref<10240x128xf32, #tpu.memory_space<vmem_shared>>
        tpu.enqueue_indirect_dma source(%arg15 : memref<125x128xf32, #tpu.memory_space<vmem>>) target(%dma_start3A_272 : memref<10240x128xf32, #tpu.memory_space<vmem_shared>>) offsets(%dma_start3A_269 : memref<125xi32, #tpu.memory_space<vmem>>) semaphore(%run_scoped3A_266 : memref<!tpu.dma_semaphore, #tpu.memory_space<semaphore_mem>>) {add = true}
        %dma_wait3A_273 = arith.constant 0 : i32
        %dma_wait3A_274 = tpu.memref_slice %arg7[%run_scoped3A_107, %dma_wait3A_273] : memref<2x125xi32, #tpu.memory_space<vmem>> -> memref<1x125xi32, #tpu.memory_space<vmem>>
        %dma_wait3A_275 = tpu.memref_squeeze %dma_wait3A_274 : memref<1x125xi32, #tpu.memory_space<vmem>> -> memref<125xi32, #tpu.memory_space<vmem>>
        %dma_wait3A_276 = arith.constant 0 : i32
        %dma_wait3A_277 = arith.constant 0 : i32
        %dma_wait3A_278 = tpu.memref_slice %arg26[%dma_wait3A_276, %dma_wait3A_277] : memref<10240x128xf32, #tpu.memory_space<vmem_shared>> -> memref<10240x128xf32, #tpu.memory_space<vmem_shared>>
        tpu.wait_indirect_dma semaphore(%run_scoped3A_266 : memref<!tpu.dma_semaphore, #tpu.memory_space<semaphore_mem>>) src(%arg15 : memref<125x128xf32, #tpu.memory_space<vmem>>) dst(%dma_wait3A_278 : memref<10240x128xf32, #tpu.memory_space<vmem_shared>>)
        tpu.yield
      }) : () -> ()
      %add3A_108 = arith.constant 4 : i32
      %add3A_109 = arith.addi %add3A_99, %add3A_108 : i32
      %lt3A_110 = arith.constant 80 : i32
      %lt3A_111 = arith.cmpi slt, %add3A_109, %lt3A_110 : i32
      %convert_element_type3A_112 = arith.extui %lt3A_111 : i1 to i32
      %cond3A_113 = arith.constant 0 : i32
      %cond3A_114 = arith.cmpi ne, %convert_element_type3A_112, %cond3A_113 : i32
      scf.if %cond3A_114 {
        %add3A_266 = arith.constant 4 : i32
        %add3A_267 = arith.addi %add3A_99, %add3A_266 : i32
        %dma_start3A_268 = arith.constant 0 : i32
        %dma_start3A_269 = arith.constant 0 : i32
        %dma_start3A_270 = tpu.memref_slice %arg3[%add3A, %add3A_267, %dma_start3A_268, %dma_start3A_269] : memref<32x80x2x125xi32, #tpu.memory_space<hbm>> -> memref<1x1x2x125xi32, #tpu.memory_space<hbm>>
        %dma_start3A_271 = tpu.memref_squeeze %dma_start3A_270 : memref<1x1x2x125xi32, #tpu.memory_space<hbm>> -> memref<2x125xi32, #tpu.memory_space<hbm>>
        %dma_start3A_272 = arith.constant 0 : i32
        %dma_start3A_273 = arith.constant 0 : i32
        %dma_start3A_274 = tpu.memref_slice %arg3[%add3A, %add3A_267, %dma_start3A_272, %dma_start3A_273] : memref<32x80x2x125xi32, #tpu.memory_space<hbm>> -> memref<1x1x2x125xi32, #tpu.memory_space<hbm>>
        %dma_start3A_275 = tpu.memref_squeeze %dma_start3A_274 : memref<1x1x2x125xi32, #tpu.memory_space<hbm>> -> memref<2x125xi32, #tpu.memory_space<hbm>>
        tpu.enqueue_dma source(%dma_start3A_275 : memref<2x125xi32, #tpu.memory_space<hbm>>) target(%arg11 : memref<2x125xi32, #tpu.memory_space<vmem>>) target_semaphore(%arg21 : memref<!tpu.dma_semaphore, #tpu.memory_space<semaphore_mem>>)
      } else {
      }
      %add3A_115 = arith.constant 2 : i32
      %add3A_116 = arith.addi %add3A_99, %add3A_115 : i32
      %lt3A_117 = arith.constant 80 : i32
      %lt3A_118 = arith.cmpi slt, %add3A_116, %lt3A_117 : i32
      %convert_element_type3A_119 = arith.extui %lt3A_118 : i1 to i32
      %cond3A_120 = arith.constant 0 : i32
      %cond3A_121 = arith.cmpi ne, %convert_element_type3A_119, %cond3A_120 : i32
      scf.if %cond3A_121 {
        %add3A_266 = arith.constant 2 : i32
        %add3A_267 = arith.addi %add3A_99, %add3A_266 : i32
        %dma_wait3A_268 = arith.constant 0 : i32
        %dma_wait3A_269 = arith.constant 0 : i32
        %dma_wait3A_270 = tpu.memref_slice %arg3[%add3A, %add3A_267, %dma_wait3A_268, %dma_wait3A_269] : memref<32x80x2x125xi32, #tpu.memory_space<hbm>> -> memref<1x1x2x125xi32, #tpu.memory_space<hbm>>
        %dma_wait3A_271 = tpu.memref_squeeze %dma_wait3A_270 : memref<1x1x2x125xi32, #tpu.memory_space<hbm>> -> memref<2x125xi32, #tpu.memory_space<hbm>>
        %dma_wait3A_272 = arith.constant 0 : i32
        %dma_wait3A_273 = arith.constant 0 : i32
        %dma_wait3A_274 = tpu.memref_slice %arg3[%add3A, %add3A_267, %dma_wait3A_272, %dma_wait3A_273] : memref<32x80x2x125xi32, #tpu.memory_space<hbm>> -> memref<1x1x2x125xi32, #tpu.memory_space<hbm>>
        %dma_wait3A_275 = tpu.memref_squeeze %dma_wait3A_274 : memref<1x1x2x125xi32, #tpu.memory_space<hbm>> -> memref<2x125xi32, #tpu.memory_space<hbm>>
        tpu.wait_dma2 semaphore(%arg19 : memref<!tpu.dma_semaphore, #tpu.memory_space<semaphore_mem>>) src(%dma_wait3A_275 : memref<2x125xi32, #tpu.memory_space<hbm>>) dst(%arg9 : memref<2x125xi32, #tpu.memory_space<vmem>>)
        %dma_start3A_276 = arith.constant 0 : i32
        %dma_start3A_277 = arith.constant 0 : i32
        %dma_start3A_278 = tpu.memref_slice %arg9[%dma_start3A_276, %dma_start3A_277] : memref<2x125xi32, #tpu.memory_space<vmem>> -> memref<1x125xi32, #tpu.memory_space<vmem>>
        %dma_start3A_279 = tpu.memref_squeeze %dma_start3A_278 : memref<1x125xi32, #tpu.memory_space<vmem>> -> memref<125xi32, #tpu.memory_space<vmem>>
        %dma_start3A_280 = arith.constant 0 : i32
        %dma_start3A_281 = arith.constant 0 : i32
        %dma_start3A_282 = tpu.memref_slice %arg2[%dma_start3A_280, %dma_start3A_281] : memref<10000x128xf32, #tpu.memory_space<hbm>> -> memref<10000x128xf32, #tpu.memory_space<hbm>>
        tpu.enqueue_indirect_dma source(%dma_start3A_282 : memref<10000x128xf32, #tpu.memory_space<hbm>>) target(%arg15 : memref<125x128xf32, #tpu.memory_space<vmem>>) offsets(%dma_start3A_279 : memref<125xi32, #tpu.memory_space<vmem>>) semaphore(%arg25 : memref<!tpu.dma_semaphore, #tpu.memory_space<semaphore_mem>>)
      } else {
      }
      %add3A_122 = arith.constant 2 : i32
      %add3A_123 = arith.addi %mul3A_77, %add3A_122 : i32
      %dma_wait3A_124 = arith.constant 0 : i32
      %dma_wait3A_125 = arith.constant 0 : i32
      %dma_wait3A_126 = tpu.memref_slice %arg8[%dma_wait3A_124, %dma_wait3A_125] : memref<2x125xi32, #tpu.memory_space<vmem>> -> memref<1x125xi32, #tpu.memory_space<vmem>>
      %dma_wait3A_127 = tpu.memref_squeeze %dma_wait3A_126 : memref<1x125xi32, #tpu.memory_space<vmem>> -> memref<125xi32, #tpu.memory_space<vmem>>
      %dma_wait3A_128 = arith.constant 0 : i32
      %dma_wait3A_129 = arith.constant 0 : i32
      %dma_wait3A_130 = tpu.memref_slice %arg2[%dma_wait3A_128, %dma_wait3A_129] : memref<10000x128xf32, #tpu.memory_space<hbm>> -> memref<10000x128xf32, #tpu.memory_space<hbm>>
      tpu.wait_indirect_dma semaphore(%arg24 : memref<!tpu.dma_semaphore, #tpu.memory_space<semaphore_mem>>) src(%dma_wait3A_130 : memref<10000x128xf32, #tpu.memory_space<hbm>>) dst(%arg14 : memref<125x128xf32, #tpu.memory_space<vmem>>)
      %run_scoped3A_131 = arith.constant 1 : i32
      "tpu.region"() ({
        %run_scoped3A_266 = tpu.sem_alloc : memref<!tpu.dma_semaphore, #tpu.memory_space<semaphore_mem>>
        %dma_start3A_267 = arith.constant 0 : i32
        %dma_start3A_268 = tpu.memref_slice %arg8[%run_scoped3A_131, %dma_start3A_267] : memref<2x125xi32, #tpu.memory_space<vmem>> -> memref<1x125xi32, #tpu.memory_space<vmem>>
        %dma_start3A_269 = tpu.memref_squeeze %dma_start3A_268 : memref<1x125xi32, #tpu.memory_space<vmem>> -> memref<125xi32, #tpu.memory_space<vmem>>
        %dma_start3A_270 = arith.constant 0 : i32
        %dma_start3A_271 = arith.constant 0 : i32
        %dma_start3A_272 = tpu.memref_slice %arg26[%dma_start3A_270, %dma_start3A_271] : memref<10240x128xf32, #tpu.memory_space<vmem_shared>> -> memref<10240x128xf32, #tpu.memory_space<vmem_shared>>
        tpu.enqueue_indirect_dma source(%arg14 : memref<125x128xf32, #tpu.memory_space<vmem>>) target(%dma_start3A_272 : memref<10240x128xf32, #tpu.memory_space<vmem_shared>>) offsets(%dma_start3A_269 : memref<125xi32, #tpu.memory_space<vmem>>) semaphore(%run_scoped3A_266 : memref<!tpu.dma_semaphore, #tpu.memory_space<semaphore_mem>>) {add = true}
        %dma_wait3A_273 = arith.constant 0 : i32
        %dma_wait3A_274 = tpu.memref_slice %arg8[%run_scoped3A_131, %dma_wait3A_273] : memref<2x125xi32, #tpu.memory_space<vmem>> -> memref<1x125xi32, #tpu.memory_space<vmem>>
        %dma_wait3A_275 = tpu.memref_squeeze %dma_wait3A_274 : memref<1x125xi32, #tpu.memory_space<vmem>> -> memref<125xi32, #tpu.memory_space<vmem>>
        %dma_wait3A_276 = arith.constant 0 : i32
        %dma_wait3A_277 = arith.constant 0 : i32
        %dma_wait3A_278 = tpu.memref_slice %arg26[%dma_wait3A_276, %dma_wait3A_277] : memref<10240x128xf32, #tpu.memory_space<vmem_shared>> -> memref<10240x128xf32, #tpu.memory_space<vmem_shared>>
        tpu.wait_indirect_dma semaphore(%run_scoped3A_266 : memref<!tpu.dma_semaphore, #tpu.memory_space<semaphore_mem>>) src(%arg14 : memref<125x128xf32, #tpu.memory_space<vmem>>) dst(%dma_wait3A_278 : memref<10240x128xf32, #tpu.memory_space<vmem_shared>>)
        tpu.yield
      }) : () -> ()
      %add3A_132 = arith.constant 4 : i32
      %add3A_133 = arith.addi %add3A_123, %add3A_132 : i32
      %lt3A_134 = arith.constant 80 : i32
      %lt3A_135 = arith.cmpi slt, %add3A_133, %lt3A_134 : i32
      %convert_element_type3A_136 = arith.extui %lt3A_135 : i1 to i32
      %cond3A_137 = arith.constant 0 : i32
      %cond3A_138 = arith.cmpi ne, %convert_element_type3A_136, %cond3A_137 : i32
      scf.if %cond3A_138 {
        %add3A_266 = arith.constant 4 : i32
        %add3A_267 = arith.addi %add3A_123, %add3A_266 : i32
        %dma_start3A_268 = arith.constant 0 : i32
        %dma_start3A_269 = arith.constant 0 : i32
        %dma_start3A_270 = tpu.memref_slice %arg3[%add3A, %add3A_267, %dma_start3A_268, %dma_start3A_269] : memref<32x80x2x125xi32, #tpu.memory_space<hbm>> -> memref<1x1x2x125xi32, #tpu.memory_space<hbm>>
        %dma_start3A_271 = tpu.memref_squeeze %dma_start3A_270 : memref<1x1x2x125xi32, #tpu.memory_space<hbm>> -> memref<2x125xi32, #tpu.memory_space<hbm>>
        %dma_start3A_272 = arith.constant 0 : i32
        %dma_start3A_273 = arith.constant 0 : i32
        %dma_start3A_274 = tpu.memref_slice %arg3[%add3A, %add3A_267, %dma_start3A_272, %dma_start3A_273] : memref<32x80x2x125xi32, #tpu.memory_space<hbm>> -> memref<1x1x2x125xi32, #tpu.memory_space<hbm>>
        %dma_start3A_275 = tpu.memref_squeeze %dma_start3A_274 : memref<1x1x2x125xi32, #tpu.memory_space<hbm>> -> memref<2x125xi32, #tpu.memory_space<hbm>>
        tpu.enqueue_dma source(%dma_start3A_275 : memref<2x125xi32, #tpu.memory_space<hbm>>) target(%arg12 : memref<2x125xi32, #tpu.memory_space<vmem>>) target_semaphore(%arg22 : memref<!tpu.dma_semaphore, #tpu.memory_space<semaphore_mem>>)
      } else {
      }
      %add3A_139 = arith.constant 2 : i32
      %add3A_140 = arith.addi %add3A_123, %add3A_139 : i32
      %lt3A_141 = arith.constant 80 : i32
      %lt3A_142 = arith.cmpi slt, %add3A_140, %lt3A_141 : i32
      %convert_element_type3A_143 = arith.extui %lt3A_142 : i1 to i32
      %cond3A_144 = arith.constant 0 : i32
      %cond3A_145 = arith.cmpi ne, %convert_element_type3A_143, %cond3A_144 : i32
      scf.if %cond3A_145 {
        %add3A_266 = arith.constant 2 : i32
        %add3A_267 = arith.addi %add3A_123, %add3A_266 : i32
        %dma_wait3A_268 = arith.constant 0 : i32
        %dma_wait3A_269 = arith.constant 0 : i32
        %dma_wait3A_270 = tpu.memref_slice %arg3[%add3A, %add3A_267, %dma_wait3A_268, %dma_wait3A_269] : memref<32x80x2x125xi32, #tpu.memory_space<hbm>> -> memref<1x1x2x125xi32, #tpu.memory_space<hbm>>
        %dma_wait3A_271 = tpu.memref_squeeze %dma_wait3A_270 : memref<1x1x2x125xi32, #tpu.memory_space<hbm>> -> memref<2x125xi32, #tpu.memory_space<hbm>>
        %dma_wait3A_272 = arith.constant 0 : i32
        %dma_wait3A_273 = arith.constant 0 : i32
        %dma_wait3A_274 = tpu.memref_slice %arg3[%add3A, %add3A_267, %dma_wait3A_272, %dma_wait3A_273] : memref<32x80x2x125xi32, #tpu.memory_space<hbm>> -> memref<1x1x2x125xi32, #tpu.memory_space<hbm>>
        %dma_wait3A_275 = tpu.memref_squeeze %dma_wait3A_274 : memref<1x1x2x125xi32, #tpu.memory_space<hbm>> -> memref<2x125xi32, #tpu.memory_space<hbm>>
        tpu.wait_dma2 semaphore(%arg20 : memref<!tpu.dma_semaphore, #tpu.memory_space<semaphore_mem>>) src(%dma_wait3A_275 : memref<2x125xi32, #tpu.memory_space<hbm>>) dst(%arg10 : memref<2x125xi32, #tpu.memory_space<vmem>>)
        %dma_start3A_276 = arith.constant 0 : i32
        %dma_start3A_277 = arith.constant 0 : i32
        %dma_start3A_278 = tpu.memref_slice %arg10[%dma_start3A_276, %dma_start3A_277] : memref<2x125xi32, #tpu.memory_space<vmem>> -> memref<1x125xi32, #tpu.memory_space<vmem>>
        %dma_start3A_279 = tpu.memref_squeeze %dma_start3A_278 : memref<1x125xi32, #tpu.memory_space<vmem>> -> memref<125xi32, #tpu.memory_space<vmem>>
        %dma_start3A_280 = arith.constant 0 : i32
        %dma_start3A_281 = arith.constant 0 : i32
        %dma_start3A_282 = tpu.memref_slice %arg2[%dma_start3A_280, %dma_start3A_281] : memref<10000x128xf32, #tpu.memory_space<hbm>> -> memref<10000x128xf32, #tpu.memory_space<hbm>>
        tpu.enqueue_indirect_dma source(%dma_start3A_282 : memref<10000x128xf32, #tpu.memory_space<hbm>>) target(%arg14 : memref<125x128xf32, #tpu.memory_space<vmem>>) offsets(%dma_start3A_279 : memref<125xi32, #tpu.memory_space<vmem>>) semaphore(%arg24 : memref<!tpu.dma_semaphore, #tpu.memory_space<semaphore_mem>>)
      } else {
      }
      %add3A_146 = arith.constant 3 : i32
      %add3A_147 = arith.addi %mul3A_77, %add3A_146 : i32
      %dma_wait3A_148 = arith.constant 0 : i32
      %dma_wait3A_149 = arith.constant 0 : i32
      %dma_wait3A_150 = tpu.memref_slice %arg9[%dma_wait3A_148, %dma_wait3A_149] : memref<2x125xi32, #tpu.memory_space<vmem>> -> memref<1x125xi32, #tpu.memory_space<vmem>>
      %dma_wait3A_151 = tpu.memref_squeeze %dma_wait3A_150 : memref<1x125xi32, #tpu.memory_space<vmem>> -> memref<125xi32, #tpu.memory_space<vmem>>
      %dma_wait3A_152 = arith.constant 0 : i32
      %dma_wait3A_153 = arith.constant 0 : i32
      %dma_wait3A_154 = tpu.memref_slice %arg2[%dma_wait3A_152, %dma_wait3A_153] : memref<10000x128xf32, #tpu.memory_space<hbm>> -> memref<10000x128xf32, #tpu.memory_space<hbm>>
      tpu.wait_indirect_dma semaphore(%arg25 : memref<!tpu.dma_semaphore, #tpu.memory_space<semaphore_mem>>) src(%dma_wait3A_154 : memref<10000x128xf32, #tpu.memory_space<hbm>>) dst(%arg15 : memref<125x128xf32, #tpu.memory_space<vmem>>)
      %run_scoped3A_155 = arith.constant 1 : i32
      "tpu.region"() ({
        %run_scoped3A_266 = tpu.sem_alloc : memref<!tpu.dma_semaphore, #tpu.memory_space<semaphore_mem>>
        %dma_start3A_267 = arith.constant 0 : i32
        %dma_start3A_268 = tpu.memref_slice %arg9[%run_scoped3A_155, %dma_start3A_267] : memref<2x125xi32, #tpu.memory_space<vmem>> -> memref<1x125xi32, #tpu.memory_space<vmem>>
        %dma_start3A_269 = tpu.memref_squeeze %dma_start3A_268 : memref<1x125xi32, #tpu.memory_space<vmem>> -> memref<125xi32, #tpu.memory_space<vmem>>
        %dma_start3A_270 = arith.constant 0 : i32
        %dma_start3A_271 = arith.constant 0 : i32
        %dma_start3A_272 = tpu.memref_slice %arg26[%dma_start3A_270, %dma_start3A_271] : memref<10240x128xf32, #tpu.memory_space<vmem_shared>> -> memref<10240x128xf32, #tpu.memory_space<vmem_shared>>
        tpu.enqueue_indirect_dma source(%arg15 : memref<125x128xf32, #tpu.memory_space<vmem>>) target(%dma_start3A_272 : memref<10240x128xf32, #tpu.memory_space<vmem_shared>>) offsets(%dma_start3A_269 : memref<125xi32, #tpu.memory_space<vmem>>) semaphore(%run_scoped3A_266 : memref<!tpu.dma_semaphore, #tpu.memory_space<semaphore_mem>>) {add = true}
        %dma_wait3A_273 = arith.constant 0 : i32
        %dma_wait3A_274 = tpu.memref_slice %arg9[%run_scoped3A_155, %dma_wait3A_273] : memref<2x125xi32, #tpu.memory_space<vmem>> -> memref<1x125xi32, #tpu.memory_space<vmem>>
        %dma_wait3A_275 = tpu.memref_squeeze %dma_wait3A_274 : memref<1x125xi32, #tpu.memory_space<vmem>> -> memref<125xi32, #tpu.memory_space<vmem>>
        %dma_wait3A_276 = arith.constant 0 : i32
        %dma_wait3A_277 = arith.constant 0 : i32
        %dma_wait3A_278 = tpu.memref_slice %arg26[%dma_wait3A_276, %dma_wait3A_277] : memref<10240x128xf32, #tpu.memory_space<vmem_shared>> -> memref<10240x128xf32, #tpu.memory_space<vmem_shared>>
        tpu.wait_indirect_dma semaphore(%run_scoped3A_266 : memref<!tpu.dma_semaphore, #tpu.memory_space<semaphore_mem>>) src(%arg15 : memref<125x128xf32, #tpu.memory_space<vmem>>) dst(%dma_wait3A_278 : memref<10240x128xf32, #tpu.memory_space<vmem_shared>>)
        tpu.yield
      }) : () -> ()
      %add3A_156 = arith.constant 4 : i32
      %add3A_157 = arith.addi %add3A_147, %add3A_156 : i32
      %lt3A_158 = arith.constant 80 : i32
      %lt3A_159 = arith.cmpi slt, %add3A_157, %lt3A_158 : i32
      %convert_element_type3A_160 = arith.extui %lt3A_159 : i1 to i32
      %cond3A_161 = arith.constant 0 : i32
      %cond3A_162 = arith.cmpi ne, %convert_element_type3A_160, %cond3A_161 : i32
      scf.if %cond3A_162 {
        %add3A_266 = arith.constant 4 : i32
        %add3A_267 = arith.addi %add3A_147, %add3A_266 : i32
        %dma_start3A_268 = arith.constant 0 : i32
        %dma_start3A_269 = arith.constant 0 : i32
        %dma_start3A_270 = tpu.memref_slice %arg3[%add3A, %add3A_267, %dma_start3A_268, %dma_start3A_269] : memref<32x80x2x125xi32, #tpu.memory_space<hbm>> -> memref<1x1x2x125xi32, #tpu.memory_space<hbm>>
        %dma_start3A_271 = tpu.memref_squeeze %dma_start3A_270 : memref<1x1x2x125xi32, #tpu.memory_space<hbm>> -> memref<2x125xi32, #tpu.memory_space<hbm>>
        %dma_start3A_272 = arith.constant 0 : i32
        %dma_start3A_273 = arith.constant 0 : i32
        %dma_start3A_274 = tpu.memref_slice %arg3[%add3A, %add3A_267, %dma_start3A_272, %dma_start3A_273] : memref<32x80x2x125xi32, #tpu.memory_space<hbm>> -> memref<1x1x2x125xi32, #tpu.memory_space<hbm>>
        %dma_start3A_275 = tpu.memref_squeeze %dma_start3A_274 : memref<1x1x2x125xi32, #tpu.memory_space<hbm>> -> memref<2x125xi32, #tpu.memory_space<hbm>>
        tpu.enqueue_dma source(%dma_start3A_275 : memref<2x125xi32, #tpu.memory_space<hbm>>) target(%arg13 : memref<2x125xi32, #tpu.memory_space<vmem>>) target_semaphore(%arg23 : memref<!tpu.dma_semaphore, #tpu.memory_space<semaphore_mem>>)
      } else {
      }
      %add3A_163 = arith.constant 2 : i32
      %add3A_164 = arith.addi %add3A_147, %add3A_163 : i32
      %lt3A_165 = arith.constant 80 : i32
      %lt3A_166 = arith.cmpi slt, %add3A_164, %lt3A_165 : i32
      %convert_element_type3A_167 = arith.extui %lt3A_166 : i1 to i32
      %cond3A_168 = arith.constant 0 : i32
      %cond3A_169 = arith.cmpi ne, %convert_element_type3A_167, %cond3A_168 : i32
      scf.if %cond3A_169 {
        %add3A_266 = arith.constant 2 : i32
        %add3A_267 = arith.addi %add3A_147, %add3A_266 : i32
        %dma_wait3A_268 = arith.constant 0 : i32
        %dma_wait3A_269 = arith.constant 0 : i32
        %dma_wait3A_270 = tpu.memref_slice %arg3[%add3A, %add3A_267, %dma_wait3A_268, %dma_wait3A_269] : memref<32x80x2x125xi32, #tpu.memory_space<hbm>> -> memref<1x1x2x125xi32, #tpu.memory_space<hbm>>
        %dma_wait3A_271 = tpu.memref_squeeze %dma_wait3A_270 : memref<1x1x2x125xi32, #tpu.memory_space<hbm>> -> memref<2x125xi32, #tpu.memory_space<hbm>>
        %dma_wait3A_272 = arith.constant 0 : i32
        %dma_wait3A_273 = arith.constant 0 : i32
        %dma_wait3A_274 = tpu.memref_slice %arg3[%add3A, %add3A_267, %dma_wait3A_272, %dma_wait3A_273] : memref<32x80x2x125xi32, #tpu.memory_space<hbm>> -> memref<1x1x2x125xi32, #tpu.memory_space<hbm>>
        %dma_wait3A_275 = tpu.memref_squeeze %dma_wait3A_274 : memref<1x1x2x125xi32, #tpu.memory_space<hbm>> -> memref<2x125xi32, #tpu.memory_space<hbm>>
        tpu.wait_dma2 semaphore(%arg21 : memref<!tpu.dma_semaphore, #tpu.memory_space<semaphore_mem>>) src(%dma_wait3A_275 : memref<2x125xi32, #tpu.memory_space<hbm>>) dst(%arg11 : memref<2x125xi32, #tpu.memory_space<vmem>>)
        %dma_start3A_276 = arith.constant 0 : i32
        %dma_start3A_277 = arith.constant 0 : i32
        %dma_start3A_278 = tpu.memref_slice %arg11[%dma_start3A_276, %dma_start3A_277] : memref<2x125xi32, #tpu.memory_space<vmem>> -> memref<1x125xi32, #tpu.memory_space<vmem>>
        %dma_start3A_279 = tpu.memref_squeeze %dma_start3A_278 : memref<1x125xi32, #tpu.memory_space<vmem>> -> memref<125xi32, #tpu.memory_space<vmem>>
        %dma_start3A_280 = arith.constant 0 : i32
        %dma_start3A_281 = arith.constant 0 : i32
        %dma_start3A_282 = tpu.memref_slice %arg2[%dma_start3A_280, %dma_start3A_281] : memref<10000x128xf32, #tpu.memory_space<hbm>> -> memref<10000x128xf32, #tpu.memory_space<hbm>>
        tpu.enqueue_indirect_dma source(%dma_start3A_282 : memref<10000x128xf32, #tpu.memory_space<hbm>>) target(%arg15 : memref<125x128xf32, #tpu.memory_space<vmem>>) offsets(%dma_start3A_279 : memref<125xi32, #tpu.memory_space<vmem>>) semaphore(%arg25 : memref<!tpu.dma_semaphore, #tpu.memory_space<semaphore_mem>>)
      } else {
      }
      %add3A_170 = arith.constant 4 : i32
      %add3A_171 = arith.addi %mul3A_77, %add3A_170 : i32
      %dma_wait3A_172 = arith.constant 0 : i32
      %dma_wait3A_173 = arith.constant 0 : i32
      %dma_wait3A_174 = tpu.memref_slice %arg10[%dma_wait3A_172, %dma_wait3A_173] : memref<2x125xi32, #tpu.memory_space<vmem>> -> memref<1x125xi32, #tpu.memory_space<vmem>>
      %dma_wait3A_175 = tpu.memref_squeeze %dma_wait3A_174 : memref<1x125xi32, #tpu.memory_space<vmem>> -> memref<125xi32, #tpu.memory_space<vmem>>
      %dma_wait3A_176 = arith.constant 0 : i32
      %dma_wait3A_177 = arith.constant 0 : i32
      %dma_wait3A_178 = tpu.memref_slice %arg2[%dma_wait3A_176, %dma_wait3A_177] : memref<10000x128xf32, #tpu.memory_space<hbm>> -> memref<10000x128xf32, #tpu.memory_space<hbm>>
      tpu.wait_indirect_dma semaphore(%arg24 : memref<!tpu.dma_semaphore, #tpu.memory_space<semaphore_mem>>) src(%dma_wait3A_178 : memref<10000x128xf32, #tpu.memory_space<hbm>>) dst(%arg14 : memref<125x128xf32, #tpu.memory_space<vmem>>)
      %run_scoped3A_179 = arith.constant 1 : i32
      "tpu.region"() ({
        %run_scoped3A_266 = tpu.sem_alloc : memref<!tpu.dma_semaphore, #tpu.memory_space<semaphore_mem>>
        %dma_start3A_267 = arith.constant 0 : i32
        %dma_start3A_268 = tpu.memref_slice %arg10[%run_scoped3A_179, %dma_start3A_267] : memref<2x125xi32, #tpu.memory_space<vmem>> -> memref<1x125xi32, #tpu.memory_space<vmem>>
        %dma_start3A_269 = tpu.memref_squeeze %dma_start3A_268 : memref<1x125xi32, #tpu.memory_space<vmem>> -> memref<125xi32, #tpu.memory_space<vmem>>
        %dma_start3A_270 = arith.constant 0 : i32
        %dma_start3A_271 = arith.constant 0 : i32
        %dma_start3A_272 = tpu.memref_slice %arg26[%dma_start3A_270, %dma_start3A_271] : memref<10240x128xf32, #tpu.memory_space<vmem_shared>> -> memref<10240x128xf32, #tpu.memory_space<vmem_shared>>
        tpu.enqueue_indirect_dma source(%arg14 : memref<125x128xf32, #tpu.memory_space<vmem>>) target(%dma_start3A_272 : memref<10240x128xf32, #tpu.memory_space<vmem_shared>>) offsets(%dma_start3A_269 : memref<125xi32, #tpu.memory_space<vmem>>) semaphore(%run_scoped3A_266 : memref<!tpu.dma_semaphore, #tpu.memory_space<semaphore_mem>>) {add = true}
        %dma_wait3A_273 = arith.constant 0 : i32
        %dma_wait3A_274 = tpu.memref_slice %arg10[%run_scoped3A_179, %dma_wait3A_273] : memref<2x125xi32, #tpu.memory_space<vmem>> -> memref<1x125xi32, #tpu.memory_space<vmem>>
        %dma_wait3A_275 = tpu.memref_squeeze %dma_wait3A_274 : memref<1x125xi32, #tpu.memory_space<vmem>> -> memref<125xi32, #tpu.memory_space<vmem>>
        %dma_wait3A_276 = arith.constant 0 : i32
        %dma_wait3A_277 = arith.constant 0 : i32
        %dma_wait3A_278 = tpu.memref_slice %arg26[%dma_wait3A_276, %dma_wait3A_277] : memref<10240x128xf32, #tpu.memory_space<vmem_shared>> -> memref<10240x128xf32, #tpu.memory_space<vmem_shared>>
        tpu.wait_indirect_dma semaphore(%run_scoped3A_266 : memref<!tpu.dma_semaphore, #tpu.memory_space<semaphore_mem>>) src(%arg14 : memref<125x128xf32, #tpu.memory_space<vmem>>) dst(%dma_wait3A_278 : memref<10240x128xf32, #tpu.memory_space<vmem_shared>>)
        tpu.yield
      }) : () -> ()
      %add3A_180 = arith.constant 4 : i32
      %add3A_181 = arith.addi %add3A_171, %add3A_180 : i32
      %lt3A_182 = arith.constant 80 : i32
      %lt3A_183 = arith.cmpi slt, %add3A_181, %lt3A_182 : i32
      %convert_element_type3A_184 = arith.extui %lt3A_183 : i1 to i32
      %cond3A_185 = arith.constant 0 : i32
      %cond3A_186 = arith.cmpi ne, %convert_element_type3A_184, %cond3A_185 : i32
      scf.if %cond3A_186 {
        %add3A_266 = arith.constant 4 : i32
        %add3A_267 = arith.addi %add3A_171, %add3A_266 : i32
        %dma_start3A_268 = arith.constant 0 : i32
        %dma_start3A_269 = arith.constant 0 : i32
        %dma_start3A_270 = tpu.memref_slice %arg3[%add3A, %add3A_267, %dma_start3A_268, %dma_start3A_269] : memref<32x80x2x125xi32, #tpu.memory_space<hbm>> -> memref<1x1x2x125xi32, #tpu.memory_space<hbm>>
        %dma_start3A_271 = tpu.memref_squeeze %dma_start3A_270 : memref<1x1x2x125xi32, #tpu.memory_space<hbm>> -> memref<2x125xi32, #tpu.memory_space<hbm>>
        %dma_start3A_272 = arith.constant 0 : i32
        %dma_start3A_273 = arith.constant 0 : i32
        %dma_start3A_274 = tpu.memref_slice %arg3[%add3A, %add3A_267, %dma_start3A_272, %dma_start3A_273] : memref<32x80x2x125xi32, #tpu.memory_space<hbm>> -> memref<1x1x2x125xi32, #tpu.memory_space<hbm>>
        %dma_start3A_275 = tpu.memref_squeeze %dma_start3A_274 : memref<1x1x2x125xi32, #tpu.memory_space<hbm>> -> memref<2x125xi32, #tpu.memory_space<hbm>>
        tpu.enqueue_dma source(%dma_start3A_275 : memref<2x125xi32, #tpu.memory_space<hbm>>) target(%arg6 : memref<2x125xi32, #tpu.memory_space<vmem>>) target_semaphore(%arg16 : memref<!tpu.dma_semaphore, #tpu.memory_space<semaphore_mem>>)
      } else {
      }
      %add3A_187 = arith.constant 2 : i32
      %add3A_188 = arith.addi %add3A_171, %add3A_187 : i32
      %lt3A_189 = arith.constant 80 : i32
      %lt3A_190 = arith.cmpi slt, %add3A_188, %lt3A_189 : i32
      %convert_element_type3A_191 = arith.extui %lt3A_190 : i1 to i32
      %cond3A_192 = arith.constant 0 : i32
      %cond3A_193 = arith.cmpi ne, %convert_element_type3A_191, %cond3A_192 : i32
      scf.if %cond3A_193 {
        %add3A_266 = arith.constant 2 : i32
        %add3A_267 = arith.addi %add3A_171, %add3A_266 : i32
        %dma_wait3A_268 = arith.constant 0 : i32
        %dma_wait3A_269 = arith.constant 0 : i32
        %dma_wait3A_270 = tpu.memref_slice %arg3[%add3A, %add3A_267, %dma_wait3A_268, %dma_wait3A_269] : memref<32x80x2x125xi32, #tpu.memory_space<hbm>> -> memref<1x1x2x125xi32, #tpu.memory_space<hbm>>
        %dma_wait3A_271 = tpu.memref_squeeze %dma_wait3A_270 : memref<1x1x2x125xi32, #tpu.memory_space<hbm>> -> memref<2x125xi32, #tpu.memory_space<hbm>>
        %dma_wait3A_272 = arith.constant 0 : i32
        %dma_wait3A_273 = arith.constant 0 : i32
        %dma_wait3A_274 = tpu.memref_slice %arg3[%add3A, %add3A_267, %dma_wait3A_272, %dma_wait3A_273] : memref<32x80x2x125xi32, #tpu.memory_space<hbm>> -> memref<1x1x2x125xi32, #tpu.memory_space<hbm>>
        %dma_wait3A_275 = tpu.memref_squeeze %dma_wait3A_274 : memref<1x1x2x125xi32, #tpu.memory_space<hbm>> -> memref<2x125xi32, #tpu.memory_space<hbm>>
        tpu.wait_dma2 semaphore(%arg22 : memref<!tpu.dma_semaphore, #tpu.memory_space<semaphore_mem>>) src(%dma_wait3A_275 : memref<2x125xi32, #tpu.memory_space<hbm>>) dst(%arg12 : memref<2x125xi32, #tpu.memory_space<vmem>>)
        %dma_start3A_276 = arith.constant 0 : i32
        %dma_start3A_277 = arith.constant 0 : i32
        %dma_start3A_278 = tpu.memref_slice %arg12[%dma_start3A_276, %dma_start3A_277] : memref<2x125xi32, #tpu.memory_space<vmem>> -> memref<1x125xi32, #tpu.memory_space<vmem>>
        %dma_start3A_279 = tpu.memref_squeeze %dma_start3A_278 : memref<1x125xi32, #tpu.memory_space<vmem>> -> memref<125xi32, #tpu.memory_space<vmem>>
        %dma_start3A_280 = arith.constant 0 : i32
        %dma_start3A_281 = arith.constant 0 : i32
        %dma_start3A_282 = tpu.memref_slice %arg2[%dma_start3A_280, %dma_start3A_281] : memref<10000x128xf32, #tpu.memory_space<hbm>> -> memref<10000x128xf32, #tpu.memory_space<hbm>>
        tpu.enqueue_indirect_dma source(%dma_start3A_282 : memref<10000x128xf32, #tpu.memory_space<hbm>>) target(%arg14 : memref<125x128xf32, #tpu.memory_space<vmem>>) offsets(%dma_start3A_279 : memref<125xi32, #tpu.memory_space<vmem>>) semaphore(%arg24 : memref<!tpu.dma_semaphore, #tpu.memory_space<semaphore_mem>>)
      } else {
      }
      %add3A_194 = arith.constant 5 : i32
      %add3A_195 = arith.addi %mul3A_77, %add3A_194 : i32
      %dma_wait3A_196 = arith.constant 0 : i32
      %dma_wait3A_197 = arith.constant 0 : i32
      %dma_wait3A_198 = tpu.memref_slice %arg11[%dma_wait3A_196, %dma_wait3A_197] : memref<2x125xi32, #tpu.memory_space<vmem>> -> memref<1x125xi32, #tpu.memory_space<vmem>>
      %dma_wait3A_199 = tpu.memref_squeeze %dma_wait3A_198 : memref<1x125xi32, #tpu.memory_space<vmem>> -> memref<125xi32, #tpu.memory_space<vmem>>
      %dma_wait3A_200 = arith.constant 0 : i32
      %dma_wait3A_201 = arith.constant 0 : i32
      %dma_wait3A_202 = tpu.memref_slice %arg2[%dma_wait3A_200, %dma_wait3A_201] : memref<10000x128xf32, #tpu.memory_space<hbm>> -> memref<10000x128xf32, #tpu.memory_space<hbm>>
      tpu.wait_indirect_dma semaphore(%arg25 : memref<!tpu.dma_semaphore, #tpu.memory_space<semaphore_mem>>) src(%dma_wait3A_202 : memref<10000x128xf32, #tpu.memory_space<hbm>>) dst(%arg15 : memref<125x128xf32, #tpu.memory_space<vmem>>)
      %run_scoped3A_203 = arith.constant 1 : i32
      "tpu.region"() ({
        %run_scoped3A_266 = tpu.sem_alloc : memref<!tpu.dma_semaphore, #tpu.memory_space<semaphore_mem>>
        %dma_start3A_267 = arith.constant 0 : i32
        %dma_start3A_268 = tpu.memref_slice %arg11[%run_scoped3A_203, %dma_start3A_267] : memref<2x125xi32, #tpu.memory_space<vmem>> -> memref<1x125xi32, #tpu.memory_space<vmem>>
        %dma_start3A_269 = tpu.memref_squeeze %dma_start3A_268 : memref<1x125xi32, #tpu.memory_space<vmem>> -> memref<125xi32, #tpu.memory_space<vmem>>
        %dma_start3A_270 = arith.constant 0 : i32
        %dma_start3A_271 = arith.constant 0 : i32
        %dma_start3A_272 = tpu.memref_slice %arg26[%dma_start3A_270, %dma_start3A_271] : memref<10240x128xf32, #tpu.memory_space<vmem_shared>> -> memref<10240x128xf32, #tpu.memory_space<vmem_shared>>
        tpu.enqueue_indirect_dma source(%arg15 : memref<125x128xf32, #tpu.memory_space<vmem>>) target(%dma_start3A_272 : memref<10240x128xf32, #tpu.memory_space<vmem_shared>>) offsets(%dma_start3A_269 : memref<125xi32, #tpu.memory_space<vmem>>) semaphore(%run_scoped3A_266 : memref<!tpu.dma_semaphore, #tpu.memory_space<semaphore_mem>>) {add = true}
        %dma_wait3A_273 = arith.constant 0 : i32
        %dma_wait3A_274 = tpu.memref_slice %arg11[%run_scoped3A_203, %dma_wait3A_273] : memref<2x125xi32, #tpu.memory_space<vmem>> -> memref<1x125xi32, #tpu.memory_space<vmem>>
        %dma_wait3A_275 = tpu.memref_squeeze %dma_wait3A_274 : memref<1x125xi32, #tpu.memory_space<vmem>> -> memref<125xi32, #tpu.memory_space<vmem>>
        %dma_wait3A_276 = arith.constant 0 : i32
        %dma_wait3A_277 = arith.constant 0 : i32
        %dma_wait3A_278 = tpu.memref_slice %arg26[%dma_wait3A_276, %dma_wait3A_277] : memref<10240x128xf32, #tpu.memory_space<vmem_shared>> -> memref<10240x128xf32, #tpu.memory_space<vmem_shared>>
        tpu.wait_indirect_dma semaphore(%run_scoped3A_266 : memref<!tpu.dma_semaphore, #tpu.memory_space<semaphore_mem>>) src(%arg15 : memref<125x128xf32, #tpu.memory_space<vmem>>) dst(%dma_wait3A_278 : memref<10240x128xf32, #tpu.memory_space<vmem_shared>>)
        tpu.yield
      }) : () -> ()
      %add3A_204 = arith.constant 4 : i32
      %add3A_205 = arith.addi %add3A_195, %add3A_204 : i32
      %lt3A_206 = arith.constant 80 : i32
      %lt3A_207 = arith.cmpi slt, %add3A_205, %lt3A_206 : i32
      %convert_element_type3A_208 = arith.extui %lt3A_207 : i1 to i32
      %cond3A_209 = arith.constant 0 : i32
      %cond3A_210 = arith.cmpi ne, %convert_element_type3A_208, %cond3A_209 : i32
      scf.if %cond3A_210 {
        %add3A_266 = arith.constant 4 : i32
        %add3A_267 = arith.addi %add3A_195, %add3A_266 : i32
        %dma_start3A_268 = arith.constant 0 : i32
        %dma_start3A_269 = arith.constant 0 : i32
        %dma_start3A_270 = tpu.memref_slice %arg3[%add3A, %add3A_267, %dma_start3A_268, %dma_start3A_269] : memref<32x80x2x125xi32, #tpu.memory_space<hbm>> -> memref<1x1x2x125xi32, #tpu.memory_space<hbm>>
        %dma_start3A_271 = tpu.memref_squeeze %dma_start3A_270 : memref<1x1x2x125xi32, #tpu.memory_space<hbm>> -> memref<2x125xi32, #tpu.memory_space<hbm>>
        %dma_start3A_272 = arith.constant 0 : i32
        %dma_start3A_273 = arith.constant 0 : i32
        %dma_start3A_274 = tpu.memref_slice %arg3[%add3A, %add3A_267, %dma_start3A_272, %dma_start3A_273] : memref<32x80x2x125xi32, #tpu.memory_space<hbm>> -> memref<1x1x2x125xi32, #tpu.memory_space<hbm>>
        %dma_start3A_275 = tpu.memref_squeeze %dma_start3A_274 : memref<1x1x2x125xi32, #tpu.memory_space<hbm>> -> memref<2x125xi32, #tpu.memory_space<hbm>>
        tpu.enqueue_dma source(%dma_start3A_275 : memref<2x125xi32, #tpu.memory_space<hbm>>) target(%arg7 : memref<2x125xi32, #tpu.memory_space<vmem>>) target_semaphore(%arg17 : memref<!tpu.dma_semaphore, #tpu.memory_space<semaphore_mem>>)
      } else {
      }
      %add3A_211 = arith.constant 2 : i32
      %add3A_212 = arith.addi %add3A_195, %add3A_211 : i32
      %lt3A_213 = arith.constant 80 : i32
      %lt3A_214 = arith.cmpi slt, %add3A_212, %lt3A_213 : i32
      %convert_element_type3A_215 = arith.extui %lt3A_214 : i1 to i32
      %cond3A_216 = arith.constant 0 : i32
      %cond3A_217 = arith.cmpi ne, %convert_element_type3A_215, %cond3A_216 : i32
      scf.if %cond3A_217 {
        %add3A_266 = arith.constant 2 : i32
        %add3A_267 = arith.addi %add3A_195, %add3A_266 : i32
        %dma_wait3A_268 = arith.constant 0 : i32
        %dma_wait3A_269 = arith.constant 0 : i32
        %dma_wait3A_270 = tpu.memref_slice %arg3[%add3A, %add3A_267, %dma_wait3A_268, %dma_wait3A_269] : memref<32x80x2x125xi32, #tpu.memory_space<hbm>> -> memref<1x1x2x125xi32, #tpu.memory_space<hbm>>
        %dma_wait3A_271 = tpu.memref_squeeze %dma_wait3A_270 : memref<1x1x2x125xi32, #tpu.memory_space<hbm>> -> memref<2x125xi32, #tpu.memory_space<hbm>>
        %dma_wait3A_272 = arith.constant 0 : i32
        %dma_wait3A_273 = arith.constant 0 : i32
        %dma_wait3A_274 = tpu.memref_slice %arg3[%add3A, %add3A_267, %dma_wait3A_272, %dma_wait3A_273] : memref<32x80x2x125xi32, #tpu.memory_space<hbm>> -> memref<1x1x2x125xi32, #tpu.memory_space<hbm>>
        %dma_wait3A_275 = tpu.memref_squeeze %dma_wait3A_274 : memref<1x1x2x125xi32, #tpu.memory_space<hbm>> -> memref<2x125xi32, #tpu.memory_space<hbm>>
        tpu.wait_dma2 semaphore(%arg23 : memref<!tpu.dma_semaphore, #tpu.memory_space<semaphore_mem>>) src(%dma_wait3A_275 : memref<2x125xi32, #tpu.memory_space<hbm>>) dst(%arg13 : memref<2x125xi32, #tpu.memory_space<vmem>>)
        %dma_start3A_276 = arith.constant 0 : i32
        %dma_start3A_277 = arith.constant 0 : i32
        %dma_start3A_278 = tpu.memref_slice %arg13[%dma_start3A_276, %dma_start3A_277] : memref<2x125xi32, #tpu.memory_space<vmem>> -> memref<1x125xi32, #tpu.memory_space<vmem>>
        %dma_start3A_279 = tpu.memref_squeeze %dma_start3A_278 : memref<1x125xi32, #tpu.memory_space<vmem>> -> memref<125xi32, #tpu.memory_space<vmem>>
        %dma_start3A_280 = arith.constant 0 : i32
        %dma_start3A_281 = arith.constant 0 : i32
        %dma_start3A_282 = tpu.memref_slice %arg2[%dma_start3A_280, %dma_start3A_281] : memref<10000x128xf32, #tpu.memory_space<hbm>> -> memref<10000x128xf32, #tpu.memory_space<hbm>>
        tpu.enqueue_indirect_dma source(%dma_start3A_282 : memref<10000x128xf32, #tpu.memory_space<hbm>>) target(%arg15 : memref<125x128xf32, #tpu.memory_space<vmem>>) offsets(%dma_start3A_279 : memref<125xi32, #tpu.memory_space<vmem>>) semaphore(%arg25 : memref<!tpu.dma_semaphore, #tpu.memory_space<semaphore_mem>>)
      } else {
      }
      %add3A_218 = arith.constant 6 : i32
      %add3A_219 = arith.addi %mul3A_77, %add3A_218 : i32
      %dma_wait3A_220 = arith.constant 0 : i32
      %dma_wait3A_221 = arith.constant 0 : i32
      %dma_wait3A_222 = tpu.memref_slice %arg12[%dma_wait3A_220, %dma_wait3A_221] : memref<2x125xi32, #tpu.memory_space<vmem>> -> memref<1x125xi32, #tpu.memory_space<vmem>>
      %dma_wait3A_223 = tpu.memref_squeeze %dma_wait3A_222 : memref<1x125xi32, #tpu.memory_space<vmem>> -> memref<125xi32, #tpu.memory_space<vmem>>
      %dma_wait3A_224 = arith.constant 0 : i32
      %dma_wait3A_225 = arith.constant 0 : i32
      %dma_wait3A_226 = tpu.memref_slice %arg2[%dma_wait3A_224, %dma_wait3A_225] : memref<10000x128xf32, #tpu.memory_space<hbm>> -> memref<10000x128xf32, #tpu.memory_space<hbm>>
      tpu.wait_indirect_dma semaphore(%arg24 : memref<!tpu.dma_semaphore, #tpu.memory_space<semaphore_mem>>) src(%dma_wait3A_226 : memref<10000x128xf32, #tpu.memory_space<hbm>>) dst(%arg14 : memref<125x128xf32, #tpu.memory_space<vmem>>)
      %run_scoped3A_227 = arith.constant 1 : i32
      "tpu.region"() ({
        %run_scoped3A_266 = tpu.sem_alloc : memref<!tpu.dma_semaphore, #tpu.memory_space<semaphore_mem>>
        %dma_start3A_267 = arith.constant 0 : i32
        %dma_start3A_268 = tpu.memref_slice %arg12[%run_scoped3A_227, %dma_start3A_267] : memref<2x125xi32, #tpu.memory_space<vmem>> -> memref<1x125xi32, #tpu.memory_space<vmem>>
        %dma_start3A_269 = tpu.memref_squeeze %dma_start3A_268 : memref<1x125xi32, #tpu.memory_space<vmem>> -> memref<125xi32, #tpu.memory_space<vmem>>
        %dma_start3A_270 = arith.constant 0 : i32
        %dma_start3A_271 = arith.constant 0 : i32
        %dma_start3A_272 = tpu.memref_slice %arg26[%dma_start3A_270, %dma_start3A_271] : memref<10240x128xf32, #tpu.memory_space<vmem_shared>> -> memref<10240x128xf32, #tpu.memory_space<vmem_shared>>
        tpu.enqueue_indirect_dma source(%arg14 : memref<125x128xf32, #tpu.memory_space<vmem>>) target(%dma_start3A_272 : memref<10240x128xf32, #tpu.memory_space<vmem_shared>>) offsets(%dma_start3A_269 : memref<125xi32, #tpu.memory_space<vmem>>) semaphore(%run_scoped3A_266 : memref<!tpu.dma_semaphore, #tpu.memory_space<semaphore_mem>>) {add = true}
        %dma_wait3A_273 = arith.constant 0 : i32
        %dma_wait3A_274 = tpu.memref_slice %arg12[%run_scoped3A_227, %dma_wait3A_273] : memref<2x125xi32, #tpu.memory_space<vmem>> -> memref<1x125xi32, #tpu.memory_space<vmem>>
        %dma_wait3A_275 = tpu.memref_squeeze %dma_wait3A_274 : memref<1x125xi32, #tpu.memory_space<vmem>> -> memref<125xi32, #tpu.memory_space<vmem>>
        %dma_wait3A_276 = arith.constant 0 : i32
        %dma_wait3A_277 = arith.constant 0 : i32
        %dma_wait3A_278 = tpu.memref_slice %arg26[%dma_wait3A_276, %dma_wait3A_277] : memref<10240x128xf32, #tpu.memory_space<vmem_shared>> -> memref<10240x128xf32, #tpu.memory_space<vmem_shared>>
        tpu.wait_indirect_dma semaphore(%run_scoped3A_266 : memref<!tpu.dma_semaphore, #tpu.memory_space<semaphore_mem>>) src(%arg14 : memref<125x128xf32, #tpu.memory_space<vmem>>) dst(%dma_wait3A_278 : memref<10240x128xf32, #tpu.memory_space<vmem_shared>>)
        tpu.yield
      }) : () -> ()
      %add3A_228 = arith.constant 4 : i32
      %add3A_229 = arith.addi %add3A_219, %add3A_228 : i32
      %lt3A_230 = arith.constant 80 : i32
      %lt3A_231 = arith.cmpi slt, %add3A_229, %lt3A_230 : i32
      %convert_element_type3A_232 = arith.extui %lt3A_231 : i1 to i32
      %cond3A_233 = arith.constant 0 : i32
      %cond3A_234 = arith.cmpi ne, %convert_element_type3A_232, %cond3A_233 : i32
      scf.if %cond3A_234 {
        %add3A_266 = arith.constant 4 : i32
        %add3A_267 = arith.addi %add3A_219, %add3A_266 : i32
        %dma_start3A_268 = arith.constant 0 : i32
        %dma_start3A_269 = arith.constant 0 : i32
        %dma_start3A_270 = tpu.memref_slice %arg3[%add3A, %add3A_267, %dma_start3A_268, %dma_start3A_269] : memref<32x80x2x125xi32, #tpu.memory_space<hbm>> -> memref<1x1x2x125xi32, #tpu.memory_space<hbm>>
        %dma_start3A_271 = tpu.memref_squeeze %dma_start3A_270 : memref<1x1x2x125xi32, #tpu.memory_space<hbm>> -> memref<2x125xi32, #tpu.memory_space<hbm>>
        %dma_start3A_272 = arith.constant 0 : i32
        %dma_start3A_273 = arith.constant 0 : i32
        %dma_start3A_274 = tpu.memref_slice %arg3[%add3A, %add3A_267, %dma_start3A_272, %dma_start3A_273] : memref<32x80x2x125xi32, #tpu.memory_space<hbm>> -> memref<1x1x2x125xi32, #tpu.memory_space<hbm>>
        %dma_start3A_275 = tpu.memref_squeeze %dma_start3A_274 : memref<1x1x2x125xi32, #tpu.memory_space<hbm>> -> memref<2x125xi32, #tpu.memory_space<hbm>>
        tpu.enqueue_dma source(%dma_start3A_275 : memref<2x125xi32, #tpu.memory_space<hbm>>) target(%arg8 : memref<2x125xi32, #tpu.memory_space<vmem>>) target_semaphore(%arg18 : memref<!tpu.dma_semaphore, #tpu.memory_space<semaphore_mem>>)
      } else {
      }
      %add3A_235 = arith.constant 2 : i32
      %add3A_236 = arith.addi %add3A_219, %add3A_235 : i32
      %lt3A_237 = arith.constant 80 : i32
      %lt3A_238 = arith.cmpi slt, %add3A_236, %lt3A_237 : i32
      %convert_element_type3A_239 = arith.extui %lt3A_238 : i1 to i32
      %cond3A_240 = arith.constant 0 : i32
      %cond3A_241 = arith.cmpi ne, %convert_element_type3A_239, %cond3A_240 : i32
      scf.if %cond3A_241 {
        %add3A_266 = arith.constant 2 : i32
        %add3A_267 = arith.addi %add3A_219, %add3A_266 : i32
        %dma_wait3A_268 = arith.constant 0 : i32
        %dma_wait3A_269 = arith.constant 0 : i32
        %dma_wait3A_270 = tpu.memref_slice %arg3[%add3A, %add3A_267, %dma_wait3A_268, %dma_wait3A_269] : memref<32x80x2x125xi32, #tpu.memory_space<hbm>> -> memref<1x1x2x125xi32, #tpu.memory_space<hbm>>
        %dma_wait3A_271 = tpu.memref_squeeze %dma_wait3A_270 : memref<1x1x2x125xi32, #tpu.memory_space<hbm>> -> memref<2x125xi32, #tpu.memory_space<hbm>>
        %dma_wait3A_272 = arith.constant 0 : i32
        %dma_wait3A_273 = arith.constant 0 : i32
        %dma_wait3A_274 = tpu.memref_slice %arg3[%add3A, %add3A_267, %dma_wait3A_272, %dma_wait3A_273] : memref<32x80x2x125xi32, #tpu.memory_space<hbm>> -> memref<1x1x2x125xi32, #tpu.memory_space<hbm>>
        %dma_wait3A_275 = tpu.memref_squeeze %dma_wait3A_274 : memref<1x1x2x125xi32, #tpu.memory_space<hbm>> -> memref<2x125xi32, #tpu.memory_space<hbm>>
        tpu.wait_dma2 semaphore(%arg16 : memref<!tpu.dma_semaphore, #tpu.memory_space<semaphore_mem>>) src(%dma_wait3A_275 : memref<2x125xi32, #tpu.memory_space<hbm>>) dst(%arg6 : memref<2x125xi32, #tpu.memory_space<vmem>>)
        %dma_start3A_276 = arith.constant 0 : i32
        %dma_start3A_277 = arith.constant 0 : i32
        %dma_start3A_278 = tpu.memref_slice %arg6[%dma_start3A_276, %dma_start3A_277] : memref<2x125xi32, #tpu.memory_space<vmem>> -> memref<1x125xi32, #tpu.memory_space<vmem>>
        %dma_start3A_279 = tpu.memref_squeeze %dma_start3A_278 : memref<1x125xi32, #tpu.memory_space<vmem>> -> memref<125xi32, #tpu.memory_space<vmem>>
        %dma_start3A_280 = arith.constant 0 : i32
        %dma_start3A_281 = arith.constant 0 : i32
        %dma_start3A_282 = tpu.memref_slice %arg2[%dma_start3A_280, %dma_start3A_281] : memref<10000x128xf32, #tpu.memory_space<hbm>> -> memref<10000x128xf32, #tpu.memory_space<hbm>>
        tpu.enqueue_indirect_dma source(%dma_start3A_282 : memref<10000x128xf32, #tpu.memory_space<hbm>>) target(%arg14 : memref<125x128xf32, #tpu.memory_space<vmem>>) offsets(%dma_start3A_279 : memref<125xi32, #tpu.memory_space<vmem>>) semaphore(%arg24 : memref<!tpu.dma_semaphore, #tpu.memory_space<semaphore_mem>>)
      } else {
      }
      %add3A_242 = arith.constant 7 : i32
      %add3A_243 = arith.addi %mul3A_77, %add3A_242 : i32
      %dma_wait3A_244 = arith.constant 0 : i32
      %dma_wait3A_245 = arith.constant 0 : i32
      %dma_wait3A_246 = tpu.memref_slice %arg13[%dma_wait3A_244, %dma_wait3A_245] : memref<2x125xi32, #tpu.memory_space<vmem>> -> memref<1x125xi32, #tpu.memory_space<vmem>>
      %dma_wait3A_247 = tpu.memref_squeeze %dma_wait3A_246 : memref<1x125xi32, #tpu.memory_space<vmem>> -> memref<125xi32, #tpu.memory_space<vmem>>
      %dma_wait3A_248 = arith.constant 0 : i32
      %dma_wait3A_249 = arith.constant 0 : i32
      %dma_wait3A_250 = tpu.memref_slice %arg2[%dma_wait3A_248, %dma_wait3A_249] : memref<10000x128xf32, #tpu.memory_space<hbm>> -> memref<10000x128xf32, #tpu.memory_space<hbm>>
      tpu.wait_indirect_dma semaphore(%arg25 : memref<!tpu.dma_semaphore, #tpu.memory_space<semaphore_mem>>) src(%dma_wait3A_250 : memref<10000x128xf32, #tpu.memory_space<hbm>>) dst(%arg15 : memref<125x128xf32, #tpu.memory_space<vmem>>)
      %run_scoped3A_251 = arith.constant 1 : i32
      "tpu.region"() ({
        %run_scoped3A_266 = tpu.sem_alloc : memref<!tpu.dma_semaphore, #tpu.memory_space<semaphore_mem>>
        %dma_start3A_267 = arith.constant 0 : i32
        %dma_start3A_268 = tpu.memref_slice %arg13[%run_scoped3A_251, %dma_start3A_267] : memref<2x125xi32, #tpu.memory_space<vmem>> -> memref<1x125xi32, #tpu.memory_space<vmem>>
        %dma_start3A_269 = tpu.memref_squeeze %dma_start3A_268 : memref<1x125xi32, #tpu.memory_space<vmem>> -> memref<125xi32, #tpu.memory_space<vmem>>
        %dma_start3A_270 = arith.constant 0 : i32
        %dma_start3A_271 = arith.constant 0 : i32
        %dma_start3A_272 = tpu.memref_slice %arg26[%dma_start3A_270, %dma_start3A_271] : memref<10240x128xf32, #tpu.memory_space<vmem_shared>> -> memref<10240x128xf32, #tpu.memory_space<vmem_shared>>
        tpu.enqueue_indirect_dma source(%arg15 : memref<125x128xf32, #tpu.memory_space<vmem>>) target(%dma_start3A_272 : memref<10240x128xf32, #tpu.memory_space<vmem_shared>>) offsets(%dma_start3A_269 : memref<125xi32, #tpu.memory_space<vmem>>) semaphore(%run_scoped3A_266 : memref<!tpu.dma_semaphore, #tpu.memory_space<semaphore_mem>>) {add = true}
        %dma_wait3A_273 = arith.constant 0 : i32
        %dma_wait3A_274 = tpu.memref_slice %arg13[%run_scoped3A_251, %dma_wait3A_273] : memref<2x125xi32, #tpu.memory_space<vmem>> -> memref<1x125xi32, #tpu.memory_space<vmem>>
        %dma_wait3A_275 = tpu.memref_squeeze %dma_wait3A_274 : memref<1x125xi32, #tpu.memory_space<vmem>> -> memref<125xi32, #tpu.memory_space<vmem>>
        %dma_wait3A_276 = arith.constant 0 : i32
        %dma_wait3A_277 = arith.constant 0 : i32
        %dma_wait3A_278 = tpu.memref_slice %arg26[%dma_wait3A_276, %dma_wait3A_277] : memref<10240x128xf32, #tpu.memory_space<vmem_shared>> -> memref<10240x128xf32, #tpu.memory_space<vmem_shared>>
        tpu.wait_indirect_dma semaphore(%run_scoped3A_266 : memref<!tpu.dma_semaphore, #tpu.memory_space<semaphore_mem>>) src(%arg15 : memref<125x128xf32, #tpu.memory_space<vmem>>) dst(%dma_wait3A_278 : memref<10240x128xf32, #tpu.memory_space<vmem_shared>>)
        tpu.yield
      }) : () -> ()
      %add3A_252 = arith.constant 4 : i32
      %add3A_253 = arith.addi %add3A_243, %add3A_252 : i32
      %lt3A_254 = arith.constant 80 : i32
      %lt3A_255 = arith.cmpi slt, %add3A_253, %lt3A_254 : i32
      %convert_element_type3A_256 = arith.extui %lt3A_255 : i1 to i32
      %cond3A_257 = arith.constant 0 : i32
      %cond3A_258 = arith.cmpi ne, %convert_element_type3A_256, %cond3A_257 : i32
      scf.if %cond3A_258 {
        %add3A_266 = arith.constant 4 : i32
        %add3A_267 = arith.addi %add3A_243, %add3A_266 : i32
        %dma_start3A_268 = arith.constant 0 : i32
        %dma_start3A_269 = arith.constant 0 : i32
        %dma_start3A_270 = tpu.memref_slice %arg3[%add3A, %add3A_267, %dma_start3A_268, %dma_start3A_269] : memref<32x80x2x125xi32, #tpu.memory_space<hbm>> -> memref<1x1x2x125xi32, #tpu.memory_space<hbm>>
        %dma_start3A_271 = tpu.memref_squeeze %dma_start3A_270 : memref<1x1x2x125xi32, #tpu.memory_space<hbm>> -> memref<2x125xi32, #tpu.memory_space<hbm>>
        %dma_start3A_272 = arith.constant 0 : i32
        %dma_start3A_273 = arith.constant 0 : i32
        %dma_start3A_274 = tpu.memref_slice %arg3[%add3A, %add3A_267, %dma_start3A_272, %dma_start3A_273] : memref<32x80x2x125xi32, #tpu.memory_space<hbm>> -> memref<1x1x2x125xi32, #tpu.memory_space<hbm>>
        %dma_start3A_275 = tpu.memref_squeeze %dma_start3A_274 : memref<1x1x2x125xi32, #tpu.memory_space<hbm>> -> memref<2x125xi32, #tpu.memory_space<hbm>>
        tpu.enqueue_dma source(%dma_start3A_275 : memref<2x125xi32, #tpu.memory_space<hbm>>) target(%arg9 : memref<2x125xi32, #tpu.memory_space<vmem>>) target_semaphore(%arg19 : memref<!tpu.dma_semaphore, #tpu.memory_space<semaphore_mem>>)
      } else {
      }
      %add3A_259 = arith.constant 2 : i32
      %add3A_260 = arith.addi %add3A_243, %add3A_259 : i32
      %lt3A_261 = arith.constant 80 : i32
      %lt3A_262 = arith.cmpi slt, %add3A_260, %lt3A_261 : i32
      %convert_element_type3A_263 = arith.extui %lt3A_262 : i1 to i32
      %cond3A_264 = arith.constant 0 : i32
      %cond3A_265 = arith.cmpi ne, %convert_element_type3A_263, %cond3A_264 : i32
      scf.if %cond3A_265 {
        %add3A_266 = arith.constant 2 : i32
        %add3A_267 = arith.addi %add3A_243, %add3A_266 : i32
        %dma_wait3A_268 = arith.constant 0 : i32
        %dma_wait3A_269 = arith.constant 0 : i32
        %dma_wait3A_270 = tpu.memref_slice %arg3[%add3A, %add3A_267, %dma_wait3A_268, %dma_wait3A_269] : memref<32x80x2x125xi32, #tpu.memory_space<hbm>> -> memref<1x1x2x125xi32, #tpu.memory_space<hbm>>
        %dma_wait3A_271 = tpu.memref_squeeze %dma_wait3A_270 : memref<1x1x2x125xi32, #tpu.memory_space<hbm>> -> memref<2x125xi32, #tpu.memory_space<hbm>>
        %dma_wait3A_272 = arith.constant 0 : i32
        %dma_wait3A_273 = arith.constant 0 : i32
        %dma_wait3A_274 = tpu.memref_slice %arg3[%add3A, %add3A_267, %dma_wait3A_272, %dma_wait3A_273] : memref<32x80x2x125xi32, #tpu.memory_space<hbm>> -> memref<1x1x2x125xi32, #tpu.memory_space<hbm>>
        %dma_wait3A_275 = tpu.memref_squeeze %dma_wait3A_274 : memref<1x1x2x125xi32, #tpu.memory_space<hbm>> -> memref<2x125xi32, #tpu.memory_space<hbm>>
        tpu.wait_dma2 semaphore(%arg17 : memref<!tpu.dma_semaphore, #tpu.memory_space<semaphore_mem>>) src(%dma_wait3A_275 : memref<2x125xi32, #tpu.memory_space<hbm>>) dst(%arg7 : memref<2x125xi32, #tpu.memory_space<vmem>>)
        %dma_start3A_276 = arith.constant 0 : i32
        %dma_start3A_277 = arith.constant 0 : i32
        %dma_start3A_278 = tpu.memref_slice %arg7[%dma_start3A_276, %dma_start3A_277] : memref<2x125xi32, #tpu.memory_space<vmem>> -> memref<1x125xi32, #tpu.memory_space<vmem>>
        %dma_start3A_279 = tpu.memref_squeeze %dma_start3A_278 : memref<1x125xi32, #tpu.memory_space<vmem>> -> memref<125xi32, #tpu.memory_space<vmem>>
        %dma_start3A_280 = arith.constant 0 : i32
        %dma_start3A_281 = arith.constant 0 : i32
        %dma_start3A_282 = tpu.memref_slice %arg2[%dma_start3A_280, %dma_start3A_281] : memref<10000x128xf32, #tpu.memory_space<hbm>> -> memref<10000x128xf32, #tpu.memory_space<hbm>>
        tpu.enqueue_indirect_dma source(%dma_start3A_282 : memref<10000x128xf32, #tpu.memory_space<hbm>>) target(%arg15 : memref<125x128xf32, #tpu.memory_space<vmem>>) offsets(%dma_start3A_279 : memref<125xi32, #tpu.memory_space<vmem>>) semaphore(%arg25 : memref<!tpu.dma_semaphore, #tpu.memory_space<semaphore_mem>>)
      } else {
      }
    }
    %scan3A_73 = arith.constant 10 : i32
    %barrier3A_74 = arith.constant 0 : index
    tpu.barrier barrier_id(%barrier3A_74)
    "tpu.region"() ({
      %run_scoped3A = tpu.sem_alloc : memref<!tpu.dma_semaphore, #tpu.memory_space<semaphore_mem>>
      %dma_start3A_75 = arith.constant 0 : i32
      %dma_start3A_76 = tpu.memref_slice %arg5[%arg0, %mul3A_2, %dma_start3A_75] : memref<2x10240x128xf32, #tpu.memory_space<hbm>> -> memref<1x640x128xf32, #tpu.memory_space<hbm>>
      %dma_start3A_77 = tpu.memref_squeeze %dma_start3A_76 : memref<1x640x128xf32, #tpu.memory_space<hbm>> -> memref<640x128xf32, #tpu.memory_space<hbm>>
      %dma_start3A_78 = arith.constant 0 : i32
      %dma_start3A_79 = tpu.memref_slice %arg26[%mul3A_2, %dma_start3A_78] : memref<10240x128xf32, #tpu.memory_space<vmem_shared>> -> memref<640x128xf32, #tpu.memory_space<vmem_shared>>
      tpu.enqueue_dma source(%dma_start3A_79 : memref<640x128xf32, #tpu.memory_space<vmem_shared>>) target(%dma_start3A_77 : memref<640x128xf32, #tpu.memory_space<hbm>>) target_semaphore(%run_scoped3A : memref<!tpu.dma_semaphore, #tpu.memory_space<semaphore_mem>>)
      %dma_wait3A_80 = arith.constant 0 : i32
      %dma_wait3A_81 = tpu.memref_slice %arg5[%arg0, %mul3A_2, %dma_wait3A_80] : memref<2x10240x128xf32, #tpu.memory_space<hbm>> -> memref<1x640x128xf32, #tpu.memory_space<hbm>>
      %dma_wait3A_82 = tpu.memref_squeeze %dma_wait3A_81 : memref<1x640x128xf32, #tpu.memory_space<hbm>> -> memref<640x128xf32, #tpu.memory_space<hbm>>
      %dma_wait3A_83 = arith.constant 0 : i32
      %dma_wait3A_84 = tpu.memref_slice %arg26[%mul3A_2, %dma_wait3A_83] : memref<10240x128xf32, #tpu.memory_space<vmem_shared>> -> memref<640x128xf32, #tpu.memory_space<vmem_shared>>
      tpu.wait_dma2 semaphore(%run_scoped3A : memref<!tpu.dma_semaphore, #tpu.memory_space<semaphore_mem>>) src(%dma_wait3A_84 : memref<640x128xf32, #tpu.memory_space<vmem_shared>>) dst(%dma_wait3A_82 : memref<640x128xf32, #tpu.memory_space<hbm>>)
      tpu.yield
    }) : () -> ()
    return
  }
}

module attributes {stable_mosaic.version = 14 : i64} {
  func.func @_l1_body(%arg0: i32, %arg1: memref<1000x128xf32, #tpu.memory_space<vmem>>, %arg2: memref<1000x1xf32, #tpu.memory_space<vmem>>, %arg3: memref<1000x1xf32, #tpu.memory_space<vmem>>, %arg4: memref<128x128xf32, #tpu.memory_space<vmem>>, %arg5: memref<1000x128xf32, #tpu.memory_space<vmem>>, %arg6: memref<1000x1xf32, #tpu.memory_space<vmem>>) attributes {dimension_semantics = [#tpu.dimension_semantics<arbitrary>], iteration_bounds = array<i64: 10>, scalar_prefetch = 0 : i64, scratch_operands = 0 : i64, tpu.core_type = #tpu.core_type<tc>, window_params = [{transform_indices = @transform_0, window_bounds = array<i64: 1000, 128>}, {transform_indices = @transform_1, window_bounds = array<i64: 1000, 1>}, {transform_indices = @transform_2, window_bounds = array<i64: 1000, 1>}, {pipeline_mode = #tpu.pipeline_mode<synchronous>, transform_indices = @transform_3, window_bounds = array<i64: 128, 128>}, {transform_indices = @transform_4, window_bounds = array<i64: 1000, 128>}, {transform_indices = @transform_5, window_bounds = array<i64: 1000, 1>}]} {
    %get3A = arith.constant 0 : index
    %get3A_0 = arith.constant 0 : index
    %get3A_1 = vector.load %arg2[%get3A, %get3A_0] : memref<1000x1xf32, #tpu.memory_space<vmem>>, vector<1000x1xf32>
    %get3A_2 = arith.constant 0 : index
    %get3A_3 = arith.constant 0 : index
    %get3A_4 = vector.load %arg3[%get3A_2, %get3A_3] : memref<1000x1xf32, #tpu.memory_space<vmem>>, vector<1000x1xf32>
    %add3A = arith.addf %get3A_1, %get3A_4 : vector<1000x1xf32>
    %add3A_5 = arith.constant 1.000000e+00 : f32
    %add3A_6 = vector.broadcast %add3A_5 : f32 to vector<1000x1xf32>
    %add3A_7 = arith.addf %add3A, %add3A_6 : vector<1000x1xf32>
    %rsqrt3A = math.rsqrt %add3A_7 : vector<1000x1xf32>
    %swap3A = arith.constant 0 : index
    %swap3A_8 = arith.constant 0 : index
    %swap3A_9 = vector.load %arg6[%swap3A, %swap3A_8] : memref<1000x1xf32, #tpu.memory_space<vmem>>, vector<1000x1xf32>
    tpu.vector_store %arg6[%swap3A, %swap3A_8], %rsqrt3A {strides = array<i32>} : memref<1000x1xf32, #tpu.memory_space<vmem>>, vector<1000x1xf32>,
    %get3A_10 = arith.constant 0 : index
    %get3A_11 = arith.constant 0 : index
    %get3A_12 = vector.load %arg1[%get3A_10, %get3A_11] : memref<1000x128xf32, #tpu.memory_space<vmem>>, vector<1000x128xf32>
    %get3A_13 = arith.constant 0 : index
    %get3A_14 = arith.constant 0 : index
    %get3A_15 = vector.load %arg4[%get3A_13, %get3A_14] : memref<128x128xf32, #tpu.memory_space<vmem>>, vector<128x128xf32>
    %dot_general3A = arith.constant dense<0.000000e+00> : vector<1000x128xf32>
    %dot_general3A_16 = tpu.matmul %get3A_12, %get3A_15, %dot_general3A {dimension_numbers = #tpu.dot_dimension_numbers<[1], [0], [0], [1], [0, 0, 1, 1], [], []>, transpose_lhs_hint = false} : vector<1000x128xf32>, vector<128x128xf32>, vector<1000x128xf32> -> vector<1000x128xf32>
    %mul3A = vector.broadcast %rsqrt3A : vector<1000x1xf32> to vector<1000x128xf32>
    %mul3A_17 = arith.mulf %dot_general3A_16, %mul3A : vector<1000x128xf32>
    %swap3A_18 = arith.constant 0 : index
    %swap3A_19 = arith.constant 0 : index
    %swap3A_20 = vector.load %arg5[%swap3A_18, %swap3A_19] : memref<1000x128xf32, #tpu.memory_space<vmem>>, vector<1000x128xf32>
    tpu.vector_store %arg5[%swap3A_18, %swap3A_19], %mul3A_17 {strides = array<i32>} : memref<1000x128xf32, #tpu.memory_space<vmem>>, vector<1000x128xf32>,
    return
  }
  func.func @transform_0(%arg0: i32) -> (i32, i32) {
    %c0_i32 = arith.constant 0 : i32
    %c0_i32_0 = arith.constant 0 : i32
    return %arg0, %c0_i32 : i32, i32
  }
  func.func @transform_1(%arg0: i32) -> (i32, i32) {
    %c0_i32 = arith.constant 0 : i32
    %c0_i32_0 = arith.constant 0 : i32
    return %arg0, %c0_i32 : i32, i32
  }
  func.func @transform_2(%arg0: i32) -> (i32, i32) {
    %c0_i32 = arith.constant 0 : i32
    %c0_i32_0 = arith.constant 0 : i32
    return %arg0, %c0_i32 : i32, i32
  }
  func.func @transform_3(%arg0: i32) -> (i32, i32) {
    %c0_i32 = arith.constant 0 : i32
    %c0_i32_0 = arith.constant 0 : i32
    %c0_i32_1 = arith.constant 0 : i32
    return %c0_i32, %c0_i32_0 : i32, i32
  }
  func.func @transform_4(%arg0: i32) -> (i32, i32) {
    %c0_i32 = arith.constant 0 : i32
    %c0_i32_0 = arith.constant 0 : i32
    return %arg0, %c0_i32 : i32, i32
  }
  func.func @transform_5(%arg0: i32) -> (i32, i32) {
    %c0_i32 = arith.constant 0 : i32
    %c0_i32_0 = arith.constant 0 : i32
    return %arg0, %c0_i32 : i32, i32
  }
}

module attributes {stable_mosaic.version = 14 : i64} {
  func.func @_l2_body(%arg0: i32, %arg1: memref<2x1000x128xf32, #tpu.memory_space<vmem>>, %arg2: memref<1000x128xf32, #tpu.memory_space<vmem>>, %arg3: memref<1000x1xf32, #tpu.memory_space<vmem>>, %arg4: memref<1x128xf32, #tpu.memory_space<vmem>>, %arg5: memref<128x128xf32, #tpu.memory_space<vmem>>, %arg6: memref<1000x128xf32, #tpu.memory_space<vmem>>) attributes {dimension_semantics = [#tpu.dimension_semantics<arbitrary>], iteration_bounds = array<i64: 10>, scalar_prefetch = 0 : i64, scratch_operands = 0 : i64, tpu.core_type = #tpu.core_type<tc>, window_params = [{transform_indices = @transform_0, window_bounds = array<i64: 2, 1000, 128>}, {transform_indices = @transform_1, window_bounds = array<i64: 1000, 128>}, {transform_indices = @transform_2, window_bounds = array<i64: 1000, 1>}, {pipeline_mode = #tpu.pipeline_mode<synchronous>, transform_indices = @transform_3, window_bounds = array<i64: 1, 128>}, {pipeline_mode = #tpu.pipeline_mode<synchronous>, transform_indices = @transform_4, window_bounds = array<i64: 128, 128>}, {transform_indices = @transform_5, window_bounds = array<i64: 1000, 128>}]} {
    %get3A = arith.constant 0 : index
    %get3A_0 = arith.constant 0 : index
    %get3A_1 = vector.load %arg3[%get3A, %get3A_0] : memref<1000x1xf32, #tpu.memory_space<vmem>>, vector<1000x1xf32>
    %get3A_2 = arith.constant 0 : index
    %get3A_3 = arith.constant 0 : index
    %get3A_4 = arith.constant 0 : index
    %get3A_5 = vector.load %arg1[%get3A_2, %get3A_3, %get3A_4] : memref<2x1000x128xf32, #tpu.memory_space<vmem>>, vector<2x1000x128xf32>
    %slice3A = vector.extract_strided_slice %get3A_5 {offsets = [0, 0, 0], sizes = [1, 1000, 128], strides = [1, 1, 1]} : vector<2x1000x128xf32> to vector<1x1000x128xf32>
    %squeeze3A = vector.shape_cast %slice3A : vector<1x1000x128xf32> to vector<1000x128xf32>
    %slice3A_6 = vector.extract_strided_slice %get3A_5 {offsets = [1, 0, 0], sizes = [1, 1000, 128], strides = [1, 1, 1]} : vector<2x1000x128xf32> to vector<1x1000x128xf32>
    %squeeze3A_7 = vector.shape_cast %slice3A_6 : vector<1x1000x128xf32> to vector<1000x128xf32>
    %add3A = arith.addf %squeeze3A, %squeeze3A_7 : vector<1000x128xf32>
    %get3A_8 = arith.constant 0 : index
    %get3A_9 = arith.constant 0 : index
    %get3A_10 = vector.load %arg2[%get3A_8, %get3A_9] : memref<1000x128xf32, #tpu.memory_space<vmem>>, vector<1000x128xf32>
    %add3A_11 = arith.addf %add3A, %get3A_10 : vector<1000x128xf32>
    %mul3A = vector.broadcast %get3A_1 : vector<1000x1xf32> to vector<1000x128xf32>
    %mul3A_12 = arith.mulf %mul3A, %add3A_11 : vector<1000x128xf32>
    %get3A_13 = arith.constant 0 : index
    %get3A_14 = arith.constant 0 : index
    %get3A_15 = vector.load %arg4[%get3A_13, %get3A_14] : memref<1x128xf32, #tpu.memory_space<vmem>>, vector<1x128xf32>
    %add3A_16 = vector.broadcast %get3A_15 : vector<1x128xf32> to vector<1000x128xf32>
    %add3A_17 = arith.addf %mul3A_12, %add3A_16 : vector<1000x128xf32>
    %max3A = arith.constant 0.000000e+00 : f32
    %max3A_18 = vector.broadcast %max3A : f32 to vector<1000x128xf32>
    %max3A_19 = arith.maximumf %add3A_17, %max3A_18 : vector<1000x128xf32>
    %get3A_20 = arith.constant 0 : index
    %get3A_21 = arith.constant 0 : index
    %get3A_22 = vector.load %arg5[%get3A_20, %get3A_21] : memref<128x128xf32, #tpu.memory_space<vmem>>, vector<128x128xf32>
    %dot_general3A = arith.constant dense<0.000000e+00> : vector<1000x128xf32>
    %dot_general3A_23 = tpu.matmul %max3A_19, %get3A_22, %dot_general3A {dimension_numbers = #tpu.dot_dimension_numbers<[1], [0], [0], [1], [0, 0, 1, 1], [], []>, transpose_lhs_hint = false} : vector<1000x128xf32>, vector<128x128xf32>, vector<1000x128xf32> -> vector<1000x128xf32>
    %mul3A_24 = vector.broadcast %get3A_1 : vector<1000x1xf32> to vector<1000x128xf32>
    %mul3A_25 = arith.mulf %dot_general3A_23, %mul3A_24 : vector<1000x128xf32>
    %swap3A = arith.constant 0 : index
    %swap3A_26 = arith.constant 0 : index
    %swap3A_27 = vector.load %arg6[%swap3A, %swap3A_26] : memref<1000x128xf32, #tpu.memory_space<vmem>>, vector<1000x128xf32>
    tpu.vector_store %arg6[%swap3A, %swap3A_26], %mul3A_25 {strides = array<i32>} : memref<1000x128xf32, #tpu.memory_space<vmem>>, vector<1000x128xf32>,
    return
  }
  func.func @transform_0(%arg0: i32) -> (i32, i32, i32) {
    %c0_i32 = arith.constant 0 : i32
    %c0_i32_0 = arith.constant 0 : i32
    %c0_i32_1 = arith.constant 0 : i32
    return %c0_i32, %arg0, %c0_i32_0 : i32, i32, i32
  }
  func.func @transform_1(%arg0: i32) -> (i32, i32) {
    %c0_i32 = arith.constant 0 : i32
    %c0_i32_0 = arith.constant 0 : i32
    return %arg0, %c0_i32 : i32, i32
  }
  func.func @transform_2(%arg0: i32) -> (i32, i32) {
    %c0_i32 = arith.constant 0 : i32
    %c0_i32_0 = arith.constant 0 : i32
    return %arg0, %c0_i32 : i32, i32
  }
  func.func @transform_3(%arg0: i32) -> (i32, i32) {
    %c0_i32 = arith.constant 0 : i32
    %c0_i32_0 = arith.constant 0 : i32
    %c0_i32_1 = arith.constant 0 : i32
    return %c0_i32, %c0_i32_0 : i32, i32
  }
  func.func @transform_4(%arg0: i32) -> (i32, i32) {
    %c0_i32 = arith.constant 0 : i32
    %c0_i32_0 = arith.constant 0 : i32
    %c0_i32_1 = arith.constant 0 : i32
    return %c0_i32, %c0_i32_0 : i32, i32
  }
  func.func @transform_5(%arg0: i32) -> (i32, i32) {
    %c0_i32 = arith.constant 0 : i32
    %c0_i32_0 = arith.constant 0 : i32
    return %arg0, %c0_i32 : i32, i32
  }
}

module attributes {stable_mosaic.version = 14 : i64} {
  func.func @_pool_body(%arg0: i32, %arg1: memref<2x1000x128xf32, #tpu.memory_space<vmem>>, %arg2: memref<1000x128xf32, #tpu.memory_space<vmem>>, %arg3: memref<1000x1xf32, #tpu.memory_space<vmem>>, %arg4: memref<1x128xf32, #tpu.memory_space<vmem>>, %arg5: memref<1x1x1000xi32, #tpu.memory_space<vmem>>, %arg6: memref<128x10xf32, #tpu.memory_space<vmem>>, %arg7: memref<1x10xf32, #tpu.memory_space<vmem>>, %arg8: memref<64x10xf32, #tpu.memory_space<vmem>>, %arg9: memref<64x128xf32, #tpu.memory_space<vmem>>, %arg10: memref<64x1xf32, #tpu.memory_space<vmem>>) attributes {dimension_semantics = [#tpu.dimension_semantics<arbitrary>], iteration_bounds = array<i64: 10>, scalar_prefetch = 0 : i64, scratch_operands = 2 : i64, tpu.core_type = #tpu.core_type<tc>, window_params = [{transform_indices = @transform_0, window_bounds = array<i64: 2, 1000, 128>}, {transform_indices = @transform_1, window_bounds = array<i64: 1000, 128>}, {transform_indices = @transform_2, window_bounds = array<i64: 1000, 1>}, {pipeline_mode = #tpu.pipeline_mode<synchronous>, transform_indices = @transform_3, window_bounds = array<i64: 1, 128>}, {transform_indices = @transform_4, window_bounds = array<i64: 1, 1, 1000>}, {pipeline_mode = #tpu.pipeline_mode<synchronous>, transform_indices = @transform_5, window_bounds = array<i64: 128, 10>}, {pipeline_mode = #tpu.pipeline_mode<synchronous>, transform_indices = @transform_6, window_bounds = array<i64: 1, 10>}, {pipeline_mode = #tpu.pipeline_mode<synchronous>, transform_indices = @transform_7, window_bounds = array<i64: 64, 10>}]} {
    %eq3A = arith.constant 0 : i32
    %eq3A_0 = arith.cmpi eq, %arg0, %eq3A : i32
    %convert_element_type3A = arith.extui %eq3A_0 : i1 to i32
    %cond3A = arith.constant 0 : i32
    %cond3A_1 = arith.cmpi ne, %convert_element_type3A, %cond3A : i32
    scf.if %cond3A_1 {
      %broadcast_in_dim3A_51 = arith.constant 0.000000e+00 : f32
      %broadcast_in_dim3A_52 = vector.broadcast %broadcast_in_dim3A_51 : f32 to vector<64x128xf32>
      %swap3A_53 = arith.constant 0 : index
      %swap3A_54 = arith.constant 0 : index
      %swap3A_55 = vector.load %arg9[%swap3A_53, %swap3A_54] : memref<64x128xf32, #tpu.memory_space<vmem>>, vector<64x128xf32>
      tpu.vector_store %arg9[%swap3A_53, %swap3A_54], %broadcast_in_dim3A_52 {strides = array<i32>} : memref<64x128xf32, #tpu.memory_space<vmem>>, vector<64x128xf32>,
      %broadcast_in_dim3A_56 = arith.constant 0.000000e+00 : f32
      %broadcast_in_dim3A_57 = vector.broadcast %broadcast_in_dim3A_56 : f32 to vector<64x1xf32>
      %swap3A_58 = arith.constant 0 : index
      %swap3A_59 = arith.constant 0 : index
      %swap3A_60 = vector.load %arg10[%swap3A_58, %swap3A_59] : memref<64x1xf32, #tpu.memory_space<vmem>>, vector<64x1xf32>
      tpu.vector_store %arg10[%swap3A_58, %swap3A_59], %broadcast_in_dim3A_57 {strides = array<i32>} : memref<64x1xf32, #tpu.memory_space<vmem>>, vector<64x1xf32>,
    } else {
    }
    %get3A = arith.constant 0 : index
    %get3A_2 = arith.constant 0 : index
    %get3A_3 = vector.load %arg3[%get3A, %get3A_2] : memref<1000x1xf32, #tpu.memory_space<vmem>>, vector<1000x1xf32>
    %get3A_4 = arith.constant 0 : index
    %get3A_5 = arith.constant 0 : index
    %get3A_6 = arith.constant 0 : index
    %get3A_7 = vector.load %arg1[%get3A_4, %get3A_5, %get3A_6] : memref<2x1000x128xf32, #tpu.memory_space<vmem>>, vector<2x1000x128xf32>
    %slice3A = vector.extract_strided_slice %get3A_7 {offsets = [0, 0, 0], sizes = [1, 1000, 128], strides = [1, 1, 1]} : vector<2x1000x128xf32> to vector<1x1000x128xf32>
    %squeeze3A = vector.shape_cast %slice3A : vector<1x1000x128xf32> to vector<1000x128xf32>
    %slice3A_8 = vector.extract_strided_slice %get3A_7 {offsets = [1, 0, 0], sizes = [1, 1000, 128], strides = [1, 1, 1]} : vector<2x1000x128xf32> to vector<1x1000x128xf32>
    %squeeze3A_9 = vector.shape_cast %slice3A_8 : vector<1x1000x128xf32> to vector<1000x128xf32>
    %add3A = arith.addf %squeeze3A, %squeeze3A_9 : vector<1000x128xf32>
    %get3A_10 = arith.constant 0 : index
    %get3A_11 = arith.constant 0 : index
    %get3A_12 = vector.load %arg2[%get3A_10, %get3A_11] : memref<1000x128xf32, #tpu.memory_space<vmem>>, vector<1000x128xf32>
    %add3A_13 = arith.addf %add3A, %get3A_12 : vector<1000x128xf32>
    %mul3A = vector.broadcast %get3A_3 : vector<1000x1xf32> to vector<1000x128xf32>
    %mul3A_14 = arith.mulf %mul3A, %add3A_13 : vector<1000x128xf32>
    %get3A_15 = arith.constant 0 : index
    %get3A_16 = arith.constant 0 : index
    %get3A_17 = vector.load %arg4[%get3A_15, %get3A_16] : memref<1x128xf32, #tpu.memory_space<vmem>>, vector<1x128xf32>
    %add3A_18 = vector.broadcast %get3A_17 : vector<1x128xf32> to vector<1000x128xf32>
    %add3A_19 = arith.addf %mul3A_14, %add3A_18 : vector<1000x128xf32>
    %max3A = arith.constant 0.000000e+00 : f32
    %max3A_20 = vector.broadcast %max3A : f32 to vector<1000x128xf32>
    %max3A_21 = arith.maximumf %add3A_19, %max3A_20 : vector<1000x128xf32>
    %iota3A = tpu.iota {dimensions = array<i32: 0>} : vector<64x1000xi32>
    %get3A_22 = arith.constant 0 : index
    %get3A_23 = arith.constant 0 : index
    %get3A_24 = arith.constant 0 : index
    %get3A_25 = vector.load %arg5[%get3A_22, %get3A_23, %get3A_24] : memref<1x1x1000xi32, #tpu.memory_space<vmem>>, vector<1x1x1000xi32>
    %get3A_26 = vector.shape_cast %get3A_25 : vector<1x1x1000xi32> to vector<1x1000xi32>
    %eq3A_27 = vector.broadcast %get3A_26 : vector<1x1000xi32> to vector<64x1000xi32>
    %eq3A_28 = arith.cmpi eq, %iota3A, %eq3A_27 : vector<64x1000xi32>
    %convert_element_type3A_29 = arith.extui %eq3A_28 : vector<64x1000xi1> to vector<64x1000xi32>
    %convert_element_type3A_30 = arith.sitofp %convert_element_type3A_29 : vector<64x1000xi32> to vector<64x1000xf32>
    %get3A_31 = arith.constant 0 : index
    %get3A_32 = arith.constant 0 : index
    %get3A_33 = vector.load %arg9[%get3A_31, %get3A_32] : memref<64x128xf32, #tpu.memory_space<vmem>>, vector<64x128xf32>
    %dot_general3A = arith.constant dense<0.000000e+00> : vector<64x128xf32>
    %dot_general3A_34 = tpu.matmul %convert_element_type3A_30, %max3A_21, %dot_general3A {dimension_numbers = #tpu.dot_dimension_numbers<[1], [0], [0], [1], [0, 0, 1, 1], [], []>, transpose_lhs_hint = false} : vector<64x1000xf32>, vector<1000x128xf32>, vector<64x128xf32> -> vector<64x128xf32>
    %add3A_35 = arith.addf %get3A_33, %dot_general3A_34 : vector<64x128xf32>
    %swap3A = arith.constant 0 : index
    %swap3A_36 = arith.constant 0 : index
    %swap3A_37 = vector.load %arg9[%swap3A, %swap3A_36] : memref<64x128xf32, #tpu.memory_space<vmem>>, vector<64x128xf32>
    tpu.vector_store %arg9[%swap3A, %swap3A_36], %add3A_35 {strides = array<i32>} : memref<64x128xf32, #tpu.memory_space<vmem>>, vector<64x128xf32>,
    %get3A_38 = arith.constant 0 : index
    %get3A_39 = arith.constant 0 : index
    %get3A_40 = vector.load %arg10[%get3A_38, %get3A_39] : memref<64x1xf32, #tpu.memory_space<vmem>>, vector<64x1xf32>
    %reduce_sum3A = arith.constant dense<0.000000e+00> : vector<64xf32>
    %reduce_sum3A_41 = vector.multi_reduction <add>, %convert_element_type3A_30, %reduce_sum3A [1] : vector<64x1000xf32> to vector<64xf32>
    %broadcast_in_dim3A = vector.shape_cast %reduce_sum3A_41 : vector<64xf32> to vector<64x1xf32>
    %add3A_42 = arith.addf %get3A_40, %broadcast_in_dim3A : vector<64x1xf32>
    %swap3A_43 = arith.constant 0 : index
    %swap3A_44 = arith.constant 0 : index
    %swap3A_45 = vector.load %arg10[%swap3A_43, %swap3A_44] : memref<64x1xf32, #tpu.memory_space<vmem>>, vector<64x1xf32>
    tpu.vector_store %arg10[%swap3A_43, %swap3A_44], %add3A_42 {strides = array<i32>} : memref<64x1xf32, #tpu.memory_space<vmem>>, vector<64x1xf32>,
    %eq3A_46 = arith.constant 9 : i32
    %eq3A_47 = arith.cmpi eq, %arg0, %eq3A_46 : i32
    %convert_element_type3A_48 = arith.extui %eq3A_47 : i1 to i32
    %cond3A_49 = arith.constant 0 : i32
    %cond3A_50 = arith.cmpi ne, %convert_element_type3A_48, %cond3A_49 : i32
    scf.if %cond3A_50 {
      %get3A_51 = arith.constant 0 : index
      %get3A_52 = arith.constant 0 : index
      %get3A_53 = vector.load %arg9[%get3A_51, %get3A_52] : memref<64x128xf32, #tpu.memory_space<vmem>>, vector<64x128xf32>
      %get3A_54 = arith.constant 0 : index
      %get3A_55 = arith.constant 0 : index
      %get3A_56 = vector.load %arg10[%get3A_54, %get3A_55] : memref<64x1xf32, #tpu.memory_space<vmem>>, vector<64x1xf32>
      %max3A_57 = arith.constant 1.000000e+00 : f32
      %max3A_58 = vector.broadcast %max3A_57 : f32 to vector<64x1xf32>
      %max3A_59 = arith.maximumf %get3A_56, %max3A_58 : vector<64x1xf32>
      %div3A = vector.broadcast %max3A_59 : vector<64x1xf32> to vector<64x128xf32>
      %div3A_60 = arith.divf %get3A_53, %div3A : vector<64x128xf32>
      %get3A_61 = arith.constant 0 : index
      %get3A_62 = arith.constant 0 : index
      %get3A_63 = vector.load %arg6[%get3A_61, %get3A_62] : memref<128x10xf32, #tpu.memory_space<vmem>>, vector<128x10xf32>
      %dot_general3A_64 = arith.constant dense<0.000000e+00> : vector<64x10xf32>
      %dot_general3A_65 = tpu.matmul %div3A_60, %get3A_63, %dot_general3A_64 {dimension_numbers = #tpu.dot_dimension_numbers<[1], [0], [0], [1], [0, 0, 1, 1], [], []>, transpose_lhs_hint = false} : vector<64x128xf32>, vector<128x10xf32>, vector<64x10xf32> -> vector<64x10xf32>
      %get3A_66 = arith.constant 0 : index
      %get3A_67 = arith.constant 0 : index
      %get3A_68 = vector.load %arg7[%get3A_66, %get3A_67] : memref<1x10xf32, #tpu.memory_space<vmem>>, vector<1x10xf32>
      %add3A_69 = vector.broadcast %get3A_68 : vector<1x10xf32> to vector<64x10xf32>
      %add3A_70 = arith.addf %dot_general3A_65, %add3A_69 : vector<64x10xf32>
      %reduce_max3A = arith.constant dense<0xFF800000> : vector<64xf32>
      %reduce_max3A_71 = vector.multi_reduction <maximumf>, %add3A_70, %reduce_max3A [1] : vector<64x10xf32> to vector<64xf32>
      %broadcast_in_dim3A_72 = vector.shape_cast %reduce_max3A_71 : vector<64xf32> to vector<64x1xf32>
      %sub3A = vector.broadcast %broadcast_in_dim3A_72 : vector<64x1xf32> to vector<64x10xf32>
      %sub3A_73 = arith.subf %add3A_70, %sub3A : vector<64x10xf32>
      %exp3A = math.exp %sub3A_73 : vector<64x10xf32>
      %reduce_sum3A_74 = arith.constant dense<0.000000e+00> : vector<64xf32>
      %reduce_sum3A_75 = vector.multi_reduction <add>, %exp3A, %reduce_sum3A_74 [1] : vector<64x10xf32> to vector<64xf32>
      %broadcast_in_dim3A_76 = vector.shape_cast %reduce_sum3A_75 : vector<64xf32> to vector<64x1xf32>
      %log3A = math.log %broadcast_in_dim3A_76 : vector<64x1xf32>
      %sub3A_77 = vector.broadcast %log3A : vector<64x1xf32> to vector<64x10xf32>
      %sub3A_78 = arith.subf %sub3A_73, %sub3A_77 : vector<64x10xf32>
      %swap3A_79 = arith.constant 0 : index
      %swap3A_80 = arith.constant 0 : index
      %swap3A_81 = vector.load %arg8[%swap3A_79, %swap3A_80] : memref<64x10xf32, #tpu.memory_space<vmem>>, vector<64x10xf32>
      tpu.vector_store %arg8[%swap3A_79, %swap3A_80], %sub3A_78 {strides = array<i32>} : memref<64x10xf32, #tpu.memory_space<vmem>>, vector<64x10xf32>,
    } else {
    }
    return
  }
  func.func @transform_0(%arg0: i32) -> (i32, i32, i32) {
    %c0_i32 = arith.constant 0 : i32
    %c0_i32_0 = arith.constant 0 : i32
    %c0_i32_1 = arith.constant 0 : i32
    return %c0_i32, %arg0, %c0_i32_0 : i32, i32, i32
  }
  func.func @transform_1(%arg0: i32) -> (i32, i32) {
    %c0_i32 = arith.constant 0 : i32
    %c0_i32_0 = arith.constant 0 : i32
    return %arg0, %c0_i32 : i32, i32
  }
  func.func @transform_2(%arg0: i32) -> (i32, i32) {
    %c0_i32 = arith.constant 0 : i32
    %c0_i32_0 = arith.constant 0 : i32
    return %arg0, %c0_i32 : i32, i32
  }
  func.func @transform_3(%arg0: i32) -> (i32, i32) {
    %c0_i32 = arith.constant 0 : i32
    %c0_i32_0 = arith.constant 0 : i32
    %c0_i32_1 = arith.constant 0 : i32
    return %c0_i32, %c0_i32_0 : i32, i32
  }
  func.func @transform_4(%arg0: i32) -> (i32, i32, i32) {
    %c0_i32 = arith.constant 0 : i32
    %c0_i32_0 = arith.constant 0 : i32
    %c0_i32_1 = arith.constant 0 : i32
    return %arg0, %c0_i32, %c0_i32_0 : i32, i32, i32
  }
  func.func @transform_5(%arg0: i32) -> (i32, i32) {
    %c0_i32 = arith.constant 0 : i32
    %c0_i32_0 = arith.constant 0 : i32
    %c0_i32_1 = arith.constant 0 : i32
    return %c0_i32, %c0_i32_0 : i32, i32
  }
  func.func @transform_6(%arg0: i32) -> (i32, i32) {
    %c0_i32 = arith.constant 0 : i32
    %c0_i32_0 = arith.constant 0 : i32
    %c0_i32_1 = arith.constant 0 : i32
    return %c0_i32, %c0_i32_0 : i32, i32
  }
  func.func @transform_7(%arg0: i32) -> (i32, i32) {
    %c0_i32 = arith.constant 0 : i32
    %c0_i32_0 = arith.constant 0 : i32
    %c0_i32_1 = arith.constant 0 : i32
    return %c0_i32, %c0_i32_0 : i32, i32
  }
}

</mosaic_0001>

<sc_bundles>
// kernel: kernel.11.cloned.1.call-start
scs
__scs_entry_jumppad:
0x0: {  	(pc) =	sbr.rel $0x88, $3  }
0x1: {  	(tag) =	ssettag $0x0;
	lr =	simm.s32 $0x1  }
0x2: {  	[smem:$0x3F98] =	sst lr;
	_ =	strace $0xD0000000  }
0x3: {  	_ = 	snop  }
0x4: {  	_ = 	snop  }
0x5: {  	_ = 	snop  }
0x6: {  	_ = 	snop  }
0x7: {  	_ = 	snop  }
__scs_overlays_trampoline_lowered:
0x8: {  	[smem:$0x3FA7] =	sst s0  }
0x9: {  	[smem:$0x3FA8] =	sst s1  }
0xa: {  	[smem:$0x3FA9] =	sst s2  }
0xb: {  	[smem:$0x3FAA] =	sst s3  }
0xc: {  	[smem:$0x3FAB] =	sst s4  }
0xd: {  	[smem:$0x3FAC] =	sst s5  }
0xe: {  	[smem:$0x3FAD] =	sst s6  }
0xf: {  	[smem:$0x3FAE] =	sst s7  }
0x10: {  	[smem:$0x3FAF] =	sst s8  }
0x11: {  	[smem:$0x3FB0] =	sst s9;
	s0 =	simm.s32 @!p0 $0x0  }
0x12: {  	s1 =	sld [smem:$0x3F96];
	s0 =	simm.s32 @p0 $0x1  }
0x13: {  	[smem:$0x3FB1] =	sst s0;
	s0 =	simm.s32 @!p1 $0x0  }
0x14: {  	s2 =	sld [smem:$0x3F95];
	s0 =	simm.s32 @p1 $0x1  }
0x15: {  	[smem:$0x3FB2] =	sst s0;
	s0 =	simm.s32 @!p2 $0x0  }
0x16: {  	s3 =	sld [smem:$0x3FDB];
	s0 =	simm.s32 @p2 $0x1  }
0x17: {  	s4 =	simm.s32 $0x1BF5;
	[smem:$0x3FB4] =	sst s0  }
0x18: {  	s0 =	sld [smem:$0x3F97];
	_ =	swait.ge [sflag:s4], $0x0  }
0x19: {  	s7 =	sld [smem:$0x3F98]  }
0x1a: {  	s8 =	sadd.s32 $0xFFFFE003, lr  }
0x1b: {  	s9 =	sadd.s32 $0xFFFFFEF7, lr;
	s5 =	simm.s32 $0xFFFFFFFF;
	p2 =	slt.u32 s8, $0xFFFFF086  }
0x1c: {  	p1 =	slt.u32 s9, $0xF7A;
	s5 =	simm.s32 @!p2 $0x0  }
0x1d: {  	s5 =	simm.s32 @p1 $0x1;
	p0 =	seq.s32 s7, s2  }
0x1e: {  	s7 =	smul.u32 @!p0 $0xF7A, s2;
	p2 =	seq.s32 @!p0 s5, $0x0  }
0x1f: {  	s9 =	smul.u32 $0xF7A, s1;
	s8 =	simm.s32 @!p0 $0x1BF5;
	p2 =	por !p2, p0  }
0x20: {  	[sflag:s8] =	ssyncset.s32 @!p0 $0xFFFFF086;
	s6 =	sadd.s32 @!p0 s3, s7;
	s7 =	simm.s32 @!p0 $0x108  }
0x21: {  	s3 =	sadd.s32 s3, s9;
	s6 =	sadd.s32 @!p0 $0x88, s6;
	s7 =	simm.s32 @p2 $0x1082  }
0x22: {  	[simem:s7], [sflag:s8] =	dma.local @!p0 [hbm:s6], $0xF7A  }
0x23: {  	s9 =	sor.u32 $0xD0000000, s2;
	s6 =	simm.s32 $0x108;
	_ =	swait.ge @!p0 [sflag:s8], $0x0  }
0x24: {  	s3 =	sadd.s32 $0x88, s3;
	s6 =	simm.s32 @!p1 $0x1082;
	[sflag:s4] =	ssyncset.s32 $0xFFFFF086  }
0x25: {  	[simem:s6], [sflag:s4] =	dma.local [hbm:s3], $0xF7A  }
0x26: {  	[smem:$0x3F98] =	sst s1;
	(tag) =	ssettag s2;
	_ =	strace s9  }
0x27: {  	s1 =	sld [smem:$0x3FA8]  }
0x28: {  	s2 =	sld [smem:$0x3FA9]  }
0x29: {  	s4 =	sld [smem:$0x3FAB]  }
0x2a: {  	p0 =	seq.s32 s5, $0x0;
	s5 =	sld [smem:$0x3FAC]  }
0x2b: {  	s6 =	sld [smem:$0x3FAD]  }
0x2c: {  	s7 =	sld [smem:$0x3FAE]  }
0x2d: {  	s3 =	simm.s32 $0x108;
	s8 =	sld [smem:$0x3FAF]  }
0x2e: {  	s3 =	simm.s32 @!p0 $0x1082;
	s9 =	sld [smem:$0x3FB0]  }
0x2f: {  	lr =	sadd.s32 s0, s3;
	s0 =	sld [smem:$0x3FA7]  }
0x30: {  	s3 =	sld [smem:$0x3FAA]  }
0x31: {  	[smem:$0x3FB3] =	sst s10  }
0x32: {  	s10 =	sld [smem:$0x3FB1];
	_ =	sdelay $0x3  }
0x33: {  	p0 =	seq.s32 s10, $0x1;
	s10 =	sld [smem:$0x3FB3];
	_ =	sdelay $0x3  }
0x34: {  	[smem:$0x3FB3] =	sst s10  }
0x35: {  	s10 =	sld [smem:$0x3FB2];
	_ =	sdelay $0x3  }
0x36: {  	p1 =	seq.s32 s10, $0x1;
	s10 =	sld [smem:$0x3FB3];
	_ =	sdelay $0x3  }
0x37: {  	[smem:$0x3FB3] =	sst s10  }
0x38: {  	s10 =	sld [smem:$0x3FB4]  }
0x39: {  	_ = 	snop;
	(pc) =	sbr.ind lr, $3  }
0x3a: {  	_ = 	snop  }
0x3b: {  	_ = 	snop  }
0x3c: {  	p2 =	seq.s32 s10, $0x1;
	s10 =	sld [smem:$0x3FB3]  }
0x3d: {  	_ =	shalt  }
0x3e: {  	_ =	shalt  }
0x3f: {  	_ =	shalt  }
0x40: {  	_ =	shalt  }
0x41: {  	_ =	shalt  }
0x42: {  	_ =	shalt  }
0x43: {  	_ =	shalt  }
0x44: {  	_ =	shalt  }
0x45: {  	_ =	shalt  }
0x46: {  	_ =	shalt  }
0x47: {  	_ =	shalt  }
0x48: {  	_ =	shalt  }
0x49: {  	_ =	shalt  }
0x4a: {  	_ =	shalt  }
0x4b: {  	_ =	shalt  }
0x4c: {  	_ =	shalt  }
0x4d: {  	_ =	shalt  }
0x4e: {  	_ =	shalt  }
0x4f: {  	_ =	shalt  }
0x50: {  	_ =	shalt  }
0x51: {  	_ =	shalt  }
0x52: {  	_ =	shalt  }
0x53: {  	_ =	shalt  }
0x54: {  	_ =	shalt  }
0x55: {  	_ =	shalt  }
0x56: {  	_ =	shalt  }
0x57: {  	_ =	shalt  }
0x58: {  	_ =	shalt  }
0x59: {  	_ =	shalt  }
0x5a: {  	_ =	shalt  }
0x5b: {  	_ =	shalt  }
0x5c: {  	_ =	shalt  }
0x5d: {  	_ =	shalt  }
0x5e: {  	_ =	shalt  }
0x5f: {  	_ =	shalt  }
0x60: {  	_ =	shalt  }
0x61: {  	_ =	shalt  }
0x62: {  	_ =	shalt  }
0x63: {  	_ =	shalt  }
0x64: {  	_ =	shalt  }
0x65: {  	_ =	shalt  }
0x66: {  	_ =	shalt  }
0x67: {  	_ =	shalt  }
0x68: {  	_ =	shalt  }
0x69: {  	_ =	shalt  }
0x6a: {  	_ =	shalt  }
0x6b: {  	_ =	shalt  }
0x6c: {  	_ =	shalt  }
0x6d: {  	_ =	shalt  }
0x6e: {  	_ =	shalt  }
0x6f: {  	_ =	shalt  }
0x70: {  	_ =	shalt  }
0x71: {  	_ =	shalt  }
0x72: {  	_ =	shalt  }
0x73: {  	_ =	shalt  }
0x74: {  	_ =	shalt  }
0x75: {  	_ =	shalt  }
0x76: {  	_ =	shalt  }
0x77: {  	_ =	shalt  }
0x78: {  	_ =	shalt  }
0x79: {  	_ =	shalt  }
0x7a: {  	_ =	shalt  }
0x7b: {  	_ =	shalt  }
0x7c: {  	_ =	shalt  }
0x7d: {  	_ =	shalt  }
0x7e: {  	_ =	shalt  }
0x7f: {  	_ =	shalt  }
0x80: {  	_ =	shalt  }
0x81: {  	_ =	shalt  }
0x82: {  	_ =	shalt  }
0x83: {  	_ =	shalt  }
0x84: {  	_ =	shalt  }
0x85: {  	_ =	shalt  }
0x86: {  	_ =	shalt  }
0x87: {  	_ =	shalt  }
.Lfunc_end0:
.L_simem_size_0:
called_computation.1_lowered:
.L_overlay_start_0:
0x88: {  	s2 =	sld [smem:$0x3FD9]  }
0x89: {  	s3 =	sld [smem:$0x3FFE];
	_ =	sdelay $0x1  }
0x8a: {  	s1 =	srdreg.scid  }
0x8b: {  	s0 =	sand.u32 $0x1, s1  }
0x8c: {  	s16 =	sshll.u32 s0, $0xA;
	s2 =	sadd.s32 s3, s2  }
0x8d: {  	s2 =	sadd.s32 s2, s16  }
0x8e: {  	[smem:$0x3FBF] =	sst s2  }
0x8f: {  	_ = 	snop  }
0x90: {  	(tm) =	ssettm $0x1  }
0x91: {  	s17 =	sld [smem:$0x3FFB];
	_ =	sdelay $0x3  }
0x92: {  	_ =	strace s17  }
0x93: {  	s2 =	sld [smem:$0x3FFC];
	_ =	sdelay $0x3  }
0x94: {  	_ =	strace s2  }
0x95: {  	s2 =	sld [smem:$0x3FFD];
	_ =	sdelay $0x3  }
0x96: {  	_ =	strace s2  }
0x97: {  	_ =	strace $0x8FFFFFFF  }
0x98: {  	s18 =	sld [smem:$0x3FDB];
	_ =	sdelay $0x1  }
0x99: {  	s19 =	simm.s32 $_scs_section_size  }
0x9a: {  	s4 =	simm.s32 $_size__tile_overlayer_lowered;
	s5 =	simm.s32 $_tile_overlayer_lowered  }
0x9b: {  	s22 =	simm.s32 $0x1BFF;
	s21 =	sshll.u32 s5, $0x1;
	s2 =	sadd.s32 s19, s18  }
0x9c: {  	s6 =	simm.s32 $0x0;
	s20 =	sshll.u32 s4, $0x1;
	s4 =	sadd.s32 s21, s2  }
0x9d: {  	[timem:s6], [sflag:s22] =	dma.local [hbm:s4], s20  }
0x9e: {  	_ =	swait.ge [sflag:s22], s20  }
0x9f: {  	s3 =	ssub.s32 $0x0, s20;
	[sflag:s22] =	ssyncset.done $0x0  }
0xa0: {  	[sflag:s22] =	ssyncadd.s32 s3;
	_ =	sdelay $0x1  }
0xa1: {  	s23 =	simm.s32 $0x1B8B  }
0xa2: {  	_ =	swait.ge [sflag:s23], $0x1  }
0xa3: {  	[sflag:s23] =	ssyncset.done $0x0  }
0xa4: {  	s25 =	simm.s32 $0x1B8E;
	s24 =	sld [smem:$0x3FFE];
	[sflag:s23] =	ssyncadd.s32 $0xFFFFFFFF  }
0xa5: {  	s26 =	simm.s32 $execute0_lowered;
	[smem:$0x3FD2] =	sst s25  }
0xa6: {  	s4 =	sshll.u32 s26, $0x1;
	_ =	strace $0x80000049;
	[dreg:$0x1] =	wrdreg $0xFFFFFFFF  }
0xa7: {  	s28 =	simm.s32 $_size_execute0_lowered;
	s2 =	sadd.s32 s2, s4;
	[dreg:$0x0] =	wrdreg $0x0  }
0xa8: {  	s4 =	sshll.u32 s28, $0x1;
	[dreg:$0x2] =	wrdreg s2  }
0xa9: {  	[dreg:$0x3] =	wrdreg s4  }
0xaa: {  	[dreg:$0x4] =	wrdreg $0xC0  }
0xab: {  	_ =	task [dreg:s6], $0x5FFFF  }
0xac: {  	[dreg:$0x1] =	wrdreg $0xFFFFFFFF  }
0xad: {  	[dreg:$0x0] =	wrdreg $0x60  }
0xae: {  	[dreg:$0x2] =	wrdreg s24  }
0xaf: {  	[dreg:$0x3] =	wrdreg $0x88000  }
0xb0: {  	[dreg:$0x4] =	wrdreg $0x9  }
0xb1: {  	_ =	task.clear_ibuf [dreg:s6], $0x5FFFF;
	_ =	strace $0x90000049  }
0xb2: {  	s29 =	simm.s32 $0x9;
	_ =	strace $0x8000004B  }
0xb3: {  	_ =	swait.ge [sflag:s29], $0x1  }
0xb4: {  	[sflag:s29] =	ssyncadd.s32 $0xFFFFFFFF  }
0xb5: {  	_ =	strace $0x9000004B  }
0xb6: {  	_ =	sfence  }
0xb7: {  	s30 =	sld [smem:$0x0];
	_ =	sdelay $0x2  }
0xb8: {  	s31 =	sshll.u32 s1, $0xD;
	s1 =	sshrl.u32 s1, $0x2  }
0xb9: {  	s3 =	sand.u32 $0x4000, s31;
	s1 =	sadd.s32 s1, s30  }
0xba: {  	s0 =	sor.u32 s3, s0;
	s1 =	sshll.u32 s1, $0x11  }
0xbb: {  	s0 =	sor.u32 s1, s0  }
0xbc: {  	s0 =	sadd.s32 $0x8F2B, s0  }
0xbd: {  	[sflag:s0] =	ssyncadd.remote.s32 $0x1  }
0xbe: {  	_ =	sfence.sel $0xFFFF  }
0xbf: {  	[dreg:$0x0] =	wrdreg $0xFFFFFFFF;
	(pc) =	sbr.abs _section_cstart, $3  }
0xc0: {  	[dreg:$0x1] =	wrdreg $0xFFFFFFFF  }
0xc1: {  	_ =	task.clear_ibuf [dreg:s6], $0x2FFFF;
	_ =	strace $0x9FFFFFFF  }
0xc2: {  	(tm) =	ssettm $0x7FFFFFFF  }
0xc3: {  	_ =	shalt  }
tec
execute0_lowered:
.L_overlay_start_1:
0x0: {  	(tag) =	ssettag $0x1  }
0x1: {  	s0 =	rddreg [dreg:$0x0]  }
0x2: {  	s2 =	rddreg [dreg:$0x1];
	s3 =	simm.s32 $0x0  }
0x3: {  	s12 =	stileid.u32;
	s1 =	srdreg.scid;
	s28 =	simm.s32 $0x7D  }
0x4: {  	s29 =	simm.s32 $0x800;
	s30 =	simm.s32 $0x2;
	s31 =	simm.s32 $0x4800  }
0x5: {  	[smem:$0x7FF] =	sst s3;
	s5 =	smul.u32 $0x14000, s12;
	s1 =	sand.u32 $0x1, s1  }
0x6: {  	s4 =	sadd.s32 $0x3EE00, s0;
	s7 =	sadd.s32 $0x2E00, s0;
	s10 =	smul.u32 $0x50000, s12  }
0x7: {  	s24 =	sshll.u32 s12, $0x6;
	s26 =	smul.u32 $0x5000, s12;
	_ =	strace $0x8000004A  }
0x8: {  	s6 =	smul.u32 $0x140000, s1;
	s21 =	sshll.u32 s1, $0x4;
	s9 =	ssub.s32 $0x2, s1  }
0x9: {  	s1 =	smul.u32 $0x50000, s1;
	s14 =	sor.u32 $0x1C0B, s24;
	s8 =	sshrl.u32 s5, $0x3  }
0xa: {  	s11 =	sshrl.u32 s9, $0x1;
	s23 =	sshrl.u32 s10, $0x2;
	s10 =	simm.s32 $0x6  }
0xb: {  	[dreg:$0x5] =	wrdreg s14;
	s8 =	sadd.s32 s8, s0;
	s5 =	sadd.s32 s5, s6  }
0xc: {  	s6 =	sor.u32 s12, s21;
	s22 =	ssub.s32 s9, s11;
	s9 =	sadd.s32 s23, s2  }
0xd: {  	s1 =	sadd.s32 s26, s1;
	s11 =	simm.s32 $0x500;
	s5 =	sshrl.u32 s5, $0x3  }
0xe: {  	s6 =	smul.u32 $0x5000, s6;
	s8 =	sadd.s32 $0x16E00, s8;
	s16 =	sor.u32 $0xB00, s1  }
0xf: {  	s19 =	sor.u32 $0x900, s1;
	s20 =	sor.u32 $0x800, s1;
	s21 =	sor.u32 $0x700, s1  }
0x10: {  	s24 =	sor.u32 $0x600, s1;
	s0 =	sadd.s32 s5, s0;
	[dreg:$0x4] =	wrdreg s8  }
0x11: {  	s5 =	smax.u32 s22, $0x1;
	s22 =	sshrl.u32 s20, $0x3;
	s23 =	sshrl.u32 s21, $0x3  }
0x12: {  	s8 =	simm.s32 $0x3;
	s21 =	simm.s32 $0x5;
	s6 =	sshrl.u32 s6, $0x3  }
0x13: {  	s0 =	sadd.s32 $0x66000, s0;
	[dreg:$0xa] =	wrdreg s5;
	s5 =	simm.s32 $0x8  }
0x14: {  	s25 =	sadd.s32 s7, s6;
	[dreg:$0x9] =	wrdreg s0;
	s6 =	sor.u32 $0xA00, s1  }
0x15: {  	s0 =	sshrl.u32 s16, $0x3;
	s12 =	sadd.s32 $0x20, s25;
	[dreg:$0x3] =	wrdreg s25  }
0x16: {  	s16 =	simm.s32 $0x0;
	s13 =	sadd.s32 $0x40, s25;
	[dreg:$0x6] =	wrdreg s12  }
0x17: {  	s15 =	sadd.s32 $0x60, s25;
	s17 =	sshrl.u32 s6, $0x3;
	[dreg:$0x7] =	wrdreg s13  }
0x18: {  	s0 =	sadd.s32 s0, s7;
	s25 =	sor.u32 $0x500, s1;
	[dreg:$0x8] =	wrdreg s15  }
0x19: {  	s1 =	sor.u32 $0x400, s1;
	s6 =	simm.s32 $0x400;
	[dreg:$0xb] =	wrdreg s0  }
0x1a: {  	s18 =	sadd.s32 s17, s7;
	s0 =	sshrl.u32 s19, $0x3;
	s17 =	sadd.s32 s23, s7  }
0x1b: {  	s26 =	sshrl.u32 s25, $0x3;
	s1 =	sshrl.u32 s1, $0x3;
	s15 =	sshrl.u32 s9, $0x3  }
0x1c: {  	s25 =	simm.s32 $0x300;
	s9 =	simm.s32 $0xA;
	s12 =	simm.s32 $0x4  }
0x1d: {  	s23 =	simm.s32 $0x7;
	[dreg:$0xc] =	wrdreg s18;
	s0 =	sadd.s32 s0, s7  }
.Ltmp0:
0x1e: {  	s19 =	sadd.s32 s26, s7;
	s20 =	sadd.s32 s1, s7;
	(pc) =	sbr.rel .LBB2_1-.Ltmp0, $4  }
0x1f: {  	s26 =	simm.s32 $0x1;
	s1 =	simm.s32 $0x700;
	[dreg:$0xf] =	wrdreg s15  }
0x20: {  	[dreg:$0xd] =	wrdreg s0;
	s0 =	sadd.s32 s22, s7;
	s22 =	simm.s32 $0xB  }
0x21: {  	[dreg:$0xe] =	wrdreg s0;
	s0 =	sshrl.u32 s24, $0x3;
	s24 =	simm.s32 $0x200  }
0x22: {  	s18 =	sadd.s32 s0, s7;
	s0 =	simm.s32 $0x9;
	s7 =	simm.s32 $0x600  }
.LBB2_4:
0x23: {  	_ =	swait.ge [sflag:s9], $0x3E80  }
0x24: {  	[sflag:s9] =	ssyncset.done $0x0  }
0x25: {  	s13 =	simm.s32 $0x780;
	[sflag:s9] =	ssyncadd.s32 $0xFFFFC180  }
0x26: {  	[spmem:s2] =	stream.indirect.scatter.add.f32 [tilespmem:s31], [sflag:$0xB], $0x80, s13, s28, $0xb8;
	[tilespmem:$0x1C800] =	vst v63  }
0x27: {  	_ =	swait.ge [sflag:s22], $0x3E80  }
0x28: {  	[sflag:s22] =	ssyncset.done $0x0  }
0x29: {  	[sflag:s22] =	ssyncadd.s32 $0xFFFFC180  }
0x2a: {  	[bflag:$0x0] =	sbarrier.arrive $0xFFFF  }
0x2b: {  	s14 =	rddreg [dreg:$0x5]  }
0x2c: {  	s16 =	rddreg [dreg:$0x9]  }
0x2d: {  	s15 =	rddreg [dreg:$0xf]  }
0x2e: {  	[hbm:s16], [sflag:s14] =	dma.local [spmem:s15], $0x2800  }
0x2f: {  	_ =	swait.ge [sflag:s22], $0x2800  }
0x30: {  	s16 =	rddreg [dreg:$0x10]  }
0x31: {  	s13 =	rddreg [dreg:$0xa];
	s16 =	sadd.s32 $0x1, s16  }
0x32: {  	p0 =	sne.s32 s16, s13  }
.Ltmp1:
0x33: {  	_ = 	snop;
	(pc) =	sbr.rel @!p0 .LBB2_5-.Ltmp1, $3  }
0x34: {  	_ =	sdelay $0x1  }
0x35: {  	[sflag:s22] =	ssyncset.done $0x0  }
0x36: {  	[sflag:s22] =	ssyncadd.s32 $0xFFFFD800  }
.LBB2_1:
0x37: {  	[dreg:$0x10] =	wrdreg s16  }
0x38: {  	s13 =	rddreg [dreg:$0x4]  }
0x39: {  	[spmem:s15], [sflag:s14] =	dma.local [hbm:s13], $0x2800  }
0x3a: {  	_ =	swait.ge [sflag:s22], $0x2800  }
0x3b: {  	[sflag:s22] =	ssyncset.done $0x0  }
0x3c: {  	s15 =	rddreg [dreg:$0x3];
	[sflag:s22] =	ssyncadd.s32 $0xFFFFD800  }
0x3d: {  	[tilespmem:s3], [sflag:$0x1] =	stream.linear.gather [hbm4b:s15+s3], $0x100, $0x38;
	[tilespmem:$0x1C800] =	vst v63  }
0x3e: {  	s14 =	simm.s32 $0x100;
	s16 =	rddreg [dreg:$0x6]  }
0x3f: {  	[tilespmem:s14], [sflag:$0x2] =	stream.linear.gather [hbm4b:s16+s3], $0x100, $0x38;
	[tilespmem:$0x1C800] =	vst v63  }
0x40: {  	s15 =	rddreg [dreg:$0x7]  }
0x41: {  	[tilespmem:s24], [sflag:$0x3] =	stream.linear.gather [hbm4b:s15+s3], $0x100, $0x38;
	[tilespmem:$0x1C800] =	vst v63  }
0x42: {  	s16 =	rddreg [dreg:$0x8]  }
0x43: {  	[tilespmem:s25], [sflag:$0x4] =	stream.linear.gather [hbm4b:s16+s3], $0x100, $0x38;
	[tilespmem:$0x1C800] =	vst v63  }
0x44: {  	_ =	swait.ge [sflag:s26], $0x100  }
0x45: {  	[sflag:s26] =	ssyncset.done $0x0  }
0x46: {  	[sflag:s26] =	ssyncadd.s32 $0xFFFFFF00  }
0x47: {  	[tilespmem:s29], [sflag:$0x9] =	stream.indirect.gather [hbm4b:s4+s28], $0x80, s3, s28, $0xb8;
	[tilespmem:$0x1C800] =	vst v63  }
0x48: {  	_ =	swait.ge [sflag:s30], $0x100  }
0x49: {  	[sflag:s30] =	ssyncset.done $0x0  }
0x4a: {  	[sflag:s30] =	ssyncadd.s32 $0xFFFFFF00  }
0x4b: {  	[tilespmem:s31], [sflag:$0xA] =	stream.indirect.gather [hbm4b:s4+s28], $0x80, s14, s28, $0xb8;
	[tilespmem:$0x1C800] =	vst v63  }
0x4c: {  	s13 =	simm.s32 $0x0;
	[bflag:$0x0] =	sbarrier.arrive $0xFFFF  }
.LBB2_2:
0x4d: {  	_ =	swait.ge [sflag:s0], $0x3E80  }
0x4e: {  	[sflag:s0] =	ssyncset.done $0x0  }
0x4f: {  	s14 =	simm.s32 $0x80;
	[sflag:s0] =	ssyncadd.s32 $0xFFFFC180  }
0x50: {  	[spmem:s2] =	stream.indirect.scatter.add.f32 [tilespmem:s29], [sflag:$0xB], $0x80, s14, s28, $0xb8;
	[tilespmem:$0x1C800] =	vst v63  }
0x51: {  	_ =	swait.ge [sflag:s22], $0x3E80  }
0x52: {  	[sflag:s22] =	ssyncset.done $0x0  }
0x53: {  	s16 =	sadd.s32 s13, s20;
	[sflag:s22] =	ssyncadd.s32 $0xFFFFC180  }
0x54: {  	[tilespmem:s6], [sflag:$0x5] =	stream.linear.gather [hbm4b:s16+s3], $0x100, $0x38;
	[tilespmem:$0x1C800] =	vst v63  }
0x55: {  	_ =	swait.ge [sflag:s8], $0x100  }
0x56: {  	[sflag:s8] =	ssyncset.done $0x0  }
0x57: {  	[sflag:s8] =	ssyncadd.s32 $0xFFFFFF00  }
0x58: {  	[tilespmem:s29], [sflag:$0x9] =	stream.indirect.gather [hbm4b:s4+s28], $0x80, s24, s28, $0xb8;
	[tilespmem:$0x1C800] =	vst v63  }
0x59: {  	_ =	swait.ge [sflag:s9], $0x3E80  }
0x5a: {  	[sflag:s9] =	ssyncset.done $0x0  }
0x5b: {  	s15 =	simm.s32 $0x180;
	[sflag:s9] =	ssyncadd.s32 $0xFFFFC180  }
0x5c: {  	[spmem:s2] =	stream.indirect.scatter.add.f32 [tilespmem:s31], [sflag:$0xB], $0x80, s15, s28, $0xb8;
	[tilespmem:$0x1C800] =	vst v63  }
0x5d: {  	_ =	swait.ge [sflag:s22], $0x3E80  }
0x5e: {  	[sflag:s22] =	ssyncset.done $0x0  }
0x5f: {  	s16 =	sadd.s32 s13, s19;
	[sflag:s22] =	ssyncadd.s32 $0xFFFFC180  }
0x60: {  	[tilespmem:s11], [sflag:$0x6] =	stream.linear.gather [hbm4b:s16+s3], $0x100, $0x38;
	[tilespmem:$0x1C800] =	vst v63  }
0x61: {  	_ =	swait.ge [sflag:s12], $0x100  }
0x62: {  	[sflag:s12] =	ssyncset.done $0x0  }
0x63: {  	[sflag:s12] =	ssyncadd.s32 $0xFFFFFF00  }
0x64: {  	[tilespmem:s31], [sflag:$0xA] =	stream.indirect.gather [hbm4b:s4+s28], $0x80, s25, s28, $0xb8;
	[tilespmem:$0x1C800] =	vst v63  }
0x65: {  	_ =	swait.ge [sflag:s0], $0x3E80  }
0x66: {  	[sflag:s0] =	ssyncset.done $0x0  }
0x67: {  	s15 =	simm.s32 $0x280;
	[sflag:s0] =	ssyncadd.s32 $0xFFFFC180  }
0x68: {  	[spmem:s2] =	stream.indirect.scatter.add.f32 [tilespmem:s29], [sflag:$0xB], $0x80, s15, s28, $0xb8;
	[tilespmem:$0x1C800] =	vst v63  }
0x69: {  	_ =	swait.ge [sflag:s22], $0x3E80  }
0x6a: {  	[sflag:s22] =	ssyncset.done $0x0  }
0x6b: {  	s16 =	sadd.s32 s13, s18;
	[sflag:s22] =	ssyncadd.s32 $0xFFFFC180  }
0x6c: {  	[tilespmem:s7], [sflag:$0x7] =	stream.linear.gather [hbm4b:s16+s3], $0x100, $0x38;
	[tilespmem:$0x1C800] =	vst v63  }
0x6d: {  	_ =	swait.ge [sflag:s21], $0x100  }
0x6e: {  	[sflag:s21] =	ssyncset.done $0x0  }
0x6f: {  	[sflag:s21] =	ssyncadd.s32 $0xFFFFFF00  }
0x70: {  	[tilespmem:s29], [sflag:$0x9] =	stream.indirect.gather [hbm4b:s4+s28], $0x80, s6, s28, $0xb8;
	[tilespmem:$0x1C800] =	vst v63  }
0x71: {  	_ =	swait.ge [sflag:s9], $0x3E80  }
0x72: {  	[sflag:s9] =	ssyncset.done $0x0  }
0x73: {  	s15 =	simm.s32 $0x380;
	[sflag:s9] =	ssyncadd.s32 $0xFFFFC180  }
0x74: {  	[spmem:s2] =	stream.indirect.scatter.add.f32 [tilespmem:s31], [sflag:$0xB], $0x80, s15, s28, $0xb8;
	[tilespmem:$0x1C800] =	vst v63  }
0x75: {  	_ =	swait.ge [sflag:s22], $0x3E80  }
0x76: {  	[sflag:s22] =	ssyncset.done $0x0  }
0x77: {  	s16 =	sadd.s32 s13, s17;
	[sflag:s22] =	ssyncadd.s32 $0xFFFFC180  }
0x78: {  	[tilespmem:s1], [sflag:$0x8] =	stream.linear.gather [hbm4b:s16+s3], $0x100, $0x38;
	[tilespmem:$0x1C800] =	vst v63  }
0x79: {  	_ =	swait.ge [sflag:s10], $0x100  }
0x7a: {  	[sflag:s10] =	ssyncset.done $0x0  }
0x7b: {  	[sflag:s10] =	ssyncadd.s32 $0xFFFFFF00  }
0x7c: {  	[tilespmem:s31], [sflag:$0xA] =	stream.indirect.gather [hbm4b:s4+s28], $0x80, s11, s28, $0xb8;
	[tilespmem:$0x1C800] =	vst v63  }
0x7d: {  	_ =	swait.ge [sflag:s0], $0x3E80  }
0x7e: {  	[sflag:s0] =	ssyncset.done $0x0  }
0x7f: {  	s15 =	simm.s32 $0x480;
	[sflag:s0] =	ssyncadd.s32 $0xFFFFC180  }
0x80: {  	[spmem:s2] =	stream.indirect.scatter.add.f32 [tilespmem:s29], [sflag:$0xB], $0x80, s15, s28, $0xb8;
	[tilespmem:$0x1C800] =	vst v63  }
0x81: {  	_ =	swait.ge [sflag:s22], $0x3E80  }
0x82: {  	p0 =	seq.s32 s13, $0x900;
	[sflag:s22] =	ssyncset.done $0x0;
	s14 =	rddreg [dreg:$0xe]  }
0x83: {  	s15 =	simm.s32 @!p0 $0x0;
	[sflag:s22] =	ssyncadd.s32 $0xFFFFC180;
	s14 =	sadd.s32 @!p0 s13, s14  }
0x84: {  	[tilespmem:s15], [sflag:$0x1] =	stream.linear.gather @!p0 [hbm4b:s14+s15], $0x100, $0x38;
	[tilespmem:$0x1C800] =	vst v63  }
0x85: {  	_ =	swait.ge [sflag:s23], $0x100  }
0x86: {  	[sflag:s23] =	ssyncset.done $0x0  }
0x87: {  	[sflag:s23] =	ssyncadd.s32 $0xFFFFFF00  }
0x88: {  	[tilespmem:s29], [sflag:$0x9] =	stream.indirect.gather [hbm4b:s4+s28], $0x80, s7, s28, $0xb8;
	[tilespmem:$0x1C800] =	vst v63  }
0x89: {  	_ =	swait.ge [sflag:s9], $0x3E80  }
0x8a: {  	[sflag:s9] =	ssyncset.done $0x0  }
0x8b: {  	s16 =	simm.s32 $0x580;
	[sflag:s9] =	ssyncadd.s32 $0xFFFFC180  }
0x8c: {  	[spmem:s2] =	stream.indirect.scatter.add.f32 [tilespmem:s31], [sflag:$0xB], $0x80, s16, s28, $0xb8;
	[tilespmem:$0x1C800] =	vst v63  }
0x8d: {  	_ =	swait.ge [sflag:s22], $0x3E80  }
0x8e: {  	[sflag:s22] =	ssyncset.done $0x0;
	s14 =	rddreg [dreg:$0xd]  }
0x8f: {  	s16 =	simm.s32 @!p0 $0x100;
	[sflag:s22] =	ssyncadd.s32 $0xFFFFC180;
	s14 =	sadd.s32 @!p0 s13, s14  }
0x90: {  	[tilespmem:s16], [sflag:$0x2] =	stream.linear.gather @!p0 [hbm4b:s14+s15], $0x100, $0x38;
	[tilespmem:$0x1C800] =	vst v63  }
0x91: {  	_ =	swait.ge [sflag:s5], $0x100  }
0x92: {  	[sflag:s5] =	ssyncset.done $0x0  }
0x93: {  	[sflag:s5] =	ssyncadd.s32 $0xFFFFFF00  }
0x94: {  	[tilespmem:s31], [sflag:$0xA] =	stream.indirect.gather [hbm4b:s4+s28], $0x80, s1, s28, $0xb8;
	[tilespmem:$0x1C800] =	vst v63  }
0x95: {  	_ =	swait.ge [sflag:s0], $0x3E80  }
0x96: {  	[sflag:s0] =	ssyncset.done $0x0  }
.Ltmp2:
0x97: {  	s16 =	simm.s32 $0x680;
	[sflag:s0] =	ssyncadd.s32 $0xFFFFC180;
	(pc) =	sbr.rel @p0 .LBB2_4-.Ltmp2, $4  }
0x98: {  	[spmem:s2] =	stream.indirect.scatter.add.f32 [tilespmem:s29], [sflag:$0xB], $0x80, s16, s28, $0xb8;
	[tilespmem:$0x1C800] =	vst v63  }
0x99: {  	_ =	swait.ge [sflag:s22], $0x3E80  }
0x9a: {  	[sflag:s22] =	ssyncset.done $0x0  }
0x9b: {  	[sflag:s22] =	ssyncadd.s32 $0xFFFFC180  }
0x9c: {  	s14 =	rddreg [dreg:$0xc]  }
0x9d: {  	s14 =	sadd.s32 s13, s14  }
0x9e: {  	[tilespmem:s24], [sflag:$0x3] =	stream.linear.gather [hbm4b:s14+s3], $0x100, $0x38;
	[tilespmem:$0x1C800] =	vst v63  }
0x9f: {  	_ =	swait.ge [sflag:s26], $0x100  }
0xa0: {  	[sflag:s26] =	ssyncset.done $0x0  }
0xa1: {  	[sflag:s26] =	ssyncadd.s32 $0xFFFFFF00  }
0xa2: {  	[tilespmem:s29], [sflag:$0x9] =	stream.indirect.gather [hbm4b:s4+s28], $0x80, s3, s28, $0xb8;
	[tilespmem:$0x1C800] =	vst v63  }
0xa3: {  	_ =	swait.ge [sflag:s9], $0x3E80  }
0xa4: {  	[sflag:s9] =	ssyncset.done $0x0  }
0xa5: {  	s16 =	simm.s32 $0x780;
	[sflag:s9] =	ssyncadd.s32 $0xFFFFC180  }
0xa6: {  	[spmem:s2] =	stream.indirect.scatter.add.f32 [tilespmem:s31], [sflag:$0xB], $0x80, s16, s28, $0xb8;
	[tilespmem:$0x1C800] =	vst v63  }
0xa7: {  	_ =	swait.ge [sflag:s22], $0x3E80  }
0xa8: {  	[sflag:s22] =	ssyncset.done $0x0;
	s15 =	rddreg [dreg:$0xb]  }
0xa9: {  	[sflag:s22] =	ssyncadd.s32 $0xFFFFC180;
	s14 =	sadd.s32 s13, s15  }
0xaa: {  	[tilespmem:s25], [sflag:$0x4] =	stream.linear.gather [hbm4b:s14+s3], $0x100, $0x38;
	[tilespmem:$0x1C800] =	vst v63  }
.Ltmp3:
0xab: {  	_ = 	snop;
	(pc) =	sbr.rel .LBB2_2-.Ltmp3, $4  }
0xac: {  	_ =	swait.ge [sflag:s30], $0x100  }
0xad: {  	[sflag:s30] =	ssyncset.done $0x0  }
0xae: {  	s16 =	simm.s32 $0x100;
	s13 =	sadd.s32 $0x100, s13;
	[sflag:s30] =	ssyncadd.s32 $0xFFFFFF00  }
0xaf: {  	[tilespmem:s31], [sflag:$0xA] =	stream.indirect.gather [hbm4b:s4+s28], $0x80, s16, s28, $0xb8;
	[tilespmem:$0x1C800] =	vst v63  }
.LBB2_5:
0xb0: {  	_ =	sfence.sel $0x180000  }
0xb1: {  	[bflag:$0x0] =	sbarrier.arrive $0xFFFF  }
0xb2: {  	_ =	strace $0x9000004A  }
0xb3: {  	s0 =	stileid.u32;
	[bflag:$0x2] =	sbarrier.arrive $0xFFFF  }
0xb4: {  	p0 =	sne.s32 s0, $0x0;
	s0 =	rddreg [dreg:$0x2]  }
0xb5: {  	s0 =	sadd.s32 @!p0 $0x100000, s0  }
0xb6: {  	[sflag:s0] =	ssyncadd.tile.s32 @!p0 $0x1;
	_ =	shalt  }
.Lfunc_end2:
_tile_overlayer_lowered:
.L_overlay_start_2:
0xb7: {  	(tag) =	ssettag $0x2  }
0xb8: {  	s0 =	rddreg [dreg:$0x0];
	s2 =	stileid.u32  }
0xb9: {  	s1 =	rddreg [dreg:$0x1];
	p0 =	sne.s32 s2, $0x0  }
0xba: {  	s3 =	rddreg [dreg:$0x2];
	[bflag:$0x3] =	sbarrier.arrive $0xFFFF;
	s2 =	simm.s32 @!p0 $0x1C0B  }
0xbb: {  	[timem:s3], [sflag:s2] =	dma.local @!p0 [hbm:s0], s1  }
0xbc: {  	s0 =	simm.s32 @!p0 $0xB  }
0xbd: {  	_ =	swait.ge @!p0 [sflag:s0], s1  }
0xbe: {  	s1 =	ssub.s32 @!p0 $0x0, s1;
	[sflag:s0] =	ssyncset.done @!p0 $0x0  }
0xbf: {  	[sflag:s0] =	ssyncadd.s32 @!p0 s1  }
0xc0: {  	[bflag:$0x3] =	sbarrier.arrive $0xFFFF  }
0xc1: {  	_ =	shalt  }

// kernel: kernel.14.cloned.1.call-start
scs
__scs_entry_jumppad:
0x0: {  	(pc) =	sbr.rel $0x88, $3  }
0x1: {  	(tag) =	ssettag $0x0;
	lr =	simm.s32 $0x1  }
0x2: {  	[smem:$0x3F98] =	sst lr;
	_ =	strace $0xD0000000  }
0x3: {  	_ = 	snop  }
0x4: {  	_ = 	snop  }
0x5: {  	_ = 	snop  }
0x6: {  	_ = 	snop  }
0x7: {  	_ = 	snop  }
__scs_overlays_trampoline_lowered:
0x8: {  	[smem:$0x3FA7] =	sst s0  }
0x9: {  	[smem:$0x3FA8] =	sst s1  }
0xa: {  	[smem:$0x3FA9] =	sst s2  }
0xb: {  	[smem:$0x3FAA] =	sst s3  }
0xc: {  	[smem:$0x3FAB] =	sst s4  }
0xd: {  	[smem:$0x3FAC] =	sst s5  }
0xe: {  	[smem:$0x3FAD] =	sst s6  }
0xf: {  	[smem:$0x3FAE] =	sst s7  }
0x10: {  	[smem:$0x3FAF] =	sst s8  }
0x11: {  	[smem:$0x3FB0] =	sst s9;
	s0 =	simm.s32 @!p0 $0x0  }
0x12: {  	s1 =	sld [smem:$0x3F96];
	s0 =	simm.s32 @p0 $0x1  }
0x13: {  	[smem:$0x3FB1] =	sst s0;
	s0 =	simm.s32 @!p1 $0x0  }
0x14: {  	s2 =	sld [smem:$0x3F95];
	s0 =	simm.s32 @p1 $0x1  }
0x15: {  	[smem:$0x3FB2] =	sst s0;
	s0 =	simm.s32 @!p2 $0x0  }
0x16: {  	s3 =	sld [smem:$0x3FDB];
	s0 =	simm.s32 @p2 $0x1  }
0x17: {  	s4 =	simm.s32 $0x1BF5;
	[smem:$0x3FB4] =	sst s0  }
0x18: {  	s0 =	sld [smem:$0x3F97];
	_ =	swait.ge [sflag:s4], $0x0  }
0x19: {  	s7 =	sld [smem:$0x3F98]  }
0x1a: {  	s8 =	sadd.s32 $0xFFFFE003, lr  }
0x1b: {  	s9 =	sadd.s32 $0xFFFFFEF7, lr;
	s5 =	simm.s32 $0xFFFFFFFF;
	p2 =	slt.u32 s8, $0xFFFFF086  }
0x1c: {  	p1 =	slt.u32 s9, $0xF7A;
	s5 =	simm.s32 @!p2 $0x0  }
0x1d: {  	s5 =	simm.s32 @p1 $0x1;
	p0 =	seq.s32 s7, s2  }
0x1e: {  	s7 =	smul.u32 @!p0 $0xF7A, s2;
	p2 =	seq.s32 @!p0 s5, $0x0  }
0x1f: {  	s9 =	smul.u32 $0xF7A, s1;
	s8 =	simm.s32 @!p0 $0x1BF5;
	p2 =	por !p2, p0  }
0x20: {  	[sflag:s8] =	ssyncset.s32 @!p0 $0xFFFFF086;
	s6 =	sadd.s32 @!p0 s3, s7;
	s7 =	simm.s32 @!p0 $0x108  }
0x21: {  	s3 =	sadd.s32 s3, s9;
	s6 =	sadd.s32 @!p0 $0x88, s6;
	s7 =	simm.s32 @p2 $0x1082  }
0x22: {  	[simem:s7], [sflag:s8] =	dma.local @!p0 [hbm:s6], $0xF7A  }
0x23: {  	s9 =	sor.u32 $0xD0000000, s2;
	s6 =	simm.s32 $0x108;
	_ =	swait.ge @!p0 [sflag:s8], $0x0  }
0x24: {  	s3 =	sadd.s32 $0x88, s3;
	s6 =	simm.s32 @!p1 $0x1082;
	[sflag:s4] =	ssyncset.s32 $0xFFFFF086  }
0x25: {  	[simem:s6], [sflag:s4] =	dma.local [hbm:s3], $0xF7A  }
0x26: {  	[smem:$0x3F98] =	sst s1;
	(tag) =	ssettag s2;
	_ =	strace s9  }
0x27: {  	s1 =	sld [smem:$0x3FA8]  }
0x28: {  	s2 =	sld [smem:$0x3FA9]  }
0x29: {  	s4 =	sld [smem:$0x3FAB]  }
0x2a: {  	p0 =	seq.s32 s5, $0x0;
	s5 =	sld [smem:$0x3FAC]  }
0x2b: {  	s6 =	sld [smem:$0x3FAD]  }
0x2c: {  	s7 =	sld [smem:$0x3FAE]  }
0x2d: {  	s3 =	simm.s32 $0x108;
	s8 =	sld [smem:$0x3FAF]  }
0x2e: {  	s3 =	simm.s32 @!p0 $0x1082;
	s9 =	sld [smem:$0x3FB0]  }
0x2f: {  	lr =	sadd.s32 s0, s3;
	s0 =	sld [smem:$0x3FA7]  }
0x30: {  	s3 =	sld [smem:$0x3FAA]  }
0x31: {  	[smem:$0x3FB3] =	sst s10  }
0x32: {  	s10 =	sld [smem:$0x3FB1];
	_ =	sdelay $0x3  }
0x33: {  	p0 =	seq.s32 s10, $0x1;
	s10 =	sld [smem:$0x3FB3];
	_ =	sdelay $0x3  }
0x34: {  	[smem:$0x3FB3] =	sst s10  }
0x35: {  	s10 =	sld [smem:$0x3FB2];
	_ =	sdelay $0x3  }
0x36: {  	p1 =	seq.s32 s10, $0x1;
	s10 =	sld [smem:$0x3FB3];
	_ =	sdelay $0x3  }
0x37: {  	[smem:$0x3FB3] =	sst s10  }
0x38: {  	s10 =	sld [smem:$0x3FB4]  }
0x39: {  	_ = 	snop;
	(pc) =	sbr.ind lr, $3  }
0x3a: {  	_ = 	snop  }
0x3b: {  	_ = 	snop  }
0x3c: {  	p2 =	seq.s32 s10, $0x1;
	s10 =	sld [smem:$0x3FB3]  }
0x3d: {  	_ =	shalt  }
0x3e: {  	_ =	shalt  }
0x3f: {  	_ =	shalt  }
0x40: {  	_ =	shalt  }
0x41: {  	_ =	shalt  }
0x42: {  	_ =	shalt  }
0x43: {  	_ =	shalt  }
0x44: {  	_ =	shalt  }
0x45: {  	_ =	shalt  }
0x46: {  	_ =	shalt  }
0x47: {  	_ =	shalt  }
0x48: {  	_ =	shalt  }
0x49: {  	_ =	shalt  }
0x4a: {  	_ =	shalt  }
0x4b: {  	_ =	shalt  }
0x4c: {  	_ =	shalt  }
0x4d: {  	_ =	shalt  }
0x4e: {  	_ =	shalt  }
0x4f: {  	_ =	shalt  }
0x50: {  	_ =	shalt  }
0x51: {  	_ =	shalt  }
0x52: {  	_ =	shalt  }
0x53: {  	_ =	shalt  }
0x54: {  	_ =	shalt  }
0x55: {  	_ =	shalt  }
0x56: {  	_ =	shalt  }
0x57: {  	_ =	shalt  }
0x58: {  	_ =	shalt  }
0x59: {  	_ =	shalt  }
0x5a: {  	_ =	shalt  }
0x5b: {  	_ =	shalt  }
0x5c: {  	_ =	shalt  }
0x5d: {  	_ =	shalt  }
0x5e: {  	_ =	shalt  }
0x5f: {  	_ =	shalt  }
0x60: {  	_ =	shalt  }
0x61: {  	_ =	shalt  }
0x62: {  	_ =	shalt  }
0x63: {  	_ =	shalt  }
0x64: {  	_ =	shalt  }
0x65: {  	_ =	shalt  }
0x66: {  	_ =	shalt  }
0x67: {  	_ =	shalt  }
0x68: {  	_ =	shalt  }
0x69: {  	_ =	shalt  }
0x6a: {  	_ =	shalt  }
0x6b: {  	_ =	shalt  }
0x6c: {  	_ =	shalt  }
0x6d: {  	_ =	shalt  }
0x6e: {  	_ =	shalt  }
0x6f: {  	_ =	shalt  }
0x70: {  	_ =	shalt  }
0x71: {  	_ =	shalt  }
0x72: {  	_ =	shalt  }
0x73: {  	_ =	shalt  }
0x74: {  	_ =	shalt  }
0x75: {  	_ =	shalt  }
0x76: {  	_ =	shalt  }
0x77: {  	_ =	shalt  }
0x78: {  	_ =	shalt  }
0x79: {  	_ =	shalt  }
0x7a: {  	_ =	shalt  }
0x7b: {  	_ =	shalt  }
0x7c: {  	_ =	shalt  }
0x7d: {  	_ =	shalt  }
0x7e: {  	_ =	shalt  }
0x7f: {  	_ =	shalt  }
0x80: {  	_ =	shalt  }
0x81: {  	_ =	shalt  }
0x82: {  	_ =	shalt  }
0x83: {  	_ =	shalt  }
0x84: {  	_ =	shalt  }
0x85: {  	_ =	shalt  }
0x86: {  	_ =	shalt  }
0x87: {  	_ =	shalt  }
.Lfunc_end0:
.L_simem_size_0:
called_computation.2_lowered:
.L_overlay_start_0:
0x88: {  	s2 =	sld [smem:$0x3FD9]  }
0x89: {  	s3 =	sld [smem:$0x3FFE];
	_ =	sdelay $0x1  }
0x8a: {  	s1 =	srdreg.scid  }
0x8b: {  	s0 =	sand.u32 $0x1, s1  }
0x8c: {  	s16 =	sshll.u32 s0, $0xA;
	s2 =	sadd.s32 s3, s2  }
0x8d: {  	s2 =	sadd.s32 s2, s16  }
0x8e: {  	[smem:$0x3FBF] =	sst s2  }
0x8f: {  	_ = 	snop  }
0x90: {  	(tm) =	ssettm $0x1  }
0x91: {  	s17 =	sld [smem:$0x3FFB];
	_ =	sdelay $0x3  }
0x92: {  	_ =	strace s17  }
0x93: {  	s2 =	sld [smem:$0x3FFC];
	_ =	sdelay $0x3  }
0x94: {  	_ =	strace s2  }
0x95: {  	s2 =	sld [smem:$0x3FFD];
	_ =	sdelay $0x3  }
0x96: {  	_ =	strace s2  }
0x97: {  	_ =	strace $0x8FFFFFFF  }
0x98: {  	s18 =	sld [smem:$0x3FDB];
	_ =	sdelay $0x1  }
0x99: {  	s19 =	simm.s32 $_scs_section_size  }
0x9a: {  	s4 =	simm.s32 $_size__tile_overlayer_lowered;
	s5 =	simm.s32 $_tile_overlayer_lowered  }
0x9b: {  	s22 =	simm.s32 $0x1BFF;
	s21 =	sshll.u32 s5, $0x1;
	s2 =	sadd.s32 s19, s18  }
0x9c: {  	s6 =	simm.s32 $0x0;
	s20 =	sshll.u32 s4, $0x1;
	s4 =	sadd.s32 s21, s2  }
0x9d: {  	[timem:s6], [sflag:s22] =	dma.local [hbm:s4], s20  }
0x9e: {  	_ =	swait.ge [sflag:s22], s20  }
0x9f: {  	s3 =	ssub.s32 $0x0, s20;
	[sflag:s22] =	ssyncset.done $0x0  }
0xa0: {  	[sflag:s22] =	ssyncadd.s32 s3;
	_ =	sdelay $0x1  }
0xa1: {  	s23 =	simm.s32 $0x1B8B  }
0xa2: {  	_ =	swait.ge [sflag:s23], $0x1  }
0xa3: {  	[sflag:s23] =	ssyncset.done $0x0  }
0xa4: {  	s25 =	simm.s32 $0x1B8E;
	s24 =	sld [smem:$0x3FFE];
	[sflag:s23] =	ssyncadd.s32 $0xFFFFFFFF  }
0xa5: {  	s26 =	simm.s32 $execute0_lowered;
	[smem:$0x3FD2] =	sst s25  }
0xa6: {  	s4 =	sshll.u32 s26, $0x1;
	_ =	strace $0x8000004C;
	[dreg:$0x1] =	wrdreg $0xFFFFFFFF  }
0xa7: {  	s28 =	simm.s32 $_size_execute0_lowered;
	s2 =	sadd.s32 s2, s4;
	[dreg:$0x0] =	wrdreg $0x0  }
0xa8: {  	s4 =	sshll.u32 s28, $0x1;
	[dreg:$0x2] =	wrdreg s2  }
0xa9: {  	[dreg:$0x3] =	wrdreg s4  }
0xaa: {  	[dreg:$0x4] =	wrdreg $0xC0  }
0xab: {  	_ =	task [dreg:s6], $0x5FFFF  }
0xac: {  	[dreg:$0x1] =	wrdreg $0xFFFFFFFF  }
0xad: {  	[dreg:$0x0] =	wrdreg $0x60  }
0xae: {  	[dreg:$0x2] =	wrdreg s24  }
0xaf: {  	[dreg:$0x3] =	wrdreg $0x88000  }
0xb0: {  	[dreg:$0x4] =	wrdreg $0x9  }
0xb1: {  	_ =	task.clear_ibuf [dreg:s6], $0x5FFFF;
	_ =	strace $0x9000004C  }
0xb2: {  	s29 =	simm.s32 $0x9;
	_ =	strace $0x8000004E  }
0xb3: {  	_ =	swait.ge [sflag:s29], $0x1  }
0xb4: {  	[sflag:s29] =	ssyncadd.s32 $0xFFFFFFFF  }
0xb5: {  	_ =	strace $0x9000004E  }
0xb6: {  	_ =	sfence  }
0xb7: {  	s30 =	sld [smem:$0x0];
	_ =	sdelay $0x2  }
0xb8: {  	s31 =	sshll.u32 s1, $0xD;
	s1 =	sshrl.u32 s1, $0x2  }
0xb9: {  	s3 =	sand.u32 $0x4000, s31;
	s1 =	sadd.s32 s1, s30  }
0xba: {  	s0 =	sor.u32 s3, s0;
	s1 =	sshll.u32 s1, $0x11  }
0xbb: {  	s0 =	sor.u32 s1, s0  }
0xbc: {  	s0 =	sadd.s32 $0x8F2B, s0  }
0xbd: {  	[sflag:s0] =	ssyncadd.remote.s32 $0x1  }
0xbe: {  	_ =	sfence.sel $0xFFFF  }
0xbf: {  	[dreg:$0x0] =	wrdreg $0xFFFFFFFF;
	(pc) =	sbr.abs _section_cstart, $3  }
0xc0: {  	[dreg:$0x1] =	wrdreg $0xFFFFFFFF  }
0xc1: {  	_ =	task.clear_ibuf [dreg:s6], $0x2FFFF;
	_ =	strace $0x9FFFFFFF  }
0xc2: {  	(tm) =	ssettm $0x7FFFFFFF  }
0xc3: {  	_ =	shalt  }
tec
execute0_lowered:
.L_overlay_start_1:
0x0: {  	(tag) =	ssettag $0x1  }
0x1: {  	s0 =	rddreg [dreg:$0x0]  }
0x2: {  	s2 =	rddreg [dreg:$0x1];
	s3 =	simm.s32 $0x0  }
0x3: {  	s12 =	stileid.u32;
	s1 =	srdreg.scid;
	s28 =	simm.s32 $0x7D  }
0x4: {  	s29 =	simm.s32 $0x800;
	s30 =	simm.s32 $0x2;
	s31 =	simm.s32 $0x4800  }
0x5: {  	[smem:$0x7FF] =	sst s3;
	s5 =	smul.u32 $0x14000, s12;
	s1 =	sand.u32 $0x1, s1  }
0x6: {  	s4 =	sadd.s32 $0x3EE00, s0;
	s7 =	sadd.s32 $0x2E00, s0;
	s10 =	smul.u32 $0x50000, s12  }
0x7: {  	s24 =	sshll.u32 s12, $0x6;
	s26 =	smul.u32 $0x5000, s12;
	_ =	strace $0x8000004D  }
0x8: {  	s6 =	smul.u32 $0x140000, s1;
	s21 =	sshll.u32 s1, $0x4;
	s9 =	ssub.s32 $0x2, s1  }
0x9: {  	s1 =	smul.u32 $0x50000, s1;
	s14 =	sor.u32 $0x1C0B, s24;
	s8 =	sshrl.u32 s5, $0x3  }
0xa: {  	s11 =	sshrl.u32 s9, $0x1;
	s23 =	sshrl.u32 s10, $0x2;
	s10 =	simm.s32 $0x6  }
0xb: {  	[dreg:$0x5] =	wrdreg s14;
	s8 =	sadd.s32 s8, s0;
	s5 =	sadd.s32 s5, s6  }
0xc: {  	s6 =	sor.u32 s12, s21;
	s22 =	ssub.s32 s9, s11;
	s9 =	sadd.s32 s23, s2  }
0xd: {  	s1 =	sadd.s32 s26, s1;
	s11 =	simm.s32 $0x500;
	s5 =	sshrl.u32 s5, $0x3  }
0xe: {  	s6 =	smul.u32 $0x5000, s6;
	s8 =	sadd.s32 $0x16E00, s8;
	s16 =	sor.u32 $0xB00, s1  }
0xf: {  	s19 =	sor.u32 $0x900, s1;
	s20 =	sor.u32 $0x800, s1;
	s21 =	sor.u32 $0x700, s1  }
0x10: {  	s24 =	sor.u32 $0x600, s1;
	s0 =	sadd.s32 s5, s0;
	[dreg:$0x4] =	wrdreg s8  }
0x11: {  	s5 =	smax.u32 s22, $0x1;
	s22 =	sshrl.u32 s20, $0x3;
	s23 =	sshrl.u32 s21, $0x3  }
0x12: {  	s8 =	simm.s32 $0x3;
	s21 =	simm.s32 $0x5;
	s6 =	sshrl.u32 s6, $0x3  }
0x13: {  	s0 =	sadd.s32 $0x66000, s0;
	[dreg:$0xa] =	wrdreg s5;
	s5 =	simm.s32 $0x8  }
0x14: {  	s25 =	sadd.s32 s7, s6;
	[dreg:$0x9] =	wrdreg s0;
	s6 =	sor.u32 $0xA00, s1  }
0x15: {  	s0 =	sshrl.u32 s16, $0x3;
	s12 =	sadd.s32 $0x20, s25;
	[dreg:$0x3] =	wrdreg s25  }
0x16: {  	s16 =	simm.s32 $0x0;
	s13 =	sadd.s32 $0x40, s25;
	[dreg:$0x6] =	wrdreg s12  }
0x17: {  	s15 =	sadd.s32 $0x60, s25;
	s17 =	sshrl.u32 s6, $0x3;
	[dreg:$0x7] =	wrdreg s13  }
0x18: {  	s0 =	sadd.s32 s0, s7;
	s25 =	sor.u32 $0x500, s1;
	[dreg:$0x8] =	wrdreg s15  }
0x19: {  	s1 =	sor.u32 $0x400, s1;
	s6 =	simm.s32 $0x400;
	[dreg:$0xb] =	wrdreg s0  }
0x1a: {  	s18 =	sadd.s32 s17, s7;
	s0 =	sshrl.u32 s19, $0x3;
	s17 =	sadd.s32 s23, s7  }
0x1b: {  	s26 =	sshrl.u32 s25, $0x3;
	s1 =	sshrl.u32 s1, $0x3;
	s15 =	sshrl.u32 s9, $0x3  }
0x1c: {  	s25 =	simm.s32 $0x300;
	s9 =	simm.s32 $0xA;
	s12 =	simm.s32 $0x4  }
0x1d: {  	s23 =	simm.s32 $0x7;
	[dreg:$0xc] =	wrdreg s18;
	s0 =	sadd.s32 s0, s7  }
.Ltmp0:
0x1e: {  	s19 =	sadd.s32 s26, s7;
	s20 =	sadd.s32 s1, s7;
	(pc) =	sbr.rel .LBB2_1-.Ltmp0, $4  }
0x1f: {  	s26 =	simm.s32 $0x1;
	s1 =	simm.s32 $0x700;
	[dreg:$0xf] =	wrdreg s15  }
0x20: {  	[dreg:$0xd] =	wrdreg s0;
	s0 =	sadd.s32 s22, s7;
	s22 =	simm.s32 $0xB  }
0x21: {  	[dreg:$0xe] =	wrdreg s0;
	s0 =	sshrl.u32 s24, $0x3;
	s24 =	simm.s32 $0x200  }
0x22: {  	s18 =	sadd.s32 s0, s7;
	s0 =	simm.s32 $0x9;
	s7 =	simm.s32 $0x600  }
.LBB2_4:
0x23: {  	_ =	swait.ge [sflag:s9], $0x3E80  }
0x24: {  	[sflag:s9] =	ssyncset.done $0x0  }
0x25: {  	s13 =	simm.s32 $0x780;
	[sflag:s9] =	ssyncadd.s32 $0xFFFFC180  }
0x26: {  	[spmem:s2] =	stream.indirect.scatter.add.f32 [tilespmem:s31], [sflag:$0xB], $0x80, s13, s28, $0xb8;
	[tilespmem:$0x1C800] =	vst v63  }
0x27: {  	_ =	swait.ge [sflag:s22], $0x3E80  }
0x28: {  	[sflag:s22] =	ssyncset.done $0x0  }
0x29: {  	[sflag:s22] =	ssyncadd.s32 $0xFFFFC180  }
0x2a: {  	[bflag:$0x0] =	sbarrier.arrive $0xFFFF  }
0x2b: {  	s14 =	rddreg [dreg:$0x5]  }
0x2c: {  	s16 =	rddreg [dreg:$0x9]  }
0x2d: {  	s15 =	rddreg [dreg:$0xf]  }
0x2e: {  	[hbm:s16], [sflag:s14] =	dma.local [spmem:s15], $0x2800  }
0x2f: {  	_ =	swait.ge [sflag:s22], $0x2800  }
0x30: {  	s16 =	rddreg [dreg:$0x10]  }
0x31: {  	s13 =	rddreg [dreg:$0xa];
	s16 =	sadd.s32 $0x1, s16  }
0x32: {  	p0 =	sne.s32 s16, s13  }
.Ltmp1:
0x33: {  	_ = 	snop;
	(pc) =	sbr.rel @!p0 .LBB2_5-.Ltmp1, $3  }
0x34: {  	_ =	sdelay $0x1  }
0x35: {  	[sflag:s22] =	ssyncset.done $0x0  }
0x36: {  	[sflag:s22] =	ssyncadd.s32 $0xFFFFD800  }
.LBB2_1:
0x37: {  	[dreg:$0x10] =	wrdreg s16  }
0x38: {  	s13 =	rddreg [dreg:$0x4]  }
0x39: {  	[spmem:s15], [sflag:s14] =	dma.local [hbm:s13], $0x2800  }
0x3a: {  	_ =	swait.ge [sflag:s22], $0x2800  }
0x3b: {  	[sflag:s22] =	ssyncset.done $0x0  }
0x3c: {  	s15 =	rddreg [dreg:$0x3];
	[sflag:s22] =	ssyncadd.s32 $0xFFFFD800  }
0x3d: {  	[tilespmem:s3], [sflag:$0x1] =	stream.linear.gather [hbm4b:s15+s3], $0x100, $0x38;
	[tilespmem:$0x1C800] =	vst v63  }
0x3e: {  	s14 =	simm.s32 $0x100;
	s16 =	rddreg [dreg:$0x6]  }
0x3f: {  	[tilespmem:s14], [sflag:$0x2] =	stream.linear.gather [hbm4b:s16+s3], $0x100, $0x38;
	[tilespmem:$0x1C800] =	vst v63  }
0x40: {  	s15 =	rddreg [dreg:$0x7]  }
0x41: {  	[tilespmem:s24], [sflag:$0x3] =	stream.linear.gather [hbm4b:s15+s3], $0x100, $0x38;
	[tilespmem:$0x1C800] =	vst v63  }
0x42: {  	s16 =	rddreg [dreg:$0x8]  }
0x43: {  	[tilespmem:s25], [sflag:$0x4] =	stream.linear.gather [hbm4b:s16+s3], $0x100, $0x38;
	[tilespmem:$0x1C800] =	vst v63  }
0x44: {  	_ =	swait.ge [sflag:s26], $0x100  }
0x45: {  	[sflag:s26] =	ssyncset.done $0x0  }
0x46: {  	[sflag:s26] =	ssyncadd.s32 $0xFFFFFF00  }
0x47: {  	[tilespmem:s29], [sflag:$0x9] =	stream.indirect.gather [hbm4b:s4+s28], $0x80, s3, s28, $0xb8;
	[tilespmem:$0x1C800] =	vst v63  }
0x48: {  	_ =	swait.ge [sflag:s30], $0x100  }
0x49: {  	[sflag:s30] =	ssyncset.done $0x0  }
0x4a: {  	[sflag:s30] =	ssyncadd.s32 $0xFFFFFF00  }
0x4b: {  	[tilespmem:s31], [sflag:$0xA] =	stream.indirect.gather [hbm4b:s4+s28], $0x80, s14, s28, $0xb8;
	[tilespmem:$0x1C800] =	vst v63  }
0x4c: {  	s13 =	simm.s32 $0x0;
	[bflag:$0x0] =	sbarrier.arrive $0xFFFF  }
.LBB2_2:
0x4d: {  	_ =	swait.ge [sflag:s0], $0x3E80  }
0x4e: {  	[sflag:s0] =	ssyncset.done $0x0  }
0x4f: {  	s14 =	simm.s32 $0x80;
	[sflag:s0] =	ssyncadd.s32 $0xFFFFC180  }
0x50: {  	[spmem:s2] =	stream.indirect.scatter.add.f32 [tilespmem:s29], [sflag:$0xB], $0x80, s14, s28, $0xb8;
	[tilespmem:$0x1C800] =	vst v63  }
0x51: {  	_ =	swait.ge [sflag:s22], $0x3E80  }
0x52: {  	[sflag:s22] =	ssyncset.done $0x0  }
0x53: {  	s16 =	sadd.s32 s13, s20;
	[sflag:s22] =	ssyncadd.s32 $0xFFFFC180  }
0x54: {  	[tilespmem:s6], [sflag:$0x5] =	stream.linear.gather [hbm4b:s16+s3], $0x100, $0x38;
	[tilespmem:$0x1C800] =	vst v63  }
0x55: {  	_ =	swait.ge [sflag:s8], $0x100  }
0x56: {  	[sflag:s8] =	ssyncset.done $0x0  }
0x57: {  	[sflag:s8] =	ssyncadd.s32 $0xFFFFFF00  }
0x58: {  	[tilespmem:s29], [sflag:$0x9] =	stream.indirect.gather [hbm4b:s4+s28], $0x80, s24, s28, $0xb8;
	[tilespmem:$0x1C800] =	vst v63  }
0x59: {  	_ =	swait.ge [sflag:s9], $0x3E80  }
0x5a: {  	[sflag:s9] =	ssyncset.done $0x0  }
0x5b: {  	s15 =	simm.s32 $0x180;
	[sflag:s9] =	ssyncadd.s32 $0xFFFFC180  }
0x5c: {  	[spmem:s2] =	stream.indirect.scatter.add.f32 [tilespmem:s31], [sflag:$0xB], $0x80, s15, s28, $0xb8;
	[tilespmem:$0x1C800] =	vst v63  }
0x5d: {  	_ =	swait.ge [sflag:s22], $0x3E80  }
0x5e: {  	[sflag:s22] =	ssyncset.done $0x0  }
0x5f: {  	s16 =	sadd.s32 s13, s19;
	[sflag:s22] =	ssyncadd.s32 $0xFFFFC180  }
0x60: {  	[tilespmem:s11], [sflag:$0x6] =	stream.linear.gather [hbm4b:s16+s3], $0x100, $0x38;
	[tilespmem:$0x1C800] =	vst v63  }
0x61: {  	_ =	swait.ge [sflag:s12], $0x100  }
0x62: {  	[sflag:s12] =	ssyncset.done $0x0  }
0x63: {  	[sflag:s12] =	ssyncadd.s32 $0xFFFFFF00  }
0x64: {  	[tilespmem:s31], [sflag:$0xA] =	stream.indirect.gather [hbm4b:s4+s28], $0x80, s25, s28, $0xb8;
	[tilespmem:$0x1C800] =	vst v63  }
0x65: {  	_ =	swait.ge [sflag:s0], $0x3E80  }
0x66: {  	[sflag:s0] =	ssyncset.done $0x0  }
0x67: {  	s15 =	simm.s32 $0x280;
	[sflag:s0] =	ssyncadd.s32 $0xFFFFC180  }
0x68: {  	[spmem:s2] =	stream.indirect.scatter.add.f32 [tilespmem:s29], [sflag:$0xB], $0x80, s15, s28, $0xb8;
	[tilespmem:$0x1C800] =	vst v63  }
0x69: {  	_ =	swait.ge [sflag:s22], $0x3E80  }
0x6a: {  	[sflag:s22] =	ssyncset.done $0x0  }
0x6b: {  	s16 =	sadd.s32 s13, s18;
	[sflag:s22] =	ssyncadd.s32 $0xFFFFC180  }
0x6c: {  	[tilespmem:s7], [sflag:$0x7] =	stream.linear.gather [hbm4b:s16+s3], $0x100, $0x38;
	[tilespmem:$0x1C800] =	vst v63  }
0x6d: {  	_ =	swait.ge [sflag:s21], $0x100  }
0x6e: {  	[sflag:s21] =	ssyncset.done $0x0  }
0x6f: {  	[sflag:s21] =	ssyncadd.s32 $0xFFFFFF00  }
0x70: {  	[tilespmem:s29], [sflag:$0x9] =	stream.indirect.gather [hbm4b:s4+s28], $0x80, s6, s28, $0xb8;
	[tilespmem:$0x1C800] =	vst v63  }
0x71: {  	_ =	swait.ge [sflag:s9], $0x3E80  }
0x72: {  	[sflag:s9] =	ssyncset.done $0x0  }
0x73: {  	s15 =	simm.s32 $0x380;
	[sflag:s9] =	ssyncadd.s32 $0xFFFFC180  }
0x74: {  	[spmem:s2] =	stream.indirect.scatter.add.f32 [tilespmem:s31], [sflag:$0xB], $0x80, s15, s28, $0xb8;
	[tilespmem:$0x1C800] =	vst v63  }
0x75: {  	_ =	swait.ge [sflag:s22], $0x3E80  }
0x76: {  	[sflag:s22] =	ssyncset.done $0x0  }
0x77: {  	s16 =	sadd.s32 s13, s17;
	[sflag:s22] =	ssyncadd.s32 $0xFFFFC180  }
0x78: {  	[tilespmem:s1], [sflag:$0x8] =	stream.linear.gather [hbm4b:s16+s3], $0x100, $0x38;
	[tilespmem:$0x1C800] =	vst v63  }
0x79: {  	_ =	swait.ge [sflag:s10], $0x100  }
0x7a: {  	[sflag:s10] =	ssyncset.done $0x0  }
0x7b: {  	[sflag:s10] =	ssyncadd.s32 $0xFFFFFF00  }
0x7c: {  	[tilespmem:s31], [sflag:$0xA] =	stream.indirect.gather [hbm4b:s4+s28], $0x80, s11, s28, $0xb8;
	[tilespmem:$0x1C800] =	vst v63  }
0x7d: {  	_ =	swait.ge [sflag:s0], $0x3E80  }
0x7e: {  	[sflag:s0] =	ssyncset.done $0x0  }
0x7f: {  	s15 =	simm.s32 $0x480;
	[sflag:s0] =	ssyncadd.s32 $0xFFFFC180  }
0x80: {  	[spmem:s2] =	stream.indirect.scatter.add.f32 [tilespmem:s29], [sflag:$0xB], $0x80, s15, s28, $0xb8;
	[tilespmem:$0x1C800] =	vst v63  }
0x81: {  	_ =	swait.ge [sflag:s22], $0x3E80  }
0x82: {  	p0 =	seq.s32 s13, $0x900;
	[sflag:s22] =	ssyncset.done $0x0;
	s14 =	rddreg [dreg:$0xe]  }
0x83: {  	s15 =	simm.s32 @!p0 $0x0;
	[sflag:s22] =	ssyncadd.s32 $0xFFFFC180;
	s14 =	sadd.s32 @!p0 s13, s14  }
0x84: {  	[tilespmem:s15], [sflag:$0x1] =	stream.linear.gather @!p0 [hbm4b:s14+s15], $0x100, $0x38;
	[tilespmem:$0x1C800] =	vst v63  }
0x85: {  	_ =	swait.ge [sflag:s23], $0x100  }
0x86: {  	[sflag:s23] =	ssyncset.done $0x0  }
0x87: {  	[sflag:s23] =	ssyncadd.s32 $0xFFFFFF00  }
0x88: {  	[tilespmem:s29], [sflag:$0x9] =	stream.indirect.gather [hbm4b:s4+s28], $0x80, s7, s28, $0xb8;
	[tilespmem:$0x1C800] =	vst v63  }
0x89: {  	_ =	swait.ge [sflag:s9], $0x3E80  }
0x8a: {  	[sflag:s9] =	ssyncset.done $0x0  }
0x8b: {  	s16 =	simm.s32 $0x580;
	[sflag:s9] =	ssyncadd.s32 $0xFFFFC180  }
0x8c: {  	[spmem:s2] =	stream.indirect.scatter.add.f32 [tilespmem:s31], [sflag:$0xB], $0x80, s16, s28, $0xb8;
	[tilespmem:$0x1C800] =	vst v63  }
0x8d: {  	_ =	swait.ge [sflag:s22], $0x3E80  }
0x8e: {  	[sflag:s22] =	ssyncset.done $0x0;
	s14 =	rddreg [dreg:$0xd]  }
0x8f: {  	s16 =	simm.s32 @!p0 $0x100;
	[sflag:s22] =	ssyncadd.s32 $0xFFFFC180;
	s14 =	sadd.s32 @!p0 s13, s14  }
0x90: {  	[tilespmem:s16], [sflag:$0x2] =	stream.linear.gather @!p0 [hbm4b:s14+s15], $0x100, $0x38;
	[tilespmem:$0x1C800] =	vst v63  }
0x91: {  	_ =	swait.ge [sflag:s5], $0x100  }
0x92: {  	[sflag:s5] =	ssyncset.done $0x0  }
0x93: {  	[sflag:s5] =	ssyncadd.s32 $0xFFFFFF00  }
0x94: {  	[tilespmem:s31], [sflag:$0xA] =	stream.indirect.gather [hbm4b:s4+s28], $0x80, s1, s28, $0xb8;
	[tilespmem:$0x1C800] =	vst v63  }
0x95: {  	_ =	swait.ge [sflag:s0], $0x3E80  }
0x96: {  	[sflag:s0] =	ssyncset.done $0x0  }
.Ltmp2:
0x97: {  	s16 =	simm.s32 $0x680;
	[sflag:s0] =	ssyncadd.s32 $0xFFFFC180;
	(pc) =	sbr.rel @p0 .LBB2_4-.Ltmp2, $4  }
0x98: {  	[spmem:s2] =	stream.indirect.scatter.add.f32 [tilespmem:s29], [sflag:$0xB], $0x80, s16, s28, $0xb8;
	[tilespmem:$0x1C800] =	vst v63  }
0x99: {  	_ =	swait.ge [sflag:s22], $0x3E80  }
0x9a: {  	[sflag:s22] =	ssyncset.done $0x0  }
0x9b: {  	[sflag:s22] =	ssyncadd.s32 $0xFFFFC180  }
0x9c: {  	s14 =	rddreg [dreg:$0xc]  }
0x9d: {  	s14 =	sadd.s32 s13, s14  }
0x9e: {  	[tilespmem:s24], [sflag:$0x3] =	stream.linear.gather [hbm4b:s14+s3], $0x100, $0x38;
	[tilespmem:$0x1C800] =	vst v63  }
0x9f: {  	_ =	swait.ge [sflag:s26], $0x100  }
0xa0: {  	[sflag:s26] =	ssyncset.done $0x0  }
0xa1: {  	[sflag:s26] =	ssyncadd.s32 $0xFFFFFF00  }
0xa2: {  	[tilespmem:s29], [sflag:$0x9] =	stream.indirect.gather [hbm4b:s4+s28], $0x80, s3, s28, $0xb8;
	[tilespmem:$0x1C800] =	vst v63  }
0xa3: {  	_ =	swait.ge [sflag:s9], $0x3E80  }
0xa4: {  	[sflag:s9] =	ssyncset.done $0x0  }
0xa5: {  	s16 =	simm.s32 $0x780;
	[sflag:s9] =	ssyncadd.s32 $0xFFFFC180  }
0xa6: {  	[spmem:s2] =	stream.indirect.scatter.add.f32 [tilespmem:s31], [sflag:$0xB], $0x80, s16, s28, $0xb8;
	[tilespmem:$0x1C800] =	vst v63  }
0xa7: {  	_ =	swait.ge [sflag:s22], $0x3E80  }
0xa8: {  	[sflag:s22] =	ssyncset.done $0x0;
	s15 =	rddreg [dreg:$0xb]  }
0xa9: {  	[sflag:s22] =	ssyncadd.s32 $0xFFFFC180;
	s14 =	sadd.s32 s13, s15  }
0xaa: {  	[tilespmem:s25], [sflag:$0x4] =	stream.linear.gather [hbm4b:s14+s3], $0x100, $0x38;
	[tilespmem:$0x1C800] =	vst v63  }
.Ltmp3:
0xab: {  	_ = 	snop;
	(pc) =	sbr.rel .LBB2_2-.Ltmp3, $4  }
0xac: {  	_ =	swait.ge [sflag:s30], $0x100  }
0xad: {  	[sflag:s30] =	ssyncset.done $0x0  }
0xae: {  	s16 =	simm.s32 $0x100;
	s13 =	sadd.s32 $0x100, s13;
	[sflag:s30] =	ssyncadd.s32 $0xFFFFFF00  }
0xaf: {  	[tilespmem:s31], [sflag:$0xA] =	stream.indirect.gather [hbm4b:s4+s28], $0x80, s16, s28, $0xb8;
	[tilespmem:$0x1C800] =	vst v63  }
.LBB2_5:
0xb0: {  	_ =	sfence.sel $0x180000  }
0xb1: {  	[bflag:$0x0] =	sbarrier.arrive $0xFFFF  }
0xb2: {  	_ =	strace $0x9000004D  }
0xb3: {  	s0 =	stileid.u32;
	[bflag:$0x2] =	sbarrier.arrive $0xFFFF  }
0xb4: {  	p0 =	sne.s32 s0, $0x0;
	s0 =	rddreg [dreg:$0x2]  }
0xb5: {  	s0 =	sadd.s32 @!p0 $0x100000, s0  }
0xb6: {  	[sflag:s0] =	ssyncadd.tile.s32 @!p0 $0x1;
	_ =	shalt  }
.Lfunc_end2:
_tile_overlayer_lowered:
.L_overlay_start_2:
0xb7: {  	(tag) =	ssettag $0x2  }
0xb8: {  	s0 =	rddreg [dreg:$0x0];
	s2 =	stileid.u32  }
0xb9: {  	s1 =	rddreg [dreg:$0x1];
	p0 =	sne.s32 s2, $0x0  }
0xba: {  	s3 =	rddreg [dreg:$0x2];
	[bflag:$0x3] =	sbarrier.arrive $0xFFFF;
	s2 =	simm.s32 @!p0 $0x1C0B  }
0xbb: {  	[timem:s3], [sflag:s2] =	dma.local @!p0 [hbm:s0], s1  }
0xbc: {  	s0 =	simm.s32 @!p0 $0xB  }
0xbd: {  	_ =	swait.ge @!p0 [sflag:s0], s1  }
0xbe: {  	s1 =	ssub.s32 @!p0 $0x0, s1;
	[sflag:s0] =	ssyncset.done @!p0 $0x0  }
0xbf: {  	[sflag:s0] =	ssyncadd.s32 @!p0 s1  }
0xc0: {  	[bflag:$0x3] =	sbarrier.arrive $0xFFFF  }
0xc1: {  	_ =	shalt  }

// kernel: kernel.8.cloned.1.call-start
scs
__scs_entry_jumppad:
0x0: {  	(pc) =	sbr.rel $0x88, $3  }
0x1: {  	(tag) =	ssettag $0x0;
	lr =	simm.s32 $0x1  }
0x2: {  	[smem:$0x3F98] =	sst lr;
	_ =	strace $0xD0000000  }
0x3: {  	_ = 	snop  }
0x4: {  	_ = 	snop  }
0x5: {  	_ = 	snop  }
0x6: {  	_ = 	snop  }
0x7: {  	_ = 	snop  }
__scs_overlays_trampoline_lowered:
0x8: {  	[smem:$0x3FA7] =	sst s0  }
0x9: {  	[smem:$0x3FA8] =	sst s1  }
0xa: {  	[smem:$0x3FA9] =	sst s2  }
0xb: {  	[smem:$0x3FAA] =	sst s3  }
0xc: {  	[smem:$0x3FAB] =	sst s4  }
0xd: {  	[smem:$0x3FAC] =	sst s5  }
0xe: {  	[smem:$0x3FAD] =	sst s6  }
0xf: {  	[smem:$0x3FAE] =	sst s7  }
0x10: {  	[smem:$0x3FAF] =	sst s8  }
0x11: {  	[smem:$0x3FB0] =	sst s9;
	s0 =	simm.s32 @!p0 $0x0  }
0x12: {  	s1 =	sld [smem:$0x3F96];
	s0 =	simm.s32 @p0 $0x1  }
0x13: {  	[smem:$0x3FB1] =	sst s0;
	s0 =	simm.s32 @!p1 $0x0  }
0x14: {  	s2 =	sld [smem:$0x3F95];
	s0 =	simm.s32 @p1 $0x1  }
0x15: {  	[smem:$0x3FB2] =	sst s0;
	s0 =	simm.s32 @!p2 $0x0  }
0x16: {  	s3 =	sld [smem:$0x3FDB];
	s0 =	simm.s32 @p2 $0x1  }
0x17: {  	s4 =	simm.s32 $0x1BF5;
	[smem:$0x3FB4] =	sst s0  }
0x18: {  	s0 =	sld [smem:$0x3F97];
	_ =	swait.ge [sflag:s4], $0x0  }
0x19: {  	s7 =	sld [smem:$0x3F98]  }
0x1a: {  	s8 =	sadd.s32 $0xFFFFE003, lr  }
0x1b: {  	s9 =	sadd.s32 $0xFFFFFEF7, lr;
	s5 =	simm.s32 $0xFFFFFFFF;
	p2 =	slt.u32 s8, $0xFFFFF086  }
0x1c: {  	p1 =	slt.u32 s9, $0xF7A;
	s5 =	simm.s32 @!p2 $0x0  }
0x1d: {  	s5 =	simm.s32 @p1 $0x1;
	p0 =	seq.s32 s7, s2  }
0x1e: {  	s7 =	smul.u32 @!p0 $0xF7A, s2;
	p2 =	seq.s32 @!p0 s5, $0x0  }
0x1f: {  	s9 =	smul.u32 $0xF7A, s1;
	s8 =	simm.s32 @!p0 $0x1BF5;
	p2 =	por !p2, p0  }
0x20: {  	[sflag:s8] =	ssyncset.s32 @!p0 $0xFFFFF086;
	s6 =	sadd.s32 @!p0 s3, s7;
	s7 =	simm.s32 @!p0 $0x108  }
0x21: {  	s3 =	sadd.s32 s3, s9;
	s6 =	sadd.s32 @!p0 $0x88, s6;
	s7 =	simm.s32 @p2 $0x1082  }
0x22: {  	[simem:s7], [sflag:s8] =	dma.local @!p0 [hbm:s6], $0xF7A  }
0x23: {  	s9 =	sor.u32 $0xD0000000, s2;
	s6 =	simm.s32 $0x108;
	_ =	swait.ge @!p0 [sflag:s8], $0x0  }
0x24: {  	s3 =	sadd.s32 $0x88, s3;
	s6 =	simm.s32 @!p1 $0x1082;
	[sflag:s4] =	ssyncset.s32 $0xFFFFF086  }
0x25: {  	[simem:s6], [sflag:s4] =	dma.local [hbm:s3], $0xF7A  }
0x26: {  	[smem:$0x3F98] =	sst s1;
	(tag) =	ssettag s2;
	_ =	strace s9  }
0x27: {  	s1 =	sld [smem:$0x3FA8]  }
0x28: {  	s2 =	sld [smem:$0x3FA9]  }
0x29: {  	s4 =	sld [smem:$0x3FAB]  }
0x2a: {  	p0 =	seq.s32 s5, $0x0;
	s5 =	sld [smem:$0x3FAC]  }
0x2b: {  	s6 =	sld [smem:$0x3FAD]  }
0x2c: {  	s7 =	sld [smem:$0x3FAE]  }
0x2d: {  	s3 =	simm.s32 $0x108;
	s8 =	sld [smem:$0x3FAF]  }
0x2e: {  	s3 =	simm.s32 @!p0 $0x1082;
	s9 =	sld [smem:$0x3FB0]  }
0x2f: {  	lr =	sadd.s32 s0, s3;
	s0 =	sld [smem:$0x3FA7]  }
0x30: {  	s3 =	sld [smem:$0x3FAA]  }
0x31: {  	[smem:$0x3FB3] =	sst s10  }
0x32: {  	s10 =	sld [smem:$0x3FB1];
	_ =	sdelay $0x3  }
0x33: {  	p0 =	seq.s32 s10, $0x1;
	s10 =	sld [smem:$0x3FB3];
	_ =	sdelay $0x3  }
0x34: {  	[smem:$0x3FB3] =	sst s10  }
0x35: {  	s10 =	sld [smem:$0x3FB2];
	_ =	sdelay $0x3  }
0x36: {  	p1 =	seq.s32 s10, $0x1;
	s10 =	sld [smem:$0x3FB3];
	_ =	sdelay $0x3  }
0x37: {  	[smem:$0x3FB3] =	sst s10  }
0x38: {  	s10 =	sld [smem:$0x3FB4]  }
0x39: {  	_ = 	snop;
	(pc) =	sbr.ind lr, $3  }
0x3a: {  	_ = 	snop  }
0x3b: {  	_ = 	snop  }
0x3c: {  	p2 =	seq.s32 s10, $0x1;
	s10 =	sld [smem:$0x3FB3]  }
0x3d: {  	_ =	shalt  }
0x3e: {  	_ =	shalt  }
0x3f: {  	_ =	shalt  }
0x40: {  	_ =	shalt  }
0x41: {  	_ =	shalt  }
0x42: {  	_ =	shalt  }
0x43: {  	_ =	shalt  }
0x44: {  	_ =	shalt  }
0x45: {  	_ =	shalt  }
0x46: {  	_ =	shalt  }
0x47: {  	_ =	shalt  }
0x48: {  	_ =	shalt  }
0x49: {  	_ =	shalt  }
0x4a: {  	_ =	shalt  }
0x4b: {  	_ =	shalt  }
0x4c: {  	_ =	shalt  }
0x4d: {  	_ =	shalt  }
0x4e: {  	_ =	shalt  }
0x4f: {  	_ =	shalt  }
0x50: {  	_ =	shalt  }
0x51: {  	_ =	shalt  }
0x52: {  	_ =	shalt  }
0x53: {  	_ =	shalt  }
0x54: {  	_ =	shalt  }
0x55: {  	_ =	shalt  }
0x56: {  	_ =	shalt  }
0x57: {  	_ =	shalt  }
0x58: {  	_ =	shalt  }
0x59: {  	_ =	shalt  }
0x5a: {  	_ =	shalt  }
0x5b: {  	_ =	shalt  }
0x5c: {  	_ =	shalt  }
0x5d: {  	_ =	shalt  }
0x5e: {  	_ =	shalt  }
0x5f: {  	_ =	shalt  }
0x60: {  	_ =	shalt  }
0x61: {  	_ =	shalt  }
0x62: {  	_ =	shalt  }
0x63: {  	_ =	shalt  }
0x64: {  	_ =	shalt  }
0x65: {  	_ =	shalt  }
0x66: {  	_ =	shalt  }
0x67: {  	_ =	shalt  }
0x68: {  	_ =	shalt  }
0x69: {  	_ =	shalt  }
0x6a: {  	_ =	shalt  }
0x6b: {  	_ =	shalt  }
0x6c: {  	_ =	shalt  }
0x6d: {  	_ =	shalt  }
0x6e: {  	_ =	shalt  }
0x6f: {  	_ =	shalt  }
0x70: {  	_ =	shalt  }
0x71: {  	_ =	shalt  }
0x72: {  	_ =	shalt  }
0x73: {  	_ =	shalt  }
0x74: {  	_ =	shalt  }
0x75: {  	_ =	shalt  }
0x76: {  	_ =	shalt  }
0x77: {  	_ =	shalt  }
0x78: {  	_ =	shalt  }
0x79: {  	_ =	shalt  }
0x7a: {  	_ =	shalt  }
0x7b: {  	_ =	shalt  }
0x7c: {  	_ =	shalt  }
0x7d: {  	_ =	shalt  }
0x7e: {  	_ =	shalt  }
0x7f: {  	_ =	shalt  }
0x80: {  	_ =	shalt  }
0x81: {  	_ =	shalt  }
0x82: {  	_ =	shalt  }
0x83: {  	_ =	shalt  }
0x84: {  	_ =	shalt  }
0x85: {  	_ =	shalt  }
0x86: {  	_ =	shalt  }
0x87: {  	_ =	shalt  }
.Lfunc_end0:
.L_simem_size_0:
called_computation_lowered:
.L_overlay_start_0:
0x88: {  	s2 =	sld [smem:$0x3FD9]  }
0x89: {  	s3 =	sld [smem:$0x3FFE];
	_ =	sdelay $0x1  }
0x8a: {  	s1 =	srdreg.scid  }
0x8b: {  	s0 =	sand.u32 $0x1, s1  }
0x8c: {  	s16 =	sshll.u32 s0, $0xA;
	s2 =	sadd.s32 s3, s2  }
0x8d: {  	s2 =	sadd.s32 s2, s16  }
0x8e: {  	[smem:$0x3FBF] =	sst s2  }
0x8f: {  	_ = 	snop  }
0x90: {  	(tm) =	ssettm $0x1  }
0x91: {  	s17 =	sld [smem:$0x3FFB];
	_ =	sdelay $0x3  }
0x92: {  	_ =	strace s17  }
0x93: {  	s2 =	sld [smem:$0x3FFC];
	_ =	sdelay $0x3  }
0x94: {  	_ =	strace s2  }
0x95: {  	s2 =	sld [smem:$0x3FFD];
	_ =	sdelay $0x3  }
0x96: {  	_ =	strace s2  }
0x97: {  	_ =	strace $0x8FFFFFFF  }
0x98: {  	s18 =	sld [smem:$0x3FDB];
	_ =	sdelay $0x1  }
0x99: {  	s19 =	simm.s32 $_scs_section_size  }
0x9a: {  	s4 =	simm.s32 $_size__tile_overlayer_lowered;
	s5 =	simm.s32 $_tile_overlayer_lowered  }
0x9b: {  	s22 =	simm.s32 $0x1BFF;
	s21 =	sshll.u32 s5, $0x1;
	s2 =	sadd.s32 s19, s18  }
0x9c: {  	s6 =	simm.s32 $0x0;
	s20 =	sshll.u32 s4, $0x1;
	s4 =	sadd.s32 s21, s2  }
0x9d: {  	[timem:s6], [sflag:s22] =	dma.local [hbm:s4], s20  }
0x9e: {  	_ =	swait.ge [sflag:s22], s20  }
0x9f: {  	s3 =	ssub.s32 $0x0, s20;
	[sflag:s22] =	ssyncset.done $0x0  }
0xa0: {  	[sflag:s22] =	ssyncadd.s32 s3;
	_ =	sdelay $0x1  }
0xa1: {  	s23 =	simm.s32 $0x1B8B  }
0xa2: {  	_ =	swait.ge [sflag:s23], $0x1  }
0xa3: {  	[sflag:s23] =	ssyncset.done $0x0  }
0xa4: {  	s25 =	simm.s32 $0x1B8E;
	s24 =	sld [smem:$0x3FFE];
	[sflag:s23] =	ssyncadd.s32 $0xFFFFFFFF  }
0xa5: {  	s26 =	simm.s32 $execute0_lowered;
	[smem:$0x3FD2] =	sst s25  }
0xa6: {  	s4 =	sshll.u32 s26, $0x1;
	_ =	strace $0x80000046;
	[dreg:$0x1] =	wrdreg $0xFFFFFFFF  }
0xa7: {  	s28 =	simm.s32 $_size_execute0_lowered;
	s2 =	sadd.s32 s2, s4;
	[dreg:$0x0] =	wrdreg $0x0  }
0xa8: {  	s4 =	sshll.u32 s28, $0x1;
	[dreg:$0x2] =	wrdreg s2  }
0xa9: {  	[dreg:$0x3] =	wrdreg s4  }
0xaa: {  	[dreg:$0x4] =	wrdreg $0xC0  }
0xab: {  	_ =	task [dreg:s6], $0x5FFFF  }
0xac: {  	[dreg:$0x1] =	wrdreg $0xFFFFFFFF  }
0xad: {  	[dreg:$0x0] =	wrdreg $0x60  }
0xae: {  	[dreg:$0x2] =	wrdreg s24  }
0xaf: {  	[dreg:$0x3] =	wrdreg $0x88000  }
0xb0: {  	[dreg:$0x4] =	wrdreg $0x9  }
0xb1: {  	_ =	task.clear_ibuf [dreg:s6], $0x5FFFF;
	_ =	strace $0x90000046  }
0xb2: {  	s29 =	simm.s32 $0x9;
	_ =	strace $0x80000048  }
0xb3: {  	_ =	swait.ge [sflag:s29], $0x1  }
0xb4: {  	[sflag:s29] =	ssyncadd.s32 $0xFFFFFFFF  }
0xb5: {  	_ =	strace $0x90000048  }
0xb6: {  	_ =	sfence  }
0xb7: {  	s30 =	sld [smem:$0x0];
	_ =	sdelay $0x2  }
0xb8: {  	s31 =	sshll.u32 s1, $0xD;
	s1 =	sshrl.u32 s1, $0x2  }
0xb9: {  	s3 =	sand.u32 $0x4000, s31;
	s1 =	sadd.s32 s1, s30  }
0xba: {  	s0 =	sor.u32 s3, s0;
	s1 =	sshll.u32 s1, $0x11  }
0xbb: {  	s0 =	sor.u32 s1, s0  }
0xbc: {  	s0 =	sadd.s32 $0x8F2B, s0  }
0xbd: {  	[sflag:s0] =	ssyncadd.remote.s32 $0x1  }
0xbe: {  	_ =	sfence.sel $0xFFFF  }
0xbf: {  	[dreg:$0x0] =	wrdreg $0xFFFFFFFF;
	(pc) =	sbr.abs _section_cstart, $3  }
0xc0: {  	[dreg:$0x1] =	wrdreg $0xFFFFFFFF  }
0xc1: {  	_ =	task.clear_ibuf [dreg:s6], $0x2FFFF;
	_ =	strace $0x9FFFFFFF  }
0xc2: {  	(tm) =	ssettm $0x7FFFFFFF  }
0xc3: {  	_ =	shalt  }
tec
execute0_lowered:
.L_overlay_start_1:
0x0: {  	(tag) =	ssettag $0x1  }
0x1: {  	s0 =	rddreg [dreg:$0x0]  }
0x2: {  	s2 =	rddreg [dreg:$0x1];
	s3 =	simm.s32 $0x0  }
0x3: {  	s12 =	stileid.u32;
	s1 =	srdreg.scid;
	s28 =	simm.s32 $0x7D  }
0x4: {  	s29 =	simm.s32 $0x800;
	s30 =	simm.s32 $0x2;
	s31 =	simm.s32 $0x4800  }
0x5: {  	[smem:$0x7FF] =	sst s3;
	s5 =	smul.u32 $0x14000, s12;
	s1 =	sand.u32 $0x1, s1  }
0x6: {  	s4 =	sadd.s32 $0x3EE00, s0;
	s7 =	sadd.s32 $0x2E00, s0;
	s10 =	smul.u32 $0x50000, s12  }
0x7: {  	s24 =	sshll.u32 s12, $0x6;
	s26 =	smul.u32 $0x5000, s12;
	_ =	strace $0x80000047  }
0x8: {  	s6 =	smul.u32 $0x140000, s1;
	s21 =	sshll.u32 s1, $0x4;
	s9 =	ssub.s32 $0x2, s1  }
0x9: {  	s1 =	smul.u32 $0x50000, s1;
	s14 =	sor.u32 $0x1C0B, s24;
	s8 =	sshrl.u32 s5, $0x3  }
0xa: {  	s11 =	sshrl.u32 s9, $0x1;
	s23 =	sshrl.u32 s10, $0x2;
	s10 =	simm.s32 $0x6  }
0xb: {  	[dreg:$0x5] =	wrdreg s14;
	s8 =	sadd.s32 s8, s0;
	s5 =	sadd.s32 s5, s6  }
0xc: {  	s6 =	sor.u32 s12, s21;
	s22 =	ssub.s32 s9, s11;
	s9 =	sadd.s32 s23, s2  }
0xd: {  	s1 =	sadd.s32 s26, s1;
	s11 =	simm.s32 $0x500;
	s5 =	sshrl.u32 s5, $0x3  }
0xe: {  	s6 =	smul.u32 $0x5000, s6;
	s8 =	sadd.s32 $0x16E00, s8;
	s16 =	sor.u32 $0xB00, s1  }
0xf: {  	s19 =	sor.u32 $0x900, s1;
	s20 =	sor.u32 $0x800, s1;
	s21 =	sor.u32 $0x700, s1  }
0x10: {  	s24 =	sor.u32 $0x600, s1;
	s0 =	sadd.s32 s5, s0;
	[dreg:$0x4] =	wrdreg s8  }
0x11: {  	s5 =	smax.u32 s22, $0x1;
	s22 =	sshrl.u32 s20, $0x3;
	s23 =	sshrl.u32 s21, $0x3  }
0x12: {  	s8 =	simm.s32 $0x3;
	s21 =	simm.s32 $0x5;
	s6 =	sshrl.u32 s6, $0x3  }
0x13: {  	s0 =	sadd.s32 $0x66000, s0;
	[dreg:$0xa] =	wrdreg s5;
	s5 =	simm.s32 $0x8  }
0x14: {  	s25 =	sadd.s32 s7, s6;
	[dreg:$0x9] =	wrdreg s0;
	s6 =	sor.u32 $0xA00, s1  }
0x15: {  	s0 =	sshrl.u32 s16, $0x3;
	s12 =	sadd.s32 $0x20, s25;
	[dreg:$0x3] =	wrdreg s25  }
0x16: {  	s16 =	simm.s32 $0x0;
	s13 =	sadd.s32 $0x40, s25;
	[dreg:$0x6] =	wrdreg s12  }
0x17: {  	s15 =	sadd.s32 $0x60, s25;
	s17 =	sshrl.u32 s6, $0x3;
	[dreg:$0x7] =	wrdreg s13  }
0x18: {  	s0 =	sadd.s32 s0, s7;
	s25 =	sor.u32 $0x500, s1;
	[dreg:$0x8] =	wrdreg s15  }
0x19: {  	s1 =	sor.u32 $0x400, s1;
	s6 =	simm.s32 $0x400;
	[dreg:$0xb] =	wrdreg s0  }
0x1a: {  	s18 =	sadd.s32 s17, s7;
	s0 =	sshrl.u32 s19, $0x3;
	s17 =	sadd.s32 s23, s7  }
0x1b: {  	s26 =	sshrl.u32 s25, $0x3;
	s1 =	sshrl.u32 s1, $0x3;
	s15 =	sshrl.u32 s9, $0x3  }
0x1c: {  	s25 =	simm.s32 $0x300;
	s9 =	simm.s32 $0xA;
	s12 =	simm.s32 $0x4  }
0x1d: {  	s23 =	simm.s32 $0x7;
	[dreg:$0xc] =	wrdreg s18;
	s0 =	sadd.s32 s0, s7  }
.Ltmp0:
0x1e: {  	s19 =	sadd.s32 s26, s7;
	s20 =	sadd.s32 s1, s7;
	(pc) =	sbr.rel .LBB2_1-.Ltmp0, $4  }
0x1f: {  	s26 =	simm.s32 $0x1;
	s1 =	simm.s32 $0x700;
	[dreg:$0xf] =	wrdreg s15  }
0x20: {  	[dreg:$0xd] =	wrdreg s0;
	s0 =	sadd.s32 s22, s7;
	s22 =	simm.s32 $0xB  }
0x21: {  	[dreg:$0xe] =	wrdreg s0;
	s0 =	sshrl.u32 s24, $0x3;
	s24 =	simm.s32 $0x200  }
0x22: {  	s18 =	sadd.s32 s0, s7;
	s0 =	simm.s32 $0x9;
	s7 =	simm.s32 $0x600  }
.LBB2_4:
0x23: {  	_ =	swait.ge [sflag:s9], $0x3E80  }
0x24: {  	[sflag:s9] =	ssyncset.done $0x0  }
0x25: {  	s13 =	simm.s32 $0x780;
	[sflag:s9] =	ssyncadd.s32 $0xFFFFC180  }
0x26: {  	[spmem:s2] =	stream.indirect.scatter.add.f32 [tilespmem:s31], [sflag:$0xB], $0x80, s13, s28, $0xb8;
	[tilespmem:$0x1C800] =	vst v63  }
0x27: {  	_ =	swait.ge [sflag:s22], $0x3E80  }
0x28: {  	[sflag:s22] =	ssyncset.done $0x0  }
0x29: {  	[sflag:s22] =	ssyncadd.s32 $0xFFFFC180  }
0x2a: {  	[bflag:$0x0] =	sbarrier.arrive $0xFFFF  }
0x2b: {  	s14 =	rddreg [dreg:$0x5]  }
0x2c: {  	s16 =	rddreg [dreg:$0x9]  }
0x2d: {  	s15 =	rddreg [dreg:$0xf]  }
0x2e: {  	[hbm:s16], [sflag:s14] =	dma.local [spmem:s15], $0x2800  }
0x2f: {  	_ =	swait.ge [sflag:s22], $0x2800  }
0x30: {  	s16 =	rddreg [dreg:$0x10]  }
0x31: {  	s13 =	rddreg [dreg:$0xa];
	s16 =	sadd.s32 $0x1, s16  }
0x32: {  	p0 =	sne.s32 s16, s13  }
.Ltmp1:
0x33: {  	_ = 	snop;
	(pc) =	sbr.rel @!p0 .LBB2_5-.Ltmp1, $3  }
0x34: {  	_ =	sdelay $0x1  }
0x35: {  	[sflag:s22] =	ssyncset.done $0x0  }
0x36: {  	[sflag:s22] =	ssyncadd.s32 $0xFFFFD800  }
.LBB2_1:
0x37: {  	[dreg:$0x10] =	wrdreg s16  }
0x38: {  	s13 =	rddreg [dreg:$0x4]  }
0x39: {  	[spmem:s15], [sflag:s14] =	dma.local [hbm:s13], $0x2800  }
0x3a: {  	_ =	swait.ge [sflag:s22], $0x2800  }
0x3b: {  	[sflag:s22] =	ssyncset.done $0x0  }
0x3c: {  	s15 =	rddreg [dreg:$0x3];
	[sflag:s22] =	ssyncadd.s32 $0xFFFFD800  }
0x3d: {  	[tilespmem:s3], [sflag:$0x1] =	stream.linear.gather [hbm4b:s15+s3], $0x100, $0x38;
	[tilespmem:$0x1C800] =	vst v63  }
0x3e: {  	s14 =	simm.s32 $0x100;
	s16 =	rddreg [dreg:$0x6]  }
0x3f: {  	[tilespmem:s14], [sflag:$0x2] =	stream.linear.gather [hbm4b:s16+s3], $0x100, $0x38;
	[tilespmem:$0x1C800] =	vst v63  }
0x40: {  	s15 =	rddreg [dreg:$0x7]  }
0x41: {  	[tilespmem:s24], [sflag:$0x3] =	stream.linear.gather [hbm4b:s15+s3], $0x100, $0x38;
	[tilespmem:$0x1C800] =	vst v63  }
0x42: {  	s16 =	rddreg [dreg:$0x8]  }
0x43: {  	[tilespmem:s25], [sflag:$0x4] =	stream.linear.gather [hbm4b:s16+s3], $0x100, $0x38;
	[tilespmem:$0x1C800] =	vst v63  }
0x44: {  	_ =	swait.ge [sflag:s26], $0x100  }
0x45: {  	[sflag:s26] =	ssyncset.done $0x0  }
0x46: {  	[sflag:s26] =	ssyncadd.s32 $0xFFFFFF00  }
0x47: {  	[tilespmem:s29], [sflag:$0x9] =	stream.indirect.gather [hbm4b:s4+s28], $0x80, s3, s28, $0xb8;
	[tilespmem:$0x1C800] =	vst v63  }
0x48: {  	_ =	swait.ge [sflag:s30], $0x100  }
0x49: {  	[sflag:s30] =	ssyncset.done $0x0  }
0x4a: {  	[sflag:s30] =	ssyncadd.s32 $0xFFFFFF00  }
0x4b: {  	[tilespmem:s31], [sflag:$0xA] =	stream.indirect.gather [hbm4b:s4+s28], $0x80, s14, s28, $0xb8;
	[tilespmem:$0x1C800] =	vst v63  }
0x4c: {  	s13 =	simm.s32 $0x0;
	[bflag:$0x0] =	sbarrier.arrive $0xFFFF  }
.LBB2_2:
0x4d: {  	_ =	swait.ge [sflag:s0], $0x3E80  }
0x4e: {  	[sflag:s0] =	ssyncset.done $0x0  }
0x4f: {  	s14 =	simm.s32 $0x80;
	[sflag:s0] =	ssyncadd.s32 $0xFFFFC180  }
0x50: {  	[spmem:s2] =	stream.indirect.scatter.add.f32 [tilespmem:s29], [sflag:$0xB], $0x80, s14, s28, $0xb8;
	[tilespmem:$0x1C800] =	vst v63  }
0x51: {  	_ =	swait.ge [sflag:s22], $0x3E80  }
0x52: {  	[sflag:s22] =	ssyncset.done $0x0  }
0x53: {  	s16 =	sadd.s32 s13, s20;
	[sflag:s22] =	ssyncadd.s32 $0xFFFFC180  }
0x54: {  	[tilespmem:s6], [sflag:$0x5] =	stream.linear.gather [hbm4b:s16+s3], $0x100, $0x38;
	[tilespmem:$0x1C800] =	vst v63  }
0x55: {  	_ =	swait.ge [sflag:s8], $0x100  }
0x56: {  	[sflag:s8] =	ssyncset.done $0x0  }
0x57: {  	[sflag:s8] =	ssyncadd.s32 $0xFFFFFF00  }
0x58: {  	[tilespmem:s29], [sflag:$0x9] =	stream.indirect.gather [hbm4b:s4+s28], $0x80, s24, s28, $0xb8;
	[tilespmem:$0x1C800] =	vst v63  }
0x59: {  	_ =	swait.ge [sflag:s9], $0x3E80  }
0x5a: {  	[sflag:s9] =	ssyncset.done $0x0  }
0x5b: {  	s15 =	simm.s32 $0x180;
	[sflag:s9] =	ssyncadd.s32 $0xFFFFC180  }
0x5c: {  	[spmem:s2] =	stream.indirect.scatter.add.f32 [tilespmem:s31], [sflag:$0xB], $0x80, s15, s28, $0xb8;
	[tilespmem:$0x1C800] =	vst v63  }
0x5d: {  	_ =	swait.ge [sflag:s22], $0x3E80  }
0x5e: {  	[sflag:s22] =	ssyncset.done $0x0  }
0x5f: {  	s16 =	sadd.s32 s13, s19;
	[sflag:s22] =	ssyncadd.s32 $0xFFFFC180  }
0x60: {  	[tilespmem:s11], [sflag:$0x6] =	stream.linear.gather [hbm4b:s16+s3], $0x100, $0x38;
	[tilespmem:$0x1C800] =	vst v63  }
0x61: {  	_ =	swait.ge [sflag:s12], $0x100  }
0x62: {  	[sflag:s12] =	ssyncset.done $0x0  }
0x63: {  	[sflag:s12] =	ssyncadd.s32 $0xFFFFFF00  }
0x64: {  	[tilespmem:s31], [sflag:$0xA] =	stream.indirect.gather [hbm4b:s4+s28], $0x80, s25, s28, $0xb8;
	[tilespmem:$0x1C800] =	vst v63  }
0x65: {  	_ =	swait.ge [sflag:s0], $0x3E80  }
0x66: {  	[sflag:s0] =	ssyncset.done $0x0  }
0x67: {  	s15 =	simm.s32 $0x280;
	[sflag:s0] =	ssyncadd.s32 $0xFFFFC180  }
0x68: {  	[spmem:s2] =	stream.indirect.scatter.add.f32 [tilespmem:s29], [sflag:$0xB], $0x80, s15, s28, $0xb8;
	[tilespmem:$0x1C800] =	vst v63  }
0x69: {  	_ =	swait.ge [sflag:s22], $0x3E80  }
0x6a: {  	[sflag:s22] =	ssyncset.done $0x0  }
0x6b: {  	s16 =	sadd.s32 s13, s18;
	[sflag:s22] =	ssyncadd.s32 $0xFFFFC180  }
0x6c: {  	[tilespmem:s7], [sflag:$0x7] =	stream.linear.gather [hbm4b:s16+s3], $0x100, $0x38;
	[tilespmem:$0x1C800] =	vst v63  }
0x6d: {  	_ =	swait.ge [sflag:s21], $0x100  }
0x6e: {  	[sflag:s21] =	ssyncset.done $0x0  }
0x6f: {  	[sflag:s21] =	ssyncadd.s32 $0xFFFFFF00  }
0x70: {  	[tilespmem:s29], [sflag:$0x9] =	stream.indirect.gather [hbm4b:s4+s28], $0x80, s6, s28, $0xb8;
	[tilespmem:$0x1C800] =	vst v63  }
0x71: {  	_ =	swait.ge [sflag:s9], $0x3E80  }
0x72: {  	[sflag:s9] =	ssyncset.done $0x0  }
0x73: {  	s15 =	simm.s32 $0x380;
	[sflag:s9] =	ssyncadd.s32 $0xFFFFC180  }
0x74: {  	[spmem:s2] =	stream.indirect.scatter.add.f32 [tilespmem:s31], [sflag:$0xB], $0x80, s15, s28, $0xb8;
	[tilespmem:$0x1C800] =	vst v63  }
0x75: {  	_ =	swait.ge [sflag:s22], $0x3E80  }
0x76: {  	[sflag:s22] =	ssyncset.done $0x0  }
0x77: {  	s16 =	sadd.s32 s13, s17;
	[sflag:s22] =	ssyncadd.s32 $0xFFFFC180  }
0x78: {  	[tilespmem:s1], [sflag:$0x8] =	stream.linear.gather [hbm4b:s16+s3], $0x100, $0x38;
	[tilespmem:$0x1C800] =	vst v63  }
0x79: {  	_ =	swait.ge [sflag:s10], $0x100  }
0x7a: {  	[sflag:s10] =	ssyncset.done $0x0  }
0x7b: {  	[sflag:s10] =	ssyncadd.s32 $0xFFFFFF00  }
0x7c: {  	[tilespmem:s31], [sflag:$0xA] =	stream.indirect.gather [hbm4b:s4+s28], $0x80, s11, s28, $0xb8;
	[tilespmem:$0x1C800] =	vst v63  }
0x7d: {  	_ =	swait.ge [sflag:s0], $0x3E80  }
0x7e: {  	[sflag:s0] =	ssyncset.done $0x0  }
0x7f: {  	s15 =	simm.s32 $0x480;
	[sflag:s0] =	ssyncadd.s32 $0xFFFFC180  }
0x80: {  	[spmem:s2] =	stream.indirect.scatter.add.f32 [tilespmem:s29], [sflag:$0xB], $0x80, s15, s28, $0xb8;
	[tilespmem:$0x1C800] =	vst v63  }
0x81: {  	_ =	swait.ge [sflag:s22], $0x3E80  }
0x82: {  	p0 =	seq.s32 s13, $0x900;
	[sflag:s22] =	ssyncset.done $0x0;
	s14 =	rddreg [dreg:$0xe]  }
0x83: {  	s15 =	simm.s32 @!p0 $0x0;
	[sflag:s22] =	ssyncadd.s32 $0xFFFFC180;
	s14 =	sadd.s32 @!p0 s13, s14  }
0x84: {  	[tilespmem:s15], [sflag:$0x1] =	stream.linear.gather @!p0 [hbm4b:s14+s15], $0x100, $0x38;
	[tilespmem:$0x1C800] =	vst v63  }
0x85: {  	_ =	swait.ge [sflag:s23], $0x100  }
0x86: {  	[sflag:s23] =	ssyncset.done $0x0  }
0x87: {  	[sflag:s23] =	ssyncadd.s32 $0xFFFFFF00  }
0x88: {  	[tilespmem:s29], [sflag:$0x9] =	stream.indirect.gather [hbm4b:s4+s28], $0x80, s7, s28, $0xb8;
	[tilespmem:$0x1C800] =	vst v63  }
0x89: {  	_ =	swait.ge [sflag:s9], $0x3E80  }
0x8a: {  	[sflag:s9] =	ssyncset.done $0x0  }
0x8b: {  	s16 =	simm.s32 $0x580;
	[sflag:s9] =	ssyncadd.s32 $0xFFFFC180  }
0x8c: {  	[spmem:s2] =	stream.indirect.scatter.add.f32 [tilespmem:s31], [sflag:$0xB], $0x80, s16, s28, $0xb8;
	[tilespmem:$0x1C800] =	vst v63  }
0x8d: {  	_ =	swait.ge [sflag:s22], $0x3E80  }
0x8e: {  	[sflag:s22] =	ssyncset.done $0x0;
	s14 =	rddreg [dreg:$0xd]  }
0x8f: {  	s16 =	simm.s32 @!p0 $0x100;
	[sflag:s22] =	ssyncadd.s32 $0xFFFFC180;
	s14 =	sadd.s32 @!p0 s13, s14  }
0x90: {  	[tilespmem:s16], [sflag:$0x2] =	stream.linear.gather @!p0 [hbm4b:s14+s15], $0x100, $0x38;
	[tilespmem:$0x1C800] =	vst v63  }
0x91: {  	_ =	swait.ge [sflag:s5], $0x100  }
0x92: {  	[sflag:s5] =	ssyncset.done $0x0  }
0x93: {  	[sflag:s5] =	ssyncadd.s32 $0xFFFFFF00  }
0x94: {  	[tilespmem:s31], [sflag:$0xA] =	stream.indirect.gather [hbm4b:s4+s28], $0x80, s1, s28, $0xb8;
	[tilespmem:$0x1C800] =	vst v63  }
0x95: {  	_ =	swait.ge [sflag:s0], $0x3E80  }
0x96: {  	[sflag:s0] =	ssyncset.done $0x0  }
.Ltmp2:
0x97: {  	s16 =	simm.s32 $0x680;
	[sflag:s0] =	ssyncadd.s32 $0xFFFFC180;
	(pc) =	sbr.rel @p0 .LBB2_4-.Ltmp2, $4  }
0x98: {  	[spmem:s2] =	stream.indirect.scatter.add.f32 [tilespmem:s29], [sflag:$0xB], $0x80, s16, s28, $0xb8;
	[tilespmem:$0x1C800] =	vst v63  }
0x99: {  	_ =	swait.ge [sflag:s22], $0x3E80  }
0x9a: {  	[sflag:s22] =	ssyncset.done $0x0  }
0x9b: {  	[sflag:s22] =	ssyncadd.s32 $0xFFFFC180  }
0x9c: {  	s14 =	rddreg [dreg:$0xc]  }
0x9d: {  	s14 =	sadd.s32 s13, s14  }
0x9e: {  	[tilespmem:s24], [sflag:$0x3] =	stream.linear.gather [hbm4b:s14+s3], $0x100, $0x38;
	[tilespmem:$0x1C800] =	vst v63  }
0x9f: {  	_ =	swait.ge [sflag:s26], $0x100  }
0xa0: {  	[sflag:s26] =	ssyncset.done $0x0  }
0xa1: {  	[sflag:s26] =	ssyncadd.s32 $0xFFFFFF00  }
0xa2: {  	[tilespmem:s29], [sflag:$0x9] =	stream.indirect.gather [hbm4b:s4+s28], $0x80, s3, s28, $0xb8;
	[tilespmem:$0x1C800] =	vst v63  }
0xa3: {  	_ =	swait.ge [sflag:s9], $0x3E80  }
0xa4: {  	[sflag:s9] =	ssyncset.done $0x0  }
0xa5: {  	s16 =	simm.s32 $0x780;
	[sflag:s9] =	ssyncadd.s32 $0xFFFFC180  }
0xa6: {  	[spmem:s2] =	stream.indirect.scatter.add.f32 [tilespmem:s31], [sflag:$0xB], $0x80, s16, s28, $0xb8;
	[tilespmem:$0x1C800] =	vst v63  }
0xa7: {  	_ =	swait.ge [sflag:s22], $0x3E80  }
0xa8: {  	[sflag:s22] =	ssyncset.done $0x0;
	s15 =	rddreg [dreg:$0xb]  }
0xa9: {  	[sflag:s22] =	ssyncadd.s32 $0xFFFFC180;
	s14 =	sadd.s32 s13, s15  }
0xaa: {  	[tilespmem:s25], [sflag:$0x4] =	stream.linear.gather [hbm4b:s14+s3], $0x100, $0x38;
	[tilespmem:$0x1C800] =	vst v63  }
.Ltmp3:
0xab: {  	_ = 	snop;
	(pc) =	sbr.rel .LBB2_2-.Ltmp3, $4  }
0xac: {  	_ =	swait.ge [sflag:s30], $0x100  }
0xad: {  	[sflag:s30] =	ssyncset.done $0x0  }
0xae: {  	s16 =	simm.s32 $0x100;
	s13 =	sadd.s32 $0x100, s13;
	[sflag:s30] =	ssyncadd.s32 $0xFFFFFF00  }
0xaf: {  	[tilespmem:s31], [sflag:$0xA] =	stream.indirect.gather [hbm4b:s4+s28], $0x80, s16, s28, $0xb8;
	[tilespmem:$0x1C800] =	vst v63  }
.LBB2_5:
0xb0: {  	_ =	sfence.sel $0x180000  }
0xb1: {  	[bflag:$0x0] =	sbarrier.arrive $0xFFFF  }
0xb2: {  	_ =	strace $0x90000047  }
0xb3: {  	s0 =	stileid.u32;
	[bflag:$0x2] =	sbarrier.arrive $0xFFFF  }
0xb4: {  	p0 =	sne.s32 s0, $0x0;
	s0 =	rddreg [dreg:$0x2]  }
0xb5: {  	s0 =	sadd.s32 @!p0 $0x100000, s0  }
0xb6: {  	[sflag:s0] =	ssyncadd.tile.s32 @!p0 $0x1;
	_ =	shalt  }
.Lfunc_end2:
_tile_overlayer_lowered:
.L_overlay_start_2:
0xb7: {  	(tag) =	ssettag $0x2  }
0xb8: {  	s0 =	rddreg [dreg:$0x0];
	s2 =	stileid.u32  }
0xb9: {  	s1 =	rddreg [dreg:$0x1];
	p0 =	sne.s32 s2, $0x0  }
0xba: {  	s3 =	rddreg [dreg:$0x2];
	[bflag:$0x3] =	sbarrier.arrive $0xFFFF;
	s2 =	simm.s32 @!p0 $0x1C0B  }
0xbb: {  	[timem:s3], [sflag:s2] =	dma.local @!p0 [hbm:s0], s1  }
0xbc: {  	s0 =	simm.s32 @!p0 $0xB  }
0xbd: {  	_ =	swait.ge @!p0 [sflag:s0], s1  }
0xbe: {  	s1 =	ssub.s32 @!p0 $0x0, s1;
	[sflag:s0] =	ssyncset.done @!p0 $0x0  }
0xbf: {  	[sflag:s0] =	ssyncadd.s32 @!p0 s1  }
0xc0: {  	[bflag:$0x3] =	sbarrier.arrive $0xFFFF  }
0xc1: {  	_ =	shalt  }

</sc_bundles>
